<compile_context>
chip_gen: v7x
topology: tpu7x:2x2x1
jax: 0.10.2.dev20260603
libtpu: 0.0.44.dev20260713+nightly
codegen_flags: <defaults>
</compile_context>

<pallas_src>
import functools

import jax
import jax.numpy as jnp
from jax import lax
from jax.experimental import pallas as pl
from jax.experimental.pallas import tpu as pltpu
from jax.experimental.pallas import tpu_sc as plsc

N_NODES = 10000
LANES = 16
NUM_CORES = 2
NUM_SUBCORES = 16
NUM_WORKERS = NUM_CORES * NUM_SUBCORES
NPW = 320
NPH = NPW // 2


@functools.partial(jax.jit, static_argnums=(2, 3))
def _mean_agg(neighs, table, k_nb, d_feat):
    inv_k = jnp.float32(1.0 / k_nb)
    epw = k_nb * NPW
    eph = k_nb * NPH

    mesh = plsc.VectorSubcoreMesh(
        core_axis_name="c", subcore_axis_name="s", num_cores=NUM_CORES,
        num_subcores=NUM_SUBCORES)

    @functools.partial(
        pl.kernel,
        out_type=jax.ShapeDtypeStruct((N_NODES, d_feat), jnp.float32),
        mesh=mesh,
        compiler_params=pltpu.CompilerParams(needs_layout_passes=False),
        scratch_types=[
            pltpu.VMEM((epw,), jnp.int32),
            pltpu.VMEM((epw,), jnp.int32),
            pltpu.VMEM((NPH, d_feat), jnp.float32),
            pltpu.VMEM((NPH, d_feat), jnp.float32),
            pltpu.SemaphoreType.DMA,
            pltpu.SemaphoreType.DMA,
            pltpu.SemaphoreType.DMA,
            pltpu.SemaphoreType.DMA,
        ],
    )
    def k(neighs_hbm, table_hbm, out_hbm, idx_nm, idxt_v, acc_a, acc_b,
          sem_s, sem_a, sem_b, sem_o):
        wid = lax.axis_index("s") * NUM_CORES + lax.axis_index("c")
        start = jnp.minimum(wid * NPW, N_NODES - NPW)
        zeros = jnp.zeros((LANES,), jnp.float32)
        lanes_nph = lax.broadcasted_iota(jnp.int32, (LANES,), 0) * NPH
        dv = d_feat // LANES

        pltpu.async_copy(neighs_hbm.at[pl.ds(start * k_nb, eph)],
                         idx_nm.at[pl.ds(0, eph)], sem_s)
        pltpu.async_copy(neighs_hbm.at[pl.ds(start * k_nb + eph, eph)],
                         idx_nm.at[pl.ds(eph, eph)], sem_o)
        pltpu.make_async_copy(neighs_hbm.at[pl.ds(0, eph)],
                              idx_nm.at[pl.ds(0, eph)], sem_s).wait()

        def prep_half(h, acc, sem):
            def t_body(e0, _):
                vec = idx_nm[pl.ds(e0 * LANES, LANES)]
                base = (h * eph + (e0 % 2) * (LANES * NPH)
                        + (e0 // 2 - h * NPH))
                plsc.store_scatter(idxt_v, [lanes_nph + base], vec)
                return 0
            lax.fori_loop(h * 2 * NPH, (h + 1) * 2 * NPH, t_body, 0,
                          unroll=8)

            def zero_body(c, _):
                for d in range(dv):
                    acc[c, pl.ds(d * LANES, LANES)] = zeros
                return 0
            lax.fori_loop(0, NPH, zero_body, 0, unroll=8)

            def fire_body(j, _):
                pltpu.async_copy(
                    table_hbm.at[idxt_v.at[pl.ds(h * eph + j * NPH, NPH)]],
                    acc, sem, add=True)
                return 0
            lax.fori_loop(0, k_nb, fire_body, 0)

        def finish_half(h, acc, sem):
            def drain_body(j, _):
                pltpu.make_async_copy(
                    table_hbm.at[idxt_v.at[pl.ds(0, NPH)]], acc, sem).wait()
                return 0
            lax.fori_loop(0, k_nb, drain_body, 0)

            for d in range(dv):
                sl = pl.ds(d * LANES, LANES)

                def scale_body(c, _):
                    acc[c, sl] = acc[c, sl] * inv_k
                    return 0
                lax.fori_loop(0, NPH, scale_body, 0, unroll=8)
            pltpu.async_copy(acc, out_hbm.at[pl.ds(start + h * NPH, NPH)],
                             sem_o)

        prep_half(0, acc_a, sem_a)
        pltpu.make_async_copy(neighs_hbm.at[pl.ds(0, eph)],
                              idx_nm.at[pl.ds(0, eph)], sem_o).wait()
        prep_half(1, acc_b, sem_b)
        finish_half(0, acc_a, sem_a)
        finish_half(1, acc_b, sem_b)
        pltpu.make_async_copy(acc_a, out_hbm.at[pl.ds(0, NPH)], sem_o).wait()
        pltpu.make_async_copy(acc_b, out_hbm.at[pl.ds(0, NPH)], sem_o).wait()

    return k(neighs, table)


def kernel(neighs, node_count, table):
    del node_count
    k_nb = neighs.shape[0] // N_NODES
    return _mean_agg(neighs.astype(jnp.int32), table, k_nb, table.shape[1])

# --- scband reference (transcript-rebuilt; emitter-appended) ---
"""Pipeline reference for scband-mean-aggregator-54820962566188 (READ-ONLY COPY).

The authoritative reference and input builder live on the scoring server;
editing this copy changes nothing except your own understanding.
"""

import jax, jax.numpy as jnp
import numpy as np

NODE_COUNT = 10000
NB_COUNT = 32
TABLE_ROWS = 100000
D_FEAT = 128

def setup_inputs(seed: int = 0) -> dict:
    key = jax.random.key(seed)
    k1, k2 = jax.random.split(key)
    neighs = jax.random.randint(k1, (NODE_COUNT * NB_COUNT,), 0, TABLE_ROWS)
    table = jax.random.normal(k2, (TABLE_ROWS, D_FEAT), dtype=jnp.float32)
    return {"neighs": neighs, "node_count": NODE_COUNT, "table": table}

def reference(neighs, node_count, table):
    # features(neighs): embedding lookup into the node feature table
    neigh_feats = jnp.take(table, neighs, axis=0)
    neigh_feats = neigh_feats + (0.0 * jnp.asarray(node_count, dtype=neigh_feats.dtype))
    nb_count = neigh_feats.shape[0] // NODE_COUNT
    fv_by_node = neigh_feats.reshape(NODE_COUNT, nb_count, neigh_feats.shape[-1])
    return fv_by_node.mean(axis=1)

if __name__ == "__main__":
    import jax
    _d = setup_inputs()
    print(jax.jit(kernel)(*tuple(_d.values())))

</pallas_src>

<mosaic_0001>
#map = affine_map<(d0, d1) -> (0)>
#map1 = affine_map<(d0, d1) -> (0, 0)>
module attributes {stable_mosaic.version = 14 : i64} {
  func.func @_rewritten_body(%arg0: i32, %arg1: i32, %arg2: memref<320000xi32, #tpu.memory_space<hbm>>, %arg3: memref<100000x128xf32, #tpu.memory_space<hbm>>, %arg4: memref<1xf32, #tpu.memory_space<hbm>>, %arg5: memref<10000x128xf32, #tpu.memory_space<hbm>>, %arg6: memref<10240xi32, #tpu.memory_space<vmem>>, %arg7: memref<10240xi32, #tpu.memory_space<vmem>>, %arg8: memref<160x128xf32, #tpu.memory_space<vmem>>, %arg9: memref<160x128xf32, #tpu.memory_space<vmem>>, %arg10: memref<!tpu.dma_semaphore, #tpu.memory_space<semaphore_mem>>, %arg11: memref<!tpu.dma_semaphore, #tpu.memory_space<semaphore_mem>>, %arg12: memref<!tpu.dma_semaphore, #tpu.memory_space<semaphore_mem>>, %arg13: memref<!tpu.dma_semaphore, #tpu.memory_space<semaphore_mem>>) attributes {dimension_semantics = [#tpu.dimension_semantics<core_parallel>, #tpu.dimension_semantics<subcore_parallel>], iteration_bounds = array<i64: 2, 16>, scalar_prefetch = 0 : i64, scratch_operands = 8 : i64, tpu.core_type = #tpu.core_type<sc_vector_subcore>, window_params = [{transform_indices = #map}, {transform_indices = #map1}, {transform_indices = #map}, {transform_indices = #map1}]} {
    %empty_ref3A = memref.alloca() : memref<16xf32, #tpu.memory_space<vmem>>
    "tpu.region"() ({
      %run_scoped3A = tpu.sem_alloc : memref<!tpu.dma_semaphore, #tpu.memory_space<semaphore_mem>>
      %dma_start3A_232 = arith.constant 0 : i32
      %dma_start3A_233 = tpu.memref_slice %empty_ref3A[%dma_start3A_232] : memref<16xf32, #tpu.memory_space<vmem>> -> memref<1xf32, #tpu.memory_space<vmem>>
      %dma_start3A_234 = arith.constant 0 : i32
      %dma_start3A_235 = tpu.memref_slice %empty_ref3A[%dma_start3A_234] : memref<16xf32, #tpu.memory_space<vmem>> -> memref<1xf32, #tpu.memory_space<vmem>>
      tpu.enqueue_dma source(%arg4 : memref<1xf32, #tpu.memory_space<hbm>>) target(%dma_start3A_235 : memref<1xf32, #tpu.memory_space<vmem>>) target_semaphore(%run_scoped3A : memref<!tpu.dma_semaphore, #tpu.memory_space<semaphore_mem>>)
      %dma_wait3A_236 = arith.constant 0 : i32
      %dma_wait3A_237 = tpu.memref_slice %empty_ref3A[%dma_wait3A_236] : memref<16xf32, #tpu.memory_space<vmem>> -> memref<1xf32, #tpu.memory_space<vmem>>
      %dma_wait3A_238 = arith.constant 0 : i32
      %dma_wait3A_239 = tpu.memref_slice %empty_ref3A[%dma_wait3A_238] : memref<16xf32, #tpu.memory_space<vmem>> -> memref<1xf32, #tpu.memory_space<vmem>>
      tpu.wait_dma2 semaphore(%run_scoped3A : memref<!tpu.dma_semaphore, #tpu.memory_space<semaphore_mem>>) src(%arg4 : memref<1xf32, #tpu.memory_space<hbm>>) dst(%dma_wait3A_239 : memref<1xf32, #tpu.memory_space<vmem>>)
      tpu.yield
    }) : () -> ()
    %get3A = arith.constant 0 : index
    %get3A_0 = tpu.vector_load %empty_ref3A[%get3A] {strides = array<i32>} : memref<16xf32, #tpu.memory_space<vmem>>, vector<16xf32>,
    %slice3A = vector.extract_strided_slice %get3A_0 {offsets = [0], sizes = [1], strides = [1]} : vector<16xf32> to vector<1xf32>
    %squeeze3A = vector.extract %slice3A[0] : f32 from vector<1xf32>
    %mul3A = arith.constant 2 : i32
    %mul3A_1 = arith.muli %arg1, %mul3A : i32
    %add3A = arith.addi %mul3A_1, %arg0 : i32
    %mul3A_2 = arith.constant 320 : i32
    %mul3A_3 = arith.muli %add3A, %mul3A_2 : i32
    %min3A = arith.constant 9680 : i32
    %min3A_4 = arith.minsi %mul3A_3, %min3A : i32
    %broadcast_in_dim3A = arith.constant 0.000000e+00 : f32
    %broadcast_in_dim3A_5 = vector.broadcast %broadcast_in_dim3A : f32 to vector<16xf32>
    %iota3A = tpu.iota {dimensions = array<i32: 0>} : vector<16xi32>
    %mul3A_6 = arith.constant 160 : i32
    %mul3A_7 = vector.broadcast %mul3A_6 : i32 to vector<16xi32>
    %mul3A_8 = arith.muli %iota3A, %mul3A_7 : vector<16xi32>
    %mul3A_9 = arith.constant 32 : i32
    %mul3A_10 = arith.muli %min3A_4, %mul3A_9 : i32
    %dma_start3A = arith.constant 0 : i32
    %dma_start3A_11 = tpu.memref_slice %arg6[%dma_start3A] : memref<10240xi32, #tpu.memory_space<vmem>> -> memref<5120xi32, #tpu.memory_space<vmem>>
    %dma_start3A_12 = tpu.memref_slice %arg2[%mul3A_10] : memref<320000xi32, #tpu.memory_space<hbm>> -> memref<5120xi32, #tpu.memory_space<hbm>>
    %dma_start3A_13 = arith.constant 0 : i32
    %dma_start3A_14 = tpu.memref_slice %arg6[%dma_start3A_13] : memref<10240xi32, #tpu.memory_space<vmem>> -> memref<5120xi32, #tpu.memory_space<vmem>>
    %dma_start3A_15 = tpu.memref_slice %arg2[%mul3A_10] : memref<320000xi32, #tpu.memory_space<hbm>> -> memref<5120xi32, #tpu.memory_space<hbm>>
    tpu.enqueue_dma source(%dma_start3A_15 : memref<5120xi32, #tpu.memory_space<hbm>>) target(%dma_start3A_14 : memref<5120xi32, #tpu.memory_space<vmem>>) target_semaphore(%arg10 : memref<!tpu.dma_semaphore, #tpu.memory_space<semaphore_mem>>)
    %mul3A_16 = arith.constant 32 : i32
    %mul3A_17 = arith.muli %min3A_4, %mul3A_16 : i32
    %add3A_18 = arith.constant 5120 : i32
    %add3A_19 = arith.addi %mul3A_17, %add3A_18 : i32
    %dma_start3A_20 = arith.constant 5120 : i32
    %dma_start3A_21 = tpu.memref_slice %arg6[%dma_start3A_20] : memref<10240xi32, #tpu.memory_space<vmem>> -> memref<5120xi32, #tpu.memory_space<vmem>>
    %dma_start3A_22 = tpu.memref_slice %arg2[%add3A_19] : memref<320000xi32, #tpu.memory_space<hbm>> -> memref<5120xi32, #tpu.memory_space<hbm>>
    %dma_start3A_23 = arith.constant 5120 : i32
    %dma_start3A_24 = tpu.memref_slice %arg6[%dma_start3A_23] : memref<10240xi32, #tpu.memory_space<vmem>> -> memref<5120xi32, #tpu.memory_space<vmem>>
    %dma_start3A_25 = tpu.memref_slice %arg2[%add3A_19] : memref<320000xi32, #tpu.memory_space<hbm>> -> memref<5120xi32, #tpu.memory_space<hbm>>
    tpu.enqueue_dma source(%dma_start3A_25 : memref<5120xi32, #tpu.memory_space<hbm>>) target(%dma_start3A_24 : memref<5120xi32, #tpu.memory_space<vmem>>) target_semaphore(%arg13 : memref<!tpu.dma_semaphore, #tpu.memory_space<semaphore_mem>>)
    %dma_wait3A = arith.constant 0 : i32
    %dma_wait3A_26 = tpu.memref_slice %arg6[%dma_wait3A] : memref<10240xi32, #tpu.memory_space<vmem>> -> memref<5120xi32, #tpu.memory_space<vmem>>
    %dma_wait3A_27 = arith.constant 0 : i32
    %dma_wait3A_28 = tpu.memref_slice %arg2[%dma_wait3A_27] : memref<320000xi32, #tpu.memory_space<hbm>> -> memref<5120xi32, #tpu.memory_space<hbm>>
    %dma_wait3A_29 = arith.constant 0 : i32
    %dma_wait3A_30 = tpu.memref_slice %arg6[%dma_wait3A_29] : memref<10240xi32, #tpu.memory_space<vmem>> -> memref<5120xi32, #tpu.memory_space<vmem>>
    %dma_wait3A_31 = arith.constant 0 : i32
    %dma_wait3A_32 = tpu.memref_slice %arg2[%dma_wait3A_31] : memref<320000xi32, #tpu.memory_space<hbm>> -> memref<5120xi32, #tpu.memory_space<hbm>>
    tpu.wait_dma2 semaphore(%arg10 : memref<!tpu.dma_semaphore, #tpu.memory_space<semaphore_mem>>) src(%dma_wait3A_32 : memref<5120xi32, #tpu.memory_space<hbm>>) dst(%dma_wait3A_30 : memref<5120xi32, #tpu.memory_space<vmem>>)
    %scan3A = arith.constant 0 : i32
    %scan3A_33 = arith.constant 0 : i32
    %scan3A_34 = arith.constant 320 : i32
    %scan3A_35 = arith.addi %scan3A_33, %scan3A_34 : i32
    %scan3A_36 = arith.constant 8 : i32
    %scan3A_37 = scf.for %scan3A_232 = %scan3A_33 to %scan3A_35 step %scan3A_36 iter_args(%scan3A_233 = %scan3A) -> (i32)  : i32 {
      %mul3A_234 = arith.constant 16 : i32
      %mul3A_235 = arith.muli %scan3A_232, %mul3A_234 : i32
      %get3A_236 = arith.index_cast %mul3A_235 : i32 to index
      %get3A_237 = tpu.vector_load %arg6[%get3A_236] {strides = array<i32>} : memref<10240xi32, #tpu.memory_space<vmem>>, vector<16xi32>,
      %jit3A = arith.constant 2 : i32
      %eq3A = arith.constant 0 : i32
      %eq3A_238 = arith.cmpi eq, %jit3A, %eq3A : i32
      %jit3A_239 = arith.constant 1 : i32
      %select_n3A = arith.select %eq3A_238, %jit3A_239, %jit3A : i32
      %rem3A = arith.remsi %scan3A_232, %select_n3A : i32
      %ne3A = arith.constant 0 : i32
      %ne3A_240 = arith.cmpi ne, %rem3A, %ne3A : i32
      %lt3A = arith.constant 0 : i32
      %lt3A_241 = arith.cmpi slt, %rem3A, %lt3A : i32
      %lt3A_242 = arith.constant 0 : i32
      %lt3A_243 = arith.cmpi slt, %select_n3A, %lt3A_242 : i32
      %ne3A_244 = arith.xori %lt3A_241, %lt3A_243 : i1
      %and3A = arith.andi %ne3A_244, %ne3A_240 : i1
      %add3A_245 = arith.addi %rem3A, %select_n3A : i32
      %select_n3A_246 = arith.select %and3A, %add3A_245, %rem3A : i32
      %mul3A_247 = arith.constant 2560 : i32
      %mul3A_248 = arith.muli %select_n3A_246, %mul3A_247 : i32
      %add3A_249 = arith.constant 0 : i32
      %add3A_250 = arith.addi %add3A_249, %mul3A_248 : i32
      %jit3A_251 = arith.constant 2 : i32
      %div3A = arith.divsi %scan3A_232, %jit3A_251 : i32
      %sign3A = arith.constant 0 : i32
      %sign3A_252 = arith.cmpi sgt, %scan3A_232, %sign3A : i32
      %sign3A_253 = arith.extui %sign3A_252 : i1 to i32
      %sign3A_254 = arith.constant 0 : i32
      %sign3A_255 = arith.cmpi slt, %scan3A_232, %sign3A_254 : i32
      %sign3A_256 = arith.extui %sign3A_255 : i1 to i32
      %sign3A_257 = arith.subi %sign3A_253, %sign3A_256 : i32
      %sign3A_258 = arith.constant 0 : i32
      %sign3A_259 = arith.cmpi sgt, %jit3A_251, %sign3A_258 : i32
      %sign3A_260 = arith.extui %sign3A_259 : i1 to i32
      %sign3A_261 = arith.constant 0 : i32
      %sign3A_262 = arith.cmpi slt, %jit3A_251, %sign3A_261 : i32
      %sign3A_263 = arith.extui %sign3A_262 : i1 to i32
      %sign3A_264 = arith.subi %sign3A_260, %sign3A_263 : i32
      %ne3A_265 = arith.cmpi ne, %sign3A_257, %sign3A_264 : i32
      %rem3A_266 = arith.remsi %scan3A_232, %jit3A_251 : i32
      %ne3A_267 = arith.constant 0 : i32
      %ne3A_268 = arith.cmpi ne, %rem3A_266, %ne3A_267 : i32
      %and3A_269 = arith.andi %ne3A_265, %ne3A_268 : i1
      %sub3A = arith.constant 1 : i32
      %sub3A_270 = arith.subi %div3A, %sub3A : i32
      %select_n3A_271 = arith.select %and3A_269, %sub3A_270, %div3A : i32
      %sub3A_272 = arith.constant 0 : i32
      %sub3A_273 = arith.subi %select_n3A_271, %sub3A_272 : i32
      %add3A_274 = arith.addi %add3A_250, %sub3A_273 : i32
      %add3A_275 = vector.broadcast %add3A_274 : i32 to vector<16xi32>
      %add3A_276 = arith.addi %mul3A_8, %add3A_275 : vector<16xi32>
      tpu.vector_store_idx %arg7[%add3A_276], %get3A_237 : memref<10240xi32, #tpu.memory_space<vmem>>[vector<16xi32>], vector<16xi32>,
      %scan3A_277 = arith.constant 0 : i32
      %scan3A_278 = arith.constant 1 : i32
      %scan3A_279 = arith.addi %scan3A_232, %scan3A_278 : i32
      %mul3A_280 = arith.constant 16 : i32
      %mul3A_281 = arith.muli %scan3A_279, %mul3A_280 : i32
      %get3A_282 = arith.index_cast %mul3A_281 : i32 to index
      %get3A_283 = tpu.vector_load %arg6[%get3A_282] {strides = array<i32>} : memref<10240xi32, #tpu.memory_space<vmem>>, vector<16xi32>,
      %jit3A_284 = arith.constant 2 : i32
      %eq3A_285 = arith.constant 0 : i32
      %eq3A_286 = arith.cmpi eq, %jit3A_284, %eq3A_285 : i32
      %jit3A_287 = arith.constant 1 : i32
      %select_n3A_288 = arith.select %eq3A_286, %jit3A_287, %jit3A_284 : i32
      %rem3A_289 = arith.remsi %scan3A_279, %select_n3A_288 : i32
      %ne3A_290 = arith.constant 0 : i32
      %ne3A_291 = arith.cmpi ne, %rem3A_289, %ne3A_290 : i32
      %lt3A_292 = arith.constant 0 : i32
      %lt3A_293 = arith.cmpi slt, %rem3A_289, %lt3A_292 : i32
      %lt3A_294 = arith.constant 0 : i32
      %lt3A_295 = arith.cmpi slt, %select_n3A_288, %lt3A_294 : i32
      %ne3A_296 = arith.xori %lt3A_293, %lt3A_295 : i1
      %and3A_297 = arith.andi %ne3A_296, %ne3A_291 : i1
      %add3A_298 = arith.addi %rem3A_289, %select_n3A_288 : i32
      %select_n3A_299 = arith.select %and3A_297, %add3A_298, %rem3A_289 : i32
      %mul3A_300 = arith.constant 2560 : i32
      %mul3A_301 = arith.muli %select_n3A_299, %mul3A_300 : i32
      %add3A_302 = arith.constant 0 : i32
      %add3A_303 = arith.addi %add3A_302, %mul3A_301 : i32
      %jit3A_304 = arith.constant 2 : i32
      %div3A_305 = arith.divsi %scan3A_279, %jit3A_304 : i32
      %sign3A_306 = arith.constant 0 : i32
      %sign3A_307 = arith.cmpi sgt, %scan3A_279, %sign3A_306 : i32
      %sign3A_308 = arith.extui %sign3A_307 : i1 to i32
      %sign3A_309 = arith.constant 0 : i32
      %sign3A_310 = arith.cmpi slt, %scan3A_279, %sign3A_309 : i32
      %sign3A_311 = arith.extui %sign3A_310 : i1 to i32
      %sign3A_312 = arith.subi %sign3A_308, %sign3A_311 : i32
      %sign3A_313 = arith.constant 0 : i32
      %sign3A_314 = arith.cmpi sgt, %jit3A_304, %sign3A_313 : i32
      %sign3A_315 = arith.extui %sign3A_314 : i1 to i32
      %sign3A_316 = arith.constant 0 : i32
      %sign3A_317 = arith.cmpi slt, %jit3A_304, %sign3A_316 : i32
      %sign3A_318 = arith.extui %sign3A_317 : i1 to i32
      %sign3A_319 = arith.subi %sign3A_315, %sign3A_318 : i32
      %ne3A_320 = arith.cmpi ne, %sign3A_312, %sign3A_319 : i32
      %rem3A_321 = arith.remsi %scan3A_279, %jit3A_304 : i32
      %ne3A_322 = arith.constant 0 : i32
      %ne3A_323 = arith.cmpi ne, %rem3A_321, %ne3A_322 : i32
      %and3A_324 = arith.andi %ne3A_320, %ne3A_323 : i1
      %sub3A_325 = arith.constant 1 : i32
      %sub3A_326 = arith.subi %div3A_305, %sub3A_325 : i32
      %select_n3A_327 = arith.select %and3A_324, %sub3A_326, %div3A_305 : i32
      %sub3A_328 = arith.constant 0 : i32
      %sub3A_329 = arith.subi %select_n3A_327, %sub3A_328 : i32
      %add3A_330 = arith.addi %add3A_303, %sub3A_329 : i32
      %add3A_331 = vector.broadcast %add3A_330 : i32 to vector<16xi32>
      %add3A_332 = arith.addi %mul3A_8, %add3A_331 : vector<16xi32>
      tpu.vector_store_idx %arg7[%add3A_332], %get3A_283 : memref<10240xi32, #tpu.memory_space<vmem>>[vector<16xi32>], vector<16xi32>,
      %scan3A_333 = arith.constant 0 : i32
      %scan3A_334 = arith.constant 2 : i32
      %scan3A_335 = arith.addi %scan3A_232, %scan3A_334 : i32
      %mul3A_336 = arith.constant 16 : i32
      %mul3A_337 = arith.muli %scan3A_335, %mul3A_336 : i32
      %get3A_338 = arith.index_cast %mul3A_337 : i32 to index
      %get3A_339 = tpu.vector_load %arg6[%get3A_338] {strides = array<i32>} : memref<10240xi32, #tpu.memory_space<vmem>>, vector<16xi32>,
      %jit3A_340 = arith.constant 2 : i32
      %eq3A_341 = arith.constant 0 : i32
      %eq3A_342 = arith.cmpi eq, %jit3A_340, %eq3A_341 : i32
      %jit3A_343 = arith.constant 1 : i32
      %select_n3A_344 = arith.select %eq3A_342, %jit3A_343, %jit3A_340 : i32
      %rem3A_345 = arith.remsi %scan3A_335, %select_n3A_344 : i32
      %ne3A_346 = arith.constant 0 : i32
      %ne3A_347 = arith.cmpi ne, %rem3A_345, %ne3A_346 : i32
      %lt3A_348 = arith.constant 0 : i32
      %lt3A_349 = arith.cmpi slt, %rem3A_345, %lt3A_348 : i32
      %lt3A_350 = arith.constant 0 : i32
      %lt3A_351 = arith.cmpi slt, %select_n3A_344, %lt3A_350 : i32
      %ne3A_352 = arith.xori %lt3A_349, %lt3A_351 : i1
      %and3A_353 = arith.andi %ne3A_352, %ne3A_347 : i1
      %add3A_354 = arith.addi %rem3A_345, %select_n3A_344 : i32
      %select_n3A_355 = arith.select %and3A_353, %add3A_354, %rem3A_345 : i32
      %mul3A_356 = arith.constant 2560 : i32
      %mul3A_357 = arith.muli %select_n3A_355, %mul3A_356 : i32
      %add3A_358 = arith.constant 0 : i32
      %add3A_359 = arith.addi %add3A_358, %mul3A_357 : i32
      %jit3A_360 = arith.constant 2 : i32
      %div3A_361 = arith.divsi %scan3A_335, %jit3A_360 : i32
      %sign3A_362 = arith.constant 0 : i32
      %sign3A_363 = arith.cmpi sgt, %scan3A_335, %sign3A_362 : i32
      %sign3A_364 = arith.extui %sign3A_363 : i1 to i32
      %sign3A_365 = arith.constant 0 : i32
      %sign3A_366 = arith.cmpi slt, %scan3A_335, %sign3A_365 : i32
      %sign3A_367 = arith.extui %sign3A_366 : i1 to i32
      %sign3A_368 = arith.subi %sign3A_364, %sign3A_367 : i32
      %sign3A_369 = arith.constant 0 : i32
      %sign3A_370 = arith.cmpi sgt, %jit3A_360, %sign3A_369 : i32
      %sign3A_371 = arith.extui %sign3A_370 : i1 to i32
      %sign3A_372 = arith.constant 0 : i32
      %sign3A_373 = arith.cmpi slt, %jit3A_360, %sign3A_372 : i32
      %sign3A_374 = arith.extui %sign3A_373 : i1 to i32
      %sign3A_375 = arith.subi %sign3A_371, %sign3A_374 : i32
      %ne3A_376 = arith.cmpi ne, %sign3A_368, %sign3A_375 : i32
      %rem3A_377 = arith.remsi %scan3A_335, %jit3A_360 : i32
      %ne3A_378 = arith.constant 0 : i32
      %ne3A_379 = arith.cmpi ne, %rem3A_377, %ne3A_378 : i32
      %and3A_380 = arith.andi %ne3A_376, %ne3A_379 : i1
      %sub3A_381 = arith.constant 1 : i32
      %sub3A_382 = arith.subi %div3A_361, %sub3A_381 : i32
      %select_n3A_383 = arith.select %and3A_380, %sub3A_382, %div3A_361 : i32
      %sub3A_384 = arith.constant 0 : i32
      %sub3A_385 = arith.subi %select_n3A_383, %sub3A_384 : i32
      %add3A_386 = arith.addi %add3A_359, %sub3A_385 : i32
      %add3A_387 = vector.broadcast %add3A_386 : i32 to vector<16xi32>
      %add3A_388 = arith.addi %mul3A_8, %add3A_387 : vector<16xi32>
      tpu.vector_store_idx %arg7[%add3A_388], %get3A_339 : memref<10240xi32, #tpu.memory_space<vmem>>[vector<16xi32>], vector<16xi32>,
      %scan3A_389 = arith.constant 0 : i32
      %scan3A_390 = arith.constant 3 : i32
      %scan3A_391 = arith.addi %scan3A_232, %scan3A_390 : i32
      %mul3A_392 = arith.constant 16 : i32
      %mul3A_393 = arith.muli %scan3A_391, %mul3A_392 : i32
      %get3A_394 = arith.index_cast %mul3A_393 : i32 to index
      %get3A_395 = tpu.vector_load %arg6[%get3A_394] {strides = array<i32>} : memref<10240xi32, #tpu.memory_space<vmem>>, vector<16xi32>,
      %jit3A_396 = arith.constant 2 : i32
      %eq3A_397 = arith.constant 0 : i32
      %eq3A_398 = arith.cmpi eq, %jit3A_396, %eq3A_397 : i32
      %jit3A_399 = arith.constant 1 : i32
      %select_n3A_400 = arith.select %eq3A_398, %jit3A_399, %jit3A_396 : i32
      %rem3A_401 = arith.remsi %scan3A_391, %select_n3A_400 : i32
      %ne3A_402 = arith.constant 0 : i32
      %ne3A_403 = arith.cmpi ne, %rem3A_401, %ne3A_402 : i32
      %lt3A_404 = arith.constant 0 : i32
      %lt3A_405 = arith.cmpi slt, %rem3A_401, %lt3A_404 : i32
      %lt3A_406 = arith.constant 0 : i32
      %lt3A_407 = arith.cmpi slt, %select_n3A_400, %lt3A_406 : i32
      %ne3A_408 = arith.xori %lt3A_405, %lt3A_407 : i1
      %and3A_409 = arith.andi %ne3A_408, %ne3A_403 : i1
      %add3A_410 = arith.addi %rem3A_401, %select_n3A_400 : i32
      %select_n3A_411 = arith.select %and3A_409, %add3A_410, %rem3A_401 : i32
      %mul3A_412 = arith.constant 2560 : i32
      %mul3A_413 = arith.muli %select_n3A_411, %mul3A_412 : i32
      %add3A_414 = arith.constant 0 : i32
      %add3A_415 = arith.addi %add3A_414, %mul3A_413 : i32
      %jit3A_416 = arith.constant 2 : i32
      %div3A_417 = arith.divsi %scan3A_391, %jit3A_416 : i32
      %sign3A_418 = arith.constant 0 : i32
      %sign3A_419 = arith.cmpi sgt, %scan3A_391, %sign3A_418 : i32
      %sign3A_420 = arith.extui %sign3A_419 : i1 to i32
      %sign3A_421 = arith.constant 0 : i32
      %sign3A_422 = arith.cmpi slt, %scan3A_391, %sign3A_421 : i32
      %sign3A_423 = arith.extui %sign3A_422 : i1 to i32
      %sign3A_424 = arith.subi %sign3A_420, %sign3A_423 : i32
      %sign3A_425 = arith.constant 0 : i32
      %sign3A_426 = arith.cmpi sgt, %jit3A_416, %sign3A_425 : i32
      %sign3A_427 = arith.extui %sign3A_426 : i1 to i32
      %sign3A_428 = arith.constant 0 : i32
      %sign3A_429 = arith.cmpi slt, %jit3A_416, %sign3A_428 : i32
      %sign3A_430 = arith.extui %sign3A_429 : i1 to i32
      %sign3A_431 = arith.subi %sign3A_427, %sign3A_430 : i32
      %ne3A_432 = arith.cmpi ne, %sign3A_424, %sign3A_431 : i32
      %rem3A_433 = arith.remsi %scan3A_391, %jit3A_416 : i32
      %ne3A_434 = arith.constant 0 : i32
      %ne3A_435 = arith.cmpi ne, %rem3A_433, %ne3A_434 : i32
      %and3A_436 = arith.andi %ne3A_432, %ne3A_435 : i1
      %sub3A_437 = arith.constant 1 : i32
      %sub3A_438 = arith.subi %div3A_417, %sub3A_437 : i32
      %select_n3A_439 = arith.select %and3A_436, %sub3A_438, %div3A_417 : i32
      %sub3A_440 = arith.constant 0 : i32
      %sub3A_441 = arith.subi %select_n3A_439, %sub3A_440 : i32
      %add3A_442 = arith.addi %add3A_415, %sub3A_441 : i32
      %add3A_443 = vector.broadcast %add3A_442 : i32 to vector<16xi32>
      %add3A_444 = arith.addi %mul3A_8, %add3A_443 : vector<16xi32>
      tpu.vector_store_idx %arg7[%add3A_444], %get3A_395 : memref<10240xi32, #tpu.memory_space<vmem>>[vector<16xi32>], vector<16xi32>,
      %scan3A_445 = arith.constant 0 : i32
      %scan3A_446 = arith.constant 4 : i32
      %scan3A_447 = arith.addi %scan3A_232, %scan3A_446 : i32
      %mul3A_448 = arith.constant 16 : i32
      %mul3A_449 = arith.muli %scan3A_447, %mul3A_448 : i32
      %get3A_450 = arith.index_cast %mul3A_449 : i32 to index
      %get3A_451 = tpu.vector_load %arg6[%get3A_450] {strides = array<i32>} : memref<10240xi32, #tpu.memory_space<vmem>>, vector<16xi32>,
      %jit3A_452 = arith.constant 2 : i32
      %eq3A_453 = arith.constant 0 : i32
      %eq3A_454 = arith.cmpi eq, %jit3A_452, %eq3A_453 : i32
      %jit3A_455 = arith.constant 1 : i32
      %select_n3A_456 = arith.select %eq3A_454, %jit3A_455, %jit3A_452 : i32
      %rem3A_457 = arith.remsi %scan3A_447, %select_n3A_456 : i32
      %ne3A_458 = arith.constant 0 : i32
      %ne3A_459 = arith.cmpi ne, %rem3A_457, %ne3A_458 : i32
      %lt3A_460 = arith.constant 0 : i32
      %lt3A_461 = arith.cmpi slt, %rem3A_457, %lt3A_460 : i32
      %lt3A_462 = arith.constant 0 : i32
      %lt3A_463 = arith.cmpi slt, %select_n3A_456, %lt3A_462 : i32
      %ne3A_464 = arith.xori %lt3A_461, %lt3A_463 : i1
      %and3A_465 = arith.andi %ne3A_464, %ne3A_459 : i1
      %add3A_466 = arith.addi %rem3A_457, %select_n3A_456 : i32
      %select_n3A_467 = arith.select %and3A_465, %add3A_466, %rem3A_457 : i32
      %mul3A_468 = arith.constant 2560 : i32
      %mul3A_469 = arith.muli %select_n3A_467, %mul3A_468 : i32
      %add3A_470 = arith.constant 0 : i32
      %add3A_471 = arith.addi %add3A_470, %mul3A_469 : i32
      %jit3A_472 = arith.constant 2 : i32
      %div3A_473 = arith.divsi %scan3A_447, %jit3A_472 : i32
      %sign3A_474 = arith.constant 0 : i32
      %sign3A_475 = arith.cmpi sgt, %scan3A_447, %sign3A_474 : i32
      %sign3A_476 = arith.extui %sign3A_475 : i1 to i32
      %sign3A_477 = arith.constant 0 : i32
      %sign3A_478 = arith.cmpi slt, %scan3A_447, %sign3A_477 : i32
      %sign3A_479 = arith.extui %sign3A_478 : i1 to i32
      %sign3A_480 = arith.subi %sign3A_476, %sign3A_479 : i32
      %sign3A_481 = arith.constant 0 : i32
      %sign3A_482 = arith.cmpi sgt, %jit3A_472, %sign3A_481 : i32
      %sign3A_483 = arith.extui %sign3A_482 : i1 to i32
      %sign3A_484 = arith.constant 0 : i32
      %sign3A_485 = arith.cmpi slt, %jit3A_472, %sign3A_484 : i32
      %sign3A_486 = arith.extui %sign3A_485 : i1 to i32
      %sign3A_487 = arith.subi %sign3A_483, %sign3A_486 : i32
      %ne3A_488 = arith.cmpi ne, %sign3A_480, %sign3A_487 : i32
      %rem3A_489 = arith.remsi %scan3A_447, %jit3A_472 : i32
      %ne3A_490 = arith.constant 0 : i32
      %ne3A_491 = arith.cmpi ne, %rem3A_489, %ne3A_490 : i32
      %and3A_492 = arith.andi %ne3A_488, %ne3A_491 : i1
      %sub3A_493 = arith.constant 1 : i32
      %sub3A_494 = arith.subi %div3A_473, %sub3A_493 : i32
      %select_n3A_495 = arith.select %and3A_492, %sub3A_494, %div3A_473 : i32
      %sub3A_496 = arith.constant 0 : i32
      %sub3A_497 = arith.subi %select_n3A_495, %sub3A_496 : i32
      %add3A_498 = arith.addi %add3A_471, %sub3A_497 : i32
      %add3A_499 = vector.broadcast %add3A_498 : i32 to vector<16xi32>
      %add3A_500 = arith.addi %mul3A_8, %add3A_499 : vector<16xi32>
      tpu.vector_store_idx %arg7[%add3A_500], %get3A_451 : memref<10240xi32, #tpu.memory_space<vmem>>[vector<16xi32>], vector<16xi32>,
      %scan3A_501 = arith.constant 0 : i32
      %scan3A_502 = arith.constant 5 : i32
      %scan3A_503 = arith.addi %scan3A_232, %scan3A_502 : i32
      %mul3A_504 = arith.constant 16 : i32
      %mul3A_505 = arith.muli %scan3A_503, %mul3A_504 : i32
      %get3A_506 = arith.index_cast %mul3A_505 : i32 to index
      %get3A_507 = tpu.vector_load %arg6[%get3A_506] {strides = array<i32>} : memref<10240xi32, #tpu.memory_space<vmem>>, vector<16xi32>,
      %jit3A_508 = arith.constant 2 : i32
      %eq3A_509 = arith.constant 0 : i32
      %eq3A_510 = arith.cmpi eq, %jit3A_508, %eq3A_509 : i32
      %jit3A_511 = arith.constant 1 : i32
      %select_n3A_512 = arith.select %eq3A_510, %jit3A_511, %jit3A_508 : i32
      %rem3A_513 = arith.remsi %scan3A_503, %select_n3A_512 : i32
      %ne3A_514 = arith.constant 0 : i32
      %ne3A_515 = arith.cmpi ne, %rem3A_513, %ne3A_514 : i32
      %lt3A_516 = arith.constant 0 : i32
      %lt3A_517 = arith.cmpi slt, %rem3A_513, %lt3A_516 : i32
      %lt3A_518 = arith.constant 0 : i32
      %lt3A_519 = arith.cmpi slt, %select_n3A_512, %lt3A_518 : i32
      %ne3A_520 = arith.xori %lt3A_517, %lt3A_519 : i1
      %and3A_521 = arith.andi %ne3A_520, %ne3A_515 : i1
      %add3A_522 = arith.addi %rem3A_513, %select_n3A_512 : i32
      %select_n3A_523 = arith.select %and3A_521, %add3A_522, %rem3A_513 : i32
      %mul3A_524 = arith.constant 2560 : i32
      %mul3A_525 = arith.muli %select_n3A_523, %mul3A_524 : i32
      %add3A_526 = arith.constant 0 : i32
      %add3A_527 = arith.addi %add3A_526, %mul3A_525 : i32
      %jit3A_528 = arith.constant 2 : i32
      %div3A_529 = arith.divsi %scan3A_503, %jit3A_528 : i32
      %sign3A_530 = arith.constant 0 : i32
      %sign3A_531 = arith.cmpi sgt, %scan3A_503, %sign3A_530 : i32
      %sign3A_532 = arith.extui %sign3A_531 : i1 to i32
      %sign3A_533 = arith.constant 0 : i32
      %sign3A_534 = arith.cmpi slt, %scan3A_503, %sign3A_533 : i32
      %sign3A_535 = arith.extui %sign3A_534 : i1 to i32
      %sign3A_536 = arith.subi %sign3A_532, %sign3A_535 : i32
      %sign3A_537 = arith.constant 0 : i32
      %sign3A_538 = arith.cmpi sgt, %jit3A_528, %sign3A_537 : i32
      %sign3A_539 = arith.extui %sign3A_538 : i1 to i32
      %sign3A_540 = arith.constant 0 : i32
      %sign3A_541 = arith.cmpi slt, %jit3A_528, %sign3A_540 : i32
      %sign3A_542 = arith.extui %sign3A_541 : i1 to i32
      %sign3A_543 = arith.subi %sign3A_539, %sign3A_542 : i32
      %ne3A_544 = arith.cmpi ne, %sign3A_536, %sign3A_543 : i32
      %rem3A_545 = arith.remsi %scan3A_503, %jit3A_528 : i32
      %ne3A_546 = arith.constant 0 : i32
      %ne3A_547 = arith.cmpi ne, %rem3A_545, %ne3A_546 : i32
      %and3A_548 = arith.andi %ne3A_544, %ne3A_547 : i1
      %sub3A_549 = arith.constant 1 : i32
      %sub3A_550 = arith.subi %div3A_529, %sub3A_549 : i32
      %select_n3A_551 = arith.select %and3A_548, %sub3A_550, %div3A_529 : i32
      %sub3A_552 = arith.constant 0 : i32
      %sub3A_553 = arith.subi %select_n3A_551, %sub3A_552 : i32
      %add3A_554 = arith.addi %add3A_527, %sub3A_553 : i32
      %add3A_555 = vector.broadcast %add3A_554 : i32 to vector<16xi32>
      %add3A_556 = arith.addi %mul3A_8, %add3A_555 : vector<16xi32>
      tpu.vector_store_idx %arg7[%add3A_556], %get3A_507 : memref<10240xi32, #tpu.memory_space<vmem>>[vector<16xi32>], vector<16xi32>,
      %scan3A_557 = arith.constant 0 : i32
      %scan3A_558 = arith.constant 6 : i32
      %scan3A_559 = arith.addi %scan3A_232, %scan3A_558 : i32
      %mul3A_560 = arith.constant 16 : i32
      %mul3A_561 = arith.muli %scan3A_559, %mul3A_560 : i32
      %get3A_562 = arith.index_cast %mul3A_561 : i32 to index
      %get3A_563 = tpu.vector_load %arg6[%get3A_562] {strides = array<i32>} : memref<10240xi32, #tpu.memory_space<vmem>>, vector<16xi32>,
      %jit3A_564 = arith.constant 2 : i32
      %eq3A_565 = arith.constant 0 : i32
      %eq3A_566 = arith.cmpi eq, %jit3A_564, %eq3A_565 : i32
      %jit3A_567 = arith.constant 1 : i32
      %select_n3A_568 = arith.select %eq3A_566, %jit3A_567, %jit3A_564 : i32
      %rem3A_569 = arith.remsi %scan3A_559, %select_n3A_568 : i32
      %ne3A_570 = arith.constant 0 : i32
      %ne3A_571 = arith.cmpi ne, %rem3A_569, %ne3A_570 : i32
      %lt3A_572 = arith.constant 0 : i32
      %lt3A_573 = arith.cmpi slt, %rem3A_569, %lt3A_572 : i32
      %lt3A_574 = arith.constant 0 : i32
      %lt3A_575 = arith.cmpi slt, %select_n3A_568, %lt3A_574 : i32
      %ne3A_576 = arith.xori %lt3A_573, %lt3A_575 : i1
      %and3A_577 = arith.andi %ne3A_576, %ne3A_571 : i1
      %add3A_578 = arith.addi %rem3A_569, %select_n3A_568 : i32
      %select_n3A_579 = arith.select %and3A_577, %add3A_578, %rem3A_569 : i32
      %mul3A_580 = arith.constant 2560 : i32
      %mul3A_581 = arith.muli %select_n3A_579, %mul3A_580 : i32
      %add3A_582 = arith.constant 0 : i32
      %add3A_583 = arith.addi %add3A_582, %mul3A_581 : i32
      %jit3A_584 = arith.constant 2 : i32
      %div3A_585 = arith.divsi %scan3A_559, %jit3A_584 : i32
      %sign3A_586 = arith.constant 0 : i32
      %sign3A_587 = arith.cmpi sgt, %scan3A_559, %sign3A_586 : i32
      %sign3A_588 = arith.extui %sign3A_587 : i1 to i32
      %sign3A_589 = arith.constant 0 : i32
      %sign3A_590 = arith.cmpi slt, %scan3A_559, %sign3A_589 : i32
      %sign3A_591 = arith.extui %sign3A_590 : i1 to i32
      %sign3A_592 = arith.subi %sign3A_588, %sign3A_591 : i32
      %sign3A_593 = arith.constant 0 : i32
      %sign3A_594 = arith.cmpi sgt, %jit3A_584, %sign3A_593 : i32
      %sign3A_595 = arith.extui %sign3A_594 : i1 to i32
      %sign3A_596 = arith.constant 0 : i32
      %sign3A_597 = arith.cmpi slt, %jit3A_584, %sign3A_596 : i32
      %sign3A_598 = arith.extui %sign3A_597 : i1 to i32
      %sign3A_599 = arith.subi %sign3A_595, %sign3A_598 : i32
      %ne3A_600 = arith.cmpi ne, %sign3A_592, %sign3A_599 : i32
      %rem3A_601 = arith.remsi %scan3A_559, %jit3A_584 : i32
      %ne3A_602 = arith.constant 0 : i32
      %ne3A_603 = arith.cmpi ne, %rem3A_601, %ne3A_602 : i32
      %and3A_604 = arith.andi %ne3A_600, %ne3A_603 : i1
      %sub3A_605 = arith.constant 1 : i32
      %sub3A_606 = arith.subi %div3A_585, %sub3A_605 : i32
      %select_n3A_607 = arith.select %and3A_604, %sub3A_606, %div3A_585 : i32
      %sub3A_608 = arith.constant 0 : i32
      %sub3A_609 = arith.subi %select_n3A_607, %sub3A_608 : i32
      %add3A_610 = arith.addi %add3A_583, %sub3A_609 : i32
      %add3A_611 = vector.broadcast %add3A_610 : i32 to vector<16xi32>
      %add3A_612 = arith.addi %mul3A_8, %add3A_611 : vector<16xi32>
      tpu.vector_store_idx %arg7[%add3A_612], %get3A_563 : memref<10240xi32, #tpu.memory_space<vmem>>[vector<16xi32>], vector<16xi32>,
      %scan3A_613 = arith.constant 0 : i32
      %scan3A_614 = arith.constant 7 : i32
      %scan3A_615 = arith.addi %scan3A_232, %scan3A_614 : i32
      %mul3A_616 = arith.constant 16 : i32
      %mul3A_617 = arith.muli %scan3A_615, %mul3A_616 : i32
      %get3A_618 = arith.index_cast %mul3A_617 : i32 to index
      %get3A_619 = tpu.vector_load %arg6[%get3A_618] {strides = array<i32>} : memref<10240xi32, #tpu.memory_space<vmem>>, vector<16xi32>,
      %jit3A_620 = arith.constant 2 : i32
      %eq3A_621 = arith.constant 0 : i32
      %eq3A_622 = arith.cmpi eq, %jit3A_620, %eq3A_621 : i32
      %jit3A_623 = arith.constant 1 : i32
      %select_n3A_624 = arith.select %eq3A_622, %jit3A_623, %jit3A_620 : i32
      %rem3A_625 = arith.remsi %scan3A_615, %select_n3A_624 : i32
      %ne3A_626 = arith.constant 0 : i32
      %ne3A_627 = arith.cmpi ne, %rem3A_625, %ne3A_626 : i32
      %lt3A_628 = arith.constant 0 : i32
      %lt3A_629 = arith.cmpi slt, %rem3A_625, %lt3A_628 : i32
      %lt3A_630 = arith.constant 0 : i32
      %lt3A_631 = arith.cmpi slt, %select_n3A_624, %lt3A_630 : i32
      %ne3A_632 = arith.xori %lt3A_629, %lt3A_631 : i1
      %and3A_633 = arith.andi %ne3A_632, %ne3A_627 : i1
      %add3A_634 = arith.addi %rem3A_625, %select_n3A_624 : i32
      %select_n3A_635 = arith.select %and3A_633, %add3A_634, %rem3A_625 : i32
      %mul3A_636 = arith.constant 2560 : i32
      %mul3A_637 = arith.muli %select_n3A_635, %mul3A_636 : i32
      %add3A_638 = arith.constant 0 : i32
      %add3A_639 = arith.addi %add3A_638, %mul3A_637 : i32
      %jit3A_640 = arith.constant 2 : i32
      %div3A_641 = arith.divsi %scan3A_615, %jit3A_640 : i32
      %sign3A_642 = arith.constant 0 : i32
      %sign3A_643 = arith.cmpi sgt, %scan3A_615, %sign3A_642 : i32
      %sign3A_644 = arith.extui %sign3A_643 : i1 to i32
      %sign3A_645 = arith.constant 0 : i32
      %sign3A_646 = arith.cmpi slt, %scan3A_615, %sign3A_645 : i32
      %sign3A_647 = arith.extui %sign3A_646 : i1 to i32
      %sign3A_648 = arith.subi %sign3A_644, %sign3A_647 : i32
      %sign3A_649 = arith.constant 0 : i32
      %sign3A_650 = arith.cmpi sgt, %jit3A_640, %sign3A_649 : i32
      %sign3A_651 = arith.extui %sign3A_650 : i1 to i32
      %sign3A_652 = arith.constant 0 : i32
      %sign3A_653 = arith.cmpi slt, %jit3A_640, %sign3A_652 : i32
      %sign3A_654 = arith.extui %sign3A_653 : i1 to i32
      %sign3A_655 = arith.subi %sign3A_651, %sign3A_654 : i32
      %ne3A_656 = arith.cmpi ne, %sign3A_648, %sign3A_655 : i32
      %rem3A_657 = arith.remsi %scan3A_615, %jit3A_640 : i32
      %ne3A_658 = arith.constant 0 : i32
      %ne3A_659 = arith.cmpi ne, %rem3A_657, %ne3A_658 : i32
      %and3A_660 = arith.andi %ne3A_656, %ne3A_659 : i1
      %sub3A_661 = arith.constant 1 : i32
      %sub3A_662 = arith.subi %div3A_641, %sub3A_661 : i32
      %select_n3A_663 = arith.select %and3A_660, %sub3A_662, %div3A_641 : i32
      %sub3A_664 = arith.constant 0 : i32
      %sub3A_665 = arith.subi %select_n3A_663, %sub3A_664 : i32
      %add3A_666 = arith.addi %add3A_639, %sub3A_665 : i32
      %add3A_667 = vector.broadcast %add3A_666 : i32 to vector<16xi32>
      %add3A_668 = arith.addi %mul3A_8, %add3A_667 : vector<16xi32>
      tpu.vector_store_idx %arg7[%add3A_668], %get3A_619 : memref<10240xi32, #tpu.memory_space<vmem>>[vector<16xi32>], vector<16xi32>,
      %scan3A_669 = arith.constant 0 : i32
      scf.yield %scan3A_669 : i32
    }
    %scan3A_38 = arith.constant 320 : i32
    %scan3A_39 = arith.constant 0 : i32
    %scan3A_40 = arith.constant 0 : i32
    %scan3A_41 = arith.constant 160 : i32
    %scan3A_42 = arith.addi %scan3A_40, %scan3A_41 : i32
    %scan3A_43 = arith.constant 8 : i32
    %scan3A_44 = scf.for %scan3A_232 = %scan3A_40 to %scan3A_42 step %scan3A_43 iter_args(%scan3A_233 = %scan3A_39) -> (i32)  : i32 {
      %swap3A = arith.index_cast %scan3A_232 : i32 to index
      %swap3A_234 = arith.constant 0 : index
      %swap3A_235 = tpu.vector_load %arg8[%swap3A, %swap3A_234] {strides = array<i32>} : memref<160x128xf32, #tpu.memory_space<vmem>>, vector<16xf32>,
      tpu.vector_store %arg8[%swap3A, %swap3A_234], %broadcast_in_dim3A_5 {strides = array<i32>} : memref<160x128xf32, #tpu.memory_space<vmem>>, vector<16xf32>,
      %swap3A_236 = arith.index_cast %scan3A_232 : i32 to index
      %swap3A_237 = arith.constant 16 : index
      %swap3A_238 = tpu.vector_load %arg8[%swap3A_236, %swap3A_237] {strides = array<i32>} : memref<160x128xf32, #tpu.memory_space<vmem>>, vector<16xf32>,
      tpu.vector_store %arg8[%swap3A_236, %swap3A_237], %broadcast_in_dim3A_5 {strides = array<i32>} : memref<160x128xf32, #tpu.memory_space<vmem>>, vector<16xf32>,
      %swap3A_239 = arith.index_cast %scan3A_232 : i32 to index
      %swap3A_240 = arith.constant 32 : index
      %swap3A_241 = tpu.vector_load %arg8[%swap3A_239, %swap3A_240] {strides = array<i32>} : memref<160x128xf32, #tpu.memory_space<vmem>>, vector<16xf32>,
      tpu.vector_store %arg8[%swap3A_239, %swap3A_240], %broadcast_in_dim3A_5 {strides = array<i32>} : memref<160x128xf32, #tpu.memory_space<vmem>>, vector<16xf32>,
      %swap3A_242 = arith.index_cast %scan3A_232 : i32 to index
      %swap3A_243 = arith.constant 48 : index
      %swap3A_244 = tpu.vector_load %arg8[%swap3A_242, %swap3A_243] {strides = array<i32>} : memref<160x128xf32, #tpu.memory_space<vmem>>, vector<16xf32>,
      tpu.vector_store %arg8[%swap3A_242, %swap3A_243], %broadcast_in_dim3A_5 {strides = array<i32>} : memref<160x128xf32, #tpu.memory_space<vmem>>, vector<16xf32>,
      %swap3A_245 = arith.index_cast %scan3A_232 : i32 to index
      %swap3A_246 = arith.constant 64 : index
      %swap3A_247 = tpu.vector_load %arg8[%swap3A_245, %swap3A_246] {strides = array<i32>} : memref<160x128xf32, #tpu.memory_space<vmem>>, vector<16xf32>,
      tpu.vector_store %arg8[%swap3A_245, %swap3A_246], %broadcast_in_dim3A_5 {strides = array<i32>} : memref<160x128xf32, #tpu.memory_space<vmem>>, vector<16xf32>,
      %swap3A_248 = arith.index_cast %scan3A_232 : i32 to index
      %swap3A_249 = arith.constant 80 : index
      %swap3A_250 = tpu.vector_load %arg8[%swap3A_248, %swap3A_249] {strides = array<i32>} : memref<160x128xf32, #tpu.memory_space<vmem>>, vector<16xf32>,
      tpu.vector_store %arg8[%swap3A_248, %swap3A_249], %broadcast_in_dim3A_5 {strides = array<i32>} : memref<160x128xf32, #tpu.memory_space<vmem>>, vector<16xf32>,
      %swap3A_251 = arith.index_cast %scan3A_232 : i32 to index
      %swap3A_252 = arith.constant 96 : index
      %swap3A_253 = tpu.vector_load %arg8[%swap3A_251, %swap3A_252] {strides = array<i32>} : memref<160x128xf32, #tpu.memory_space<vmem>>, vector<16xf32>,
      tpu.vector_store %arg8[%swap3A_251, %swap3A_252], %broadcast_in_dim3A_5 {strides = array<i32>} : memref<160x128xf32, #tpu.memory_space<vmem>>, vector<16xf32>,
      %swap3A_254 = arith.index_cast %scan3A_232 : i32 to index
      %swap3A_255 = arith.constant 112 : index
      %swap3A_256 = tpu.vector_load %arg8[%swap3A_254, %swap3A_255] {strides = array<i32>} : memref<160x128xf32, #tpu.memory_space<vmem>>, vector<16xf32>,
      tpu.vector_store %arg8[%swap3A_254, %swap3A_255], %broadcast_in_dim3A_5 {strides = array<i32>} : memref<160x128xf32, #tpu.memory_space<vmem>>, vector<16xf32>,
      %scan3A_257 = arith.constant 0 : i32
      %scan3A_258 = arith.constant 1 : i32
      %scan3A_259 = arith.addi %scan3A_232, %scan3A_258 : i32
      %swap3A_260 = arith.index_cast %scan3A_259 : i32 to index
      %swap3A_261 = arith.constant 0 : index
      %swap3A_262 = tpu.vector_load %arg8[%swap3A_260, %swap3A_261] {strides = array<i32>} : memref<160x128xf32, #tpu.memory_space<vmem>>, vector<16xf32>,
      tpu.vector_store %arg8[%swap3A_260, %swap3A_261], %broadcast_in_dim3A_5 {strides = array<i32>} : memref<160x128xf32, #tpu.memory_space<vmem>>, vector<16xf32>,
      %swap3A_263 = arith.index_cast %scan3A_259 : i32 to index
      %swap3A_264 = arith.constant 16 : index
      %swap3A_265 = tpu.vector_load %arg8[%swap3A_263, %swap3A_264] {strides = array<i32>} : memref<160x128xf32, #tpu.memory_space<vmem>>, vector<16xf32>,
      tpu.vector_store %arg8[%swap3A_263, %swap3A_264], %broadcast_in_dim3A_5 {strides = array<i32>} : memref<160x128xf32, #tpu.memory_space<vmem>>, vector<16xf32>,
      %swap3A_266 = arith.index_cast %scan3A_259 : i32 to index
      %swap3A_267 = arith.constant 32 : index
      %swap3A_268 = tpu.vector_load %arg8[%swap3A_266, %swap3A_267] {strides = array<i32>} : memref<160x128xf32, #tpu.memory_space<vmem>>, vector<16xf32>,
      tpu.vector_store %arg8[%swap3A_266, %swap3A_267], %broadcast_in_dim3A_5 {strides = array<i32>} : memref<160x128xf32, #tpu.memory_space<vmem>>, vector<16xf32>,
      %swap3A_269 = arith.index_cast %scan3A_259 : i32 to index
      %swap3A_270 = arith.constant 48 : index
      %swap3A_271 = tpu.vector_load %arg8[%swap3A_269, %swap3A_270] {strides = array<i32>} : memref<160x128xf32, #tpu.memory_space<vmem>>, vector<16xf32>,
      tpu.vector_store %arg8[%swap3A_269, %swap3A_270], %broadcast_in_dim3A_5 {strides = array<i32>} : memref<160x128xf32, #tpu.memory_space<vmem>>, vector<16xf32>,
      %swap3A_272 = arith.index_cast %scan3A_259 : i32 to index
      %swap3A_273 = arith.constant 64 : index
      %swap3A_274 = tpu.vector_load %arg8[%swap3A_272, %swap3A_273] {strides = array<i32>} : memref<160x128xf32, #tpu.memory_space<vmem>>, vector<16xf32>,
      tpu.vector_store %arg8[%swap3A_272, %swap3A_273], %broadcast_in_dim3A_5 {strides = array<i32>} : memref<160x128xf32, #tpu.memory_space<vmem>>, vector<16xf32>,
      %swap3A_275 = arith.index_cast %scan3A_259 : i32 to index
      %swap3A_276 = arith.constant 80 : index
      %swap3A_277 = tpu.vector_load %arg8[%swap3A_275, %swap3A_276] {strides = array<i32>} : memref<160x128xf32, #tpu.memory_space<vmem>>, vector<16xf32>,
      tpu.vector_store %arg8[%swap3A_275, %swap3A_276], %broadcast_in_dim3A_5 {strides = array<i32>} : memref<160x128xf32, #tpu.memory_space<vmem>>, vector<16xf32>,
      %swap3A_278 = arith.index_cast %scan3A_259 : i32 to index
      %swap3A_279 = arith.constant 96 : index
      %swap3A_280 = tpu.vector_load %arg8[%swap3A_278, %swap3A_279] {strides = array<i32>} : memref<160x128xf32, #tpu.memory_space<vmem>>, vector<16xf32>,
      tpu.vector_store %arg8[%swap3A_278, %swap3A_279], %broadcast_in_dim3A_5 {strides = array<i32>} : memref<160x128xf32, #tpu.memory_space<vmem>>, vector<16xf32>,
      %swap3A_281 = arith.index_cast %scan3A_259 : i32 to index
      %swap3A_282 = arith.constant 112 : index
      %swap3A_283 = tpu.vector_load %arg8[%swap3A_281, %swap3A_282] {strides = array<i32>} : memref<160x128xf32, #tpu.memory_space<vmem>>, vector<16xf32>,
      tpu.vector_store %arg8[%swap3A_281, %swap3A_282], %broadcast_in_dim3A_5 {strides = array<i32>} : memref<160x128xf32, #tpu.memory_space<vmem>>, vector<16xf32>,
      %scan3A_284 = arith.constant 0 : i32
      %scan3A_285 = arith.constant 2 : i32
      %scan3A_286 = arith.addi %scan3A_232, %scan3A_285 : i32
      %swap3A_287 = arith.index_cast %scan3A_286 : i32 to index
      %swap3A_288 = arith.constant 0 : index
      %swap3A_289 = tpu.vector_load %arg8[%swap3A_287, %swap3A_288] {strides = array<i32>} : memref<160x128xf32, #tpu.memory_space<vmem>>, vector<16xf32>,
      tpu.vector_store %arg8[%swap3A_287, %swap3A_288], %broadcast_in_dim3A_5 {strides = array<i32>} : memref<160x128xf32, #tpu.memory_space<vmem>>, vector<16xf32>,
      %swap3A_290 = arith.index_cast %scan3A_286 : i32 to index
      %swap3A_291 = arith.constant 16 : index
      %swap3A_292 = tpu.vector_load %arg8[%swap3A_290, %swap3A_291] {strides = array<i32>} : memref<160x128xf32, #tpu.memory_space<vmem>>, vector<16xf32>,
      tpu.vector_store %arg8[%swap3A_290, %swap3A_291], %broadcast_in_dim3A_5 {strides = array<i32>} : memref<160x128xf32, #tpu.memory_space<vmem>>, vector<16xf32>,
      %swap3A_293 = arith.index_cast %scan3A_286 : i32 to index
      %swap3A_294 = arith.constant 32 : index
      %swap3A_295 = tpu.vector_load %arg8[%swap3A_293, %swap3A_294] {strides = array<i32>} : memref<160x128xf32, #tpu.memory_space<vmem>>, vector<16xf32>,
      tpu.vector_store %arg8[%swap3A_293, %swap3A_294], %broadcast_in_dim3A_5 {strides = array<i32>} : memref<160x128xf32, #tpu.memory_space<vmem>>, vector<16xf32>,
      %swap3A_296 = arith.index_cast %scan3A_286 : i32 to index
      %swap3A_297 = arith.constant 48 : index
      %swap3A_298 = tpu.vector_load %arg8[%swap3A_296, %swap3A_297] {strides = array<i32>} : memref<160x128xf32, #tpu.memory_space<vmem>>, vector<16xf32>,
      tpu.vector_store %arg8[%swap3A_296, %swap3A_297], %broadcast_in_dim3A_5 {strides = array<i32>} : memref<160x128xf32, #tpu.memory_space<vmem>>, vector<16xf32>,
      %swap3A_299 = arith.index_cast %scan3A_286 : i32 to index
      %swap3A_300 = arith.constant 64 : index
      %swap3A_301 = tpu.vector_load %arg8[%swap3A_299, %swap3A_300] {strides = array<i32>} : memref<160x128xf32, #tpu.memory_space<vmem>>, vector<16xf32>,
      tpu.vector_store %arg8[%swap3A_299, %swap3A_300], %broadcast_in_dim3A_5 {strides = array<i32>} : memref<160x128xf32, #tpu.memory_space<vmem>>, vector<16xf32>,
      %swap3A_302 = arith.index_cast %scan3A_286 : i32 to index
      %swap3A_303 = arith.constant 80 : index
      %swap3A_304 = tpu.vector_load %arg8[%swap3A_302, %swap3A_303] {strides = array<i32>} : memref<160x128xf32, #tpu.memory_space<vmem>>, vector<16xf32>,
      tpu.vector_store %arg8[%swap3A_302, %swap3A_303], %broadcast_in_dim3A_5 {strides = array<i32>} : memref<160x128xf32, #tpu.memory_space<vmem>>, vector<16xf32>,
      %swap3A_305 = arith.index_cast %scan3A_286 : i32 to index
      %swap3A_306 = arith.constant 96 : index
      %swap3A_307 = tpu.vector_load %arg8[%swap3A_305, %swap3A_306] {strides = array<i32>} : memref<160x128xf32, #tpu.memory_space<vmem>>, vector<16xf32>,
      tpu.vector_store %arg8[%swap3A_305, %swap3A_306], %broadcast_in_dim3A_5 {strides = array<i32>} : memref<160x128xf32, #tpu.memory_space<vmem>>, vector<16xf32>,
      %swap3A_308 = arith.index_cast %scan3A_286 : i32 to index
      %swap3A_309 = arith.constant 112 : index
      %swap3A_310 = tpu.vector_load %arg8[%swap3A_308, %swap3A_309] {strides = array<i32>} : memref<160x128xf32, #tpu.memory_space<vmem>>, vector<16xf32>,
      tpu.vector_store %arg8[%swap3A_308, %swap3A_309], %broadcast_in_dim3A_5 {strides = array<i32>} : memref<160x128xf32, #tpu.memory_space<vmem>>, vector<16xf32>,
      %scan3A_311 = arith.constant 0 : i32
      %scan3A_312 = arith.constant 3 : i32
      %scan3A_313 = arith.addi %scan3A_232, %scan3A_312 : i32
      %swap3A_314 = arith.index_cast %scan3A_313 : i32 to index
      %swap3A_315 = arith.constant 0 : index
      %swap3A_316 = tpu.vector_load %arg8[%swap3A_314, %swap3A_315] {strides = array<i32>} : memref<160x128xf32, #tpu.memory_space<vmem>>, vector<16xf32>,
      tpu.vector_store %arg8[%swap3A_314, %swap3A_315], %broadcast_in_dim3A_5 {strides = array<i32>} : memref<160x128xf32, #tpu.memory_space<vmem>>, vector<16xf32>,
      %swap3A_317 = arith.index_cast %scan3A_313 : i32 to index
      %swap3A_318 = arith.constant 16 : index
      %swap3A_319 = tpu.vector_load %arg8[%swap3A_317, %swap3A_318] {strides = array<i32>} : memref<160x128xf32, #tpu.memory_space<vmem>>, vector<16xf32>,
      tpu.vector_store %arg8[%swap3A_317, %swap3A_318], %broadcast_in_dim3A_5 {strides = array<i32>} : memref<160x128xf32, #tpu.memory_space<vmem>>, vector<16xf32>,
      %swap3A_320 = arith.index_cast %scan3A_313 : i32 to index
      %swap3A_321 = arith.constant 32 : index
      %swap3A_322 = tpu.vector_load %arg8[%swap3A_320, %swap3A_321] {strides = array<i32>} : memref<160x128xf32, #tpu.memory_space<vmem>>, vector<16xf32>,
      tpu.vector_store %arg8[%swap3A_320, %swap3A_321], %broadcast_in_dim3A_5 {strides = array<i32>} : memref<160x128xf32, #tpu.memory_space<vmem>>, vector<16xf32>,
      %swap3A_323 = arith.index_cast %scan3A_313 : i32 to index
      %swap3A_324 = arith.constant 48 : index
      %swap3A_325 = tpu.vector_load %arg8[%swap3A_323, %swap3A_324] {strides = array<i32>} : memref<160x128xf32, #tpu.memory_space<vmem>>, vector<16xf32>,
      tpu.vector_store %arg8[%swap3A_323, %swap3A_324], %broadcast_in_dim3A_5 {strides = array<i32>} : memref<160x128xf32, #tpu.memory_space<vmem>>, vector<16xf32>,
      %swap3A_326 = arith.index_cast %scan3A_313 : i32 to index
      %swap3A_327 = arith.constant 64 : index
      %swap3A_328 = tpu.vector_load %arg8[%swap3A_326, %swap3A_327] {strides = array<i32>} : memref<160x128xf32, #tpu.memory_space<vmem>>, vector<16xf32>,
      tpu.vector_store %arg8[%swap3A_326, %swap3A_327], %broadcast_in_dim3A_5 {strides = array<i32>} : memref<160x128xf32, #tpu.memory_space<vmem>>, vector<16xf32>,
      %swap3A_329 = arith.index_cast %scan3A_313 : i32 to index
      %swap3A_330 = arith.constant 80 : index
      %swap3A_331 = tpu.vector_load %arg8[%swap3A_329, %swap3A_330] {strides = array<i32>} : memref<160x128xf32, #tpu.memory_space<vmem>>, vector<16xf32>,
      tpu.vector_store %arg8[%swap3A_329, %swap3A_330], %broadcast_in_dim3A_5 {strides = array<i32>} : memref<160x128xf32, #tpu.memory_space<vmem>>, vector<16xf32>,
      %swap3A_332 = arith.index_cast %scan3A_313 : i32 to index
      %swap3A_333 = arith.constant 96 : index
      %swap3A_334 = tpu.vector_load %arg8[%swap3A_332, %swap3A_333] {strides = array<i32>} : memref<160x128xf32, #tpu.memory_space<vmem>>, vector<16xf32>,
      tpu.vector_store %arg8[%swap3A_332, %swap3A_333], %broadcast_in_dim3A_5 {strides = array<i32>} : memref<160x128xf32, #tpu.memory_space<vmem>>, vector<16xf32>,
      %swap3A_335 = arith.index_cast %scan3A_313 : i32 to index
      %swap3A_336 = arith.constant 112 : index
      %swap3A_337 = tpu.vector_load %arg8[%swap3A_335, %swap3A_336] {strides = array<i32>} : memref<160x128xf32, #tpu.memory_space<vmem>>, vector<16xf32>,
      tpu.vector_store %arg8[%swap3A_335, %swap3A_336], %broadcast_in_dim3A_5 {strides = array<i32>} : memref<160x128xf32, #tpu.memory_space<vmem>>, vector<16xf32>,
      %scan3A_338 = arith.constant 0 : i32
      %scan3A_339 = arith.constant 4 : i32
      %scan3A_340 = arith.addi %scan3A_232, %scan3A_339 : i32
      %swap3A_341 = arith.index_cast %scan3A_340 : i32 to index
      %swap3A_342 = arith.constant 0 : index
      %swap3A_343 = tpu.vector_load %arg8[%swap3A_341, %swap3A_342] {strides = array<i32>} : memref<160x128xf32, #tpu.memory_space<vmem>>, vector<16xf32>,
      tpu.vector_store %arg8[%swap3A_341, %swap3A_342], %broadcast_in_dim3A_5 {strides = array<i32>} : memref<160x128xf32, #tpu.memory_space<vmem>>, vector<16xf32>,
      %swap3A_344 = arith.index_cast %scan3A_340 : i32 to index
      %swap3A_345 = arith.constant 16 : index
      %swap3A_346 = tpu.vector_load %arg8[%swap3A_344, %swap3A_345] {strides = array<i32>} : memref<160x128xf32, #tpu.memory_space<vmem>>, vector<16xf32>,
      tpu.vector_store %arg8[%swap3A_344, %swap3A_345], %broadcast_in_dim3A_5 {strides = array<i32>} : memref<160x128xf32, #tpu.memory_space<vmem>>, vector<16xf32>,
      %swap3A_347 = arith.index_cast %scan3A_340 : i32 to index
      %swap3A_348 = arith.constant 32 : index
      %swap3A_349 = tpu.vector_load %arg8[%swap3A_347, %swap3A_348] {strides = array<i32>} : memref<160x128xf32, #tpu.memory_space<vmem>>, vector<16xf32>,
      tpu.vector_store %arg8[%swap3A_347, %swap3A_348], %broadcast_in_dim3A_5 {strides = array<i32>} : memref<160x128xf32, #tpu.memory_space<vmem>>, vector<16xf32>,
      %swap3A_350 = arith.index_cast %scan3A_340 : i32 to index
      %swap3A_351 = arith.constant 48 : index
      %swap3A_352 = tpu.vector_load %arg8[%swap3A_350, %swap3A_351] {strides = array<i32>} : memref<160x128xf32, #tpu.memory_space<vmem>>, vector<16xf32>,
      tpu.vector_store %arg8[%swap3A_350, %swap3A_351], %broadcast_in_dim3A_5 {strides = array<i32>} : memref<160x128xf32, #tpu.memory_space<vmem>>, vector<16xf32>,
      %swap3A_353 = arith.index_cast %scan3A_340 : i32 to index
      %swap3A_354 = arith.constant 64 : index
      %swap3A_355 = tpu.vector_load %arg8[%swap3A_353, %swap3A_354] {strides = array<i32>} : memref<160x128xf32, #tpu.memory_space<vmem>>, vector<16xf32>,
      tpu.vector_store %arg8[%swap3A_353, %swap3A_354], %broadcast_in_dim3A_5 {strides = array<i32>} : memref<160x128xf32, #tpu.memory_space<vmem>>, vector<16xf32>,
      %swap3A_356 = arith.index_cast %scan3A_340 : i32 to index
      %swap3A_357 = arith.constant 80 : index
      %swap3A_358 = tpu.vector_load %arg8[%swap3A_356, %swap3A_357] {strides = array<i32>} : memref<160x128xf32, #tpu.memory_space<vmem>>, vector<16xf32>,
      tpu.vector_store %arg8[%swap3A_356, %swap3A_357], %broadcast_in_dim3A_5 {strides = array<i32>} : memref<160x128xf32, #tpu.memory_space<vmem>>, vector<16xf32>,
      %swap3A_359 = arith.index_cast %scan3A_340 : i32 to index
      %swap3A_360 = arith.constant 96 : index
      %swap3A_361 = tpu.vector_load %arg8[%swap3A_359, %swap3A_360] {strides = array<i32>} : memref<160x128xf32, #tpu.memory_space<vmem>>, vector<16xf32>,
      tpu.vector_store %arg8[%swap3A_359, %swap3A_360], %broadcast_in_dim3A_5 {strides = array<i32>} : memref<160x128xf32, #tpu.memory_space<vmem>>, vector<16xf32>,
      %swap3A_362 = arith.index_cast %scan3A_340 : i32 to index
      %swap3A_363 = arith.constant 112 : index
      %swap3A_364 = tpu.vector_load %arg8[%swap3A_362, %swap3A_363] {strides = array<i32>} : memref<160x128xf32, #tpu.memory_space<vmem>>, vector<16xf32>,
      tpu.vector_store %arg8[%swap3A_362, %swap3A_363], %broadcast_in_dim3A_5 {strides = array<i32>} : memref<160x128xf32, #tpu.memory_space<vmem>>, vector<16xf32>,
      %scan3A_365 = arith.constant 0 : i32
      %scan3A_366 = arith.constant 5 : i32
      %scan3A_367 = arith.addi %scan3A_232, %scan3A_366 : i32
      %swap3A_368 = arith.index_cast %scan3A_367 : i32 to index
      %swap3A_369 = arith.constant 0 : index
      %swap3A_370 = tpu.vector_load %arg8[%swap3A_368, %swap3A_369] {strides = array<i32>} : memref<160x128xf32, #tpu.memory_space<vmem>>, vector<16xf32>,
      tpu.vector_store %arg8[%swap3A_368, %swap3A_369], %broadcast_in_dim3A_5 {strides = array<i32>} : memref<160x128xf32, #tpu.memory_space<vmem>>, vector<16xf32>,
      %swap3A_371 = arith.index_cast %scan3A_367 : i32 to index
      %swap3A_372 = arith.constant 16 : index
      %swap3A_373 = tpu.vector_load %arg8[%swap3A_371, %swap3A_372] {strides = array<i32>} : memref<160x128xf32, #tpu.memory_space<vmem>>, vector<16xf32>,
      tpu.vector_store %arg8[%swap3A_371, %swap3A_372], %broadcast_in_dim3A_5 {strides = array<i32>} : memref<160x128xf32, #tpu.memory_space<vmem>>, vector<16xf32>,
      %swap3A_374 = arith.index_cast %scan3A_367 : i32 to index
      %swap3A_375 = arith.constant 32 : index
      %swap3A_376 = tpu.vector_load %arg8[%swap3A_374, %swap3A_375] {strides = array<i32>} : memref<160x128xf32, #tpu.memory_space<vmem>>, vector<16xf32>,
      tpu.vector_store %arg8[%swap3A_374, %swap3A_375], %broadcast_in_dim3A_5 {strides = array<i32>} : memref<160x128xf32, #tpu.memory_space<vmem>>, vector<16xf32>,
      %swap3A_377 = arith.index_cast %scan3A_367 : i32 to index
      %swap3A_378 = arith.constant 48 : index
      %swap3A_379 = tpu.vector_load %arg8[%swap3A_377, %swap3A_378] {strides = array<i32>} : memref<160x128xf32, #tpu.memory_space<vmem>>, vector<16xf32>,
      tpu.vector_store %arg8[%swap3A_377, %swap3A_378], %broadcast_in_dim3A_5 {strides = array<i32>} : memref<160x128xf32, #tpu.memory_space<vmem>>, vector<16xf32>,
      %swap3A_380 = arith.index_cast %scan3A_367 : i32 to index
      %swap3A_381 = arith.constant 64 : index
      %swap3A_382 = tpu.vector_load %arg8[%swap3A_380, %swap3A_381] {strides = array<i32>} : memref<160x128xf32, #tpu.memory_space<vmem>>, vector<16xf32>,
      tpu.vector_store %arg8[%swap3A_380, %swap3A_381], %broadcast_in_dim3A_5 {strides = array<i32>} : memref<160x128xf32, #tpu.memory_space<vmem>>, vector<16xf32>,
      %swap3A_383 = arith.index_cast %scan3A_367 : i32 to index
      %swap3A_384 = arith.constant 80 : index
      %swap3A_385 = tpu.vector_load %arg8[%swap3A_383, %swap3A_384] {strides = array<i32>} : memref<160x128xf32, #tpu.memory_space<vmem>>, vector<16xf32>,
      tpu.vector_store %arg8[%swap3A_383, %swap3A_384], %broadcast_in_dim3A_5 {strides = array<i32>} : memref<160x128xf32, #tpu.memory_space<vmem>>, vector<16xf32>,
      %swap3A_386 = arith.index_cast %scan3A_367 : i32 to index
      %swap3A_387 = arith.constant 96 : index
      %swap3A_388 = tpu.vector_load %arg8[%swap3A_386, %swap3A_387] {strides = array<i32>} : memref<160x128xf32, #tpu.memory_space<vmem>>, vector<16xf32>,
      tpu.vector_store %arg8[%swap3A_386, %swap3A_387], %broadcast_in_dim3A_5 {strides = array<i32>} : memref<160x128xf32, #tpu.memory_space<vmem>>, vector<16xf32>,
      %swap3A_389 = arith.index_cast %scan3A_367 : i32 to index
      %swap3A_390 = arith.constant 112 : index
      %swap3A_391 = tpu.vector_load %arg8[%swap3A_389, %swap3A_390] {strides = array<i32>} : memref<160x128xf32, #tpu.memory_space<vmem>>, vector<16xf32>,
      tpu.vector_store %arg8[%swap3A_389, %swap3A_390], %broadcast_in_dim3A_5 {strides = array<i32>} : memref<160x128xf32, #tpu.memory_space<vmem>>, vector<16xf32>,
      %scan3A_392 = arith.constant 0 : i32
      %scan3A_393 = arith.constant 6 : i32
      %scan3A_394 = arith.addi %scan3A_232, %scan3A_393 : i32
      %swap3A_395 = arith.index_cast %scan3A_394 : i32 to index
      %swap3A_396 = arith.constant 0 : index
      %swap3A_397 = tpu.vector_load %arg8[%swap3A_395, %swap3A_396] {strides = array<i32>} : memref<160x128xf32, #tpu.memory_space<vmem>>, vector<16xf32>,
      tpu.vector_store %arg8[%swap3A_395, %swap3A_396], %broadcast_in_dim3A_5 {strides = array<i32>} : memref<160x128xf32, #tpu.memory_space<vmem>>, vector<16xf32>,
      %swap3A_398 = arith.index_cast %scan3A_394 : i32 to index
      %swap3A_399 = arith.constant 16 : index
      %swap3A_400 = tpu.vector_load %arg8[%swap3A_398, %swap3A_399] {strides = array<i32>} : memref<160x128xf32, #tpu.memory_space<vmem>>, vector<16xf32>,
      tpu.vector_store %arg8[%swap3A_398, %swap3A_399], %broadcast_in_dim3A_5 {strides = array<i32>} : memref<160x128xf32, #tpu.memory_space<vmem>>, vector<16xf32>,
      %swap3A_401 = arith.index_cast %scan3A_394 : i32 to index
      %swap3A_402 = arith.constant 32 : index
      %swap3A_403 = tpu.vector_load %arg8[%swap3A_401, %swap3A_402] {strides = array<i32>} : memref<160x128xf32, #tpu.memory_space<vmem>>, vector<16xf32>,
      tpu.vector_store %arg8[%swap3A_401, %swap3A_402], %broadcast_in_dim3A_5 {strides = array<i32>} : memref<160x128xf32, #tpu.memory_space<vmem>>, vector<16xf32>,
      %swap3A_404 = arith.index_cast %scan3A_394 : i32 to index
      %swap3A_405 = arith.constant 48 : index
      %swap3A_406 = tpu.vector_load %arg8[%swap3A_404, %swap3A_405] {strides = array<i32>} : memref<160x128xf32, #tpu.memory_space<vmem>>, vector<16xf32>,
      tpu.vector_store %arg8[%swap3A_404, %swap3A_405], %broadcast_in_dim3A_5 {strides = array<i32>} : memref<160x128xf32, #tpu.memory_space<vmem>>, vector<16xf32>,
      %swap3A_407 = arith.index_cast %scan3A_394 : i32 to index
      %swap3A_408 = arith.constant 64 : index
      %swap3A_409 = tpu.vector_load %arg8[%swap3A_407, %swap3A_408] {strides = array<i32>} : memref<160x128xf32, #tpu.memory_space<vmem>>, vector<16xf32>,
      tpu.vector_store %arg8[%swap3A_407, %swap3A_408], %broadcast_in_dim3A_5 {strides = array<i32>} : memref<160x128xf32, #tpu.memory_space<vmem>>, vector<16xf32>,
      %swap3A_410 = arith.index_cast %scan3A_394 : i32 to index
      %swap3A_411 = arith.constant 80 : index
      %swap3A_412 = tpu.vector_load %arg8[%swap3A_410, %swap3A_411] {strides = array<i32>} : memref<160x128xf32, #tpu.memory_space<vmem>>, vector<16xf32>,
      tpu.vector_store %arg8[%swap3A_410, %swap3A_411], %broadcast_in_dim3A_5 {strides = array<i32>} : memref<160x128xf32, #tpu.memory_space<vmem>>, vector<16xf32>,
      %swap3A_413 = arith.index_cast %scan3A_394 : i32 to index
      %swap3A_414 = arith.constant 96 : index
      %swap3A_415 = tpu.vector_load %arg8[%swap3A_413, %swap3A_414] {strides = array<i32>} : memref<160x128xf32, #tpu.memory_space<vmem>>, vector<16xf32>,
      tpu.vector_store %arg8[%swap3A_413, %swap3A_414], %broadcast_in_dim3A_5 {strides = array<i32>} : memref<160x128xf32, #tpu.memory_space<vmem>>, vector<16xf32>,
      %swap3A_416 = arith.index_cast %scan3A_394 : i32 to index
      %swap3A_417 = arith.constant 112 : index
      %swap3A_418 = tpu.vector_load %arg8[%swap3A_416, %swap3A_417] {strides = array<i32>} : memref<160x128xf32, #tpu.memory_space<vmem>>, vector<16xf32>,
      tpu.vector_store %arg8[%swap3A_416, %swap3A_417], %broadcast_in_dim3A_5 {strides = array<i32>} : memref<160x128xf32, #tpu.memory_space<vmem>>, vector<16xf32>,
      %scan3A_419 = arith.constant 0 : i32
      %scan3A_420 = arith.constant 7 : i32
      %scan3A_421 = arith.addi %scan3A_232, %scan3A_420 : i32
      %swap3A_422 = arith.index_cast %scan3A_421 : i32 to index
      %swap3A_423 = arith.constant 0 : index
      %swap3A_424 = tpu.vector_load %arg8[%swap3A_422, %swap3A_423] {strides = array<i32>} : memref<160x128xf32, #tpu.memory_space<vmem>>, vector<16xf32>,
      tpu.vector_store %arg8[%swap3A_422, %swap3A_423], %broadcast_in_dim3A_5 {strides = array<i32>} : memref<160x128xf32, #tpu.memory_space<vmem>>, vector<16xf32>,
      %swap3A_425 = arith.index_cast %scan3A_421 : i32 to index
      %swap3A_426 = arith.constant 16 : index
      %swap3A_427 = tpu.vector_load %arg8[%swap3A_425, %swap3A_426] {strides = array<i32>} : memref<160x128xf32, #tpu.memory_space<vmem>>, vector<16xf32>,
      tpu.vector_store %arg8[%swap3A_425, %swap3A_426], %broadcast_in_dim3A_5 {strides = array<i32>} : memref<160x128xf32, #tpu.memory_space<vmem>>, vector<16xf32>,
      %swap3A_428 = arith.index_cast %scan3A_421 : i32 to index
      %swap3A_429 = arith.constant 32 : index
      %swap3A_430 = tpu.vector_load %arg8[%swap3A_428, %swap3A_429] {strides = array<i32>} : memref<160x128xf32, #tpu.memory_space<vmem>>, vector<16xf32>,
      tpu.vector_store %arg8[%swap3A_428, %swap3A_429], %broadcast_in_dim3A_5 {strides = array<i32>} : memref<160x128xf32, #tpu.memory_space<vmem>>, vector<16xf32>,
      %swap3A_431 = arith.index_cast %scan3A_421 : i32 to index
      %swap3A_432 = arith.constant 48 : index
      %swap3A_433 = tpu.vector_load %arg8[%swap3A_431, %swap3A_432] {strides = array<i32>} : memref<160x128xf32, #tpu.memory_space<vmem>>, vector<16xf32>,
      tpu.vector_store %arg8[%swap3A_431, %swap3A_432], %broadcast_in_dim3A_5 {strides = array<i32>} : memref<160x128xf32, #tpu.memory_space<vmem>>, vector<16xf32>,
      %swap3A_434 = arith.index_cast %scan3A_421 : i32 to index
      %swap3A_435 = arith.constant 64 : index
      %swap3A_436 = tpu.vector_load %arg8[%swap3A_434, %swap3A_435] {strides = array<i32>} : memref<160x128xf32, #tpu.memory_space<vmem>>, vector<16xf32>,
      tpu.vector_store %arg8[%swap3A_434, %swap3A_435], %broadcast_in_dim3A_5 {strides = array<i32>} : memref<160x128xf32, #tpu.memory_space<vmem>>, vector<16xf32>,
      %swap3A_437 = arith.index_cast %scan3A_421 : i32 to index
      %swap3A_438 = arith.constant 80 : index
      %swap3A_439 = tpu.vector_load %arg8[%swap3A_437, %swap3A_438] {strides = array<i32>} : memref<160x128xf32, #tpu.memory_space<vmem>>, vector<16xf32>,
      tpu.vector_store %arg8[%swap3A_437, %swap3A_438], %broadcast_in_dim3A_5 {strides = array<i32>} : memref<160x128xf32, #tpu.memory_space<vmem>>, vector<16xf32>,
      %swap3A_440 = arith.index_cast %scan3A_421 : i32 to index
      %swap3A_441 = arith.constant 96 : index
      %swap3A_442 = tpu.vector_load %arg8[%swap3A_440, %swap3A_441] {strides = array<i32>} : memref<160x128xf32, #tpu.memory_space<vmem>>, vector<16xf32>,
      tpu.vector_store %arg8[%swap3A_440, %swap3A_441], %broadcast_in_dim3A_5 {strides = array<i32>} : memref<160x128xf32, #tpu.memory_space<vmem>>, vector<16xf32>,
      %swap3A_443 = arith.index_cast %scan3A_421 : i32 to index
      %swap3A_444 = arith.constant 112 : index
      %swap3A_445 = tpu.vector_load %arg8[%swap3A_443, %swap3A_444] {strides = array<i32>} : memref<160x128xf32, #tpu.memory_space<vmem>>, vector<16xf32>,
      tpu.vector_store %arg8[%swap3A_443, %swap3A_444], %broadcast_in_dim3A_5 {strides = array<i32>} : memref<160x128xf32, #tpu.memory_space<vmem>>, vector<16xf32>,
      %scan3A_446 = arith.constant 0 : i32
      scf.yield %scan3A_446 : i32
    }
    %scan3A_45 = arith.constant 160 : i32
    %scan3A_46 = arith.constant 0 : i32
    %scan3A_47 = arith.constant 0 : i32
    %scan3A_48 = arith.constant 32 : i32
    %scan3A_49 = arith.addi %scan3A_47, %scan3A_48 : i32
    %scan3A_50 = arith.constant 1 : i32
    %scan3A_51 = scf.for %scan3A_232 = %scan3A_47 to %scan3A_49 step %scan3A_50 iter_args(%scan3A_233 = %scan3A_46) -> (i32)  : i32 {
      %mul3A_234 = arith.constant 160 : i32
      %mul3A_235 = arith.muli %scan3A_232, %mul3A_234 : i32
      %add3A_236 = arith.constant 0 : i32
      %add3A_237 = arith.addi %add3A_236, %mul3A_235 : i32
      %dma_start3A_238 = tpu.memref_slice %arg7[%add3A_237] : memref<10240xi32, #tpu.memory_space<vmem>> -> memref<160xi32, #tpu.memory_space<vmem>>
      %dma_start3A_239 = arith.constant 0 : i32
      %dma_start3A_240 = arith.constant 0 : i32
      %dma_start3A_241 = tpu.memref_slice %arg3[%dma_start3A_239, %dma_start3A_240] : memref<100000x128xf32, #tpu.memory_space<hbm>> -> memref<100000x128xf32, #tpu.memory_space<hbm>>
      tpu.enqueue_indirect_dma source(%dma_start3A_241 : memref<100000x128xf32, #tpu.memory_space<hbm>>) target(%arg8 : memref<160x128xf32, #tpu.memory_space<vmem>>) offsets(%dma_start3A_238 : memref<160xi32, #tpu.memory_space<vmem>>) semaphore(%arg11 : memref<!tpu.dma_semaphore, #tpu.memory_space<semaphore_mem>>) {add = true}
      %scan3A_242 = arith.constant 0 : i32
      scf.yield %scan3A_242 : i32
    }
    %scan3A_52 = arith.constant 32 : i32
    %dma_wait3A_53 = arith.constant 0 : i32
    %dma_wait3A_54 = tpu.memref_slice %arg6[%dma_wait3A_53] : memref<10240xi32, #tpu.memory_space<vmem>> -> memref<5120xi32, #tpu.memory_space<vmem>>
    %dma_wait3A_55 = arith.constant 0 : i32
    %dma_wait3A_56 = tpu.memref_slice %arg2[%dma_wait3A_55] : memref<320000xi32, #tpu.memory_space<hbm>> -> memref<5120xi32, #tpu.memory_space<hbm>>
    %dma_wait3A_57 = arith.constant 0 : i32
    %dma_wait3A_58 = tpu.memref_slice %arg6[%dma_wait3A_57] : memref<10240xi32, #tpu.memory_space<vmem>> -> memref<5120xi32, #tpu.memory_space<vmem>>
    %dma_wait3A_59 = arith.constant 0 : i32
    %dma_wait3A_60 = tpu.memref_slice %arg2[%dma_wait3A_59] : memref<320000xi32, #tpu.memory_space<hbm>> -> memref<5120xi32, #tpu.memory_space<hbm>>
    tpu.wait_dma2 semaphore(%arg13 : memref<!tpu.dma_semaphore, #tpu.memory_space<semaphore_mem>>) src(%dma_wait3A_60 : memref<5120xi32, #tpu.memory_space<hbm>>) dst(%dma_wait3A_58 : memref<5120xi32, #tpu.memory_space<vmem>>)
    %scan3A_61 = arith.constant 0 : i32
    %scan3A_62 = arith.constant 320 : i32
    %scan3A_63 = arith.constant 320 : i32
    %scan3A_64 = arith.addi %scan3A_62, %scan3A_63 : i32
    %scan3A_65 = arith.constant 8 : i32
    %scan3A_66 = scf.for %scan3A_232 = %scan3A_62 to %scan3A_64 step %scan3A_65 iter_args(%scan3A_233 = %scan3A_61) -> (i32)  : i32 {
      %mul3A_234 = arith.constant 16 : i32
      %mul3A_235 = arith.muli %scan3A_232, %mul3A_234 : i32
      %get3A_236 = arith.index_cast %mul3A_235 : i32 to index
      %get3A_237 = tpu.vector_load %arg6[%get3A_236] {strides = array<i32>} : memref<10240xi32, #tpu.memory_space<vmem>>, vector<16xi32>,
      %jit3A = arith.constant 2 : i32
      %eq3A = arith.constant 0 : i32
      %eq3A_238 = arith.cmpi eq, %jit3A, %eq3A : i32
      %jit3A_239 = arith.constant 1 : i32
      %select_n3A = arith.select %eq3A_238, %jit3A_239, %jit3A : i32
      %rem3A = arith.remsi %scan3A_232, %select_n3A : i32
      %ne3A = arith.constant 0 : i32
      %ne3A_240 = arith.cmpi ne, %rem3A, %ne3A : i32
      %lt3A = arith.constant 0 : i32
      %lt3A_241 = arith.cmpi slt, %rem3A, %lt3A : i32
      %lt3A_242 = arith.constant 0 : i32
      %lt3A_243 = arith.cmpi slt, %select_n3A, %lt3A_242 : i32
      %ne3A_244 = arith.xori %lt3A_241, %lt3A_243 : i1
      %and3A = arith.andi %ne3A_244, %ne3A_240 : i1
      %add3A_245 = arith.addi %rem3A, %select_n3A : i32
      %select_n3A_246 = arith.select %and3A, %add3A_245, %rem3A : i32
      %mul3A_247 = arith.constant 2560 : i32
      %mul3A_248 = arith.muli %select_n3A_246, %mul3A_247 : i32
      %add3A_249 = arith.constant 5120 : i32
      %add3A_250 = arith.addi %add3A_249, %mul3A_248 : i32
      %jit3A_251 = arith.constant 2 : i32
      %div3A = arith.divsi %scan3A_232, %jit3A_251 : i32
      %sign3A = arith.constant 0 : i32
      %sign3A_252 = arith.cmpi sgt, %scan3A_232, %sign3A : i32
      %sign3A_253 = arith.extui %sign3A_252 : i1 to i32
      %sign3A_254 = arith.constant 0 : i32
      %sign3A_255 = arith.cmpi slt, %scan3A_232, %sign3A_254 : i32
      %sign3A_256 = arith.extui %sign3A_255 : i1 to i32
      %sign3A_257 = arith.subi %sign3A_253, %sign3A_256 : i32
      %sign3A_258 = arith.constant 0 : i32
      %sign3A_259 = arith.cmpi sgt, %jit3A_251, %sign3A_258 : i32
      %sign3A_260 = arith.extui %sign3A_259 : i1 to i32
      %sign3A_261 = arith.constant 0 : i32
      %sign3A_262 = arith.cmpi slt, %jit3A_251, %sign3A_261 : i32
      %sign3A_263 = arith.extui %sign3A_262 : i1 to i32
      %sign3A_264 = arith.subi %sign3A_260, %sign3A_263 : i32
      %ne3A_265 = arith.cmpi ne, %sign3A_257, %sign3A_264 : i32
      %rem3A_266 = arith.remsi %scan3A_232, %jit3A_251 : i32
      %ne3A_267 = arith.constant 0 : i32
      %ne3A_268 = arith.cmpi ne, %rem3A_266, %ne3A_267 : i32
      %and3A_269 = arith.andi %ne3A_265, %ne3A_268 : i1
      %sub3A = arith.constant 1 : i32
      %sub3A_270 = arith.subi %div3A, %sub3A : i32
      %select_n3A_271 = arith.select %and3A_269, %sub3A_270, %div3A : i32
      %sub3A_272 = arith.constant 160 : i32
      %sub3A_273 = arith.subi %select_n3A_271, %sub3A_272 : i32
      %add3A_274 = arith.addi %add3A_250, %sub3A_273 : i32
      %add3A_275 = vector.broadcast %add3A_274 : i32 to vector<16xi32>
      %add3A_276 = arith.addi %mul3A_8, %add3A_275 : vector<16xi32>
      tpu.vector_store_idx %arg7[%add3A_276], %get3A_237 : memref<10240xi32, #tpu.memory_space<vmem>>[vector<16xi32>], vector<16xi32>,
      %scan3A_277 = arith.constant 0 : i32
      %scan3A_278 = arith.constant 1 : i32
      %scan3A_279 = arith.addi %scan3A_232, %scan3A_278 : i32
      %mul3A_280 = arith.constant 16 : i32
      %mul3A_281 = arith.muli %scan3A_279, %mul3A_280 : i32
      %get3A_282 = arith.index_cast %mul3A_281 : i32 to index
      %get3A_283 = tpu.vector_load %arg6[%get3A_282] {strides = array<i32>} : memref<10240xi32, #tpu.memory_space<vmem>>, vector<16xi32>,
      %jit3A_284 = arith.constant 2 : i32
      %eq3A_285 = arith.constant 0 : i32
      %eq3A_286 = arith.cmpi eq, %jit3A_284, %eq3A_285 : i32
      %jit3A_287 = arith.constant 1 : i32
      %select_n3A_288 = arith.select %eq3A_286, %jit3A_287, %jit3A_284 : i32
      %rem3A_289 = arith.remsi %scan3A_279, %select_n3A_288 : i32
      %ne3A_290 = arith.constant 0 : i32
      %ne3A_291 = arith.cmpi ne, %rem3A_289, %ne3A_290 : i32
      %lt3A_292 = arith.constant 0 : i32
      %lt3A_293 = arith.cmpi slt, %rem3A_289, %lt3A_292 : i32
      %lt3A_294 = arith.constant 0 : i32
      %lt3A_295 = arith.cmpi slt, %select_n3A_288, %lt3A_294 : i32
      %ne3A_296 = arith.xori %lt3A_293, %lt3A_295 : i1
      %and3A_297 = arith.andi %ne3A_296, %ne3A_291 : i1
      %add3A_298 = arith.addi %rem3A_289, %select_n3A_288 : i32
      %select_n3A_299 = arith.select %and3A_297, %add3A_298, %rem3A_289 : i32
      %mul3A_300 = arith.constant 2560 : i32
      %mul3A_301 = arith.muli %select_n3A_299, %mul3A_300 : i32
      %add3A_302 = arith.constant 5120 : i32
      %add3A_303 = arith.addi %add3A_302, %mul3A_301 : i32
      %jit3A_304 = arith.constant 2 : i32
      %div3A_305 = arith.divsi %scan3A_279, %jit3A_304 : i32
      %sign3A_306 = arith.constant 0 : i32
      %sign3A_307 = arith.cmpi sgt, %scan3A_279, %sign3A_306 : i32
      %sign3A_308 = arith.extui %sign3A_307 : i1 to i32
      %sign3A_309 = arith.constant 0 : i32
      %sign3A_310 = arith.cmpi slt, %scan3A_279, %sign3A_309 : i32
      %sign3A_311 = arith.extui %sign3A_310 : i1 to i32
      %sign3A_312 = arith.subi %sign3A_308, %sign3A_311 : i32
      %sign3A_313 = arith.constant 0 : i32
      %sign3A_314 = arith.cmpi sgt, %jit3A_304, %sign3A_313 : i32
      %sign3A_315 = arith.extui %sign3A_314 : i1 to i32
      %sign3A_316 = arith.constant 0 : i32
      %sign3A_317 = arith.cmpi slt, %jit3A_304, %sign3A_316 : i32
      %sign3A_318 = arith.extui %sign3A_317 : i1 to i32
      %sign3A_319 = arith.subi %sign3A_315, %sign3A_318 : i32
      %ne3A_320 = arith.cmpi ne, %sign3A_312, %sign3A_319 : i32
      %rem3A_321 = arith.remsi %scan3A_279, %jit3A_304 : i32
      %ne3A_322 = arith.constant 0 : i32
      %ne3A_323 = arith.cmpi ne, %rem3A_321, %ne3A_322 : i32
      %and3A_324 = arith.andi %ne3A_320, %ne3A_323 : i1
      %sub3A_325 = arith.constant 1 : i32
      %sub3A_326 = arith.subi %div3A_305, %sub3A_325 : i32
      %select_n3A_327 = arith.select %and3A_324, %sub3A_326, %div3A_305 : i32
      %sub3A_328 = arith.constant 160 : i32
      %sub3A_329 = arith.subi %select_n3A_327, %sub3A_328 : i32
      %add3A_330 = arith.addi %add3A_303, %sub3A_329 : i32
      %add3A_331 = vector.broadcast %add3A_330 : i32 to vector<16xi32>
      %add3A_332 = arith.addi %mul3A_8, %add3A_331 : vector<16xi32>
      tpu.vector_store_idx %arg7[%add3A_332], %get3A_283 : memref<10240xi32, #tpu.memory_space<vmem>>[vector<16xi32>], vector<16xi32>,
      %scan3A_333 = arith.constant 0 : i32
      %scan3A_334 = arith.constant 2 : i32
      %scan3A_335 = arith.addi %scan3A_232, %scan3A_334 : i32
      %mul3A_336 = arith.constant 16 : i32
      %mul3A_337 = arith.muli %scan3A_335, %mul3A_336 : i32
      %get3A_338 = arith.index_cast %mul3A_337 : i32 to index
      %get3A_339 = tpu.vector_load %arg6[%get3A_338] {strides = array<i32>} : memref<10240xi32, #tpu.memory_space<vmem>>, vector<16xi32>,
      %jit3A_340 = arith.constant 2 : i32
      %eq3A_341 = arith.constant 0 : i32
      %eq3A_342 = arith.cmpi eq, %jit3A_340, %eq3A_341 : i32
      %jit3A_343 = arith.constant 1 : i32
      %select_n3A_344 = arith.select %eq3A_342, %jit3A_343, %jit3A_340 : i32
      %rem3A_345 = arith.remsi %scan3A_335, %select_n3A_344 : i32
      %ne3A_346 = arith.constant 0 : i32
      %ne3A_347 = arith.cmpi ne, %rem3A_345, %ne3A_346 : i32
      %lt3A_348 = arith.constant 0 : i32
      %lt3A_349 = arith.cmpi slt, %rem3A_345, %lt3A_348 : i32
      %lt3A_350 = arith.constant 0 : i32
      %lt3A_351 = arith.cmpi slt, %select_n3A_344, %lt3A_350 : i32
      %ne3A_352 = arith.xori %lt3A_349, %lt3A_351 : i1
      %and3A_353 = arith.andi %ne3A_352, %ne3A_347 : i1
      %add3A_354 = arith.addi %rem3A_345, %select_n3A_344 : i32
      %select_n3A_355 = arith.select %and3A_353, %add3A_354, %rem3A_345 : i32
      %mul3A_356 = arith.constant 2560 : i32
      %mul3A_357 = arith.muli %select_n3A_355, %mul3A_356 : i32
      %add3A_358 = arith.constant 5120 : i32
      %add3A_359 = arith.addi %add3A_358, %mul3A_357 : i32
      %jit3A_360 = arith.constant 2 : i32
      %div3A_361 = arith.divsi %scan3A_335, %jit3A_360 : i32
      %sign3A_362 = arith.constant 0 : i32
      %sign3A_363 = arith.cmpi sgt, %scan3A_335, %sign3A_362 : i32
      %sign3A_364 = arith.extui %sign3A_363 : i1 to i32
      %sign3A_365 = arith.constant 0 : i32
      %sign3A_366 = arith.cmpi slt, %scan3A_335, %sign3A_365 : i32
      %sign3A_367 = arith.extui %sign3A_366 : i1 to i32
      %sign3A_368 = arith.subi %sign3A_364, %sign3A_367 : i32
      %sign3A_369 = arith.constant 0 : i32
      %sign3A_370 = arith.cmpi sgt, %jit3A_360, %sign3A_369 : i32
      %sign3A_371 = arith.extui %sign3A_370 : i1 to i32
      %sign3A_372 = arith.constant 0 : i32
      %sign3A_373 = arith.cmpi slt, %jit3A_360, %sign3A_372 : i32
      %sign3A_374 = arith.extui %sign3A_373 : i1 to i32
      %sign3A_375 = arith.subi %sign3A_371, %sign3A_374 : i32
      %ne3A_376 = arith.cmpi ne, %sign3A_368, %sign3A_375 : i32
      %rem3A_377 = arith.remsi %scan3A_335, %jit3A_360 : i32
      %ne3A_378 = arith.constant 0 : i32
      %ne3A_379 = arith.cmpi ne, %rem3A_377, %ne3A_378 : i32
      %and3A_380 = arith.andi %ne3A_376, %ne3A_379 : i1
      %sub3A_381 = arith.constant 1 : i32
      %sub3A_382 = arith.subi %div3A_361, %sub3A_381 : i32
      %select_n3A_383 = arith.select %and3A_380, %sub3A_382, %div3A_361 : i32
      %sub3A_384 = arith.constant 160 : i32
      %sub3A_385 = arith.subi %select_n3A_383, %sub3A_384 : i32
      %add3A_386 = arith.addi %add3A_359, %sub3A_385 : i32
      %add3A_387 = vector.broadcast %add3A_386 : i32 to vector<16xi32>
      %add3A_388 = arith.addi %mul3A_8, %add3A_387 : vector<16xi32>
      tpu.vector_store_idx %arg7[%add3A_388], %get3A_339 : memref<10240xi32, #tpu.memory_space<vmem>>[vector<16xi32>], vector<16xi32>,
      %scan3A_389 = arith.constant 0 : i32
      %scan3A_390 = arith.constant 3 : i32
      %scan3A_391 = arith.addi %scan3A_232, %scan3A_390 : i32
      %mul3A_392 = arith.constant 16 : i32
      %mul3A_393 = arith.muli %scan3A_391, %mul3A_392 : i32
      %get3A_394 = arith.index_cast %mul3A_393 : i32 to index
      %get3A_395 = tpu.vector_load %arg6[%get3A_394] {strides = array<i32>} : memref<10240xi32, #tpu.memory_space<vmem>>, vector<16xi32>,
      %jit3A_396 = arith.constant 2 : i32
      %eq3A_397 = arith.constant 0 : i32
      %eq3A_398 = arith.cmpi eq, %jit3A_396, %eq3A_397 : i32
      %jit3A_399 = arith.constant 1 : i32
      %select_n3A_400 = arith.select %eq3A_398, %jit3A_399, %jit3A_396 : i32
      %rem3A_401 = arith.remsi %scan3A_391, %select_n3A_400 : i32
      %ne3A_402 = arith.constant 0 : i32
      %ne3A_403 = arith.cmpi ne, %rem3A_401, %ne3A_402 : i32
      %lt3A_404 = arith.constant 0 : i32
      %lt3A_405 = arith.cmpi slt, %rem3A_401, %lt3A_404 : i32
      %lt3A_406 = arith.constant 0 : i32
      %lt3A_407 = arith.cmpi slt, %select_n3A_400, %lt3A_406 : i32
      %ne3A_408 = arith.xori %lt3A_405, %lt3A_407 : i1
      %and3A_409 = arith.andi %ne3A_408, %ne3A_403 : i1
      %add3A_410 = arith.addi %rem3A_401, %select_n3A_400 : i32
      %select_n3A_411 = arith.select %and3A_409, %add3A_410, %rem3A_401 : i32
      %mul3A_412 = arith.constant 2560 : i32
      %mul3A_413 = arith.muli %select_n3A_411, %mul3A_412 : i32
      %add3A_414 = arith.constant 5120 : i32
      %add3A_415 = arith.addi %add3A_414, %mul3A_413 : i32
      %jit3A_416 = arith.constant 2 : i32
      %div3A_417 = arith.divsi %scan3A_391, %jit3A_416 : i32
      %sign3A_418 = arith.constant 0 : i32
      %sign3A_419 = arith.cmpi sgt, %scan3A_391, %sign3A_418 : i32
      %sign3A_420 = arith.extui %sign3A_419 : i1 to i32
      %sign3A_421 = arith.constant 0 : i32
      %sign3A_422 = arith.cmpi slt, %scan3A_391, %sign3A_421 : i32
      %sign3A_423 = arith.extui %sign3A_422 : i1 to i32
      %sign3A_424 = arith.subi %sign3A_420, %sign3A_423 : i32
      %sign3A_425 = arith.constant 0 : i32
      %sign3A_426 = arith.cmpi sgt, %jit3A_416, %sign3A_425 : i32
      %sign3A_427 = arith.extui %sign3A_426 : i1 to i32
      %sign3A_428 = arith.constant 0 : i32
      %sign3A_429 = arith.cmpi slt, %jit3A_416, %sign3A_428 : i32
      %sign3A_430 = arith.extui %sign3A_429 : i1 to i32
      %sign3A_431 = arith.subi %sign3A_427, %sign3A_430 : i32
      %ne3A_432 = arith.cmpi ne, %sign3A_424, %sign3A_431 : i32
      %rem3A_433 = arith.remsi %scan3A_391, %jit3A_416 : i32
      %ne3A_434 = arith.constant 0 : i32
      %ne3A_435 = arith.cmpi ne, %rem3A_433, %ne3A_434 : i32
      %and3A_436 = arith.andi %ne3A_432, %ne3A_435 : i1
      %sub3A_437 = arith.constant 1 : i32
      %sub3A_438 = arith.subi %div3A_417, %sub3A_437 : i32
      %select_n3A_439 = arith.select %and3A_436, %sub3A_438, %div3A_417 : i32
      %sub3A_440 = arith.constant 160 : i32
      %sub3A_441 = arith.subi %select_n3A_439, %sub3A_440 : i32
      %add3A_442 = arith.addi %add3A_415, %sub3A_441 : i32
      %add3A_443 = vector.broadcast %add3A_442 : i32 to vector<16xi32>
      %add3A_444 = arith.addi %mul3A_8, %add3A_443 : vector<16xi32>
      tpu.vector_store_idx %arg7[%add3A_444], %get3A_395 : memref<10240xi32, #tpu.memory_space<vmem>>[vector<16xi32>], vector<16xi32>,
      %scan3A_445 = arith.constant 0 : i32
      %scan3A_446 = arith.constant 4 : i32
      %scan3A_447 = arith.addi %scan3A_232, %scan3A_446 : i32
      %mul3A_448 = arith.constant 16 : i32
      %mul3A_449 = arith.muli %scan3A_447, %mul3A_448 : i32
      %get3A_450 = arith.index_cast %mul3A_449 : i32 to index
      %get3A_451 = tpu.vector_load %arg6[%get3A_450] {strides = array<i32>} : memref<10240xi32, #tpu.memory_space<vmem>>, vector<16xi32>,
      %jit3A_452 = arith.constant 2 : i32
      %eq3A_453 = arith.constant 0 : i32
      %eq3A_454 = arith.cmpi eq, %jit3A_452, %eq3A_453 : i32
      %jit3A_455 = arith.constant 1 : i32
      %select_n3A_456 = arith.select %eq3A_454, %jit3A_455, %jit3A_452 : i32
      %rem3A_457 = arith.remsi %scan3A_447, %select_n3A_456 : i32
      %ne3A_458 = arith.constant 0 : i32
      %ne3A_459 = arith.cmpi ne, %rem3A_457, %ne3A_458 : i32
      %lt3A_460 = arith.constant 0 : i32
      %lt3A_461 = arith.cmpi slt, %rem3A_457, %lt3A_460 : i32
      %lt3A_462 = arith.constant 0 : i32
      %lt3A_463 = arith.cmpi slt, %select_n3A_456, %lt3A_462 : i32
      %ne3A_464 = arith.xori %lt3A_461, %lt3A_463 : i1
      %and3A_465 = arith.andi %ne3A_464, %ne3A_459 : i1
      %add3A_466 = arith.addi %rem3A_457, %select_n3A_456 : i32
      %select_n3A_467 = arith.select %and3A_465, %add3A_466, %rem3A_457 : i32
      %mul3A_468 = arith.constant 2560 : i32
      %mul3A_469 = arith.muli %select_n3A_467, %mul3A_468 : i32
      %add3A_470 = arith.constant 5120 : i32
      %add3A_471 = arith.addi %add3A_470, %mul3A_469 : i32
      %jit3A_472 = arith.constant 2 : i32
      %div3A_473 = arith.divsi %scan3A_447, %jit3A_472 : i32
      %sign3A_474 = arith.constant 0 : i32
      %sign3A_475 = arith.cmpi sgt, %scan3A_447, %sign3A_474 : i32
      %sign3A_476 = arith.extui %sign3A_475 : i1 to i32
      %sign3A_477 = arith.constant 0 : i32
      %sign3A_478 = arith.cmpi slt, %scan3A_447, %sign3A_477 : i32
      %sign3A_479 = arith.extui %sign3A_478 : i1 to i32
      %sign3A_480 = arith.subi %sign3A_476, %sign3A_479 : i32
      %sign3A_481 = arith.constant 0 : i32
      %sign3A_482 = arith.cmpi sgt, %jit3A_472, %sign3A_481 : i32
      %sign3A_483 = arith.extui %sign3A_482 : i1 to i32
      %sign3A_484 = arith.constant 0 : i32
      %sign3A_485 = arith.cmpi slt, %jit3A_472, %sign3A_484 : i32
      %sign3A_486 = arith.extui %sign3A_485 : i1 to i32
      %sign3A_487 = arith.subi %sign3A_483, %sign3A_486 : i32
      %ne3A_488 = arith.cmpi ne, %sign3A_480, %sign3A_487 : i32
      %rem3A_489 = arith.remsi %scan3A_447, %jit3A_472 : i32
      %ne3A_490 = arith.constant 0 : i32
      %ne3A_491 = arith.cmpi ne, %rem3A_489, %ne3A_490 : i32
      %and3A_492 = arith.andi %ne3A_488, %ne3A_491 : i1
      %sub3A_493 = arith.constant 1 : i32
      %sub3A_494 = arith.subi %div3A_473, %sub3A_493 : i32
      %select_n3A_495 = arith.select %and3A_492, %sub3A_494, %div3A_473 : i32
      %sub3A_496 = arith.constant 160 : i32
      %sub3A_497 = arith.subi %select_n3A_495, %sub3A_496 : i32
      %add3A_498 = arith.addi %add3A_471, %sub3A_497 : i32
      %add3A_499 = vector.broadcast %add3A_498 : i32 to vector<16xi32>
      %add3A_500 = arith.addi %mul3A_8, %add3A_499 : vector<16xi32>
      tpu.vector_store_idx %arg7[%add3A_500], %get3A_451 : memref<10240xi32, #tpu.memory_space<vmem>>[vector<16xi32>], vector<16xi32>,
      %scan3A_501 = arith.constant 0 : i32
      %scan3A_502 = arith.constant 5 : i32
      %scan3A_503 = arith.addi %scan3A_232, %scan3A_502 : i32
      %mul3A_504 = arith.constant 16 : i32
      %mul3A_505 = arith.muli %scan3A_503, %mul3A_504 : i32
      %get3A_506 = arith.index_cast %mul3A_505 : i32 to index
      %get3A_507 = tpu.vector_load %arg6[%get3A_506] {strides = array<i32>} : memref<10240xi32, #tpu.memory_space<vmem>>, vector<16xi32>,
      %jit3A_508 = arith.constant 2 : i32
      %eq3A_509 = arith.constant 0 : i32
      %eq3A_510 = arith.cmpi eq, %jit3A_508, %eq3A_509 : i32
      %jit3A_511 = arith.constant 1 : i32
      %select_n3A_512 = arith.select %eq3A_510, %jit3A_511, %jit3A_508 : i32
      %rem3A_513 = arith.remsi %scan3A_503, %select_n3A_512 : i32
      %ne3A_514 = arith.constant 0 : i32
      %ne3A_515 = arith.cmpi ne, %rem3A_513, %ne3A_514 : i32
      %lt3A_516 = arith.constant 0 : i32
      %lt3A_517 = arith.cmpi slt, %rem3A_513, %lt3A_516 : i32
      %lt3A_518 = arith.constant 0 : i32
      %lt3A_519 = arith.cmpi slt, %select_n3A_512, %lt3A_518 : i32
      %ne3A_520 = arith.xori %lt3A_517, %lt3A_519 : i1
      %and3A_521 = arith.andi %ne3A_520, %ne3A_515 : i1
      %add3A_522 = arith.addi %rem3A_513, %select_n3A_512 : i32
      %select_n3A_523 = arith.select %and3A_521, %add3A_522, %rem3A_513 : i32
      %mul3A_524 = arith.constant 2560 : i32
      %mul3A_525 = arith.muli %select_n3A_523, %mul3A_524 : i32
      %add3A_526 = arith.constant 5120 : i32
      %add3A_527 = arith.addi %add3A_526, %mul3A_525 : i32
      %jit3A_528 = arith.constant 2 : i32
      %div3A_529 = arith.divsi %scan3A_503, %jit3A_528 : i32
      %sign3A_530 = arith.constant 0 : i32
      %sign3A_531 = arith.cmpi sgt, %scan3A_503, %sign3A_530 : i32
      %sign3A_532 = arith.extui %sign3A_531 : i1 to i32
      %sign3A_533 = arith.constant 0 : i32
      %sign3A_534 = arith.cmpi slt, %scan3A_503, %sign3A_533 : i32
      %sign3A_535 = arith.extui %sign3A_534 : i1 to i32
      %sign3A_536 = arith.subi %sign3A_532, %sign3A_535 : i32
      %sign3A_537 = arith.constant 0 : i32
      %sign3A_538 = arith.cmpi sgt, %jit3A_528, %sign3A_537 : i32
      %sign3A_539 = arith.extui %sign3A_538 : i1 to i32
      %sign3A_540 = arith.constant 0 : i32
      %sign3A_541 = arith.cmpi slt, %jit3A_528, %sign3A_540 : i32
      %sign3A_542 = arith.extui %sign3A_541 : i1 to i32
      %sign3A_543 = arith.subi %sign3A_539, %sign3A_542 : i32
      %ne3A_544 = arith.cmpi ne, %sign3A_536, %sign3A_543 : i32
      %rem3A_545 = arith.remsi %scan3A_503, %jit3A_528 : i32
      %ne3A_546 = arith.constant 0 : i32
      %ne3A_547 = arith.cmpi ne, %rem3A_545, %ne3A_546 : i32
      %and3A_548 = arith.andi %ne3A_544, %ne3A_547 : i1
      %sub3A_549 = arith.constant 1 : i32
      %sub3A_550 = arith.subi %div3A_529, %sub3A_549 : i32
      %select_n3A_551 = arith.select %and3A_548, %sub3A_550, %div3A_529 : i32
      %sub3A_552 = arith.constant 160 : i32
      %sub3A_553 = arith.subi %select_n3A_551, %sub3A_552 : i32
      %add3A_554 = arith.addi %add3A_527, %sub3A_553 : i32
      %add3A_555 = vector.broadcast %add3A_554 : i32 to vector<16xi32>
      %add3A_556 = arith.addi %mul3A_8, %add3A_555 : vector<16xi32>
      tpu.vector_store_idx %arg7[%add3A_556], %get3A_507 : memref<10240xi32, #tpu.memory_space<vmem>>[vector<16xi32>], vector<16xi32>,
      %scan3A_557 = arith.constant 0 : i32
      %scan3A_558 = arith.constant 6 : i32
      %scan3A_559 = arith.addi %scan3A_232, %scan3A_558 : i32
      %mul3A_560 = arith.constant 16 : i32
      %mul3A_561 = arith.muli %scan3A_559, %mul3A_560 : i32
      %get3A_562 = arith.index_cast %mul3A_561 : i32 to index
      %get3A_563 = tpu.vector_load %arg6[%get3A_562] {strides = array<i32>} : memref<10240xi32, #tpu.memory_space<vmem>>, vector<16xi32>,
      %jit3A_564 = arith.constant 2 : i32
      %eq3A_565 = arith.constant 0 : i32
      %eq3A_566 = arith.cmpi eq, %jit3A_564, %eq3A_565 : i32
      %jit3A_567 = arith.constant 1 : i32
      %select_n3A_568 = arith.select %eq3A_566, %jit3A_567, %jit3A_564 : i32
      %rem3A_569 = arith.remsi %scan3A_559, %select_n3A_568 : i32
      %ne3A_570 = arith.constant 0 : i32
      %ne3A_571 = arith.cmpi ne, %rem3A_569, %ne3A_570 : i32
      %lt3A_572 = arith.constant 0 : i32
      %lt3A_573 = arith.cmpi slt, %rem3A_569, %lt3A_572 : i32
      %lt3A_574 = arith.constant 0 : i32
      %lt3A_575 = arith.cmpi slt, %select_n3A_568, %lt3A_574 : i32
      %ne3A_576 = arith.xori %lt3A_573, %lt3A_575 : i1
      %and3A_577 = arith.andi %ne3A_576, %ne3A_571 : i1
      %add3A_578 = arith.addi %rem3A_569, %select_n3A_568 : i32
      %select_n3A_579 = arith.select %and3A_577, %add3A_578, %rem3A_569 : i32
      %mul3A_580 = arith.constant 2560 : i32
      %mul3A_581 = arith.muli %select_n3A_579, %mul3A_580 : i32
      %add3A_582 = arith.constant 5120 : i32
      %add3A_583 = arith.addi %add3A_582, %mul3A_581 : i32
      %jit3A_584 = arith.constant 2 : i32
      %div3A_585 = arith.divsi %scan3A_559, %jit3A_584 : i32
      %sign3A_586 = arith.constant 0 : i32
      %sign3A_587 = arith.cmpi sgt, %scan3A_559, %sign3A_586 : i32
      %sign3A_588 = arith.extui %sign3A_587 : i1 to i32
      %sign3A_589 = arith.constant 0 : i32
      %sign3A_590 = arith.cmpi slt, %scan3A_559, %sign3A_589 : i32
      %sign3A_591 = arith.extui %sign3A_590 : i1 to i32
      %sign3A_592 = arith.subi %sign3A_588, %sign3A_591 : i32
      %sign3A_593 = arith.constant 0 : i32
      %sign3A_594 = arith.cmpi sgt, %jit3A_584, %sign3A_593 : i32
      %sign3A_595 = arith.extui %sign3A_594 : i1 to i32
      %sign3A_596 = arith.constant 0 : i32
      %sign3A_597 = arith.cmpi slt, %jit3A_584, %sign3A_596 : i32
      %sign3A_598 = arith.extui %sign3A_597 : i1 to i32
      %sign3A_599 = arith.subi %sign3A_595, %sign3A_598 : i32
      %ne3A_600 = arith.cmpi ne, %sign3A_592, %sign3A_599 : i32
      %rem3A_601 = arith.remsi %scan3A_559, %jit3A_584 : i32
      %ne3A_602 = arith.constant 0 : i32
      %ne3A_603 = arith.cmpi ne, %rem3A_601, %ne3A_602 : i32
      %and3A_604 = arith.andi %ne3A_600, %ne3A_603 : i1
      %sub3A_605 = arith.constant 1 : i32
      %sub3A_606 = arith.subi %div3A_585, %sub3A_605 : i32
      %select_n3A_607 = arith.select %and3A_604, %sub3A_606, %div3A_585 : i32
      %sub3A_608 = arith.constant 160 : i32
      %sub3A_609 = arith.subi %select_n3A_607, %sub3A_608 : i32
      %add3A_610 = arith.addi %add3A_583, %sub3A_609 : i32
      %add3A_611 = vector.broadcast %add3A_610 : i32 to vector<16xi32>
      %add3A_612 = arith.addi %mul3A_8, %add3A_611 : vector<16xi32>
      tpu.vector_store_idx %arg7[%add3A_612], %get3A_563 : memref<10240xi32, #tpu.memory_space<vmem>>[vector<16xi32>], vector<16xi32>,
      %scan3A_613 = arith.constant 0 : i32
      %scan3A_614 = arith.constant 7 : i32
      %scan3A_615 = arith.addi %scan3A_232, %scan3A_614 : i32
      %mul3A_616 = arith.constant 16 : i32
      %mul3A_617 = arith.muli %scan3A_615, %mul3A_616 : i32
      %get3A_618 = arith.index_cast %mul3A_617 : i32 to index
      %get3A_619 = tpu.vector_load %arg6[%get3A_618] {strides = array<i32>} : memref<10240xi32, #tpu.memory_space<vmem>>, vector<16xi32>,
      %jit3A_620 = arith.constant 2 : i32
      %eq3A_621 = arith.constant 0 : i32
      %eq3A_622 = arith.cmpi eq, %jit3A_620, %eq3A_621 : i32
      %jit3A_623 = arith.constant 1 : i32
      %select_n3A_624 = arith.select %eq3A_622, %jit3A_623, %jit3A_620 : i32
      %rem3A_625 = arith.remsi %scan3A_615, %select_n3A_624 : i32
      %ne3A_626 = arith.constant 0 : i32
      %ne3A_627 = arith.cmpi ne, %rem3A_625, %ne3A_626 : i32
      %lt3A_628 = arith.constant 0 : i32
      %lt3A_629 = arith.cmpi slt, %rem3A_625, %lt3A_628 : i32
      %lt3A_630 = arith.constant 0 : i32
      %lt3A_631 = arith.cmpi slt, %select_n3A_624, %lt3A_630 : i32
      %ne3A_632 = arith.xori %lt3A_629, %lt3A_631 : i1
      %and3A_633 = arith.andi %ne3A_632, %ne3A_627 : i1
      %add3A_634 = arith.addi %rem3A_625, %select_n3A_624 : i32
      %select_n3A_635 = arith.select %and3A_633, %add3A_634, %rem3A_625 : i32
      %mul3A_636 = arith.constant 2560 : i32
      %mul3A_637 = arith.muli %select_n3A_635, %mul3A_636 : i32
      %add3A_638 = arith.constant 5120 : i32
      %add3A_639 = arith.addi %add3A_638, %mul3A_637 : i32
      %jit3A_640 = arith.constant 2 : i32
      %div3A_641 = arith.divsi %scan3A_615, %jit3A_640 : i32
      %sign3A_642 = arith.constant 0 : i32
      %sign3A_643 = arith.cmpi sgt, %scan3A_615, %sign3A_642 : i32
      %sign3A_644 = arith.extui %sign3A_643 : i1 to i32
      %sign3A_645 = arith.constant 0 : i32
      %sign3A_646 = arith.cmpi slt, %scan3A_615, %sign3A_645 : i32
      %sign3A_647 = arith.extui %sign3A_646 : i1 to i32
      %sign3A_648 = arith.subi %sign3A_644, %sign3A_647 : i32
      %sign3A_649 = arith.constant 0 : i32
      %sign3A_650 = arith.cmpi sgt, %jit3A_640, %sign3A_649 : i32
      %sign3A_651 = arith.extui %sign3A_650 : i1 to i32
      %sign3A_652 = arith.constant 0 : i32
      %sign3A_653 = arith.cmpi slt, %jit3A_640, %sign3A_652 : i32
      %sign3A_654 = arith.extui %sign3A_653 : i1 to i32
      %sign3A_655 = arith.subi %sign3A_651, %sign3A_654 : i32
      %ne3A_656 = arith.cmpi ne, %sign3A_648, %sign3A_655 : i32
      %rem3A_657 = arith.remsi %scan3A_615, %jit3A_640 : i32
      %ne3A_658 = arith.constant 0 : i32
      %ne3A_659 = arith.cmpi ne, %rem3A_657, %ne3A_658 : i32
      %and3A_660 = arith.andi %ne3A_656, %ne3A_659 : i1
      %sub3A_661 = arith.constant 1 : i32
      %sub3A_662 = arith.subi %div3A_641, %sub3A_661 : i32
      %select_n3A_663 = arith.select %and3A_660, %sub3A_662, %div3A_641 : i32
      %sub3A_664 = arith.constant 160 : i32
      %sub3A_665 = arith.subi %select_n3A_663, %sub3A_664 : i32
      %add3A_666 = arith.addi %add3A_639, %sub3A_665 : i32
      %add3A_667 = vector.broadcast %add3A_666 : i32 to vector<16xi32>
      %add3A_668 = arith.addi %mul3A_8, %add3A_667 : vector<16xi32>
      tpu.vector_store_idx %arg7[%add3A_668], %get3A_619 : memref<10240xi32, #tpu.memory_space<vmem>>[vector<16xi32>], vector<16xi32>,
      %scan3A_669 = arith.constant 0 : i32
      scf.yield %scan3A_669 : i32
    }
    %scan3A_67 = arith.constant 320 : i32
    %scan3A_68 = arith.constant 0 : i32
    %scan3A_69 = arith.constant 0 : i32
    %scan3A_70 = arith.constant 160 : i32
    %scan3A_71 = arith.addi %scan3A_69, %scan3A_70 : i32
    %scan3A_72 = arith.constant 8 : i32
    %scan3A_73 = scf.for %scan3A_232 = %scan3A_69 to %scan3A_71 step %scan3A_72 iter_args(%scan3A_233 = %scan3A_68) -> (i32)  : i32 {
      %swap3A = arith.index_cast %scan3A_232 : i32 to index
      %swap3A_234 = arith.constant 0 : index
      %swap3A_235 = tpu.vector_load %arg9[%swap3A, %swap3A_234] {strides = array<i32>} : memref<160x128xf32, #tpu.memory_space<vmem>>, vector<16xf32>,
      tpu.vector_store %arg9[%swap3A, %swap3A_234], %broadcast_in_dim3A_5 {strides = array<i32>} : memref<160x128xf32, #tpu.memory_space<vmem>>, vector<16xf32>,
      %swap3A_236 = arith.index_cast %scan3A_232 : i32 to index
      %swap3A_237 = arith.constant 16 : index
      %swap3A_238 = tpu.vector_load %arg9[%swap3A_236, %swap3A_237] {strides = array<i32>} : memref<160x128xf32, #tpu.memory_space<vmem>>, vector<16xf32>,
      tpu.vector_store %arg9[%swap3A_236, %swap3A_237], %broadcast_in_dim3A_5 {strides = array<i32>} : memref<160x128xf32, #tpu.memory_space<vmem>>, vector<16xf32>,
      %swap3A_239 = arith.index_cast %scan3A_232 : i32 to index
      %swap3A_240 = arith.constant 32 : index
      %swap3A_241 = tpu.vector_load %arg9[%swap3A_239, %swap3A_240] {strides = array<i32>} : memref<160x128xf32, #tpu.memory_space<vmem>>, vector<16xf32>,
      tpu.vector_store %arg9[%swap3A_239, %swap3A_240], %broadcast_in_dim3A_5 {strides = array<i32>} : memref<160x128xf32, #tpu.memory_space<vmem>>, vector<16xf32>,
      %swap3A_242 = arith.index_cast %scan3A_232 : i32 to index
      %swap3A_243 = arith.constant 48 : index
      %swap3A_244 = tpu.vector_load %arg9[%swap3A_242, %swap3A_243] {strides = array<i32>} : memref<160x128xf32, #tpu.memory_space<vmem>>, vector<16xf32>,
      tpu.vector_store %arg9[%swap3A_242, %swap3A_243], %broadcast_in_dim3A_5 {strides = array<i32>} : memref<160x128xf32, #tpu.memory_space<vmem>>, vector<16xf32>,
      %swap3A_245 = arith.index_cast %scan3A_232 : i32 to index
      %swap3A_246 = arith.constant 64 : index
      %swap3A_247 = tpu.vector_load %arg9[%swap3A_245, %swap3A_246] {strides = array<i32>} : memref<160x128xf32, #tpu.memory_space<vmem>>, vector<16xf32>,
      tpu.vector_store %arg9[%swap3A_245, %swap3A_246], %broadcast_in_dim3A_5 {strides = array<i32>} : memref<160x128xf32, #tpu.memory_space<vmem>>, vector<16xf32>,
      %swap3A_248 = arith.index_cast %scan3A_232 : i32 to index
      %swap3A_249 = arith.constant 80 : index
      %swap3A_250 = tpu.vector_load %arg9[%swap3A_248, %swap3A_249] {strides = array<i32>} : memref<160x128xf32, #tpu.memory_space<vmem>>, vector<16xf32>,
      tpu.vector_store %arg9[%swap3A_248, %swap3A_249], %broadcast_in_dim3A_5 {strides = array<i32>} : memref<160x128xf32, #tpu.memory_space<vmem>>, vector<16xf32>,
      %swap3A_251 = arith.index_cast %scan3A_232 : i32 to index
      %swap3A_252 = arith.constant 96 : index
      %swap3A_253 = tpu.vector_load %arg9[%swap3A_251, %swap3A_252] {strides = array<i32>} : memref<160x128xf32, #tpu.memory_space<vmem>>, vector<16xf32>,
      tpu.vector_store %arg9[%swap3A_251, %swap3A_252], %broadcast_in_dim3A_5 {strides = array<i32>} : memref<160x128xf32, #tpu.memory_space<vmem>>, vector<16xf32>,
      %swap3A_254 = arith.index_cast %scan3A_232 : i32 to index
      %swap3A_255 = arith.constant 112 : index
      %swap3A_256 = tpu.vector_load %arg9[%swap3A_254, %swap3A_255] {strides = array<i32>} : memref<160x128xf32, #tpu.memory_space<vmem>>, vector<16xf32>,
      tpu.vector_store %arg9[%swap3A_254, %swap3A_255], %broadcast_in_dim3A_5 {strides = array<i32>} : memref<160x128xf32, #tpu.memory_space<vmem>>, vector<16xf32>,
      %scan3A_257 = arith.constant 0 : i32
      %scan3A_258 = arith.constant 1 : i32
      %scan3A_259 = arith.addi %scan3A_232, %scan3A_258 : i32
      %swap3A_260 = arith.index_cast %scan3A_259 : i32 to index
      %swap3A_261 = arith.constant 0 : index
      %swap3A_262 = tpu.vector_load %arg9[%swap3A_260, %swap3A_261] {strides = array<i32>} : memref<160x128xf32, #tpu.memory_space<vmem>>, vector<16xf32>,
      tpu.vector_store %arg9[%swap3A_260, %swap3A_261], %broadcast_in_dim3A_5 {strides = array<i32>} : memref<160x128xf32, #tpu.memory_space<vmem>>, vector<16xf32>,
      %swap3A_263 = arith.index_cast %scan3A_259 : i32 to index
      %swap3A_264 = arith.constant 16 : index
      %swap3A_265 = tpu.vector_load %arg9[%swap3A_263, %swap3A_264] {strides = array<i32>} : memref<160x128xf32, #tpu.memory_space<vmem>>, vector<16xf32>,
      tpu.vector_store %arg9[%swap3A_263, %swap3A_264], %broadcast_in_dim3A_5 {strides = array<i32>} : memref<160x128xf32, #tpu.memory_space<vmem>>, vector<16xf32>,
      %swap3A_266 = arith.index_cast %scan3A_259 : i32 to index
      %swap3A_267 = arith.constant 32 : index
      %swap3A_268 = tpu.vector_load %arg9[%swap3A_266, %swap3A_267] {strides = array<i32>} : memref<160x128xf32, #tpu.memory_space<vmem>>, vector<16xf32>,
      tpu.vector_store %arg9[%swap3A_266, %swap3A_267], %broadcast_in_dim3A_5 {strides = array<i32>} : memref<160x128xf32, #tpu.memory_space<vmem>>, vector<16xf32>,
      %swap3A_269 = arith.index_cast %scan3A_259 : i32 to index
      %swap3A_270 = arith.constant 48 : index
      %swap3A_271 = tpu.vector_load %arg9[%swap3A_269, %swap3A_270] {strides = array<i32>} : memref<160x128xf32, #tpu.memory_space<vmem>>, vector<16xf32>,
      tpu.vector_store %arg9[%swap3A_269, %swap3A_270], %broadcast_in_dim3A_5 {strides = array<i32>} : memref<160x128xf32, #tpu.memory_space<vmem>>, vector<16xf32>,
      %swap3A_272 = arith.index_cast %scan3A_259 : i32 to index
      %swap3A_273 = arith.constant 64 : index
      %swap3A_274 = tpu.vector_load %arg9[%swap3A_272, %swap3A_273] {strides = array<i32>} : memref<160x128xf32, #tpu.memory_space<vmem>>, vector<16xf32>,
      tpu.vector_store %arg9[%swap3A_272, %swap3A_273], %broadcast_in_dim3A_5 {strides = array<i32>} : memref<160x128xf32, #tpu.memory_space<vmem>>, vector<16xf32>,
      %swap3A_275 = arith.index_cast %scan3A_259 : i32 to index
      %swap3A_276 = arith.constant 80 : index
      %swap3A_277 = tpu.vector_load %arg9[%swap3A_275, %swap3A_276] {strides = array<i32>} : memref<160x128xf32, #tpu.memory_space<vmem>>, vector<16xf32>,
      tpu.vector_store %arg9[%swap3A_275, %swap3A_276], %broadcast_in_dim3A_5 {strides = array<i32>} : memref<160x128xf32, #tpu.memory_space<vmem>>, vector<16xf32>,
      %swap3A_278 = arith.index_cast %scan3A_259 : i32 to index
      %swap3A_279 = arith.constant 96 : index
      %swap3A_280 = tpu.vector_load %arg9[%swap3A_278, %swap3A_279] {strides = array<i32>} : memref<160x128xf32, #tpu.memory_space<vmem>>, vector<16xf32>,
      tpu.vector_store %arg9[%swap3A_278, %swap3A_279], %broadcast_in_dim3A_5 {strides = array<i32>} : memref<160x128xf32, #tpu.memory_space<vmem>>, vector<16xf32>,
      %swap3A_281 = arith.index_cast %scan3A_259 : i32 to index
      %swap3A_282 = arith.constant 112 : index
      %swap3A_283 = tpu.vector_load %arg9[%swap3A_281, %swap3A_282] {strides = array<i32>} : memref<160x128xf32, #tpu.memory_space<vmem>>, vector<16xf32>,
      tpu.vector_store %arg9[%swap3A_281, %swap3A_282], %broadcast_in_dim3A_5 {strides = array<i32>} : memref<160x128xf32, #tpu.memory_space<vmem>>, vector<16xf32>,
      %scan3A_284 = arith.constant 0 : i32
      %scan3A_285 = arith.constant 2 : i32
      %scan3A_286 = arith.addi %scan3A_232, %scan3A_285 : i32
      %swap3A_287 = arith.index_cast %scan3A_286 : i32 to index
      %swap3A_288 = arith.constant 0 : index
      %swap3A_289 = tpu.vector_load %arg9[%swap3A_287, %swap3A_288] {strides = array<i32>} : memref<160x128xf32, #tpu.memory_space<vmem>>, vector<16xf32>,
      tpu.vector_store %arg9[%swap3A_287, %swap3A_288], %broadcast_in_dim3A_5 {strides = array<i32>} : memref<160x128xf32, #tpu.memory_space<vmem>>, vector<16xf32>,
      %swap3A_290 = arith.index_cast %scan3A_286 : i32 to index
      %swap3A_291 = arith.constant 16 : index
      %swap3A_292 = tpu.vector_load %arg9[%swap3A_290, %swap3A_291] {strides = array<i32>} : memref<160x128xf32, #tpu.memory_space<vmem>>, vector<16xf32>,
      tpu.vector_store %arg9[%swap3A_290, %swap3A_291], %broadcast_in_dim3A_5 {strides = array<i32>} : memref<160x128xf32, #tpu.memory_space<vmem>>, vector<16xf32>,
      %swap3A_293 = arith.index_cast %scan3A_286 : i32 to index
      %swap3A_294 = arith.constant 32 : index
      %swap3A_295 = tpu.vector_load %arg9[%swap3A_293, %swap3A_294] {strides = array<i32>} : memref<160x128xf32, #tpu.memory_space<vmem>>, vector<16xf32>,
      tpu.vector_store %arg9[%swap3A_293, %swap3A_294], %broadcast_in_dim3A_5 {strides = array<i32>} : memref<160x128xf32, #tpu.memory_space<vmem>>, vector<16xf32>,
      %swap3A_296 = arith.index_cast %scan3A_286 : i32 to index
      %swap3A_297 = arith.constant 48 : index
      %swap3A_298 = tpu.vector_load %arg9[%swap3A_296, %swap3A_297] {strides = array<i32>} : memref<160x128xf32, #tpu.memory_space<vmem>>, vector<16xf32>,
      tpu.vector_store %arg9[%swap3A_296, %swap3A_297], %broadcast_in_dim3A_5 {strides = array<i32>} : memref<160x128xf32, #tpu.memory_space<vmem>>, vector<16xf32>,
      %swap3A_299 = arith.index_cast %scan3A_286 : i32 to index
      %swap3A_300 = arith.constant 64 : index
      %swap3A_301 = tpu.vector_load %arg9[%swap3A_299, %swap3A_300] {strides = array<i32>} : memref<160x128xf32, #tpu.memory_space<vmem>>, vector<16xf32>,
      tpu.vector_store %arg9[%swap3A_299, %swap3A_300], %broadcast_in_dim3A_5 {strides = array<i32>} : memref<160x128xf32, #tpu.memory_space<vmem>>, vector<16xf32>,
      %swap3A_302 = arith.index_cast %scan3A_286 : i32 to index
      %swap3A_303 = arith.constant 80 : index
      %swap3A_304 = tpu.vector_load %arg9[%swap3A_302, %swap3A_303] {strides = array<i32>} : memref<160x128xf32, #tpu.memory_space<vmem>>, vector<16xf32>,
      tpu.vector_store %arg9[%swap3A_302, %swap3A_303], %broadcast_in_dim3A_5 {strides = array<i32>} : memref<160x128xf32, #tpu.memory_space<vmem>>, vector<16xf32>,
      %swap3A_305 = arith.index_cast %scan3A_286 : i32 to index
      %swap3A_306 = arith.constant 96 : index
      %swap3A_307 = tpu.vector_load %arg9[%swap3A_305, %swap3A_306] {strides = array<i32>} : memref<160x128xf32, #tpu.memory_space<vmem>>, vector<16xf32>,
      tpu.vector_store %arg9[%swap3A_305, %swap3A_306], %broadcast_in_dim3A_5 {strides = array<i32>} : memref<160x128xf32, #tpu.memory_space<vmem>>, vector<16xf32>,
      %swap3A_308 = arith.index_cast %scan3A_286 : i32 to index
      %swap3A_309 = arith.constant 112 : index
      %swap3A_310 = tpu.vector_load %arg9[%swap3A_308, %swap3A_309] {strides = array<i32>} : memref<160x128xf32, #tpu.memory_space<vmem>>, vector<16xf32>,
      tpu.vector_store %arg9[%swap3A_308, %swap3A_309], %broadcast_in_dim3A_5 {strides = array<i32>} : memref<160x128xf32, #tpu.memory_space<vmem>>, vector<16xf32>,
      %scan3A_311 = arith.constant 0 : i32
      %scan3A_312 = arith.constant 3 : i32
      %scan3A_313 = arith.addi %scan3A_232, %scan3A_312 : i32
      %swap3A_314 = arith.index_cast %scan3A_313 : i32 to index
      %swap3A_315 = arith.constant 0 : index
      %swap3A_316 = tpu.vector_load %arg9[%swap3A_314, %swap3A_315] {strides = array<i32>} : memref<160x128xf32, #tpu.memory_space<vmem>>, vector<16xf32>,
      tpu.vector_store %arg9[%swap3A_314, %swap3A_315], %broadcast_in_dim3A_5 {strides = array<i32>} : memref<160x128xf32, #tpu.memory_space<vmem>>, vector<16xf32>,
      %swap3A_317 = arith.index_cast %scan3A_313 : i32 to index
      %swap3A_318 = arith.constant 16 : index
      %swap3A_319 = tpu.vector_load %arg9[%swap3A_317, %swap3A_318] {strides = array<i32>} : memref<160x128xf32, #tpu.memory_space<vmem>>, vector<16xf32>,
      tpu.vector_store %arg9[%swap3A_317, %swap3A_318], %broadcast_in_dim3A_5 {strides = array<i32>} : memref<160x128xf32, #tpu.memory_space<vmem>>, vector<16xf32>,
      %swap3A_320 = arith.index_cast %scan3A_313 : i32 to index
      %swap3A_321 = arith.constant 32 : index
      %swap3A_322 = tpu.vector_load %arg9[%swap3A_320, %swap3A_321] {strides = array<i32>} : memref<160x128xf32, #tpu.memory_space<vmem>>, vector<16xf32>,
      tpu.vector_store %arg9[%swap3A_320, %swap3A_321], %broadcast_in_dim3A_5 {strides = array<i32>} : memref<160x128xf32, #tpu.memory_space<vmem>>, vector<16xf32>,
      %swap3A_323 = arith.index_cast %scan3A_313 : i32 to index
      %swap3A_324 = arith.constant 48 : index
      %swap3A_325 = tpu.vector_load %arg9[%swap3A_323, %swap3A_324] {strides = array<i32>} : memref<160x128xf32, #tpu.memory_space<vmem>>, vector<16xf32>,
      tpu.vector_store %arg9[%swap3A_323, %swap3A_324], %broadcast_in_dim3A_5 {strides = array<i32>} : memref<160x128xf32, #tpu.memory_space<vmem>>, vector<16xf32>,
      %swap3A_326 = arith.index_cast %scan3A_313 : i32 to index
      %swap3A_327 = arith.constant 64 : index
      %swap3A_328 = tpu.vector_load %arg9[%swap3A_326, %swap3A_327] {strides = array<i32>} : memref<160x128xf32, #tpu.memory_space<vmem>>, vector<16xf32>,
      tpu.vector_store %arg9[%swap3A_326, %swap3A_327], %broadcast_in_dim3A_5 {strides = array<i32>} : memref<160x128xf32, #tpu.memory_space<vmem>>, vector<16xf32>,
      %swap3A_329 = arith.index_cast %scan3A_313 : i32 to index
      %swap3A_330 = arith.constant 80 : index
      %swap3A_331 = tpu.vector_load %arg9[%swap3A_329, %swap3A_330] {strides = array<i32>} : memref<160x128xf32, #tpu.memory_space<vmem>>, vector<16xf32>,
      tpu.vector_store %arg9[%swap3A_329, %swap3A_330], %broadcast_in_dim3A_5 {strides = array<i32>} : memref<160x128xf32, #tpu.memory_space<vmem>>, vector<16xf32>,
      %swap3A_332 = arith.index_cast %scan3A_313 : i32 to index
      %swap3A_333 = arith.constant 96 : index
      %swap3A_334 = tpu.vector_load %arg9[%swap3A_332, %swap3A_333] {strides = array<i32>} : memref<160x128xf32, #tpu.memory_space<vmem>>, vector<16xf32>,
      tpu.vector_store %arg9[%swap3A_332, %swap3A_333], %broadcast_in_dim3A_5 {strides = array<i32>} : memref<160x128xf32, #tpu.memory_space<vmem>>, vector<16xf32>,
      %swap3A_335 = arith.index_cast %scan3A_313 : i32 to index
      %swap3A_336 = arith.constant 112 : index
      %swap3A_337 = tpu.vector_load %arg9[%swap3A_335, %swap3A_336] {strides = array<i32>} : memref<160x128xf32, #tpu.memory_space<vmem>>, vector<16xf32>,
      tpu.vector_store %arg9[%swap3A_335, %swap3A_336], %broadcast_in_dim3A_5 {strides = array<i32>} : memref<160x128xf32, #tpu.memory_space<vmem>>, vector<16xf32>,
      %scan3A_338 = arith.constant 0 : i32
      %scan3A_339 = arith.constant 4 : i32
      %scan3A_340 = arith.addi %scan3A_232, %scan3A_339 : i32
      %swap3A_341 = arith.index_cast %scan3A_340 : i32 to index
      %swap3A_342 = arith.constant 0 : index
      %swap3A_343 = tpu.vector_load %arg9[%swap3A_341, %swap3A_342] {strides = array<i32>} : memref<160x128xf32, #tpu.memory_space<vmem>>, vector<16xf32>,
      tpu.vector_store %arg9[%swap3A_341, %swap3A_342], %broadcast_in_dim3A_5 {strides = array<i32>} : memref<160x128xf32, #tpu.memory_space<vmem>>, vector<16xf32>,
      %swap3A_344 = arith.index_cast %scan3A_340 : i32 to index
      %swap3A_345 = arith.constant 16 : index
      %swap3A_346 = tpu.vector_load %arg9[%swap3A_344, %swap3A_345] {strides = array<i32>} : memref<160x128xf32, #tpu.memory_space<vmem>>, vector<16xf32>,
      tpu.vector_store %arg9[%swap3A_344, %swap3A_345], %broadcast_in_dim3A_5 {strides = array<i32>} : memref<160x128xf32, #tpu.memory_space<vmem>>, vector<16xf32>,
      %swap3A_347 = arith.index_cast %scan3A_340 : i32 to index
      %swap3A_348 = arith.constant 32 : index
      %swap3A_349 = tpu.vector_load %arg9[%swap3A_347, %swap3A_348] {strides = array<i32>} : memref<160x128xf32, #tpu.memory_space<vmem>>, vector<16xf32>,
      tpu.vector_store %arg9[%swap3A_347, %swap3A_348], %broadcast_in_dim3A_5 {strides = array<i32>} : memref<160x128xf32, #tpu.memory_space<vmem>>, vector<16xf32>,
      %swap3A_350 = arith.index_cast %scan3A_340 : i32 to index
      %swap3A_351 = arith.constant 48 : index
      %swap3A_352 = tpu.vector_load %arg9[%swap3A_350, %swap3A_351] {strides = array<i32>} : memref<160x128xf32, #tpu.memory_space<vmem>>, vector<16xf32>,
      tpu.vector_store %arg9[%swap3A_350, %swap3A_351], %broadcast_in_dim3A_5 {strides = array<i32>} : memref<160x128xf32, #tpu.memory_space<vmem>>, vector<16xf32>,
      %swap3A_353 = arith.index_cast %scan3A_340 : i32 to index
      %swap3A_354 = arith.constant 64 : index
      %swap3A_355 = tpu.vector_load %arg9[%swap3A_353, %swap3A_354] {strides = array<i32>} : memref<160x128xf32, #tpu.memory_space<vmem>>, vector<16xf32>,
      tpu.vector_store %arg9[%swap3A_353, %swap3A_354], %broadcast_in_dim3A_5 {strides = array<i32>} : memref<160x128xf32, #tpu.memory_space<vmem>>, vector<16xf32>,
      %swap3A_356 = arith.index_cast %scan3A_340 : i32 to index
      %swap3A_357 = arith.constant 80 : index
      %swap3A_358 = tpu.vector_load %arg9[%swap3A_356, %swap3A_357] {strides = array<i32>} : memref<160x128xf32, #tpu.memory_space<vmem>>, vector<16xf32>,
      tpu.vector_store %arg9[%swap3A_356, %swap3A_357], %broadcast_in_dim3A_5 {strides = array<i32>} : memref<160x128xf32, #tpu.memory_space<vmem>>, vector<16xf32>,
      %swap3A_359 = arith.index_cast %scan3A_340 : i32 to index
      %swap3A_360 = arith.constant 96 : index
      %swap3A_361 = tpu.vector_load %arg9[%swap3A_359, %swap3A_360] {strides = array<i32>} : memref<160x128xf32, #tpu.memory_space<vmem>>, vector<16xf32>,
      tpu.vector_store %arg9[%swap3A_359, %swap3A_360], %broadcast_in_dim3A_5 {strides = array<i32>} : memref<160x128xf32, #tpu.memory_space<vmem>>, vector<16xf32>,
      %swap3A_362 = arith.index_cast %scan3A_340 : i32 to index
      %swap3A_363 = arith.constant 112 : index
      %swap3A_364 = tpu.vector_load %arg9[%swap3A_362, %swap3A_363] {strides = array<i32>} : memref<160x128xf32, #tpu.memory_space<vmem>>, vector<16xf32>,
      tpu.vector_store %arg9[%swap3A_362, %swap3A_363], %broadcast_in_dim3A_5 {strides = array<i32>} : memref<160x128xf32, #tpu.memory_space<vmem>>, vector<16xf32>,
      %scan3A_365 = arith.constant 0 : i32
      %scan3A_366 = arith.constant 5 : i32
      %scan3A_367 = arith.addi %scan3A_232, %scan3A_366 : i32
      %swap3A_368 = arith.index_cast %scan3A_367 : i32 to index
      %swap3A_369 = arith.constant 0 : index
      %swap3A_370 = tpu.vector_load %arg9[%swap3A_368, %swap3A_369] {strides = array<i32>} : memref<160x128xf32, #tpu.memory_space<vmem>>, vector<16xf32>,
      tpu.vector_store %arg9[%swap3A_368, %swap3A_369], %broadcast_in_dim3A_5 {strides = array<i32>} : memref<160x128xf32, #tpu.memory_space<vmem>>, vector<16xf32>,
      %swap3A_371 = arith.index_cast %scan3A_367 : i32 to index
      %swap3A_372 = arith.constant 16 : index
      %swap3A_373 = tpu.vector_load %arg9[%swap3A_371, %swap3A_372] {strides = array<i32>} : memref<160x128xf32, #tpu.memory_space<vmem>>, vector<16xf32>,
      tpu.vector_store %arg9[%swap3A_371, %swap3A_372], %broadcast_in_dim3A_5 {strides = array<i32>} : memref<160x128xf32, #tpu.memory_space<vmem>>, vector<16xf32>,
      %swap3A_374 = arith.index_cast %scan3A_367 : i32 to index
      %swap3A_375 = arith.constant 32 : index
      %swap3A_376 = tpu.vector_load %arg9[%swap3A_374, %swap3A_375] {strides = array<i32>} : memref<160x128xf32, #tpu.memory_space<vmem>>, vector<16xf32>,
      tpu.vector_store %arg9[%swap3A_374, %swap3A_375], %broadcast_in_dim3A_5 {strides = array<i32>} : memref<160x128xf32, #tpu.memory_space<vmem>>, vector<16xf32>,
      %swap3A_377 = arith.index_cast %scan3A_367 : i32 to index
      %swap3A_378 = arith.constant 48 : index
      %swap3A_379 = tpu.vector_load %arg9[%swap3A_377, %swap3A_378] {strides = array<i32>} : memref<160x128xf32, #tpu.memory_space<vmem>>, vector<16xf32>,
      tpu.vector_store %arg9[%swap3A_377, %swap3A_378], %broadcast_in_dim3A_5 {strides = array<i32>} : memref<160x128xf32, #tpu.memory_space<vmem>>, vector<16xf32>,
      %swap3A_380 = arith.index_cast %scan3A_367 : i32 to index
      %swap3A_381 = arith.constant 64 : index
      %swap3A_382 = tpu.vector_load %arg9[%swap3A_380, %swap3A_381] {strides = array<i32>} : memref<160x128xf32, #tpu.memory_space<vmem>>, vector<16xf32>,
      tpu.vector_store %arg9[%swap3A_380, %swap3A_381], %broadcast_in_dim3A_5 {strides = array<i32>} : memref<160x128xf32, #tpu.memory_space<vmem>>, vector<16xf32>,
      %swap3A_383 = arith.index_cast %scan3A_367 : i32 to index
      %swap3A_384 = arith.constant 80 : index
      %swap3A_385 = tpu.vector_load %arg9[%swap3A_383, %swap3A_384] {strides = array<i32>} : memref<160x128xf32, #tpu.memory_space<vmem>>, vector<16xf32>,
      tpu.vector_store %arg9[%swap3A_383, %swap3A_384], %broadcast_in_dim3A_5 {strides = array<i32>} : memref<160x128xf32, #tpu.memory_space<vmem>>, vector<16xf32>,
      %swap3A_386 = arith.index_cast %scan3A_367 : i32 to index
      %swap3A_387 = arith.constant 96 : index
      %swap3A_388 = tpu.vector_load %arg9[%swap3A_386, %swap3A_387] {strides = array<i32>} : memref<160x128xf32, #tpu.memory_space<vmem>>, vector<16xf32>,
      tpu.vector_store %arg9[%swap3A_386, %swap3A_387], %broadcast_in_dim3A_5 {strides = array<i32>} : memref<160x128xf32, #tpu.memory_space<vmem>>, vector<16xf32>,
      %swap3A_389 = arith.index_cast %scan3A_367 : i32 to index
      %swap3A_390 = arith.constant 112 : index
      %swap3A_391 = tpu.vector_load %arg9[%swap3A_389, %swap3A_390] {strides = array<i32>} : memref<160x128xf32, #tpu.memory_space<vmem>>, vector<16xf32>,
      tpu.vector_store %arg9[%swap3A_389, %swap3A_390], %broadcast_in_dim3A_5 {strides = array<i32>} : memref<160x128xf32, #tpu.memory_space<vmem>>, vector<16xf32>,
      %scan3A_392 = arith.constant 0 : i32
      %scan3A_393 = arith.constant 6 : i32
      %scan3A_394 = arith.addi %scan3A_232, %scan3A_393 : i32
      %swap3A_395 = arith.index_cast %scan3A_394 : i32 to index
      %swap3A_396 = arith.constant 0 : index
      %swap3A_397 = tpu.vector_load %arg9[%swap3A_395, %swap3A_396] {strides = array<i32>} : memref<160x128xf32, #tpu.memory_space<vmem>>, vector<16xf32>,
      tpu.vector_store %arg9[%swap3A_395, %swap3A_396], %broadcast_in_dim3A_5 {strides = array<i32>} : memref<160x128xf32, #tpu.memory_space<vmem>>, vector<16xf32>,
      %swap3A_398 = arith.index_cast %scan3A_394 : i32 to index
      %swap3A_399 = arith.constant 16 : index
      %swap3A_400 = tpu.vector_load %arg9[%swap3A_398, %swap3A_399] {strides = array<i32>} : memref<160x128xf32, #tpu.memory_space<vmem>>, vector<16xf32>,
      tpu.vector_store %arg9[%swap3A_398, %swap3A_399], %broadcast_in_dim3A_5 {strides = array<i32>} : memref<160x128xf32, #tpu.memory_space<vmem>>, vector<16xf32>,
      %swap3A_401 = arith.index_cast %scan3A_394 : i32 to index
      %swap3A_402 = arith.constant 32 : index
      %swap3A_403 = tpu.vector_load %arg9[%swap3A_401, %swap3A_402] {strides = array<i32>} : memref<160x128xf32, #tpu.memory_space<vmem>>, vector<16xf32>,
      tpu.vector_store %arg9[%swap3A_401, %swap3A_402], %broadcast_in_dim3A_5 {strides = array<i32>} : memref<160x128xf32, #tpu.memory_space<vmem>>, vector<16xf32>,
      %swap3A_404 = arith.index_cast %scan3A_394 : i32 to index
      %swap3A_405 = arith.constant 48 : index
      %swap3A_406 = tpu.vector_load %arg9[%swap3A_404, %swap3A_405] {strides = array<i32>} : memref<160x128xf32, #tpu.memory_space<vmem>>, vector<16xf32>,
      tpu.vector_store %arg9[%swap3A_404, %swap3A_405], %broadcast_in_dim3A_5 {strides = array<i32>} : memref<160x128xf32, #tpu.memory_space<vmem>>, vector<16xf32>,
      %swap3A_407 = arith.index_cast %scan3A_394 : i32 to index
      %swap3A_408 = arith.constant 64 : index
      %swap3A_409 = tpu.vector_load %arg9[%swap3A_407, %swap3A_408] {strides = array<i32>} : memref<160x128xf32, #tpu.memory_space<vmem>>, vector<16xf32>,
      tpu.vector_store %arg9[%swap3A_407, %swap3A_408], %broadcast_in_dim3A_5 {strides = array<i32>} : memref<160x128xf32, #tpu.memory_space<vmem>>, vector<16xf32>,
      %swap3A_410 = arith.index_cast %scan3A_394 : i32 to index
      %swap3A_411 = arith.constant 80 : index
      %swap3A_412 = tpu.vector_load %arg9[%swap3A_410, %swap3A_411] {strides = array<i32>} : memref<160x128xf32, #tpu.memory_space<vmem>>, vector<16xf32>,
      tpu.vector_store %arg9[%swap3A_410, %swap3A_411], %broadcast_in_dim3A_5 {strides = array<i32>} : memref<160x128xf32, #tpu.memory_space<vmem>>, vector<16xf32>,
      %swap3A_413 = arith.index_cast %scan3A_394 : i32 to index
      %swap3A_414 = arith.constant 96 : index
      %swap3A_415 = tpu.vector_load %arg9[%swap3A_413, %swap3A_414] {strides = array<i32>} : memref<160x128xf32, #tpu.memory_space<vmem>>, vector<16xf32>,
      tpu.vector_store %arg9[%swap3A_413, %swap3A_414], %broadcast_in_dim3A_5 {strides = array<i32>} : memref<160x128xf32, #tpu.memory_space<vmem>>, vector<16xf32>,
      %swap3A_416 = arith.index_cast %scan3A_394 : i32 to index
      %swap3A_417 = arith.constant 112 : index
      %swap3A_418 = tpu.vector_load %arg9[%swap3A_416, %swap3A_417] {strides = array<i32>} : memref<160x128xf32, #tpu.memory_space<vmem>>, vector<16xf32>,
      tpu.vector_store %arg9[%swap3A_416, %swap3A_417], %broadcast_in_dim3A_5 {strides = array<i32>} : memref<160x128xf32, #tpu.memory_space<vmem>>, vector<16xf32>,
      %scan3A_419 = arith.constant 0 : i32
      %scan3A_420 = arith.constant 7 : i32
      %scan3A_421 = arith.addi %scan3A_232, %scan3A_420 : i32
      %swap3A_422 = arith.index_cast %scan3A_421 : i32 to index
      %swap3A_423 = arith.constant 0 : index
      %swap3A_424 = tpu.vector_load %arg9[%swap3A_422, %swap3A_423] {strides = array<i32>} : memref<160x128xf32, #tpu.memory_space<vmem>>, vector<16xf32>,
      tpu.vector_store %arg9[%swap3A_422, %swap3A_423], %broadcast_in_dim3A_5 {strides = array<i32>} : memref<160x128xf32, #tpu.memory_space<vmem>>, vector<16xf32>,
      %swap3A_425 = arith.index_cast %scan3A_421 : i32 to index
      %swap3A_426 = arith.constant 16 : index
      %swap3A_427 = tpu.vector_load %arg9[%swap3A_425, %swap3A_426] {strides = array<i32>} : memref<160x128xf32, #tpu.memory_space<vmem>>, vector<16xf32>,
      tpu.vector_store %arg9[%swap3A_425, %swap3A_426], %broadcast_in_dim3A_5 {strides = array<i32>} : memref<160x128xf32, #tpu.memory_space<vmem>>, vector<16xf32>,
      %swap3A_428 = arith.index_cast %scan3A_421 : i32 to index
      %swap3A_429 = arith.constant 32 : index
      %swap3A_430 = tpu.vector_load %arg9[%swap3A_428, %swap3A_429] {strides = array<i32>} : memref<160x128xf32, #tpu.memory_space<vmem>>, vector<16xf32>,
      tpu.vector_store %arg9[%swap3A_428, %swap3A_429], %broadcast_in_dim3A_5 {strides = array<i32>} : memref<160x128xf32, #tpu.memory_space<vmem>>, vector<16xf32>,
      %swap3A_431 = arith.index_cast %scan3A_421 : i32 to index
      %swap3A_432 = arith.constant 48 : index
      %swap3A_433 = tpu.vector_load %arg9[%swap3A_431, %swap3A_432] {strides = array<i32>} : memref<160x128xf32, #tpu.memory_space<vmem>>, vector<16xf32>,
      tpu.vector_store %arg9[%swap3A_431, %swap3A_432], %broadcast_in_dim3A_5 {strides = array<i32>} : memref<160x128xf32, #tpu.memory_space<vmem>>, vector<16xf32>,
      %swap3A_434 = arith.index_cast %scan3A_421 : i32 to index
      %swap3A_435 = arith.constant 64 : index
      %swap3A_436 = tpu.vector_load %arg9[%swap3A_434, %swap3A_435] {strides = array<i32>} : memref<160x128xf32, #tpu.memory_space<vmem>>, vector<16xf32>,
      tpu.vector_store %arg9[%swap3A_434, %swap3A_435], %broadcast_in_dim3A_5 {strides = array<i32>} : memref<160x128xf32, #tpu.memory_space<vmem>>, vector<16xf32>,
      %swap3A_437 = arith.index_cast %scan3A_421 : i32 to index
      %swap3A_438 = arith.constant 80 : index
      %swap3A_439 = tpu.vector_load %arg9[%swap3A_437, %swap3A_438] {strides = array<i32>} : memref<160x128xf32, #tpu.memory_space<vmem>>, vector<16xf32>,
      tpu.vector_store %arg9[%swap3A_437, %swap3A_438], %broadcast_in_dim3A_5 {strides = array<i32>} : memref<160x128xf32, #tpu.memory_space<vmem>>, vector<16xf32>,
      %swap3A_440 = arith.index_cast %scan3A_421 : i32 to index
      %swap3A_441 = arith.constant 96 : index
      %swap3A_442 = tpu.vector_load %arg9[%swap3A_440, %swap3A_441] {strides = array<i32>} : memref<160x128xf32, #tpu.memory_space<vmem>>, vector<16xf32>,
      tpu.vector_store %arg9[%swap3A_440, %swap3A_441], %broadcast_in_dim3A_5 {strides = array<i32>} : memref<160x128xf32, #tpu.memory_space<vmem>>, vector<16xf32>,
      %swap3A_443 = arith.index_cast %scan3A_421 : i32 to index
      %swap3A_444 = arith.constant 112 : index
      %swap3A_445 = tpu.vector_load %arg9[%swap3A_443, %swap3A_444] {strides = array<i32>} : memref<160x128xf32, #tpu.memory_space<vmem>>, vector<16xf32>,
      tpu.vector_store %arg9[%swap3A_443, %swap3A_444], %broadcast_in_dim3A_5 {strides = array<i32>} : memref<160x128xf32, #tpu.memory_space<vmem>>, vector<16xf32>,
      %scan3A_446 = arith.constant 0 : i32
      scf.yield %scan3A_446 : i32
    }
    %scan3A_74 = arith.constant 160 : i32
    %scan3A_75 = arith.constant 0 : i32
    %scan3A_76 = arith.constant 0 : i32
    %scan3A_77 = arith.constant 32 : i32
    %scan3A_78 = arith.addi %scan3A_76, %scan3A_77 : i32
    %scan3A_79 = arith.constant 1 : i32
    %scan3A_80 = scf.for %scan3A_232 = %scan3A_76 to %scan3A_78 step %scan3A_79 iter_args(%scan3A_233 = %scan3A_75) -> (i32)  : i32 {
      %mul3A_234 = arith.constant 160 : i32
      %mul3A_235 = arith.muli %scan3A_232, %mul3A_234 : i32
      %add3A_236 = arith.constant 5120 : i32
      %add3A_237 = arith.addi %add3A_236, %mul3A_235 : i32
      %dma_start3A_238 = tpu.memref_slice %arg7[%add3A_237] : memref<10240xi32, #tpu.memory_space<vmem>> -> memref<160xi32, #tpu.memory_space<vmem>>
      %dma_start3A_239 = arith.constant 0 : i32
      %dma_start3A_240 = arith.constant 0 : i32
      %dma_start3A_241 = tpu.memref_slice %arg3[%dma_start3A_239, %dma_start3A_240] : memref<100000x128xf32, #tpu.memory_space<hbm>> -> memref<100000x128xf32, #tpu.memory_space<hbm>>
      tpu.enqueue_indirect_dma source(%dma_start3A_241 : memref<100000x128xf32, #tpu.memory_space<hbm>>) target(%arg9 : memref<160x128xf32, #tpu.memory_space<vmem>>) offsets(%dma_start3A_238 : memref<160xi32, #tpu.memory_space<vmem>>) semaphore(%arg12 : memref<!tpu.dma_semaphore, #tpu.memory_space<semaphore_mem>>) {add = true}
      %scan3A_242 = arith.constant 0 : i32
      scf.yield %scan3A_242 : i32
    }
    %scan3A_81 = arith.constant 32 : i32
    %scan3A_82 = arith.constant 0 : i32
    %scan3A_83 = arith.constant 0 : i32
    %scan3A_84 = arith.constant 32 : i32
    %scan3A_85 = arith.addi %scan3A_83, %scan3A_84 : i32
    %scan3A_86 = arith.constant 1 : i32
    %scan3A_87 = scf.for %scan3A_232 = %scan3A_83 to %scan3A_85 step %scan3A_86 iter_args(%scan3A_233 = %scan3A_82) -> (i32)  : i32 {
      %dma_wait3A_234 = arith.constant 0 : i32
      %dma_wait3A_235 = tpu.memref_slice %arg7[%dma_wait3A_234] : memref<10240xi32, #tpu.memory_space<vmem>> -> memref<160xi32, #tpu.memory_space<vmem>>
      %dma_wait3A_236 = arith.constant 0 : i32
      %dma_wait3A_237 = arith.constant 0 : i32
      %dma_wait3A_238 = tpu.memref_slice %arg3[%dma_wait3A_236, %dma_wait3A_237] : memref<100000x128xf32, #tpu.memory_space<hbm>> -> memref<100000x128xf32, #tpu.memory_space<hbm>>
      tpu.wait_indirect_dma semaphore(%arg11 : memref<!tpu.dma_semaphore, #tpu.memory_space<semaphore_mem>>) src(%dma_wait3A_238 : memref<100000x128xf32, #tpu.memory_space<hbm>>) dst(%arg8 : memref<160x128xf32, #tpu.memory_space<vmem>>)
      %scan3A_239 = arith.constant 0 : i32
      scf.yield %scan3A_239 : i32
    }
    %scan3A_88 = arith.constant 32 : i32
    %scan3A_89 = arith.constant 0 : i32
    %scan3A_90 = arith.constant 0 : i32
    %scan3A_91 = arith.constant 160 : i32
    %scan3A_92 = arith.addi %scan3A_90, %scan3A_91 : i32
    %scan3A_93 = arith.constant 8 : i32
    %scan3A_94 = scf.for %scan3A_232 = %scan3A_90 to %scan3A_92 step %scan3A_93 iter_args(%scan3A_233 = %scan3A_89) -> (i32)  : i32 {
      %get3A_234 = arith.index_cast %scan3A_232 : i32 to index
      %get3A_235 = arith.constant 0 : index
      %get3A_236 = tpu.vector_load %arg8[%get3A_234, %get3A_235] {strides = array<i32>} : memref<160x128xf32, #tpu.memory_space<vmem>>, vector<16xf32>,
      %mul3A_237 = vector.broadcast %squeeze3A : f32 to vector<16xf32>
      %mul3A_238 = arith.mulf %get3A_236, %mul3A_237 : vector<16xf32>
      %swap3A = arith.index_cast %scan3A_232 : i32 to index
      %swap3A_239 = arith.constant 0 : index
      %swap3A_240 = tpu.vector_load %arg8[%swap3A, %swap3A_239] {strides = array<i32>} : memref<160x128xf32, #tpu.memory_space<vmem>>, vector<16xf32>,
      tpu.vector_store %arg8[%swap3A, %swap3A_239], %mul3A_238 {strides = array<i32>} : memref<160x128xf32, #tpu.memory_space<vmem>>, vector<16xf32>,
      %scan3A_241 = arith.constant 0 : i32
      %scan3A_242 = arith.constant 1 : i32
      %scan3A_243 = arith.addi %scan3A_232, %scan3A_242 : i32
      %get3A_244 = arith.index_cast %scan3A_243 : i32 to index
      %get3A_245 = arith.constant 0 : index
      %get3A_246 = tpu.vector_load %arg8[%get3A_244, %get3A_245] {strides = array<i32>} : memref<160x128xf32, #tpu.memory_space<vmem>>, vector<16xf32>,
      %mul3A_247 = vector.broadcast %squeeze3A : f32 to vector<16xf32>
      %mul3A_248 = arith.mulf %get3A_246, %mul3A_247 : vector<16xf32>
      %swap3A_249 = arith.index_cast %scan3A_243 : i32 to index
      %swap3A_250 = arith.constant 0 : index
      %swap3A_251 = tpu.vector_load %arg8[%swap3A_249, %swap3A_250] {strides = array<i32>} : memref<160x128xf32, #tpu.memory_space<vmem>>, vector<16xf32>,
      tpu.vector_store %arg8[%swap3A_249, %swap3A_250], %mul3A_248 {strides = array<i32>} : memref<160x128xf32, #tpu.memory_space<vmem>>, vector<16xf32>,
      %scan3A_252 = arith.constant 0 : i32
      %scan3A_253 = arith.constant 2 : i32
      %scan3A_254 = arith.addi %scan3A_232, %scan3A_253 : i32
      %get3A_255 = arith.index_cast %scan3A_254 : i32 to index
      %get3A_256 = arith.constant 0 : index
      %get3A_257 = tpu.vector_load %arg8[%get3A_255, %get3A_256] {strides = array<i32>} : memref<160x128xf32, #tpu.memory_space<vmem>>, vector<16xf32>,
      %mul3A_258 = vector.broadcast %squeeze3A : f32 to vector<16xf32>
      %mul3A_259 = arith.mulf %get3A_257, %mul3A_258 : vector<16xf32>
      %swap3A_260 = arith.index_cast %scan3A_254 : i32 to index
      %swap3A_261 = arith.constant 0 : index
      %swap3A_262 = tpu.vector_load %arg8[%swap3A_260, %swap3A_261] {strides = array<i32>} : memref<160x128xf32, #tpu.memory_space<vmem>>, vector<16xf32>,
      tpu.vector_store %arg8[%swap3A_260, %swap3A_261], %mul3A_259 {strides = array<i32>} : memref<160x128xf32, #tpu.memory_space<vmem>>, vector<16xf32>,
      %scan3A_263 = arith.constant 0 : i32
      %scan3A_264 = arith.constant 3 : i32
      %scan3A_265 = arith.addi %scan3A_232, %scan3A_264 : i32
      %get3A_266 = arith.index_cast %scan3A_265 : i32 to index
      %get3A_267 = arith.constant 0 : index
      %get3A_268 = tpu.vector_load %arg8[%get3A_266, %get3A_267] {strides = array<i32>} : memref<160x128xf32, #tpu.memory_space<vmem>>, vector<16xf32>,
      %mul3A_269 = vector.broadcast %squeeze3A : f32 to vector<16xf32>
      %mul3A_270 = arith.mulf %get3A_268, %mul3A_269 : vector<16xf32>
      %swap3A_271 = arith.index_cast %scan3A_265 : i32 to index
      %swap3A_272 = arith.constant 0 : index
      %swap3A_273 = tpu.vector_load %arg8[%swap3A_271, %swap3A_272] {strides = array<i32>} : memref<160x128xf32, #tpu.memory_space<vmem>>, vector<16xf32>,
      tpu.vector_store %arg8[%swap3A_271, %swap3A_272], %mul3A_270 {strides = array<i32>} : memref<160x128xf32, #tpu.memory_space<vmem>>, vector<16xf32>,
      %scan3A_274 = arith.constant 0 : i32
      %scan3A_275 = arith.constant 4 : i32
      %scan3A_276 = arith.addi %scan3A_232, %scan3A_275 : i32
      %get3A_277 = arith.index_cast %scan3A_276 : i32 to index
      %get3A_278 = arith.constant 0 : index
      %get3A_279 = tpu.vector_load %arg8[%get3A_277, %get3A_278] {strides = array<i32>} : memref<160x128xf32, #tpu.memory_space<vmem>>, vector<16xf32>,
      %mul3A_280 = vector.broadcast %squeeze3A : f32 to vector<16xf32>
      %mul3A_281 = arith.mulf %get3A_279, %mul3A_280 : vector<16xf32>
      %swap3A_282 = arith.index_cast %scan3A_276 : i32 to index
      %swap3A_283 = arith.constant 0 : index
      %swap3A_284 = tpu.vector_load %arg8[%swap3A_282, %swap3A_283] {strides = array<i32>} : memref<160x128xf32, #tpu.memory_space<vmem>>, vector<16xf32>,
      tpu.vector_store %arg8[%swap3A_282, %swap3A_283], %mul3A_281 {strides = array<i32>} : memref<160x128xf32, #tpu.memory_space<vmem>>, vector<16xf32>,
      %scan3A_285 = arith.constant 0 : i32
      %scan3A_286 = arith.constant 5 : i32
      %scan3A_287 = arith.addi %scan3A_232, %scan3A_286 : i32
      %get3A_288 = arith.index_cast %scan3A_287 : i32 to index
      %get3A_289 = arith.constant 0 : index
      %get3A_290 = tpu.vector_load %arg8[%get3A_288, %get3A_289] {strides = array<i32>} : memref<160x128xf32, #tpu.memory_space<vmem>>, vector<16xf32>,
      %mul3A_291 = vector.broadcast %squeeze3A : f32 to vector<16xf32>
      %mul3A_292 = arith.mulf %get3A_290, %mul3A_291 : vector<16xf32>
      %swap3A_293 = arith.index_cast %scan3A_287 : i32 to index
      %swap3A_294 = arith.constant 0 : index
      %swap3A_295 = tpu.vector_load %arg8[%swap3A_293, %swap3A_294] {strides = array<i32>} : memref<160x128xf32, #tpu.memory_space<vmem>>, vector<16xf32>,
      tpu.vector_store %arg8[%swap3A_293, %swap3A_294], %mul3A_292 {strides = array<i32>} : memref<160x128xf32, #tpu.memory_space<vmem>>, vector<16xf32>,
      %scan3A_296 = arith.constant 0 : i32
      %scan3A_297 = arith.constant 6 : i32
      %scan3A_298 = arith.addi %scan3A_232, %scan3A_297 : i32
      %get3A_299 = arith.index_cast %scan3A_298 : i32 to index
      %get3A_300 = arith.constant 0 : index
      %get3A_301 = tpu.vector_load %arg8[%get3A_299, %get3A_300] {strides = array<i32>} : memref<160x128xf32, #tpu.memory_space<vmem>>, vector<16xf32>,
      %mul3A_302 = vector.broadcast %squeeze3A : f32 to vector<16xf32>
      %mul3A_303 = arith.mulf %get3A_301, %mul3A_302 : vector<16xf32>
      %swap3A_304 = arith.index_cast %scan3A_298 : i32 to index
      %swap3A_305 = arith.constant 0 : index
      %swap3A_306 = tpu.vector_load %arg8[%swap3A_304, %swap3A_305] {strides = array<i32>} : memref<160x128xf32, #tpu.memory_space<vmem>>, vector<16xf32>,
      tpu.vector_store %arg8[%swap3A_304, %swap3A_305], %mul3A_303 {strides = array<i32>} : memref<160x128xf32, #tpu.memory_space<vmem>>, vector<16xf32>,
      %scan3A_307 = arith.constant 0 : i32
      %scan3A_308 = arith.constant 7 : i32
      %scan3A_309 = arith.addi %scan3A_232, %scan3A_308 : i32
      %get3A_310 = arith.index_cast %scan3A_309 : i32 to index
      %get3A_311 = arith.constant 0 : index
      %get3A_312 = tpu.vector_load %arg8[%get3A_310, %get3A_311] {strides = array<i32>} : memref<160x128xf32, #tpu.memory_space<vmem>>, vector<16xf32>,
      %mul3A_313 = vector.broadcast %squeeze3A : f32 to vector<16xf32>
      %mul3A_314 = arith.mulf %get3A_312, %mul3A_313 : vector<16xf32>
      %swap3A_315 = arith.index_cast %scan3A_309 : i32 to index
      %swap3A_316 = arith.constant 0 : index
      %swap3A_317 = tpu.vector_load %arg8[%swap3A_315, %swap3A_316] {strides = array<i32>} : memref<160x128xf32, #tpu.memory_space<vmem>>, vector<16xf32>,
      tpu.vector_store %arg8[%swap3A_315, %swap3A_316], %mul3A_314 {strides = array<i32>} : memref<160x128xf32, #tpu.memory_space<vmem>>, vector<16xf32>,
      %scan3A_318 = arith.constant 0 : i32
      scf.yield %scan3A_318 : i32
    }
    %scan3A_95 = arith.constant 160 : i32
    %scan3A_96 = arith.constant 0 : i32
    %scan3A_97 = arith.constant 0 : i32
    %scan3A_98 = arith.constant 160 : i32
    %scan3A_99 = arith.addi %scan3A_97, %scan3A_98 : i32
    %scan3A_100 = arith.constant 8 : i32
    %scan3A_101 = scf.for %scan3A_232 = %scan3A_97 to %scan3A_99 step %scan3A_100 iter_args(%scan3A_233 = %scan3A_96) -> (i32)  : i32 {
      %get3A_234 = arith.index_cast %scan3A_232 : i32 to index
      %get3A_235 = arith.constant 16 : index
      %get3A_236 = tpu.vector_load %arg8[%get3A_234, %get3A_235] {strides = array<i32>} : memref<160x128xf32, #tpu.memory_space<vmem>>, vector<16xf32>,
      %mul3A_237 = vector.broadcast %squeeze3A : f32 to vector<16xf32>
      %mul3A_238 = arith.mulf %get3A_236, %mul3A_237 : vector<16xf32>
      %swap3A = arith.index_cast %scan3A_232 : i32 to index
      %swap3A_239 = arith.constant 16 : index
      %swap3A_240 = tpu.vector_load %arg8[%swap3A, %swap3A_239] {strides = array<i32>} : memref<160x128xf32, #tpu.memory_space<vmem>>, vector<16xf32>,
      tpu.vector_store %arg8[%swap3A, %swap3A_239], %mul3A_238 {strides = array<i32>} : memref<160x128xf32, #tpu.memory_space<vmem>>, vector<16xf32>,
      %scan3A_241 = arith.constant 0 : i32
      %scan3A_242 = arith.constant 1 : i32
      %scan3A_243 = arith.addi %scan3A_232, %scan3A_242 : i32
      %get3A_244 = arith.index_cast %scan3A_243 : i32 to index
      %get3A_245 = arith.constant 16 : index
      %get3A_246 = tpu.vector_load %arg8[%get3A_244, %get3A_245] {strides = array<i32>} : memref<160x128xf32, #tpu.memory_space<vmem>>, vector<16xf32>,
      %mul3A_247 = vector.broadcast %squeeze3A : f32 to vector<16xf32>
      %mul3A_248 = arith.mulf %get3A_246, %mul3A_247 : vector<16xf32>
      %swap3A_249 = arith.index_cast %scan3A_243 : i32 to index
      %swap3A_250 = arith.constant 16 : index
      %swap3A_251 = tpu.vector_load %arg8[%swap3A_249, %swap3A_250] {strides = array<i32>} : memref<160x128xf32, #tpu.memory_space<vmem>>, vector<16xf32>,
      tpu.vector_store %arg8[%swap3A_249, %swap3A_250], %mul3A_248 {strides = array<i32>} : memref<160x128xf32, #tpu.memory_space<vmem>>, vector<16xf32>,
      %scan3A_252 = arith.constant 0 : i32
      %scan3A_253 = arith.constant 2 : i32
      %scan3A_254 = arith.addi %scan3A_232, %scan3A_253 : i32
      %get3A_255 = arith.index_cast %scan3A_254 : i32 to index
      %get3A_256 = arith.constant 16 : index
      %get3A_257 = tpu.vector_load %arg8[%get3A_255, %get3A_256] {strides = array<i32>} : memref<160x128xf32, #tpu.memory_space<vmem>>, vector<16xf32>,
      %mul3A_258 = vector.broadcast %squeeze3A : f32 to vector<16xf32>
      %mul3A_259 = arith.mulf %get3A_257, %mul3A_258 : vector<16xf32>
      %swap3A_260 = arith.index_cast %scan3A_254 : i32 to index
      %swap3A_261 = arith.constant 16 : index
      %swap3A_262 = tpu.vector_load %arg8[%swap3A_260, %swap3A_261] {strides = array<i32>} : memref<160x128xf32, #tpu.memory_space<vmem>>, vector<16xf32>,
      tpu.vector_store %arg8[%swap3A_260, %swap3A_261], %mul3A_259 {strides = array<i32>} : memref<160x128xf32, #tpu.memory_space<vmem>>, vector<16xf32>,
      %scan3A_263 = arith.constant 0 : i32
      %scan3A_264 = arith.constant 3 : i32
      %scan3A_265 = arith.addi %scan3A_232, %scan3A_264 : i32
      %get3A_266 = arith.index_cast %scan3A_265 : i32 to index
      %get3A_267 = arith.constant 16 : index
      %get3A_268 = tpu.vector_load %arg8[%get3A_266, %get3A_267] {strides = array<i32>} : memref<160x128xf32, #tpu.memory_space<vmem>>, vector<16xf32>,
      %mul3A_269 = vector.broadcast %squeeze3A : f32 to vector<16xf32>
      %mul3A_270 = arith.mulf %get3A_268, %mul3A_269 : vector<16xf32>
      %swap3A_271 = arith.index_cast %scan3A_265 : i32 to index
      %swap3A_272 = arith.constant 16 : index
      %swap3A_273 = tpu.vector_load %arg8[%swap3A_271, %swap3A_272] {strides = array<i32>} : memref<160x128xf32, #tpu.memory_space<vmem>>, vector<16xf32>,
      tpu.vector_store %arg8[%swap3A_271, %swap3A_272], %mul3A_270 {strides = array<i32>} : memref<160x128xf32, #tpu.memory_space<vmem>>, vector<16xf32>,
      %scan3A_274 = arith.constant 0 : i32
      %scan3A_275 = arith.constant 4 : i32
      %scan3A_276 = arith.addi %scan3A_232, %scan3A_275 : i32
      %get3A_277 = arith.index_cast %scan3A_276 : i32 to index
      %get3A_278 = arith.constant 16 : index
      %get3A_279 = tpu.vector_load %arg8[%get3A_277, %get3A_278] {strides = array<i32>} : memref<160x128xf32, #tpu.memory_space<vmem>>, vector<16xf32>,
      %mul3A_280 = vector.broadcast %squeeze3A : f32 to vector<16xf32>
      %mul3A_281 = arith.mulf %get3A_279, %mul3A_280 : vector<16xf32>
      %swap3A_282 = arith.index_cast %scan3A_276 : i32 to index
      %swap3A_283 = arith.constant 16 : index
      %swap3A_284 = tpu.vector_load %arg8[%swap3A_282, %swap3A_283] {strides = array<i32>} : memref<160x128xf32, #tpu.memory_space<vmem>>, vector<16xf32>,
      tpu.vector_store %arg8[%swap3A_282, %swap3A_283], %mul3A_281 {strides = array<i32>} : memref<160x128xf32, #tpu.memory_space<vmem>>, vector<16xf32>,
      %scan3A_285 = arith.constant 0 : i32
      %scan3A_286 = arith.constant 5 : i32
      %scan3A_287 = arith.addi %scan3A_232, %scan3A_286 : i32
      %get3A_288 = arith.index_cast %scan3A_287 : i32 to index
      %get3A_289 = arith.constant 16 : index
      %get3A_290 = tpu.vector_load %arg8[%get3A_288, %get3A_289] {strides = array<i32>} : memref<160x128xf32, #tpu.memory_space<vmem>>, vector<16xf32>,
      %mul3A_291 = vector.broadcast %squeeze3A : f32 to vector<16xf32>
      %mul3A_292 = arith.mulf %get3A_290, %mul3A_291 : vector<16xf32>
      %swap3A_293 = arith.index_cast %scan3A_287 : i32 to index
      %swap3A_294 = arith.constant 16 : index
      %swap3A_295 = tpu.vector_load %arg8[%swap3A_293, %swap3A_294] {strides = array<i32>} : memref<160x128xf32, #tpu.memory_space<vmem>>, vector<16xf32>,
      tpu.vector_store %arg8[%swap3A_293, %swap3A_294], %mul3A_292 {strides = array<i32>} : memref<160x128xf32, #tpu.memory_space<vmem>>, vector<16xf32>,
      %scan3A_296 = arith.constant 0 : i32
      %scan3A_297 = arith.constant 6 : i32
      %scan3A_298 = arith.addi %scan3A_232, %scan3A_297 : i32
      %get3A_299 = arith.index_cast %scan3A_298 : i32 to index
      %get3A_300 = arith.constant 16 : index
      %get3A_301 = tpu.vector_load %arg8[%get3A_299, %get3A_300] {strides = array<i32>} : memref<160x128xf32, #tpu.memory_space<vmem>>, vector<16xf32>,
      %mul3A_302 = vector.broadcast %squeeze3A : f32 to vector<16xf32>
      %mul3A_303 = arith.mulf %get3A_301, %mul3A_302 : vector<16xf32>
      %swap3A_304 = arith.index_cast %scan3A_298 : i32 to index
      %swap3A_305 = arith.constant 16 : index
      %swap3A_306 = tpu.vector_load %arg8[%swap3A_304, %swap3A_305] {strides = array<i32>} : memref<160x128xf32, #tpu.memory_space<vmem>>, vector<16xf32>,
      tpu.vector_store %arg8[%swap3A_304, %swap3A_305], %mul3A_303 {strides = array<i32>} : memref<160x128xf32, #tpu.memory_space<vmem>>, vector<16xf32>,
      %scan3A_307 = arith.constant 0 : i32
      %scan3A_308 = arith.constant 7 : i32
      %scan3A_309 = arith.addi %scan3A_232, %scan3A_308 : i32
      %get3A_310 = arith.index_cast %scan3A_309 : i32 to index
      %get3A_311 = arith.constant 16 : index
      %get3A_312 = tpu.vector_load %arg8[%get3A_310, %get3A_311] {strides = array<i32>} : memref<160x128xf32, #tpu.memory_space<vmem>>, vector<16xf32>,
      %mul3A_313 = vector.broadcast %squeeze3A : f32 to vector<16xf32>
      %mul3A_314 = arith.mulf %get3A_312, %mul3A_313 : vector<16xf32>
      %swap3A_315 = arith.index_cast %scan3A_309 : i32 to index
      %swap3A_316 = arith.constant 16 : index
      %swap3A_317 = tpu.vector_load %arg8[%swap3A_315, %swap3A_316] {strides = array<i32>} : memref<160x128xf32, #tpu.memory_space<vmem>>, vector<16xf32>,
      tpu.vector_store %arg8[%swap3A_315, %swap3A_316], %mul3A_314 {strides = array<i32>} : memref<160x128xf32, #tpu.memory_space<vmem>>, vector<16xf32>,
      %scan3A_318 = arith.constant 0 : i32
      scf.yield %scan3A_318 : i32
    }
    %scan3A_102 = arith.constant 160 : i32
    %scan3A_103 = arith.constant 0 : i32
    %scan3A_104 = arith.constant 0 : i32
    %scan3A_105 = arith.constant 160 : i32
    %scan3A_106 = arith.addi %scan3A_104, %scan3A_105 : i32
    %scan3A_107 = arith.constant 8 : i32
    %scan3A_108 = scf.for %scan3A_232 = %scan3A_104 to %scan3A_106 step %scan3A_107 iter_args(%scan3A_233 = %scan3A_103) -> (i32)  : i32 {
      %get3A_234 = arith.index_cast %scan3A_232 : i32 to index
      %get3A_235 = arith.constant 32 : index
      %get3A_236 = tpu.vector_load %arg8[%get3A_234, %get3A_235] {strides = array<i32>} : memref<160x128xf32, #tpu.memory_space<vmem>>, vector<16xf32>,
      %mul3A_237 = vector.broadcast %squeeze3A : f32 to vector<16xf32>
      %mul3A_238 = arith.mulf %get3A_236, %mul3A_237 : vector<16xf32>
      %swap3A = arith.index_cast %scan3A_232 : i32 to index
      %swap3A_239 = arith.constant 32 : index
      %swap3A_240 = tpu.vector_load %arg8[%swap3A, %swap3A_239] {strides = array<i32>} : memref<160x128xf32, #tpu.memory_space<vmem>>, vector<16xf32>,
      tpu.vector_store %arg8[%swap3A, %swap3A_239], %mul3A_238 {strides = array<i32>} : memref<160x128xf32, #tpu.memory_space<vmem>>, vector<16xf32>,
      %scan3A_241 = arith.constant 0 : i32
      %scan3A_242 = arith.constant 1 : i32
      %scan3A_243 = arith.addi %scan3A_232, %scan3A_242 : i32
      %get3A_244 = arith.index_cast %scan3A_243 : i32 to index
      %get3A_245 = arith.constant 32 : index
      %get3A_246 = tpu.vector_load %arg8[%get3A_244, %get3A_245] {strides = array<i32>} : memref<160x128xf32, #tpu.memory_space<vmem>>, vector<16xf32>,
      %mul3A_247 = vector.broadcast %squeeze3A : f32 to vector<16xf32>
      %mul3A_248 = arith.mulf %get3A_246, %mul3A_247 : vector<16xf32>
      %swap3A_249 = arith.index_cast %scan3A_243 : i32 to index
      %swap3A_250 = arith.constant 32 : index
      %swap3A_251 = tpu.vector_load %arg8[%swap3A_249, %swap3A_250] {strides = array<i32>} : memref<160x128xf32, #tpu.memory_space<vmem>>, vector<16xf32>,
      tpu.vector_store %arg8[%swap3A_249, %swap3A_250], %mul3A_248 {strides = array<i32>} : memref<160x128xf32, #tpu.memory_space<vmem>>, vector<16xf32>,
      %scan3A_252 = arith.constant 0 : i32
      %scan3A_253 = arith.constant 2 : i32
      %scan3A_254 = arith.addi %scan3A_232, %scan3A_253 : i32
      %get3A_255 = arith.index_cast %scan3A_254 : i32 to index
      %get3A_256 = arith.constant 32 : index
      %get3A_257 = tpu.vector_load %arg8[%get3A_255, %get3A_256] {strides = array<i32>} : memref<160x128xf32, #tpu.memory_space<vmem>>, vector<16xf32>,
      %mul3A_258 = vector.broadcast %squeeze3A : f32 to vector<16xf32>
      %mul3A_259 = arith.mulf %get3A_257, %mul3A_258 : vector<16xf32>
      %swap3A_260 = arith.index_cast %scan3A_254 : i32 to index
      %swap3A_261 = arith.constant 32 : index
      %swap3A_262 = tpu.vector_load %arg8[%swap3A_260, %swap3A_261] {strides = array<i32>} : memref<160x128xf32, #tpu.memory_space<vmem>>, vector<16xf32>,
      tpu.vector_store %arg8[%swap3A_260, %swap3A_261], %mul3A_259 {strides = array<i32>} : memref<160x128xf32, #tpu.memory_space<vmem>>, vector<16xf32>,
      %scan3A_263 = arith.constant 0 : i32
      %scan3A_264 = arith.constant 3 : i32
      %scan3A_265 = arith.addi %scan3A_232, %scan3A_264 : i32
      %get3A_266 = arith.index_cast %scan3A_265 : i32 to index
      %get3A_267 = arith.constant 32 : index
      %get3A_268 = tpu.vector_load %arg8[%get3A_266, %get3A_267] {strides = array<i32>} : memref<160x128xf32, #tpu.memory_space<vmem>>, vector<16xf32>,
      %mul3A_269 = vector.broadcast %squeeze3A : f32 to vector<16xf32>
      %mul3A_270 = arith.mulf %get3A_268, %mul3A_269 : vector<16xf32>
      %swap3A_271 = arith.index_cast %scan3A_265 : i32 to index
      %swap3A_272 = arith.constant 32 : index
      %swap3A_273 = tpu.vector_load %arg8[%swap3A_271, %swap3A_272] {strides = array<i32>} : memref<160x128xf32, #tpu.memory_space<vmem>>, vector<16xf32>,
      tpu.vector_store %arg8[%swap3A_271, %swap3A_272], %mul3A_270 {strides = array<i32>} : memref<160x128xf32, #tpu.memory_space<vmem>>, vector<16xf32>,
      %scan3A_274 = arith.constant 0 : i32
      %scan3A_275 = arith.constant 4 : i32
      %scan3A_276 = arith.addi %scan3A_232, %scan3A_275 : i32
      %get3A_277 = arith.index_cast %scan3A_276 : i32 to index
      %get3A_278 = arith.constant 32 : index
      %get3A_279 = tpu.vector_load %arg8[%get3A_277, %get3A_278] {strides = array<i32>} : memref<160x128xf32, #tpu.memory_space<vmem>>, vector<16xf32>,
      %mul3A_280 = vector.broadcast %squeeze3A : f32 to vector<16xf32>
      %mul3A_281 = arith.mulf %get3A_279, %mul3A_280 : vector<16xf32>
      %swap3A_282 = arith.index_cast %scan3A_276 : i32 to index
      %swap3A_283 = arith.constant 32 : index
      %swap3A_284 = tpu.vector_load %arg8[%swap3A_282, %swap3A_283] {strides = array<i32>} : memref<160x128xf32, #tpu.memory_space<vmem>>, vector<16xf32>,
      tpu.vector_store %arg8[%swap3A_282, %swap3A_283], %mul3A_281 {strides = array<i32>} : memref<160x128xf32, #tpu.memory_space<vmem>>, vector<16xf32>,
      %scan3A_285 = arith.constant 0 : i32
      %scan3A_286 = arith.constant 5 : i32
      %scan3A_287 = arith.addi %scan3A_232, %scan3A_286 : i32
      %get3A_288 = arith.index_cast %scan3A_287 : i32 to index
      %get3A_289 = arith.constant 32 : index
      %get3A_290 = tpu.vector_load %arg8[%get3A_288, %get3A_289] {strides = array<i32>} : memref<160x128xf32, #tpu.memory_space<vmem>>, vector<16xf32>,
      %mul3A_291 = vector.broadcast %squeeze3A : f32 to vector<16xf32>
      %mul3A_292 = arith.mulf %get3A_290, %mul3A_291 : vector<16xf32>
      %swap3A_293 = arith.index_cast %scan3A_287 : i32 to index
      %swap3A_294 = arith.constant 32 : index
      %swap3A_295 = tpu.vector_load %arg8[%swap3A_293, %swap3A_294] {strides = array<i32>} : memref<160x128xf32, #tpu.memory_space<vmem>>, vector<16xf32>,
      tpu.vector_store %arg8[%swap3A_293, %swap3A_294], %mul3A_292 {strides = array<i32>} : memref<160x128xf32, #tpu.memory_space<vmem>>, vector<16xf32>,
      %scan3A_296 = arith.constant 0 : i32
      %scan3A_297 = arith.constant 6 : i32
      %scan3A_298 = arith.addi %scan3A_232, %scan3A_297 : i32
      %get3A_299 = arith.index_cast %scan3A_298 : i32 to index
      %get3A_300 = arith.constant 32 : index
      %get3A_301 = tpu.vector_load %arg8[%get3A_299, %get3A_300] {strides = array<i32>} : memref<160x128xf32, #tpu.memory_space<vmem>>, vector<16xf32>,
      %mul3A_302 = vector.broadcast %squeeze3A : f32 to vector<16xf32>
      %mul3A_303 = arith.mulf %get3A_301, %mul3A_302 : vector<16xf32>
      %swap3A_304 = arith.index_cast %scan3A_298 : i32 to index
      %swap3A_305 = arith.constant 32 : index
      %swap3A_306 = tpu.vector_load %arg8[%swap3A_304, %swap3A_305] {strides = array<i32>} : memref<160x128xf32, #tpu.memory_space<vmem>>, vector<16xf32>,
      tpu.vector_store %arg8[%swap3A_304, %swap3A_305], %mul3A_303 {strides = array<i32>} : memref<160x128xf32, #tpu.memory_space<vmem>>, vector<16xf32>,
      %scan3A_307 = arith.constant 0 : i32
      %scan3A_308 = arith.constant 7 : i32
      %scan3A_309 = arith.addi %scan3A_232, %scan3A_308 : i32
      %get3A_310 = arith.index_cast %scan3A_309 : i32 to index
      %get3A_311 = arith.constant 32 : index
      %get3A_312 = tpu.vector_load %arg8[%get3A_310, %get3A_311] {strides = array<i32>} : memref<160x128xf32, #tpu.memory_space<vmem>>, vector<16xf32>,
      %mul3A_313 = vector.broadcast %squeeze3A : f32 to vector<16xf32>
      %mul3A_314 = arith.mulf %get3A_312, %mul3A_313 : vector<16xf32>
      %swap3A_315 = arith.index_cast %scan3A_309 : i32 to index
      %swap3A_316 = arith.constant 32 : index
      %swap3A_317 = tpu.vector_load %arg8[%swap3A_315, %swap3A_316] {strides = array<i32>} : memref<160x128xf32, #tpu.memory_space<vmem>>, vector<16xf32>,
      tpu.vector_store %arg8[%swap3A_315, %swap3A_316], %mul3A_314 {strides = array<i32>} : memref<160x128xf32, #tpu.memory_space<vmem>>, vector<16xf32>,
      %scan3A_318 = arith.constant 0 : i32
      scf.yield %scan3A_318 : i32
    }
    %scan3A_109 = arith.constant 160 : i32
    %scan3A_110 = arith.constant 0 : i32
    %scan3A_111 = arith.constant 0 : i32
    %scan3A_112 = arith.constant 160 : i32
    %scan3A_113 = arith.addi %scan3A_111, %scan3A_112 : i32
    %scan3A_114 = arith.constant 8 : i32
    %scan3A_115 = scf.for %scan3A_232 = %scan3A_111 to %scan3A_113 step %scan3A_114 iter_args(%scan3A_233 = %scan3A_110) -> (i32)  : i32 {
      %get3A_234 = arith.index_cast %scan3A_232 : i32 to index
      %get3A_235 = arith.constant 48 : index
      %get3A_236 = tpu.vector_load %arg8[%get3A_234, %get3A_235] {strides = array<i32>} : memref<160x128xf32, #tpu.memory_space<vmem>>, vector<16xf32>,
      %mul3A_237 = vector.broadcast %squeeze3A : f32 to vector<16xf32>
      %mul3A_238 = arith.mulf %get3A_236, %mul3A_237 : vector<16xf32>
      %swap3A = arith.index_cast %scan3A_232 : i32 to index
      %swap3A_239 = arith.constant 48 : index
      %swap3A_240 = tpu.vector_load %arg8[%swap3A, %swap3A_239] {strides = array<i32>} : memref<160x128xf32, #tpu.memory_space<vmem>>, vector<16xf32>,
      tpu.vector_store %arg8[%swap3A, %swap3A_239], %mul3A_238 {strides = array<i32>} : memref<160x128xf32, #tpu.memory_space<vmem>>, vector<16xf32>,
      %scan3A_241 = arith.constant 0 : i32
      %scan3A_242 = arith.constant 1 : i32
      %scan3A_243 = arith.addi %scan3A_232, %scan3A_242 : i32
      %get3A_244 = arith.index_cast %scan3A_243 : i32 to index
      %get3A_245 = arith.constant 48 : index
      %get3A_246 = tpu.vector_load %arg8[%get3A_244, %get3A_245] {strides = array<i32>} : memref<160x128xf32, #tpu.memory_space<vmem>>, vector<16xf32>,
      %mul3A_247 = vector.broadcast %squeeze3A : f32 to vector<16xf32>
      %mul3A_248 = arith.mulf %get3A_246, %mul3A_247 : vector<16xf32>
      %swap3A_249 = arith.index_cast %scan3A_243 : i32 to index
      %swap3A_250 = arith.constant 48 : index
      %swap3A_251 = tpu.vector_load %arg8[%swap3A_249, %swap3A_250] {strides = array<i32>} : memref<160x128xf32, #tpu.memory_space<vmem>>, vector<16xf32>,
      tpu.vector_store %arg8[%swap3A_249, %swap3A_250], %mul3A_248 {strides = array<i32>} : memref<160x128xf32, #tpu.memory_space<vmem>>, vector<16xf32>,
      %scan3A_252 = arith.constant 0 : i32
      %scan3A_253 = arith.constant 2 : i32
      %scan3A_254 = arith.addi %scan3A_232, %scan3A_253 : i32
      %get3A_255 = arith.index_cast %scan3A_254 : i32 to index
      %get3A_256 = arith.constant 48 : index
      %get3A_257 = tpu.vector_load %arg8[%get3A_255, %get3A_256] {strides = array<i32>} : memref<160x128xf32, #tpu.memory_space<vmem>>, vector<16xf32>,
      %mul3A_258 = vector.broadcast %squeeze3A : f32 to vector<16xf32>
      %mul3A_259 = arith.mulf %get3A_257, %mul3A_258 : vector<16xf32>
      %swap3A_260 = arith.index_cast %scan3A_254 : i32 to index
      %swap3A_261 = arith.constant 48 : index
      %swap3A_262 = tpu.vector_load %arg8[%swap3A_260, %swap3A_261] {strides = array<i32>} : memref<160x128xf32, #tpu.memory_space<vmem>>, vector<16xf32>,
      tpu.vector_store %arg8[%swap3A_260, %swap3A_261], %mul3A_259 {strides = array<i32>} : memref<160x128xf32, #tpu.memory_space<vmem>>, vector<16xf32>,
      %scan3A_263 = arith.constant 0 : i32
      %scan3A_264 = arith.constant 3 : i32
      %scan3A_265 = arith.addi %scan3A_232, %scan3A_264 : i32
      %get3A_266 = arith.index_cast %scan3A_265 : i32 to index
      %get3A_267 = arith.constant 48 : index
      %get3A_268 = tpu.vector_load %arg8[%get3A_266, %get3A_267] {strides = array<i32>} : memref<160x128xf32, #tpu.memory_space<vmem>>, vector<16xf32>,
      %mul3A_269 = vector.broadcast %squeeze3A : f32 to vector<16xf32>
      %mul3A_270 = arith.mulf %get3A_268, %mul3A_269 : vector<16xf32>
      %swap3A_271 = arith.index_cast %scan3A_265 : i32 to index
      %swap3A_272 = arith.constant 48 : index
      %swap3A_273 = tpu.vector_load %arg8[%swap3A_271, %swap3A_272] {strides = array<i32>} : memref<160x128xf32, #tpu.memory_space<vmem>>, vector<16xf32>,
      tpu.vector_store %arg8[%swap3A_271, %swap3A_272], %mul3A_270 {strides = array<i32>} : memref<160x128xf32, #tpu.memory_space<vmem>>, vector<16xf32>,
      %scan3A_274 = arith.constant 0 : i32
      %scan3A_275 = arith.constant 4 : i32
      %scan3A_276 = arith.addi %scan3A_232, %scan3A_275 : i32
      %get3A_277 = arith.index_cast %scan3A_276 : i32 to index
      %get3A_278 = arith.constant 48 : index
      %get3A_279 = tpu.vector_load %arg8[%get3A_277, %get3A_278] {strides = array<i32>} : memref<160x128xf32, #tpu.memory_space<vmem>>, vector<16xf32>,
      %mul3A_280 = vector.broadcast %squeeze3A : f32 to vector<16xf32>
      %mul3A_281 = arith.mulf %get3A_279, %mul3A_280 : vector<16xf32>
      %swap3A_282 = arith.index_cast %scan3A_276 : i32 to index
      %swap3A_283 = arith.constant 48 : index
      %swap3A_284 = tpu.vector_load %arg8[%swap3A_282, %swap3A_283] {strides = array<i32>} : memref<160x128xf32, #tpu.memory_space<vmem>>, vector<16xf32>,
      tpu.vector_store %arg8[%swap3A_282, %swap3A_283], %mul3A_281 {strides = array<i32>} : memref<160x128xf32, #tpu.memory_space<vmem>>, vector<16xf32>,
      %scan3A_285 = arith.constant 0 : i32
      %scan3A_286 = arith.constant 5 : i32
      %scan3A_287 = arith.addi %scan3A_232, %scan3A_286 : i32
      %get3A_288 = arith.index_cast %scan3A_287 : i32 to index
      %get3A_289 = arith.constant 48 : index
      %get3A_290 = tpu.vector_load %arg8[%get3A_288, %get3A_289] {strides = array<i32>} : memref<160x128xf32, #tpu.memory_space<vmem>>, vector<16xf32>,
      %mul3A_291 = vector.broadcast %squeeze3A : f32 to vector<16xf32>
      %mul3A_292 = arith.mulf %get3A_290, %mul3A_291 : vector<16xf32>
      %swap3A_293 = arith.index_cast %scan3A_287 : i32 to index
      %swap3A_294 = arith.constant 48 : index
      %swap3A_295 = tpu.vector_load %arg8[%swap3A_293, %swap3A_294] {strides = array<i32>} : memref<160x128xf32, #tpu.memory_space<vmem>>, vector<16xf32>,
      tpu.vector_store %arg8[%swap3A_293, %swap3A_294], %mul3A_292 {strides = array<i32>} : memref<160x128xf32, #tpu.memory_space<vmem>>, vector<16xf32>,
      %scan3A_296 = arith.constant 0 : i32
      %scan3A_297 = arith.constant 6 : i32
      %scan3A_298 = arith.addi %scan3A_232, %scan3A_297 : i32
      %get3A_299 = arith.index_cast %scan3A_298 : i32 to index
      %get3A_300 = arith.constant 48 : index
      %get3A_301 = tpu.vector_load %arg8[%get3A_299, %get3A_300] {strides = array<i32>} : memref<160x128xf32, #tpu.memory_space<vmem>>, vector<16xf32>,
      %mul3A_302 = vector.broadcast %squeeze3A : f32 to vector<16xf32>
      %mul3A_303 = arith.mulf %get3A_301, %mul3A_302 : vector<16xf32>
      %swap3A_304 = arith.index_cast %scan3A_298 : i32 to index
      %swap3A_305 = arith.constant 48 : index
      %swap3A_306 = tpu.vector_load %arg8[%swap3A_304, %swap3A_305] {strides = array<i32>} : memref<160x128xf32, #tpu.memory_space<vmem>>, vector<16xf32>,
      tpu.vector_store %arg8[%swap3A_304, %swap3A_305], %mul3A_303 {strides = array<i32>} : memref<160x128xf32, #tpu.memory_space<vmem>>, vector<16xf32>,
      %scan3A_307 = arith.constant 0 : i32
      %scan3A_308 = arith.constant 7 : i32
      %scan3A_309 = arith.addi %scan3A_232, %scan3A_308 : i32
      %get3A_310 = arith.index_cast %scan3A_309 : i32 to index
      %get3A_311 = arith.constant 48 : index
      %get3A_312 = tpu.vector_load %arg8[%get3A_310, %get3A_311] {strides = array<i32>} : memref<160x128xf32, #tpu.memory_space<vmem>>, vector<16xf32>,
      %mul3A_313 = vector.broadcast %squeeze3A : f32 to vector<16xf32>
      %mul3A_314 = arith.mulf %get3A_312, %mul3A_313 : vector<16xf32>
      %swap3A_315 = arith.index_cast %scan3A_309 : i32 to index
      %swap3A_316 = arith.constant 48 : index
      %swap3A_317 = tpu.vector_load %arg8[%swap3A_315, %swap3A_316] {strides = array<i32>} : memref<160x128xf32, #tpu.memory_space<vmem>>, vector<16xf32>,
      tpu.vector_store %arg8[%swap3A_315, %swap3A_316], %mul3A_314 {strides = array<i32>} : memref<160x128xf32, #tpu.memory_space<vmem>>, vector<16xf32>,
      %scan3A_318 = arith.constant 0 : i32
      scf.yield %scan3A_318 : i32
    }
    %scan3A_116 = arith.constant 160 : i32
    %scan3A_117 = arith.constant 0 : i32
    %scan3A_118 = arith.constant 0 : i32
    %scan3A_119 = arith.constant 160 : i32
    %scan3A_120 = arith.addi %scan3A_118, %scan3A_119 : i32
    %scan3A_121 = arith.constant 8 : i32
    %scan3A_122 = scf.for %scan3A_232 = %scan3A_118 to %scan3A_120 step %scan3A_121 iter_args(%scan3A_233 = %scan3A_117) -> (i32)  : i32 {
      %get3A_234 = arith.index_cast %scan3A_232 : i32 to index
      %get3A_235 = arith.constant 64 : index
      %get3A_236 = tpu.vector_load %arg8[%get3A_234, %get3A_235] {strides = array<i32>} : memref<160x128xf32, #tpu.memory_space<vmem>>, vector<16xf32>,
      %mul3A_237 = vector.broadcast %squeeze3A : f32 to vector<16xf32>
      %mul3A_238 = arith.mulf %get3A_236, %mul3A_237 : vector<16xf32>
      %swap3A = arith.index_cast %scan3A_232 : i32 to index
      %swap3A_239 = arith.constant 64 : index
      %swap3A_240 = tpu.vector_load %arg8[%swap3A, %swap3A_239] {strides = array<i32>} : memref<160x128xf32, #tpu.memory_space<vmem>>, vector<16xf32>,
      tpu.vector_store %arg8[%swap3A, %swap3A_239], %mul3A_238 {strides = array<i32>} : memref<160x128xf32, #tpu.memory_space<vmem>>, vector<16xf32>,
      %scan3A_241 = arith.constant 0 : i32
      %scan3A_242 = arith.constant 1 : i32
      %scan3A_243 = arith.addi %scan3A_232, %scan3A_242 : i32
      %get3A_244 = arith.index_cast %scan3A_243 : i32 to index
      %get3A_245 = arith.constant 64 : index
      %get3A_246 = tpu.vector_load %arg8[%get3A_244, %get3A_245] {strides = array<i32>} : memref<160x128xf32, #tpu.memory_space<vmem>>, vector<16xf32>,
      %mul3A_247 = vector.broadcast %squeeze3A : f32 to vector<16xf32>
      %mul3A_248 = arith.mulf %get3A_246, %mul3A_247 : vector<16xf32>
      %swap3A_249 = arith.index_cast %scan3A_243 : i32 to index
      %swap3A_250 = arith.constant 64 : index
      %swap3A_251 = tpu.vector_load %arg8[%swap3A_249, %swap3A_250] {strides = array<i32>} : memref<160x128xf32, #tpu.memory_space<vmem>>, vector<16xf32>,
      tpu.vector_store %arg8[%swap3A_249, %swap3A_250], %mul3A_248 {strides = array<i32>} : memref<160x128xf32, #tpu.memory_space<vmem>>, vector<16xf32>,
      %scan3A_252 = arith.constant 0 : i32
      %scan3A_253 = arith.constant 2 : i32
      %scan3A_254 = arith.addi %scan3A_232, %scan3A_253 : i32
      %get3A_255 = arith.index_cast %scan3A_254 : i32 to index
      %get3A_256 = arith.constant 64 : index
      %get3A_257 = tpu.vector_load %arg8[%get3A_255, %get3A_256] {strides = array<i32>} : memref<160x128xf32, #tpu.memory_space<vmem>>, vector<16xf32>,
      %mul3A_258 = vector.broadcast %squeeze3A : f32 to vector<16xf32>
      %mul3A_259 = arith.mulf %get3A_257, %mul3A_258 : vector<16xf32>
      %swap3A_260 = arith.index_cast %scan3A_254 : i32 to index
      %swap3A_261 = arith.constant 64 : index
      %swap3A_262 = tpu.vector_load %arg8[%swap3A_260, %swap3A_261] {strides = array<i32>} : memref<160x128xf32, #tpu.memory_space<vmem>>, vector<16xf32>,
      tpu.vector_store %arg8[%swap3A_260, %swap3A_261], %mul3A_259 {strides = array<i32>} : memref<160x128xf32, #tpu.memory_space<vmem>>, vector<16xf32>,
      %scan3A_263 = arith.constant 0 : i32
      %scan3A_264 = arith.constant 3 : i32
      %scan3A_265 = arith.addi %scan3A_232, %scan3A_264 : i32
      %get3A_266 = arith.index_cast %scan3A_265 : i32 to index
      %get3A_267 = arith.constant 64 : index
      %get3A_268 = tpu.vector_load %arg8[%get3A_266, %get3A_267] {strides = array<i32>} : memref<160x128xf32, #tpu.memory_space<vmem>>, vector<16xf32>,
      %mul3A_269 = vector.broadcast %squeeze3A : f32 to vector<16xf32>
      %mul3A_270 = arith.mulf %get3A_268, %mul3A_269 : vector<16xf32>
      %swap3A_271 = arith.index_cast %scan3A_265 : i32 to index
      %swap3A_272 = arith.constant 64 : index
      %swap3A_273 = tpu.vector_load %arg8[%swap3A_271, %swap3A_272] {strides = array<i32>} : memref<160x128xf32, #tpu.memory_space<vmem>>, vector<16xf32>,
      tpu.vector_store %arg8[%swap3A_271, %swap3A_272], %mul3A_270 {strides = array<i32>} : memref<160x128xf32, #tpu.memory_space<vmem>>, vector<16xf32>,
      %scan3A_274 = arith.constant 0 : i32
      %scan3A_275 = arith.constant 4 : i32
      %scan3A_276 = arith.addi %scan3A_232, %scan3A_275 : i32
      %get3A_277 = arith.index_cast %scan3A_276 : i32 to index
      %get3A_278 = arith.constant 64 : index
      %get3A_279 = tpu.vector_load %arg8[%get3A_277, %get3A_278] {strides = array<i32>} : memref<160x128xf32, #tpu.memory_space<vmem>>, vector<16xf32>,
      %mul3A_280 = vector.broadcast %squeeze3A : f32 to vector<16xf32>
      %mul3A_281 = arith.mulf %get3A_279, %mul3A_280 : vector<16xf32>
      %swap3A_282 = arith.index_cast %scan3A_276 : i32 to index
      %swap3A_283 = arith.constant 64 : index
      %swap3A_284 = tpu.vector_load %arg8[%swap3A_282, %swap3A_283] {strides = array<i32>} : memref<160x128xf32, #tpu.memory_space<vmem>>, vector<16xf32>,
      tpu.vector_store %arg8[%swap3A_282, %swap3A_283], %mul3A_281 {strides = array<i32>} : memref<160x128xf32, #tpu.memory_space<vmem>>, vector<16xf32>,
      %scan3A_285 = arith.constant 0 : i32
      %scan3A_286 = arith.constant 5 : i32
      %scan3A_287 = arith.addi %scan3A_232, %scan3A_286 : i32
      %get3A_288 = arith.index_cast %scan3A_287 : i32 to index
      %get3A_289 = arith.constant 64 : index
      %get3A_290 = tpu.vector_load %arg8[%get3A_288, %get3A_289] {strides = array<i32>} : memref<160x128xf32, #tpu.memory_space<vmem>>, vector<16xf32>,
      %mul3A_291 = vector.broadcast %squeeze3A : f32 to vector<16xf32>
      %mul3A_292 = arith.mulf %get3A_290, %mul3A_291 : vector<16xf32>
      %swap3A_293 = arith.index_cast %scan3A_287 : i32 to index
      %swap3A_294 = arith.constant 64 : index
      %swap3A_295 = tpu.vector_load %arg8[%swap3A_293, %swap3A_294] {strides = array<i32>} : memref<160x128xf32, #tpu.memory_space<vmem>>, vector<16xf32>,
      tpu.vector_store %arg8[%swap3A_293, %swap3A_294], %mul3A_292 {strides = array<i32>} : memref<160x128xf32, #tpu.memory_space<vmem>>, vector<16xf32>,
      %scan3A_296 = arith.constant 0 : i32
      %scan3A_297 = arith.constant 6 : i32
      %scan3A_298 = arith.addi %scan3A_232, %scan3A_297 : i32
      %get3A_299 = arith.index_cast %scan3A_298 : i32 to index
      %get3A_300 = arith.constant 64 : index
      %get3A_301 = tpu.vector_load %arg8[%get3A_299, %get3A_300] {strides = array<i32>} : memref<160x128xf32, #tpu.memory_space<vmem>>, vector<16xf32>,
      %mul3A_302 = vector.broadcast %squeeze3A : f32 to vector<16xf32>
      %mul3A_303 = arith.mulf %get3A_301, %mul3A_302 : vector<16xf32>
      %swap3A_304 = arith.index_cast %scan3A_298 : i32 to index
      %swap3A_305 = arith.constant 64 : index
      %swap3A_306 = tpu.vector_load %arg8[%swap3A_304, %swap3A_305] {strides = array<i32>} : memref<160x128xf32, #tpu.memory_space<vmem>>, vector<16xf32>,
      tpu.vector_store %arg8[%swap3A_304, %swap3A_305], %mul3A_303 {strides = array<i32>} : memref<160x128xf32, #tpu.memory_space<vmem>>, vector<16xf32>,
      %scan3A_307 = arith.constant 0 : i32
      %scan3A_308 = arith.constant 7 : i32
      %scan3A_309 = arith.addi %scan3A_232, %scan3A_308 : i32
      %get3A_310 = arith.index_cast %scan3A_309 : i32 to index
      %get3A_311 = arith.constant 64 : index
      %get3A_312 = tpu.vector_load %arg8[%get3A_310, %get3A_311] {strides = array<i32>} : memref<160x128xf32, #tpu.memory_space<vmem>>, vector<16xf32>,
      %mul3A_313 = vector.broadcast %squeeze3A : f32 to vector<16xf32>
      %mul3A_314 = arith.mulf %get3A_312, %mul3A_313 : vector<16xf32>
      %swap3A_315 = arith.index_cast %scan3A_309 : i32 to index
      %swap3A_316 = arith.constant 64 : index
      %swap3A_317 = tpu.vector_load %arg8[%swap3A_315, %swap3A_316] {strides = array<i32>} : memref<160x128xf32, #tpu.memory_space<vmem>>, vector<16xf32>,
      tpu.vector_store %arg8[%swap3A_315, %swap3A_316], %mul3A_314 {strides = array<i32>} : memref<160x128xf32, #tpu.memory_space<vmem>>, vector<16xf32>,
      %scan3A_318 = arith.constant 0 : i32
      scf.yield %scan3A_318 : i32
    }
    %scan3A_123 = arith.constant 160 : i32
    %scan3A_124 = arith.constant 0 : i32
    %scan3A_125 = arith.constant 0 : i32
    %scan3A_126 = arith.constant 160 : i32
    %scan3A_127 = arith.addi %scan3A_125, %scan3A_126 : i32
    %scan3A_128 = arith.constant 8 : i32
    %scan3A_129 = scf.for %scan3A_232 = %scan3A_125 to %scan3A_127 step %scan3A_128 iter_args(%scan3A_233 = %scan3A_124) -> (i32)  : i32 {
      %get3A_234 = arith.index_cast %scan3A_232 : i32 to index
      %get3A_235 = arith.constant 80 : index
      %get3A_236 = tpu.vector_load %arg8[%get3A_234, %get3A_235] {strides = array<i32>} : memref<160x128xf32, #tpu.memory_space<vmem>>, vector<16xf32>,
      %mul3A_237 = vector.broadcast %squeeze3A : f32 to vector<16xf32>
      %mul3A_238 = arith.mulf %get3A_236, %mul3A_237 : vector<16xf32>
      %swap3A = arith.index_cast %scan3A_232 : i32 to index
      %swap3A_239 = arith.constant 80 : index
      %swap3A_240 = tpu.vector_load %arg8[%swap3A, %swap3A_239] {strides = array<i32>} : memref<160x128xf32, #tpu.memory_space<vmem>>, vector<16xf32>,
      tpu.vector_store %arg8[%swap3A, %swap3A_239], %mul3A_238 {strides = array<i32>} : memref<160x128xf32, #tpu.memory_space<vmem>>, vector<16xf32>,
      %scan3A_241 = arith.constant 0 : i32
      %scan3A_242 = arith.constant 1 : i32
      %scan3A_243 = arith.addi %scan3A_232, %scan3A_242 : i32
      %get3A_244 = arith.index_cast %scan3A_243 : i32 to index
      %get3A_245 = arith.constant 80 : index
      %get3A_246 = tpu.vector_load %arg8[%get3A_244, %get3A_245] {strides = array<i32>} : memref<160x128xf32, #tpu.memory_space<vmem>>, vector<16xf32>,
      %mul3A_247 = vector.broadcast %squeeze3A : f32 to vector<16xf32>
      %mul3A_248 = arith.mulf %get3A_246, %mul3A_247 : vector<16xf32>
      %swap3A_249 = arith.index_cast %scan3A_243 : i32 to index
      %swap3A_250 = arith.constant 80 : index
      %swap3A_251 = tpu.vector_load %arg8[%swap3A_249, %swap3A_250] {strides = array<i32>} : memref<160x128xf32, #tpu.memory_space<vmem>>, vector<16xf32>,
      tpu.vector_store %arg8[%swap3A_249, %swap3A_250], %mul3A_248 {strides = array<i32>} : memref<160x128xf32, #tpu.memory_space<vmem>>, vector<16xf32>,
      %scan3A_252 = arith.constant 0 : i32
      %scan3A_253 = arith.constant 2 : i32
      %scan3A_254 = arith.addi %scan3A_232, %scan3A_253 : i32
      %get3A_255 = arith.index_cast %scan3A_254 : i32 to index
      %get3A_256 = arith.constant 80 : index
      %get3A_257 = tpu.vector_load %arg8[%get3A_255, %get3A_256] {strides = array<i32>} : memref<160x128xf32, #tpu.memory_space<vmem>>, vector<16xf32>,
      %mul3A_258 = vector.broadcast %squeeze3A : f32 to vector<16xf32>
      %mul3A_259 = arith.mulf %get3A_257, %mul3A_258 : vector<16xf32>
      %swap3A_260 = arith.index_cast %scan3A_254 : i32 to index
      %swap3A_261 = arith.constant 80 : index
      %swap3A_262 = tpu.vector_load %arg8[%swap3A_260, %swap3A_261] {strides = array<i32>} : memref<160x128xf32, #tpu.memory_space<vmem>>, vector<16xf32>,
      tpu.vector_store %arg8[%swap3A_260, %swap3A_261], %mul3A_259 {strides = array<i32>} : memref<160x128xf32, #tpu.memory_space<vmem>>, vector<16xf32>,
      %scan3A_263 = arith.constant 0 : i32
      %scan3A_264 = arith.constant 3 : i32
      %scan3A_265 = arith.addi %scan3A_232, %scan3A_264 : i32
      %get3A_266 = arith.index_cast %scan3A_265 : i32 to index
      %get3A_267 = arith.constant 80 : index
      %get3A_268 = tpu.vector_load %arg8[%get3A_266, %get3A_267] {strides = array<i32>} : memref<160x128xf32, #tpu.memory_space<vmem>>, vector<16xf32>,
      %mul3A_269 = vector.broadcast %squeeze3A : f32 to vector<16xf32>
      %mul3A_270 = arith.mulf %get3A_268, %mul3A_269 : vector<16xf32>
      %swap3A_271 = arith.index_cast %scan3A_265 : i32 to index
      %swap3A_272 = arith.constant 80 : index
      %swap3A_273 = tpu.vector_load %arg8[%swap3A_271, %swap3A_272] {strides = array<i32>} : memref<160x128xf32, #tpu.memory_space<vmem>>, vector<16xf32>,
      tpu.vector_store %arg8[%swap3A_271, %swap3A_272], %mul3A_270 {strides = array<i32>} : memref<160x128xf32, #tpu.memory_space<vmem>>, vector<16xf32>,
      %scan3A_274 = arith.constant 0 : i32
      %scan3A_275 = arith.constant 4 : i32
      %scan3A_276 = arith.addi %scan3A_232, %scan3A_275 : i32
      %get3A_277 = arith.index_cast %scan3A_276 : i32 to index
      %get3A_278 = arith.constant 80 : index
      %get3A_279 = tpu.vector_load %arg8[%get3A_277, %get3A_278] {strides = array<i32>} : memref<160x128xf32, #tpu.memory_space<vmem>>, vector<16xf32>,
      %mul3A_280 = vector.broadcast %squeeze3A : f32 to vector<16xf32>
      %mul3A_281 = arith.mulf %get3A_279, %mul3A_280 : vector<16xf32>
      %swap3A_282 = arith.index_cast %scan3A_276 : i32 to index
      %swap3A_283 = arith.constant 80 : index
      %swap3A_284 = tpu.vector_load %arg8[%swap3A_282, %swap3A_283] {strides = array<i32>} : memref<160x128xf32, #tpu.memory_space<vmem>>, vector<16xf32>,
      tpu.vector_store %arg8[%swap3A_282, %swap3A_283], %mul3A_281 {strides = array<i32>} : memref<160x128xf32, #tpu.memory_space<vmem>>, vector<16xf32>,
      %scan3A_285 = arith.constant 0 : i32
      %scan3A_286 = arith.constant 5 : i32
      %scan3A_287 = arith.addi %scan3A_232, %scan3A_286 : i32
      %get3A_288 = arith.index_cast %scan3A_287 : i32 to index
      %get3A_289 = arith.constant 80 : index
      %get3A_290 = tpu.vector_load %arg8[%get3A_288, %get3A_289] {strides = array<i32>} : memref<160x128xf32, #tpu.memory_space<vmem>>, vector<16xf32>,
      %mul3A_291 = vector.broadcast %squeeze3A : f32 to vector<16xf32>
      %mul3A_292 = arith.mulf %get3A_290, %mul3A_291 : vector<16xf32>
      %swap3A_293 = arith.index_cast %scan3A_287 : i32 to index
      %swap3A_294 = arith.constant 80 : index
      %swap3A_295 = tpu.vector_load %arg8[%swap3A_293, %swap3A_294] {strides = array<i32>} : memref<160x128xf32, #tpu.memory_space<vmem>>, vector<16xf32>,
      tpu.vector_store %arg8[%swap3A_293, %swap3A_294], %mul3A_292 {strides = array<i32>} : memref<160x128xf32, #tpu.memory_space<vmem>>, vector<16xf32>,
      %scan3A_296 = arith.constant 0 : i32
      %scan3A_297 = arith.constant 6 : i32
      %scan3A_298 = arith.addi %scan3A_232, %scan3A_297 : i32
      %get3A_299 = arith.index_cast %scan3A_298 : i32 to index
      %get3A_300 = arith.constant 80 : index
      %get3A_301 = tpu.vector_load %arg8[%get3A_299, %get3A_300] {strides = array<i32>} : memref<160x128xf32, #tpu.memory_space<vmem>>, vector<16xf32>,
      %mul3A_302 = vector.broadcast %squeeze3A : f32 to vector<16xf32>
      %mul3A_303 = arith.mulf %get3A_301, %mul3A_302 : vector<16xf32>
      %swap3A_304 = arith.index_cast %scan3A_298 : i32 to index
      %swap3A_305 = arith.constant 80 : index
      %swap3A_306 = tpu.vector_load %arg8[%swap3A_304, %swap3A_305] {strides = array<i32>} : memref<160x128xf32, #tpu.memory_space<vmem>>, vector<16xf32>,
      tpu.vector_store %arg8[%swap3A_304, %swap3A_305], %mul3A_303 {strides = array<i32>} : memref<160x128xf32, #tpu.memory_space<vmem>>, vector<16xf32>,
      %scan3A_307 = arith.constant 0 : i32
      %scan3A_308 = arith.constant 7 : i32
      %scan3A_309 = arith.addi %scan3A_232, %scan3A_308 : i32
      %get3A_310 = arith.index_cast %scan3A_309 : i32 to index
      %get3A_311 = arith.constant 80 : index
      %get3A_312 = tpu.vector_load %arg8[%get3A_310, %get3A_311] {strides = array<i32>} : memref<160x128xf32, #tpu.memory_space<vmem>>, vector<16xf32>,
      %mul3A_313 = vector.broadcast %squeeze3A : f32 to vector<16xf32>
      %mul3A_314 = arith.mulf %get3A_312, %mul3A_313 : vector<16xf32>
      %swap3A_315 = arith.index_cast %scan3A_309 : i32 to index
      %swap3A_316 = arith.constant 80 : index
      %swap3A_317 = tpu.vector_load %arg8[%swap3A_315, %swap3A_316] {strides = array<i32>} : memref<160x128xf32, #tpu.memory_space<vmem>>, vector<16xf32>,
      tpu.vector_store %arg8[%swap3A_315, %swap3A_316], %mul3A_314 {strides = array<i32>} : memref<160x128xf32, #tpu.memory_space<vmem>>, vector<16xf32>,
      %scan3A_318 = arith.constant 0 : i32
      scf.yield %scan3A_318 : i32
    }
    %scan3A_130 = arith.constant 160 : i32
    %scan3A_131 = arith.constant 0 : i32
    %scan3A_132 = arith.constant 0 : i32
    %scan3A_133 = arith.constant 160 : i32
    %scan3A_134 = arith.addi %scan3A_132, %scan3A_133 : i32
    %scan3A_135 = arith.constant 8 : i32
    %scan3A_136 = scf.for %scan3A_232 = %scan3A_132 to %scan3A_134 step %scan3A_135 iter_args(%scan3A_233 = %scan3A_131) -> (i32)  : i32 {
      %get3A_234 = arith.index_cast %scan3A_232 : i32 to index
      %get3A_235 = arith.constant 96 : index
      %get3A_236 = tpu.vector_load %arg8[%get3A_234, %get3A_235] {strides = array<i32>} : memref<160x128xf32, #tpu.memory_space<vmem>>, vector<16xf32>,
      %mul3A_237 = vector.broadcast %squeeze3A : f32 to vector<16xf32>
      %mul3A_238 = arith.mulf %get3A_236, %mul3A_237 : vector<16xf32>
      %swap3A = arith.index_cast %scan3A_232 : i32 to index
      %swap3A_239 = arith.constant 96 : index
      %swap3A_240 = tpu.vector_load %arg8[%swap3A, %swap3A_239] {strides = array<i32>} : memref<160x128xf32, #tpu.memory_space<vmem>>, vector<16xf32>,
      tpu.vector_store %arg8[%swap3A, %swap3A_239], %mul3A_238 {strides = array<i32>} : memref<160x128xf32, #tpu.memory_space<vmem>>, vector<16xf32>,
      %scan3A_241 = arith.constant 0 : i32
      %scan3A_242 = arith.constant 1 : i32
      %scan3A_243 = arith.addi %scan3A_232, %scan3A_242 : i32
      %get3A_244 = arith.index_cast %scan3A_243 : i32 to index
      %get3A_245 = arith.constant 96 : index
      %get3A_246 = tpu.vector_load %arg8[%get3A_244, %get3A_245] {strides = array<i32>} : memref<160x128xf32, #tpu.memory_space<vmem>>, vector<16xf32>,
      %mul3A_247 = vector.broadcast %squeeze3A : f32 to vector<16xf32>
      %mul3A_248 = arith.mulf %get3A_246, %mul3A_247 : vector<16xf32>
      %swap3A_249 = arith.index_cast %scan3A_243 : i32 to index
      %swap3A_250 = arith.constant 96 : index
      %swap3A_251 = tpu.vector_load %arg8[%swap3A_249, %swap3A_250] {strides = array<i32>} : memref<160x128xf32, #tpu.memory_space<vmem>>, vector<16xf32>,
      tpu.vector_store %arg8[%swap3A_249, %swap3A_250], %mul3A_248 {strides = array<i32>} : memref<160x128xf32, #tpu.memory_space<vmem>>, vector<16xf32>,
      %scan3A_252 = arith.constant 0 : i32
      %scan3A_253 = arith.constant 2 : i32
      %scan3A_254 = arith.addi %scan3A_232, %scan3A_253 : i32
      %get3A_255 = arith.index_cast %scan3A_254 : i32 to index
      %get3A_256 = arith.constant 96 : index
      %get3A_257 = tpu.vector_load %arg8[%get3A_255, %get3A_256] {strides = array<i32>} : memref<160x128xf32, #tpu.memory_space<vmem>>, vector<16xf32>,
      %mul3A_258 = vector.broadcast %squeeze3A : f32 to vector<16xf32>
      %mul3A_259 = arith.mulf %get3A_257, %mul3A_258 : vector<16xf32>
      %swap3A_260 = arith.index_cast %scan3A_254 : i32 to index
      %swap3A_261 = arith.constant 96 : index
      %swap3A_262 = tpu.vector_load %arg8[%swap3A_260, %swap3A_261] {strides = array<i32>} : memref<160x128xf32, #tpu.memory_space<vmem>>, vector<16xf32>,
      tpu.vector_store %arg8[%swap3A_260, %swap3A_261], %mul3A_259 {strides = array<i32>} : memref<160x128xf32, #tpu.memory_space<vmem>>, vector<16xf32>,
      %scan3A_263 = arith.constant 0 : i32
      %scan3A_264 = arith.constant 3 : i32
      %scan3A_265 = arith.addi %scan3A_232, %scan3A_264 : i32
      %get3A_266 = arith.index_cast %scan3A_265 : i32 to index
      %get3A_267 = arith.constant 96 : index
      %get3A_268 = tpu.vector_load %arg8[%get3A_266, %get3A_267] {strides = array<i32>} : memref<160x128xf32, #tpu.memory_space<vmem>>, vector<16xf32>,
      %mul3A_269 = vector.broadcast %squeeze3A : f32 to vector<16xf32>
      %mul3A_270 = arith.mulf %get3A_268, %mul3A_269 : vector<16xf32>
      %swap3A_271 = arith.index_cast %scan3A_265 : i32 to index
      %swap3A_272 = arith.constant 96 : index
      %swap3A_273 = tpu.vector_load %arg8[%swap3A_271, %swap3A_272] {strides = array<i32>} : memref<160x128xf32, #tpu.memory_space<vmem>>, vector<16xf32>,
      tpu.vector_store %arg8[%swap3A_271, %swap3A_272], %mul3A_270 {strides = array<i32>} : memref<160x128xf32, #tpu.memory_space<vmem>>, vector<16xf32>,
      %scan3A_274 = arith.constant 0 : i32
      %scan3A_275 = arith.constant 4 : i32
      %scan3A_276 = arith.addi %scan3A_232, %scan3A_275 : i32
      %get3A_277 = arith.index_cast %scan3A_276 : i32 to index
      %get3A_278 = arith.constant 96 : index
      %get3A_279 = tpu.vector_load %arg8[%get3A_277, %get3A_278] {strides = array<i32>} : memref<160x128xf32, #tpu.memory_space<vmem>>, vector<16xf32>,
      %mul3A_280 = vector.broadcast %squeeze3A : f32 to vector<16xf32>
      %mul3A_281 = arith.mulf %get3A_279, %mul3A_280 : vector<16xf32>
      %swap3A_282 = arith.index_cast %scan3A_276 : i32 to index
      %swap3A_283 = arith.constant 96 : index
      %swap3A_284 = tpu.vector_load %arg8[%swap3A_282, %swap3A_283] {strides = array<i32>} : memref<160x128xf32, #tpu.memory_space<vmem>>, vector<16xf32>,
      tpu.vector_store %arg8[%swap3A_282, %swap3A_283], %mul3A_281 {strides = array<i32>} : memref<160x128xf32, #tpu.memory_space<vmem>>, vector<16xf32>,
      %scan3A_285 = arith.constant 0 : i32
      %scan3A_286 = arith.constant 5 : i32
      %scan3A_287 = arith.addi %scan3A_232, %scan3A_286 : i32
      %get3A_288 = arith.index_cast %scan3A_287 : i32 to index
      %get3A_289 = arith.constant 96 : index
      %get3A_290 = tpu.vector_load %arg8[%get3A_288, %get3A_289] {strides = array<i32>} : memref<160x128xf32, #tpu.memory_space<vmem>>, vector<16xf32>,
      %mul3A_291 = vector.broadcast %squeeze3A : f32 to vector<16xf32>
      %mul3A_292 = arith.mulf %get3A_290, %mul3A_291 : vector<16xf32>
      %swap3A_293 = arith.index_cast %scan3A_287 : i32 to index
      %swap3A_294 = arith.constant 96 : index
      %swap3A_295 = tpu.vector_load %arg8[%swap3A_293, %swap3A_294] {strides = array<i32>} : memref<160x128xf32, #tpu.memory_space<vmem>>, vector<16xf32>,
      tpu.vector_store %arg8[%swap3A_293, %swap3A_294], %mul3A_292 {strides = array<i32>} : memref<160x128xf32, #tpu.memory_space<vmem>>, vector<16xf32>,
      %scan3A_296 = arith.constant 0 : i32
      %scan3A_297 = arith.constant 6 : i32
      %scan3A_298 = arith.addi %scan3A_232, %scan3A_297 : i32
      %get3A_299 = arith.index_cast %scan3A_298 : i32 to index
      %get3A_300 = arith.constant 96 : index
      %get3A_301 = tpu.vector_load %arg8[%get3A_299, %get3A_300] {strides = array<i32>} : memref<160x128xf32, #tpu.memory_space<vmem>>, vector<16xf32>,
      %mul3A_302 = vector.broadcast %squeeze3A : f32 to vector<16xf32>
      %mul3A_303 = arith.mulf %get3A_301, %mul3A_302 : vector<16xf32>
      %swap3A_304 = arith.index_cast %scan3A_298 : i32 to index
      %swap3A_305 = arith.constant 96 : index
      %swap3A_306 = tpu.vector_load %arg8[%swap3A_304, %swap3A_305] {strides = array<i32>} : memref<160x128xf32, #tpu.memory_space<vmem>>, vector<16xf32>,
      tpu.vector_store %arg8[%swap3A_304, %swap3A_305], %mul3A_303 {strides = array<i32>} : memref<160x128xf32, #tpu.memory_space<vmem>>, vector<16xf32>,
      %scan3A_307 = arith.constant 0 : i32
      %scan3A_308 = arith.constant 7 : i32
      %scan3A_309 = arith.addi %scan3A_232, %scan3A_308 : i32
      %get3A_310 = arith.index_cast %scan3A_309 : i32 to index
      %get3A_311 = arith.constant 96 : index
      %get3A_312 = tpu.vector_load %arg8[%get3A_310, %get3A_311] {strides = array<i32>} : memref<160x128xf32, #tpu.memory_space<vmem>>, vector<16xf32>,
      %mul3A_313 = vector.broadcast %squeeze3A : f32 to vector<16xf32>
      %mul3A_314 = arith.mulf %get3A_312, %mul3A_313 : vector<16xf32>
      %swap3A_315 = arith.index_cast %scan3A_309 : i32 to index
      %swap3A_316 = arith.constant 96 : index
      %swap3A_317 = tpu.vector_load %arg8[%swap3A_315, %swap3A_316] {strides = array<i32>} : memref<160x128xf32, #tpu.memory_space<vmem>>, vector<16xf32>,
      tpu.vector_store %arg8[%swap3A_315, %swap3A_316], %mul3A_314 {strides = array<i32>} : memref<160x128xf32, #tpu.memory_space<vmem>>, vector<16xf32>,
      %scan3A_318 = arith.constant 0 : i32
      scf.yield %scan3A_318 : i32
    }
    %scan3A_137 = arith.constant 160 : i32
    %scan3A_138 = arith.constant 0 : i32
    %scan3A_139 = arith.constant 0 : i32
    %scan3A_140 = arith.constant 160 : i32
    %scan3A_141 = arith.addi %scan3A_139, %scan3A_140 : i32
    %scan3A_142 = arith.constant 8 : i32
    %scan3A_143 = scf.for %scan3A_232 = %scan3A_139 to %scan3A_141 step %scan3A_142 iter_args(%scan3A_233 = %scan3A_138) -> (i32)  : i32 {
      %get3A_234 = arith.index_cast %scan3A_232 : i32 to index
      %get3A_235 = arith.constant 112 : index
      %get3A_236 = tpu.vector_load %arg8[%get3A_234, %get3A_235] {strides = array<i32>} : memref<160x128xf32, #tpu.memory_space<vmem>>, vector<16xf32>,
      %mul3A_237 = vector.broadcast %squeeze3A : f32 to vector<16xf32>
      %mul3A_238 = arith.mulf %get3A_236, %mul3A_237 : vector<16xf32>
      %swap3A = arith.index_cast %scan3A_232 : i32 to index
      %swap3A_239 = arith.constant 112 : index
      %swap3A_240 = tpu.vector_load %arg8[%swap3A, %swap3A_239] {strides = array<i32>} : memref<160x128xf32, #tpu.memory_space<vmem>>, vector<16xf32>,
      tpu.vector_store %arg8[%swap3A, %swap3A_239], %mul3A_238 {strides = array<i32>} : memref<160x128xf32, #tpu.memory_space<vmem>>, vector<16xf32>,
      %scan3A_241 = arith.constant 0 : i32
      %scan3A_242 = arith.constant 1 : i32
      %scan3A_243 = arith.addi %scan3A_232, %scan3A_242 : i32
      %get3A_244 = arith.index_cast %scan3A_243 : i32 to index
      %get3A_245 = arith.constant 112 : index
      %get3A_246 = tpu.vector_load %arg8[%get3A_244, %get3A_245] {strides = array<i32>} : memref<160x128xf32, #tpu.memory_space<vmem>>, vector<16xf32>,
      %mul3A_247 = vector.broadcast %squeeze3A : f32 to vector<16xf32>
      %mul3A_248 = arith.mulf %get3A_246, %mul3A_247 : vector<16xf32>
      %swap3A_249 = arith.index_cast %scan3A_243 : i32 to index
      %swap3A_250 = arith.constant 112 : index
      %swap3A_251 = tpu.vector_load %arg8[%swap3A_249, %swap3A_250] {strides = array<i32>} : memref<160x128xf32, #tpu.memory_space<vmem>>, vector<16xf32>,
      tpu.vector_store %arg8[%swap3A_249, %swap3A_250], %mul3A_248 {strides = array<i32>} : memref<160x128xf32, #tpu.memory_space<vmem>>, vector<16xf32>,
      %scan3A_252 = arith.constant 0 : i32
      %scan3A_253 = arith.constant 2 : i32
      %scan3A_254 = arith.addi %scan3A_232, %scan3A_253 : i32
      %get3A_255 = arith.index_cast %scan3A_254 : i32 to index
      %get3A_256 = arith.constant 112 : index
      %get3A_257 = tpu.vector_load %arg8[%get3A_255, %get3A_256] {strides = array<i32>} : memref<160x128xf32, #tpu.memory_space<vmem>>, vector<16xf32>,
      %mul3A_258 = vector.broadcast %squeeze3A : f32 to vector<16xf32>
      %mul3A_259 = arith.mulf %get3A_257, %mul3A_258 : vector<16xf32>
      %swap3A_260 = arith.index_cast %scan3A_254 : i32 to index
      %swap3A_261 = arith.constant 112 : index
      %swap3A_262 = tpu.vector_load %arg8[%swap3A_260, %swap3A_261] {strides = array<i32>} : memref<160x128xf32, #tpu.memory_space<vmem>>, vector<16xf32>,
      tpu.vector_store %arg8[%swap3A_260, %swap3A_261], %mul3A_259 {strides = array<i32>} : memref<160x128xf32, #tpu.memory_space<vmem>>, vector<16xf32>,
      %scan3A_263 = arith.constant 0 : i32
      %scan3A_264 = arith.constant 3 : i32
      %scan3A_265 = arith.addi %scan3A_232, %scan3A_264 : i32
      %get3A_266 = arith.index_cast %scan3A_265 : i32 to index
      %get3A_267 = arith.constant 112 : index
      %get3A_268 = tpu.vector_load %arg8[%get3A_266, %get3A_267] {strides = array<i32>} : memref<160x128xf32, #tpu.memory_space<vmem>>, vector<16xf32>,
      %mul3A_269 = vector.broadcast %squeeze3A : f32 to vector<16xf32>
      %mul3A_270 = arith.mulf %get3A_268, %mul3A_269 : vector<16xf32>
      %swap3A_271 = arith.index_cast %scan3A_265 : i32 to index
      %swap3A_272 = arith.constant 112 : index
      %swap3A_273 = tpu.vector_load %arg8[%swap3A_271, %swap3A_272] {strides = array<i32>} : memref<160x128xf32, #tpu.memory_space<vmem>>, vector<16xf32>,
      tpu.vector_store %arg8[%swap3A_271, %swap3A_272], %mul3A_270 {strides = array<i32>} : memref<160x128xf32, #tpu.memory_space<vmem>>, vector<16xf32>,
      %scan3A_274 = arith.constant 0 : i32
      %scan3A_275 = arith.constant 4 : i32
      %scan3A_276 = arith.addi %scan3A_232, %scan3A_275 : i32
      %get3A_277 = arith.index_cast %scan3A_276 : i32 to index
      %get3A_278 = arith.constant 112 : index
      %get3A_279 = tpu.vector_load %arg8[%get3A_277, %get3A_278] {strides = array<i32>} : memref<160x128xf32, #tpu.memory_space<vmem>>, vector<16xf32>,
      %mul3A_280 = vector.broadcast %squeeze3A : f32 to vector<16xf32>
      %mul3A_281 = arith.mulf %get3A_279, %mul3A_280 : vector<16xf32>
      %swap3A_282 = arith.index_cast %scan3A_276 : i32 to index
      %swap3A_283 = arith.constant 112 : index
      %swap3A_284 = tpu.vector_load %arg8[%swap3A_282, %swap3A_283] {strides = array<i32>} : memref<160x128xf32, #tpu.memory_space<vmem>>, vector<16xf32>,
      tpu.vector_store %arg8[%swap3A_282, %swap3A_283], %mul3A_281 {strides = array<i32>} : memref<160x128xf32, #tpu.memory_space<vmem>>, vector<16xf32>,
      %scan3A_285 = arith.constant 0 : i32
      %scan3A_286 = arith.constant 5 : i32
      %scan3A_287 = arith.addi %scan3A_232, %scan3A_286 : i32
      %get3A_288 = arith.index_cast %scan3A_287 : i32 to index
      %get3A_289 = arith.constant 112 : index
      %get3A_290 = tpu.vector_load %arg8[%get3A_288, %get3A_289] {strides = array<i32>} : memref<160x128xf32, #tpu.memory_space<vmem>>, vector<16xf32>,
      %mul3A_291 = vector.broadcast %squeeze3A : f32 to vector<16xf32>
      %mul3A_292 = arith.mulf %get3A_290, %mul3A_291 : vector<16xf32>
      %swap3A_293 = arith.index_cast %scan3A_287 : i32 to index
      %swap3A_294 = arith.constant 112 : index
      %swap3A_295 = tpu.vector_load %arg8[%swap3A_293, %swap3A_294] {strides = array<i32>} : memref<160x128xf32, #tpu.memory_space<vmem>>, vector<16xf32>,
      tpu.vector_store %arg8[%swap3A_293, %swap3A_294], %mul3A_292 {strides = array<i32>} : memref<160x128xf32, #tpu.memory_space<vmem>>, vector<16xf32>,
      %scan3A_296 = arith.constant 0 : i32
      %scan3A_297 = arith.constant 6 : i32
      %scan3A_298 = arith.addi %scan3A_232, %scan3A_297 : i32
      %get3A_299 = arith.index_cast %scan3A_298 : i32 to index
      %get3A_300 = arith.constant 112 : index
      %get3A_301 = tpu.vector_load %arg8[%get3A_299, %get3A_300] {strides = array<i32>} : memref<160x128xf32, #tpu.memory_space<vmem>>, vector<16xf32>,
      %mul3A_302 = vector.broadcast %squeeze3A : f32 to vector<16xf32>
      %mul3A_303 = arith.mulf %get3A_301, %mul3A_302 : vector<16xf32>
      %swap3A_304 = arith.index_cast %scan3A_298 : i32 to index
      %swap3A_305 = arith.constant 112 : index
      %swap3A_306 = tpu.vector_load %arg8[%swap3A_304, %swap3A_305] {strides = array<i32>} : memref<160x128xf32, #tpu.memory_space<vmem>>, vector<16xf32>,
      tpu.vector_store %arg8[%swap3A_304, %swap3A_305], %mul3A_303 {strides = array<i32>} : memref<160x128xf32, #tpu.memory_space<vmem>>, vector<16xf32>,
      %scan3A_307 = arith.constant 0 : i32
      %scan3A_308 = arith.constant 7 : i32
      %scan3A_309 = arith.addi %scan3A_232, %scan3A_308 : i32
      %get3A_310 = arith.index_cast %scan3A_309 : i32 to index
      %get3A_311 = arith.constant 112 : index
      %get3A_312 = tpu.vector_load %arg8[%get3A_310, %get3A_311] {strides = array<i32>} : memref<160x128xf32, #tpu.memory_space<vmem>>, vector<16xf32>,
      %mul3A_313 = vector.broadcast %squeeze3A : f32 to vector<16xf32>
      %mul3A_314 = arith.mulf %get3A_312, %mul3A_313 : vector<16xf32>
      %swap3A_315 = arith.index_cast %scan3A_309 : i32 to index
      %swap3A_316 = arith.constant 112 : index
      %swap3A_317 = tpu.vector_load %arg8[%swap3A_315, %swap3A_316] {strides = array<i32>} : memref<160x128xf32, #tpu.memory_space<vmem>>, vector<16xf32>,
      tpu.vector_store %arg8[%swap3A_315, %swap3A_316], %mul3A_314 {strides = array<i32>} : memref<160x128xf32, #tpu.memory_space<vmem>>, vector<16xf32>,
      %scan3A_318 = arith.constant 0 : i32
      scf.yield %scan3A_318 : i32
    }
    %scan3A_144 = arith.constant 160 : i32
    %add3A_145 = arith.constant 0 : i32
    %add3A_146 = arith.addi %min3A_4, %add3A_145 : i32
    %dma_start3A_147 = arith.constant 0 : i32
    %dma_start3A_148 = tpu.memref_slice %arg5[%add3A_146, %dma_start3A_147] : memref<10000x128xf32, #tpu.memory_space<hbm>> -> memref<160x128xf32, #tpu.memory_space<hbm>>
    %dma_start3A_149 = arith.constant 0 : i32
    %dma_start3A_150 = tpu.memref_slice %arg5[%add3A_146, %dma_start3A_149] : memref<10000x128xf32, #tpu.memory_space<hbm>> -> memref<160x128xf32, #tpu.memory_space<hbm>>
    tpu.enqueue_dma source(%arg8 : memref<160x128xf32, #tpu.memory_space<vmem>>) target(%dma_start3A_150 : memref<160x128xf32, #tpu.memory_space<hbm>>) target_semaphore(%arg13 : memref<!tpu.dma_semaphore, #tpu.memory_space<semaphore_mem>>)
    %scan3A_151 = arith.constant 0 : i32
    %scan3A_152 = arith.constant 0 : i32
    %scan3A_153 = arith.constant 32 : i32
    %scan3A_154 = arith.addi %scan3A_152, %scan3A_153 : i32
    %scan3A_155 = arith.constant 1 : i32
    %scan3A_156 = scf.for %scan3A_232 = %scan3A_152 to %scan3A_154 step %scan3A_155 iter_args(%scan3A_233 = %scan3A_151) -> (i32)  : i32 {
      %dma_wait3A_234 = arith.constant 0 : i32
      %dma_wait3A_235 = tpu.memref_slice %arg7[%dma_wait3A_234] : memref<10240xi32, #tpu.memory_space<vmem>> -> memref<160xi32, #tpu.memory_space<vmem>>
      %dma_wait3A_236 = arith.constant 0 : i32
      %dma_wait3A_237 = arith.constant 0 : i32
      %dma_wait3A_238 = tpu.memref_slice %arg3[%dma_wait3A_236, %dma_wait3A_237] : memref<100000x128xf32, #tpu.memory_space<hbm>> -> memref<100000x128xf32, #tpu.memory_space<hbm>>
      tpu.wait_indirect_dma semaphore(%arg12 : memref<!tpu.dma_semaphore, #tpu.memory_space<semaphore_mem>>) src(%dma_wait3A_238 : memref<100000x128xf32, #tpu.memory_space<hbm>>) dst(%arg9 : memref<160x128xf32, #tpu.memory_space<vmem>>)
      %scan3A_239 = arith.constant 0 : i32
      scf.yield %scan3A_239 : i32
    }
    %scan3A_157 = arith.constant 32 : i32
    %scan3A_158 = arith.constant 0 : i32
    %scan3A_159 = arith.constant 0 : i32
    %scan3A_160 = arith.constant 160 : i32
    %scan3A_161 = arith.addi %scan3A_159, %scan3A_160 : i32
    %scan3A_162 = arith.constant 8 : i32
    %scan3A_163 = scf.for %scan3A_232 = %scan3A_159 to %scan3A_161 step %scan3A_162 iter_args(%scan3A_233 = %scan3A_158) -> (i32)  : i32 {
      %get3A_234 = arith.index_cast %scan3A_232 : i32 to index
      %get3A_235 = arith.constant 0 : index
      %get3A_236 = tpu.vector_load %arg9[%get3A_234, %get3A_235] {strides = array<i32>} : memref<160x128xf32, #tpu.memory_space<vmem>>, vector<16xf32>,
      %mul3A_237 = vector.broadcast %squeeze3A : f32 to vector<16xf32>
      %mul3A_238 = arith.mulf %get3A_236, %mul3A_237 : vector<16xf32>
      %swap3A = arith.index_cast %scan3A_232 : i32 to index
      %swap3A_239 = arith.constant 0 : index
      %swap3A_240 = tpu.vector_load %arg9[%swap3A, %swap3A_239] {strides = array<i32>} : memref<160x128xf32, #tpu.memory_space<vmem>>, vector<16xf32>,
      tpu.vector_store %arg9[%swap3A, %swap3A_239], %mul3A_238 {strides = array<i32>} : memref<160x128xf32, #tpu.memory_space<vmem>>, vector<16xf32>,
      %scan3A_241 = arith.constant 0 : i32
      %scan3A_242 = arith.constant 1 : i32
      %scan3A_243 = arith.addi %scan3A_232, %scan3A_242 : i32
      %get3A_244 = arith.index_cast %scan3A_243 : i32 to index
      %get3A_245 = arith.constant 0 : index
      %get3A_246 = tpu.vector_load %arg9[%get3A_244, %get3A_245] {strides = array<i32>} : memref<160x128xf32, #tpu.memory_space<vmem>>, vector<16xf32>,
      %mul3A_247 = vector.broadcast %squeeze3A : f32 to vector<16xf32>
      %mul3A_248 = arith.mulf %get3A_246, %mul3A_247 : vector<16xf32>
      %swap3A_249 = arith.index_cast %scan3A_243 : i32 to index
      %swap3A_250 = arith.constant 0 : index
      %swap3A_251 = tpu.vector_load %arg9[%swap3A_249, %swap3A_250] {strides = array<i32>} : memref<160x128xf32, #tpu.memory_space<vmem>>, vector<16xf32>,
      tpu.vector_store %arg9[%swap3A_249, %swap3A_250], %mul3A_248 {strides = array<i32>} : memref<160x128xf32, #tpu.memory_space<vmem>>, vector<16xf32>,
      %scan3A_252 = arith.constant 0 : i32
      %scan3A_253 = arith.constant 2 : i32
      %scan3A_254 = arith.addi %scan3A_232, %scan3A_253 : i32
      %get3A_255 = arith.index_cast %scan3A_254 : i32 to index
      %get3A_256 = arith.constant 0 : index
      %get3A_257 = tpu.vector_load %arg9[%get3A_255, %get3A_256] {strides = array<i32>} : memref<160x128xf32, #tpu.memory_space<vmem>>, vector<16xf32>,
      %mul3A_258 = vector.broadcast %squeeze3A : f32 to vector<16xf32>
      %mul3A_259 = arith.mulf %get3A_257, %mul3A_258 : vector<16xf32>
      %swap3A_260 = arith.index_cast %scan3A_254 : i32 to index
      %swap3A_261 = arith.constant 0 : index
      %swap3A_262 = tpu.vector_load %arg9[%swap3A_260, %swap3A_261] {strides = array<i32>} : memref<160x128xf32, #tpu.memory_space<vmem>>, vector<16xf32>,
      tpu.vector_store %arg9[%swap3A_260, %swap3A_261], %mul3A_259 {strides = array<i32>} : memref<160x128xf32, #tpu.memory_space<vmem>>, vector<16xf32>,
      %scan3A_263 = arith.constant 0 : i32
      %scan3A_264 = arith.constant 3 : i32
      %scan3A_265 = arith.addi %scan3A_232, %scan3A_264 : i32
      %get3A_266 = arith.index_cast %scan3A_265 : i32 to index
      %get3A_267 = arith.constant 0 : index
      %get3A_268 = tpu.vector_load %arg9[%get3A_266, %get3A_267] {strides = array<i32>} : memref<160x128xf32, #tpu.memory_space<vmem>>, vector<16xf32>,
      %mul3A_269 = vector.broadcast %squeeze3A : f32 to vector<16xf32>
      %mul3A_270 = arith.mulf %get3A_268, %mul3A_269 : vector<16xf32>
      %swap3A_271 = arith.index_cast %scan3A_265 : i32 to index
      %swap3A_272 = arith.constant 0 : index
      %swap3A_273 = tpu.vector_load %arg9[%swap3A_271, %swap3A_272] {strides = array<i32>} : memref<160x128xf32, #tpu.memory_space<vmem>>, vector<16xf32>,
      tpu.vector_store %arg9[%swap3A_271, %swap3A_272], %mul3A_270 {strides = array<i32>} : memref<160x128xf32, #tpu.memory_space<vmem>>, vector<16xf32>,
      %scan3A_274 = arith.constant 0 : i32
      %scan3A_275 = arith.constant 4 : i32
      %scan3A_276 = arith.addi %scan3A_232, %scan3A_275 : i32
      %get3A_277 = arith.index_cast %scan3A_276 : i32 to index
      %get3A_278 = arith.constant 0 : index
      %get3A_279 = tpu.vector_load %arg9[%get3A_277, %get3A_278] {strides = array<i32>} : memref<160x128xf32, #tpu.memory_space<vmem>>, vector<16xf32>,
      %mul3A_280 = vector.broadcast %squeeze3A : f32 to vector<16xf32>
      %mul3A_281 = arith.mulf %get3A_279, %mul3A_280 : vector<16xf32>
      %swap3A_282 = arith.index_cast %scan3A_276 : i32 to index
      %swap3A_283 = arith.constant 0 : index
      %swap3A_284 = tpu.vector_load %arg9[%swap3A_282, %swap3A_283] {strides = array<i32>} : memref<160x128xf32, #tpu.memory_space<vmem>>, vector<16xf32>,
      tpu.vector_store %arg9[%swap3A_282, %swap3A_283], %mul3A_281 {strides = array<i32>} : memref<160x128xf32, #tpu.memory_space<vmem>>, vector<16xf32>,
      %scan3A_285 = arith.constant 0 : i32
      %scan3A_286 = arith.constant 5 : i32
      %scan3A_287 = arith.addi %scan3A_232, %scan3A_286 : i32
      %get3A_288 = arith.index_cast %scan3A_287 : i32 to index
      %get3A_289 = arith.constant 0 : index
      %get3A_290 = tpu.vector_load %arg9[%get3A_288, %get3A_289] {strides = array<i32>} : memref<160x128xf32, #tpu.memory_space<vmem>>, vector<16xf32>,
      %mul3A_291 = vector.broadcast %squeeze3A : f32 to vector<16xf32>
      %mul3A_292 = arith.mulf %get3A_290, %mul3A_291 : vector<16xf32>
      %swap3A_293 = arith.index_cast %scan3A_287 : i32 to index
      %swap3A_294 = arith.constant 0 : index
      %swap3A_295 = tpu.vector_load %arg9[%swap3A_293, %swap3A_294] {strides = array<i32>} : memref<160x128xf32, #tpu.memory_space<vmem>>, vector<16xf32>,
      tpu.vector_store %arg9[%swap3A_293, %swap3A_294], %mul3A_292 {strides = array<i32>} : memref<160x128xf32, #tpu.memory_space<vmem>>, vector<16xf32>,
      %scan3A_296 = arith.constant 0 : i32
      %scan3A_297 = arith.constant 6 : i32
      %scan3A_298 = arith.addi %scan3A_232, %scan3A_297 : i32
      %get3A_299 = arith.index_cast %scan3A_298 : i32 to index
      %get3A_300 = arith.constant 0 : index
      %get3A_301 = tpu.vector_load %arg9[%get3A_299, %get3A_300] {strides = array<i32>} : memref<160x128xf32, #tpu.memory_space<vmem>>, vector<16xf32>,
      %mul3A_302 = vector.broadcast %squeeze3A : f32 to vector<16xf32>
      %mul3A_303 = arith.mulf %get3A_301, %mul3A_302 : vector<16xf32>
      %swap3A_304 = arith.index_cast %scan3A_298 : i32 to index
      %swap3A_305 = arith.constant 0 : index
      %swap3A_306 = tpu.vector_load %arg9[%swap3A_304, %swap3A_305] {strides = array<i32>} : memref<160x128xf32, #tpu.memory_space<vmem>>, vector<16xf32>,
      tpu.vector_store %arg9[%swap3A_304, %swap3A_305], %mul3A_303 {strides = array<i32>} : memref<160x128xf32, #tpu.memory_space<vmem>>, vector<16xf32>,
      %scan3A_307 = arith.constant 0 : i32
      %scan3A_308 = arith.constant 7 : i32
      %scan3A_309 = arith.addi %scan3A_232, %scan3A_308 : i32
      %get3A_310 = arith.index_cast %scan3A_309 : i32 to index
      %get3A_311 = arith.constant 0 : index
      %get3A_312 = tpu.vector_load %arg9[%get3A_310, %get3A_311] {strides = array<i32>} : memref<160x128xf32, #tpu.memory_space<vmem>>, vector<16xf32>,
      %mul3A_313 = vector.broadcast %squeeze3A : f32 to vector<16xf32>
      %mul3A_314 = arith.mulf %get3A_312, %mul3A_313 : vector<16xf32>
      %swap3A_315 = arith.index_cast %scan3A_309 : i32 to index
      %swap3A_316 = arith.constant 0 : index
      %swap3A_317 = tpu.vector_load %arg9[%swap3A_315, %swap3A_316] {strides = array<i32>} : memref<160x128xf32, #tpu.memory_space<vmem>>, vector<16xf32>,
      tpu.vector_store %arg9[%swap3A_315, %swap3A_316], %mul3A_314 {strides = array<i32>} : memref<160x128xf32, #tpu.memory_space<vmem>>, vector<16xf32>,
      %scan3A_318 = arith.constant 0 : i32
      scf.yield %scan3A_318 : i32
    }
    %scan3A_164 = arith.constant 160 : i32
    %scan3A_165 = arith.constant 0 : i32
    %scan3A_166 = arith.constant 0 : i32
    %scan3A_167 = arith.constant 160 : i32
    %scan3A_168 = arith.addi %scan3A_166, %scan3A_167 : i32
    %scan3A_169 = arith.constant 8 : i32
    %scan3A_170 = scf.for %scan3A_232 = %scan3A_166 to %scan3A_168 step %scan3A_169 iter_args(%scan3A_233 = %scan3A_165) -> (i32)  : i32 {
      %get3A_234 = arith.index_cast %scan3A_232 : i32 to index
      %get3A_235 = arith.constant 16 : index
      %get3A_236 = tpu.vector_load %arg9[%get3A_234, %get3A_235] {strides = array<i32>} : memref<160x128xf32, #tpu.memory_space<vmem>>, vector<16xf32>,
      %mul3A_237 = vector.broadcast %squeeze3A : f32 to vector<16xf32>
      %mul3A_238 = arith.mulf %get3A_236, %mul3A_237 : vector<16xf32>
      %swap3A = arith.index_cast %scan3A_232 : i32 to index
      %swap3A_239 = arith.constant 16 : index
      %swap3A_240 = tpu.vector_load %arg9[%swap3A, %swap3A_239] {strides = array<i32>} : memref<160x128xf32, #tpu.memory_space<vmem>>, vector<16xf32>,
      tpu.vector_store %arg9[%swap3A, %swap3A_239], %mul3A_238 {strides = array<i32>} : memref<160x128xf32, #tpu.memory_space<vmem>>, vector<16xf32>,
      %scan3A_241 = arith.constant 0 : i32
      %scan3A_242 = arith.constant 1 : i32
      %scan3A_243 = arith.addi %scan3A_232, %scan3A_242 : i32
      %get3A_244 = arith.index_cast %scan3A_243 : i32 to index
      %get3A_245 = arith.constant 16 : index
      %get3A_246 = tpu.vector_load %arg9[%get3A_244, %get3A_245] {strides = array<i32>} : memref<160x128xf32, #tpu.memory_space<vmem>>, vector<16xf32>,
      %mul3A_247 = vector.broadcast %squeeze3A : f32 to vector<16xf32>
      %mul3A_248 = arith.mulf %get3A_246, %mul3A_247 : vector<16xf32>
      %swap3A_249 = arith.index_cast %scan3A_243 : i32 to index
      %swap3A_250 = arith.constant 16 : index
      %swap3A_251 = tpu.vector_load %arg9[%swap3A_249, %swap3A_250] {strides = array<i32>} : memref<160x128xf32, #tpu.memory_space<vmem>>, vector<16xf32>,
      tpu.vector_store %arg9[%swap3A_249, %swap3A_250], %mul3A_248 {strides = array<i32>} : memref<160x128xf32, #tpu.memory_space<vmem>>, vector<16xf32>,
      %scan3A_252 = arith.constant 0 : i32
      %scan3A_253 = arith.constant 2 : i32
      %scan3A_254 = arith.addi %scan3A_232, %scan3A_253 : i32
      %get3A_255 = arith.index_cast %scan3A_254 : i32 to index
      %get3A_256 = arith.constant 16 : index
      %get3A_257 = tpu.vector_load %arg9[%get3A_255, %get3A_256] {strides = array<i32>} : memref<160x128xf32, #tpu.memory_space<vmem>>, vector<16xf32>,
      %mul3A_258 = vector.broadcast %squeeze3A : f32 to vector<16xf32>
      %mul3A_259 = arith.mulf %get3A_257, %mul3A_258 : vector<16xf32>
      %swap3A_260 = arith.index_cast %scan3A_254 : i32 to index
      %swap3A_261 = arith.constant 16 : index
      %swap3A_262 = tpu.vector_load %arg9[%swap3A_260, %swap3A_261] {strides = array<i32>} : memref<160x128xf32, #tpu.memory_space<vmem>>, vector<16xf32>,
      tpu.vector_store %arg9[%swap3A_260, %swap3A_261], %mul3A_259 {strides = array<i32>} : memref<160x128xf32, #tpu.memory_space<vmem>>, vector<16xf32>,
      %scan3A_263 = arith.constant 0 : i32
      %scan3A_264 = arith.constant 3 : i32
      %scan3A_265 = arith.addi %scan3A_232, %scan3A_264 : i32
      %get3A_266 = arith.index_cast %scan3A_265 : i32 to index
      %get3A_267 = arith.constant 16 : index
      %get3A_268 = tpu.vector_load %arg9[%get3A_266, %get3A_267] {strides = array<i32>} : memref<160x128xf32, #tpu.memory_space<vmem>>, vector<16xf32>,
      %mul3A_269 = vector.broadcast %squeeze3A : f32 to vector<16xf32>
      %mul3A_270 = arith.mulf %get3A_268, %mul3A_269 : vector<16xf32>
      %swap3A_271 = arith.index_cast %scan3A_265 : i32 to index
      %swap3A_272 = arith.constant 16 : index
      %swap3A_273 = tpu.vector_load %arg9[%swap3A_271, %swap3A_272] {strides = array<i32>} : memref<160x128xf32, #tpu.memory_space<vmem>>, vector<16xf32>,
      tpu.vector_store %arg9[%swap3A_271, %swap3A_272], %mul3A_270 {strides = array<i32>} : memref<160x128xf32, #tpu.memory_space<vmem>>, vector<16xf32>,
      %scan3A_274 = arith.constant 0 : i32
      %scan3A_275 = arith.constant 4 : i32
      %scan3A_276 = arith.addi %scan3A_232, %scan3A_275 : i32
      %get3A_277 = arith.index_cast %scan3A_276 : i32 to index
      %get3A_278 = arith.constant 16 : index
      %get3A_279 = tpu.vector_load %arg9[%get3A_277, %get3A_278] {strides = array<i32>} : memref<160x128xf32, #tpu.memory_space<vmem>>, vector<16xf32>,
      %mul3A_280 = vector.broadcast %squeeze3A : f32 to vector<16xf32>
      %mul3A_281 = arith.mulf %get3A_279, %mul3A_280 : vector<16xf32>
      %swap3A_282 = arith.index_cast %scan3A_276 : i32 to index
      %swap3A_283 = arith.constant 16 : index
      %swap3A_284 = tpu.vector_load %arg9[%swap3A_282, %swap3A_283] {strides = array<i32>} : memref<160x128xf32, #tpu.memory_space<vmem>>, vector<16xf32>,
      tpu.vector_store %arg9[%swap3A_282, %swap3A_283], %mul3A_281 {strides = array<i32>} : memref<160x128xf32, #tpu.memory_space<vmem>>, vector<16xf32>,
      %scan3A_285 = arith.constant 0 : i32
      %scan3A_286 = arith.constant 5 : i32
      %scan3A_287 = arith.addi %scan3A_232, %scan3A_286 : i32
      %get3A_288 = arith.index_cast %scan3A_287 : i32 to index
      %get3A_289 = arith.constant 16 : index
      %get3A_290 = tpu.vector_load %arg9[%get3A_288, %get3A_289] {strides = array<i32>} : memref<160x128xf32, #tpu.memory_space<vmem>>, vector<16xf32>,
      %mul3A_291 = vector.broadcast %squeeze3A : f32 to vector<16xf32>
      %mul3A_292 = arith.mulf %get3A_290, %mul3A_291 : vector<16xf32>
      %swap3A_293 = arith.index_cast %scan3A_287 : i32 to index
      %swap3A_294 = arith.constant 16 : index
      %swap3A_295 = tpu.vector_load %arg9[%swap3A_293, %swap3A_294] {strides = array<i32>} : memref<160x128xf32, #tpu.memory_space<vmem>>, vector<16xf32>,
      tpu.vector_store %arg9[%swap3A_293, %swap3A_294], %mul3A_292 {strides = array<i32>} : memref<160x128xf32, #tpu.memory_space<vmem>>, vector<16xf32>,
      %scan3A_296 = arith.constant 0 : i32
      %scan3A_297 = arith.constant 6 : i32
      %scan3A_298 = arith.addi %scan3A_232, %scan3A_297 : i32
      %get3A_299 = arith.index_cast %scan3A_298 : i32 to index
      %get3A_300 = arith.constant 16 : index
      %get3A_301 = tpu.vector_load %arg9[%get3A_299, %get3A_300] {strides = array<i32>} : memref<160x128xf32, #tpu.memory_space<vmem>>, vector<16xf32>,
      %mul3A_302 = vector.broadcast %squeeze3A : f32 to vector<16xf32>
      %mul3A_303 = arith.mulf %get3A_301, %mul3A_302 : vector<16xf32>
      %swap3A_304 = arith.index_cast %scan3A_298 : i32 to index
      %swap3A_305 = arith.constant 16 : index
      %swap3A_306 = tpu.vector_load %arg9[%swap3A_304, %swap3A_305] {strides = array<i32>} : memref<160x128xf32, #tpu.memory_space<vmem>>, vector<16xf32>,
      tpu.vector_store %arg9[%swap3A_304, %swap3A_305], %mul3A_303 {strides = array<i32>} : memref<160x128xf32, #tpu.memory_space<vmem>>, vector<16xf32>,
      %scan3A_307 = arith.constant 0 : i32
      %scan3A_308 = arith.constant 7 : i32
      %scan3A_309 = arith.addi %scan3A_232, %scan3A_308 : i32
      %get3A_310 = arith.index_cast %scan3A_309 : i32 to index
      %get3A_311 = arith.constant 16 : index
      %get3A_312 = tpu.vector_load %arg9[%get3A_310, %get3A_311] {strides = array<i32>} : memref<160x128xf32, #tpu.memory_space<vmem>>, vector<16xf32>,
      %mul3A_313 = vector.broadcast %squeeze3A : f32 to vector<16xf32>
      %mul3A_314 = arith.mulf %get3A_312, %mul3A_313 : vector<16xf32>
      %swap3A_315 = arith.index_cast %scan3A_309 : i32 to index
      %swap3A_316 = arith.constant 16 : index
      %swap3A_317 = tpu.vector_load %arg9[%swap3A_315, %swap3A_316] {strides = array<i32>} : memref<160x128xf32, #tpu.memory_space<vmem>>, vector<16xf32>,
      tpu.vector_store %arg9[%swap3A_315, %swap3A_316], %mul3A_314 {strides = array<i32>} : memref<160x128xf32, #tpu.memory_space<vmem>>, vector<16xf32>,
      %scan3A_318 = arith.constant 0 : i32
      scf.yield %scan3A_318 : i32
    }
    %scan3A_171 = arith.constant 160 : i32
    %scan3A_172 = arith.constant 0 : i32
    %scan3A_173 = arith.constant 0 : i32
    %scan3A_174 = arith.constant 160 : i32
    %scan3A_175 = arith.addi %scan3A_173, %scan3A_174 : i32
    %scan3A_176 = arith.constant 8 : i32
    %scan3A_177 = scf.for %scan3A_232 = %scan3A_173 to %scan3A_175 step %scan3A_176 iter_args(%scan3A_233 = %scan3A_172) -> (i32)  : i32 {
      %get3A_234 = arith.index_cast %scan3A_232 : i32 to index
      %get3A_235 = arith.constant 32 : index
      %get3A_236 = tpu.vector_load %arg9[%get3A_234, %get3A_235] {strides = array<i32>} : memref<160x128xf32, #tpu.memory_space<vmem>>, vector<16xf32>,
      %mul3A_237 = vector.broadcast %squeeze3A : f32 to vector<16xf32>
      %mul3A_238 = arith.mulf %get3A_236, %mul3A_237 : vector<16xf32>
      %swap3A = arith.index_cast %scan3A_232 : i32 to index
      %swap3A_239 = arith.constant 32 : index
      %swap3A_240 = tpu.vector_load %arg9[%swap3A, %swap3A_239] {strides = array<i32>} : memref<160x128xf32, #tpu.memory_space<vmem>>, vector<16xf32>,
      tpu.vector_store %arg9[%swap3A, %swap3A_239], %mul3A_238 {strides = array<i32>} : memref<160x128xf32, #tpu.memory_space<vmem>>, vector<16xf32>,
      %scan3A_241 = arith.constant 0 : i32
      %scan3A_242 = arith.constant 1 : i32
      %scan3A_243 = arith.addi %scan3A_232, %scan3A_242 : i32
      %get3A_244 = arith.index_cast %scan3A_243 : i32 to index
      %get3A_245 = arith.constant 32 : index
      %get3A_246 = tpu.vector_load %arg9[%get3A_244, %get3A_245] {strides = array<i32>} : memref<160x128xf32, #tpu.memory_space<vmem>>, vector<16xf32>,
      %mul3A_247 = vector.broadcast %squeeze3A : f32 to vector<16xf32>
      %mul3A_248 = arith.mulf %get3A_246, %mul3A_247 : vector<16xf32>
      %swap3A_249 = arith.index_cast %scan3A_243 : i32 to index
      %swap3A_250 = arith.constant 32 : index
      %swap3A_251 = tpu.vector_load %arg9[%swap3A_249, %swap3A_250] {strides = array<i32>} : memref<160x128xf32, #tpu.memory_space<vmem>>, vector<16xf32>,
      tpu.vector_store %arg9[%swap3A_249, %swap3A_250], %mul3A_248 {strides = array<i32>} : memref<160x128xf32, #tpu.memory_space<vmem>>, vector<16xf32>,
      %scan3A_252 = arith.constant 0 : i32
      %scan3A_253 = arith.constant 2 : i32
      %scan3A_254 = arith.addi %scan3A_232, %scan3A_253 : i32
      %get3A_255 = arith.index_cast %scan3A_254 : i32 to index
      %get3A_256 = arith.constant 32 : index
      %get3A_257 = tpu.vector_load %arg9[%get3A_255, %get3A_256] {strides = array<i32>} : memref<160x128xf32, #tpu.memory_space<vmem>>, vector<16xf32>,
      %mul3A_258 = vector.broadcast %squeeze3A : f32 to vector<16xf32>
      %mul3A_259 = arith.mulf %get3A_257, %mul3A_258 : vector<16xf32>
      %swap3A_260 = arith.index_cast %scan3A_254 : i32 to index
      %swap3A_261 = arith.constant 32 : index
      %swap3A_262 = tpu.vector_load %arg9[%swap3A_260, %swap3A_261] {strides = array<i32>} : memref<160x128xf32, #tpu.memory_space<vmem>>, vector<16xf32>,
      tpu.vector_store %arg9[%swap3A_260, %swap3A_261], %mul3A_259 {strides = array<i32>} : memref<160x128xf32, #tpu.memory_space<vmem>>, vector<16xf32>,
      %scan3A_263 = arith.constant 0 : i32
      %scan3A_264 = arith.constant 3 : i32
      %scan3A_265 = arith.addi %scan3A_232, %scan3A_264 : i32
      %get3A_266 = arith.index_cast %scan3A_265 : i32 to index
      %get3A_267 = arith.constant 32 : index
      %get3A_268 = tpu.vector_load %arg9[%get3A_266, %get3A_267] {strides = array<i32>} : memref<160x128xf32, #tpu.memory_space<vmem>>, vector<16xf32>,
      %mul3A_269 = vector.broadcast %squeeze3A : f32 to vector<16xf32>
      %mul3A_270 = arith.mulf %get3A_268, %mul3A_269 : vector<16xf32>
      %swap3A_271 = arith.index_cast %scan3A_265 : i32 to index
      %swap3A_272 = arith.constant 32 : index
      %swap3A_273 = tpu.vector_load %arg9[%swap3A_271, %swap3A_272] {strides = array<i32>} : memref<160x128xf32, #tpu.memory_space<vmem>>, vector<16xf32>,
      tpu.vector_store %arg9[%swap3A_271, %swap3A_272], %mul3A_270 {strides = array<i32>} : memref<160x128xf32, #tpu.memory_space<vmem>>, vector<16xf32>,
      %scan3A_274 = arith.constant 0 : i32
      %scan3A_275 = arith.constant 4 : i32
      %scan3A_276 = arith.addi %scan3A_232, %scan3A_275 : i32
      %get3A_277 = arith.index_cast %scan3A_276 : i32 to index
      %get3A_278 = arith.constant 32 : index
      %get3A_279 = tpu.vector_load %arg9[%get3A_277, %get3A_278] {strides = array<i32>} : memref<160x128xf32, #tpu.memory_space<vmem>>, vector<16xf32>,
      %mul3A_280 = vector.broadcast %squeeze3A : f32 to vector<16xf32>
      %mul3A_281 = arith.mulf %get3A_279, %mul3A_280 : vector<16xf32>
      %swap3A_282 = arith.index_cast %scan3A_276 : i32 to index
      %swap3A_283 = arith.constant 32 : index
      %swap3A_284 = tpu.vector_load %arg9[%swap3A_282, %swap3A_283] {strides = array<i32>} : memref<160x128xf32, #tpu.memory_space<vmem>>, vector<16xf32>,
      tpu.vector_store %arg9[%swap3A_282, %swap3A_283], %mul3A_281 {strides = array<i32>} : memref<160x128xf32, #tpu.memory_space<vmem>>, vector<16xf32>,
      %scan3A_285 = arith.constant 0 : i32
      %scan3A_286 = arith.constant 5 : i32
      %scan3A_287 = arith.addi %scan3A_232, %scan3A_286 : i32
      %get3A_288 = arith.index_cast %scan3A_287 : i32 to index
      %get3A_289 = arith.constant 32 : index
      %get3A_290 = tpu.vector_load %arg9[%get3A_288, %get3A_289] {strides = array<i32>} : memref<160x128xf32, #tpu.memory_space<vmem>>, vector<16xf32>,
      %mul3A_291 = vector.broadcast %squeeze3A : f32 to vector<16xf32>
      %mul3A_292 = arith.mulf %get3A_290, %mul3A_291 : vector<16xf32>
      %swap3A_293 = arith.index_cast %scan3A_287 : i32 to index
      %swap3A_294 = arith.constant 32 : index
      %swap3A_295 = tpu.vector_load %arg9[%swap3A_293, %swap3A_294] {strides = array<i32>} : memref<160x128xf32, #tpu.memory_space<vmem>>, vector<16xf32>,
      tpu.vector_store %arg9[%swap3A_293, %swap3A_294], %mul3A_292 {strides = array<i32>} : memref<160x128xf32, #tpu.memory_space<vmem>>, vector<16xf32>,
      %scan3A_296 = arith.constant 0 : i32
      %scan3A_297 = arith.constant 6 : i32
      %scan3A_298 = arith.addi %scan3A_232, %scan3A_297 : i32
      %get3A_299 = arith.index_cast %scan3A_298 : i32 to index
      %get3A_300 = arith.constant 32 : index
      %get3A_301 = tpu.vector_load %arg9[%get3A_299, %get3A_300] {strides = array<i32>} : memref<160x128xf32, #tpu.memory_space<vmem>>, vector<16xf32>,
      %mul3A_302 = vector.broadcast %squeeze3A : f32 to vector<16xf32>
      %mul3A_303 = arith.mulf %get3A_301, %mul3A_302 : vector<16xf32>
      %swap3A_304 = arith.index_cast %scan3A_298 : i32 to index
      %swap3A_305 = arith.constant 32 : index
      %swap3A_306 = tpu.vector_load %arg9[%swap3A_304, %swap3A_305] {strides = array<i32>} : memref<160x128xf32, #tpu.memory_space<vmem>>, vector<16xf32>,
      tpu.vector_store %arg9[%swap3A_304, %swap3A_305], %mul3A_303 {strides = array<i32>} : memref<160x128xf32, #tpu.memory_space<vmem>>, vector<16xf32>,
      %scan3A_307 = arith.constant 0 : i32
      %scan3A_308 = arith.constant 7 : i32
      %scan3A_309 = arith.addi %scan3A_232, %scan3A_308 : i32
      %get3A_310 = arith.index_cast %scan3A_309 : i32 to index
      %get3A_311 = arith.constant 32 : index
      %get3A_312 = tpu.vector_load %arg9[%get3A_310, %get3A_311] {strides = array<i32>} : memref<160x128xf32, #tpu.memory_space<vmem>>, vector<16xf32>,
      %mul3A_313 = vector.broadcast %squeeze3A : f32 to vector<16xf32>
      %mul3A_314 = arith.mulf %get3A_312, %mul3A_313 : vector<16xf32>
      %swap3A_315 = arith.index_cast %scan3A_309 : i32 to index
      %swap3A_316 = arith.constant 32 : index
      %swap3A_317 = tpu.vector_load %arg9[%swap3A_315, %swap3A_316] {strides = array<i32>} : memref<160x128xf32, #tpu.memory_space<vmem>>, vector<16xf32>,
      tpu.vector_store %arg9[%swap3A_315, %swap3A_316], %mul3A_314 {strides = array<i32>} : memref<160x128xf32, #tpu.memory_space<vmem>>, vector<16xf32>,
      %scan3A_318 = arith.constant 0 : i32
      scf.yield %scan3A_318 : i32
    }
    %scan3A_178 = arith.constant 160 : i32
    %scan3A_179 = arith.constant 0 : i32
    %scan3A_180 = arith.constant 0 : i32
    %scan3A_181 = arith.constant 160 : i32
    %scan3A_182 = arith.addi %scan3A_180, %scan3A_181 : i32
    %scan3A_183 = arith.constant 8 : i32
    %scan3A_184 = scf.for %scan3A_232 = %scan3A_180 to %scan3A_182 step %scan3A_183 iter_args(%scan3A_233 = %scan3A_179) -> (i32)  : i32 {
      %get3A_234 = arith.index_cast %scan3A_232 : i32 to index
      %get3A_235 = arith.constant 48 : index
      %get3A_236 = tpu.vector_load %arg9[%get3A_234, %get3A_235] {strides = array<i32>} : memref<160x128xf32, #tpu.memory_space<vmem>>, vector<16xf32>,
      %mul3A_237 = vector.broadcast %squeeze3A : f32 to vector<16xf32>
      %mul3A_238 = arith.mulf %get3A_236, %mul3A_237 : vector<16xf32>
      %swap3A = arith.index_cast %scan3A_232 : i32 to index
      %swap3A_239 = arith.constant 48 : index
      %swap3A_240 = tpu.vector_load %arg9[%swap3A, %swap3A_239] {strides = array<i32>} : memref<160x128xf32, #tpu.memory_space<vmem>>, vector<16xf32>,
      tpu.vector_store %arg9[%swap3A, %swap3A_239], %mul3A_238 {strides = array<i32>} : memref<160x128xf32, #tpu.memory_space<vmem>>, vector<16xf32>,
      %scan3A_241 = arith.constant 0 : i32
      %scan3A_242 = arith.constant 1 : i32
      %scan3A_243 = arith.addi %scan3A_232, %scan3A_242 : i32
      %get3A_244 = arith.index_cast %scan3A_243 : i32 to index
      %get3A_245 = arith.constant 48 : index
      %get3A_246 = tpu.vector_load %arg9[%get3A_244, %get3A_245] {strides = array<i32>} : memref<160x128xf32, #tpu.memory_space<vmem>>, vector<16xf32>,
      %mul3A_247 = vector.broadcast %squeeze3A : f32 to vector<16xf32>
      %mul3A_248 = arith.mulf %get3A_246, %mul3A_247 : vector<16xf32>
      %swap3A_249 = arith.index_cast %scan3A_243 : i32 to index
      %swap3A_250 = arith.constant 48 : index
      %swap3A_251 = tpu.vector_load %arg9[%swap3A_249, %swap3A_250] {strides = array<i32>} : memref<160x128xf32, #tpu.memory_space<vmem>>, vector<16xf32>,
      tpu.vector_store %arg9[%swap3A_249, %swap3A_250], %mul3A_248 {strides = array<i32>} : memref<160x128xf32, #tpu.memory_space<vmem>>, vector<16xf32>,
      %scan3A_252 = arith.constant 0 : i32
      %scan3A_253 = arith.constant 2 : i32
      %scan3A_254 = arith.addi %scan3A_232, %scan3A_253 : i32
      %get3A_255 = arith.index_cast %scan3A_254 : i32 to index
      %get3A_256 = arith.constant 48 : index
      %get3A_257 = tpu.vector_load %arg9[%get3A_255, %get3A_256] {strides = array<i32>} : memref<160x128xf32, #tpu.memory_space<vmem>>, vector<16xf32>,
      %mul3A_258 = vector.broadcast %squeeze3A : f32 to vector<16xf32>
      %mul3A_259 = arith.mulf %get3A_257, %mul3A_258 : vector<16xf32>
      %swap3A_260 = arith.index_cast %scan3A_254 : i32 to index
      %swap3A_261 = arith.constant 48 : index
      %swap3A_262 = tpu.vector_load %arg9[%swap3A_260, %swap3A_261] {strides = array<i32>} : memref<160x128xf32, #tpu.memory_space<vmem>>, vector<16xf32>,
      tpu.vector_store %arg9[%swap3A_260, %swap3A_261], %mul3A_259 {strides = array<i32>} : memref<160x128xf32, #tpu.memory_space<vmem>>, vector<16xf32>,
      %scan3A_263 = arith.constant 0 : i32
      %scan3A_264 = arith.constant 3 : i32
      %scan3A_265 = arith.addi %scan3A_232, %scan3A_264 : i32
      %get3A_266 = arith.index_cast %scan3A_265 : i32 to index
      %get3A_267 = arith.constant 48 : index
      %get3A_268 = tpu.vector_load %arg9[%get3A_266, %get3A_267] {strides = array<i32>} : memref<160x128xf32, #tpu.memory_space<vmem>>, vector<16xf32>,
      %mul3A_269 = vector.broadcast %squeeze3A : f32 to vector<16xf32>
      %mul3A_270 = arith.mulf %get3A_268, %mul3A_269 : vector<16xf32>
      %swap3A_271 = arith.index_cast %scan3A_265 : i32 to index
      %swap3A_272 = arith.constant 48 : index
      %swap3A_273 = tpu.vector_load %arg9[%swap3A_271, %swap3A_272] {strides = array<i32>} : memref<160x128xf32, #tpu.memory_space<vmem>>, vector<16xf32>,
      tpu.vector_store %arg9[%swap3A_271, %swap3A_272], %mul3A_270 {strides = array<i32>} : memref<160x128xf32, #tpu.memory_space<vmem>>, vector<16xf32>,
      %scan3A_274 = arith.constant 0 : i32
      %scan3A_275 = arith.constant 4 : i32
      %scan3A_276 = arith.addi %scan3A_232, %scan3A_275 : i32
      %get3A_277 = arith.index_cast %scan3A_276 : i32 to index
      %get3A_278 = arith.constant 48 : index
      %get3A_279 = tpu.vector_load %arg9[%get3A_277, %get3A_278] {strides = array<i32>} : memref<160x128xf32, #tpu.memory_space<vmem>>, vector<16xf32>,
      %mul3A_280 = vector.broadcast %squeeze3A : f32 to vector<16xf32>
      %mul3A_281 = arith.mulf %get3A_279, %mul3A_280 : vector<16xf32>
      %swap3A_282 = arith.index_cast %scan3A_276 : i32 to index
      %swap3A_283 = arith.constant 48 : index
      %swap3A_284 = tpu.vector_load %arg9[%swap3A_282, %swap3A_283] {strides = array<i32>} : memref<160x128xf32, #tpu.memory_space<vmem>>, vector<16xf32>,
      tpu.vector_store %arg9[%swap3A_282, %swap3A_283], %mul3A_281 {strides = array<i32>} : memref<160x128xf32, #tpu.memory_space<vmem>>, vector<16xf32>,
      %scan3A_285 = arith.constant 0 : i32
      %scan3A_286 = arith.constant 5 : i32
      %scan3A_287 = arith.addi %scan3A_232, %scan3A_286 : i32
      %get3A_288 = arith.index_cast %scan3A_287 : i32 to index
      %get3A_289 = arith.constant 48 : index
      %get3A_290 = tpu.vector_load %arg9[%get3A_288, %get3A_289] {strides = array<i32>} : memref<160x128xf32, #tpu.memory_space<vmem>>, vector<16xf32>,
      %mul3A_291 = vector.broadcast %squeeze3A : f32 to vector<16xf32>
      %mul3A_292 = arith.mulf %get3A_290, %mul3A_291 : vector<16xf32>
      %swap3A_293 = arith.index_cast %scan3A_287 : i32 to index
      %swap3A_294 = arith.constant 48 : index
      %swap3A_295 = tpu.vector_load %arg9[%swap3A_293, %swap3A_294] {strides = array<i32>} : memref<160x128xf32, #tpu.memory_space<vmem>>, vector<16xf32>,
      tpu.vector_store %arg9[%swap3A_293, %swap3A_294], %mul3A_292 {strides = array<i32>} : memref<160x128xf32, #tpu.memory_space<vmem>>, vector<16xf32>,
      %scan3A_296 = arith.constant 0 : i32
      %scan3A_297 = arith.constant 6 : i32
      %scan3A_298 = arith.addi %scan3A_232, %scan3A_297 : i32
      %get3A_299 = arith.index_cast %scan3A_298 : i32 to index
      %get3A_300 = arith.constant 48 : index
      %get3A_301 = tpu.vector_load %arg9[%get3A_299, %get3A_300] {strides = array<i32>} : memref<160x128xf32, #tpu.memory_space<vmem>>, vector<16xf32>,
      %mul3A_302 = vector.broadcast %squeeze3A : f32 to vector<16xf32>
      %mul3A_303 = arith.mulf %get3A_301, %mul3A_302 : vector<16xf32>
      %swap3A_304 = arith.index_cast %scan3A_298 : i32 to index
      %swap3A_305 = arith.constant 48 : index
      %swap3A_306 = tpu.vector_load %arg9[%swap3A_304, %swap3A_305] {strides = array<i32>} : memref<160x128xf32, #tpu.memory_space<vmem>>, vector<16xf32>,
      tpu.vector_store %arg9[%swap3A_304, %swap3A_305], %mul3A_303 {strides = array<i32>} : memref<160x128xf32, #tpu.memory_space<vmem>>, vector<16xf32>,
      %scan3A_307 = arith.constant 0 : i32
      %scan3A_308 = arith.constant 7 : i32
      %scan3A_309 = arith.addi %scan3A_232, %scan3A_308 : i32
      %get3A_310 = arith.index_cast %scan3A_309 : i32 to index
      %get3A_311 = arith.constant 48 : index
      %get3A_312 = tpu.vector_load %arg9[%get3A_310, %get3A_311] {strides = array<i32>} : memref<160x128xf32, #tpu.memory_space<vmem>>, vector<16xf32>,
      %mul3A_313 = vector.broadcast %squeeze3A : f32 to vector<16xf32>
      %mul3A_314 = arith.mulf %get3A_312, %mul3A_313 : vector<16xf32>
      %swap3A_315 = arith.index_cast %scan3A_309 : i32 to index
      %swap3A_316 = arith.constant 48 : index
      %swap3A_317 = tpu.vector_load %arg9[%swap3A_315, %swap3A_316] {strides = array<i32>} : memref<160x128xf32, #tpu.memory_space<vmem>>, vector<16xf32>,
      tpu.vector_store %arg9[%swap3A_315, %swap3A_316], %mul3A_314 {strides = array<i32>} : memref<160x128xf32, #tpu.memory_space<vmem>>, vector<16xf32>,
      %scan3A_318 = arith.constant 0 : i32
      scf.yield %scan3A_318 : i32
    }
    %scan3A_185 = arith.constant 160 : i32
    %scan3A_186 = arith.constant 0 : i32
    %scan3A_187 = arith.constant 0 : i32
    %scan3A_188 = arith.constant 160 : i32
    %scan3A_189 = arith.addi %scan3A_187, %scan3A_188 : i32
    %scan3A_190 = arith.constant 8 : i32
    %scan3A_191 = scf.for %scan3A_232 = %scan3A_187 to %scan3A_189 step %scan3A_190 iter_args(%scan3A_233 = %scan3A_186) -> (i32)  : i32 {
      %get3A_234 = arith.index_cast %scan3A_232 : i32 to index
      %get3A_235 = arith.constant 64 : index
      %get3A_236 = tpu.vector_load %arg9[%get3A_234, %get3A_235] {strides = array<i32>} : memref<160x128xf32, #tpu.memory_space<vmem>>, vector<16xf32>,
      %mul3A_237 = vector.broadcast %squeeze3A : f32 to vector<16xf32>
      %mul3A_238 = arith.mulf %get3A_236, %mul3A_237 : vector<16xf32>
      %swap3A = arith.index_cast %scan3A_232 : i32 to index
      %swap3A_239 = arith.constant 64 : index
      %swap3A_240 = tpu.vector_load %arg9[%swap3A, %swap3A_239] {strides = array<i32>} : memref<160x128xf32, #tpu.memory_space<vmem>>, vector<16xf32>,
      tpu.vector_store %arg9[%swap3A, %swap3A_239], %mul3A_238 {strides = array<i32>} : memref<160x128xf32, #tpu.memory_space<vmem>>, vector<16xf32>,
      %scan3A_241 = arith.constant 0 : i32
      %scan3A_242 = arith.constant 1 : i32
      %scan3A_243 = arith.addi %scan3A_232, %scan3A_242 : i32
      %get3A_244 = arith.index_cast %scan3A_243 : i32 to index
      %get3A_245 = arith.constant 64 : index
      %get3A_246 = tpu.vector_load %arg9[%get3A_244, %get3A_245] {strides = array<i32>} : memref<160x128xf32, #tpu.memory_space<vmem>>, vector<16xf32>,
      %mul3A_247 = vector.broadcast %squeeze3A : f32 to vector<16xf32>
      %mul3A_248 = arith.mulf %get3A_246, %mul3A_247 : vector<16xf32>
      %swap3A_249 = arith.index_cast %scan3A_243 : i32 to index
      %swap3A_250 = arith.constant 64 : index
      %swap3A_251 = tpu.vector_load %arg9[%swap3A_249, %swap3A_250] {strides = array<i32>} : memref<160x128xf32, #tpu.memory_space<vmem>>, vector<16xf32>,
      tpu.vector_store %arg9[%swap3A_249, %swap3A_250], %mul3A_248 {strides = array<i32>} : memref<160x128xf32, #tpu.memory_space<vmem>>, vector<16xf32>,
      %scan3A_252 = arith.constant 0 : i32
      %scan3A_253 = arith.constant 2 : i32
      %scan3A_254 = arith.addi %scan3A_232, %scan3A_253 : i32
      %get3A_255 = arith.index_cast %scan3A_254 : i32 to index
      %get3A_256 = arith.constant 64 : index
      %get3A_257 = tpu.vector_load %arg9[%get3A_255, %get3A_256] {strides = array<i32>} : memref<160x128xf32, #tpu.memory_space<vmem>>, vector<16xf32>,
      %mul3A_258 = vector.broadcast %squeeze3A : f32 to vector<16xf32>
      %mul3A_259 = arith.mulf %get3A_257, %mul3A_258 : vector<16xf32>
      %swap3A_260 = arith.index_cast %scan3A_254 : i32 to index
      %swap3A_261 = arith.constant 64 : index
      %swap3A_262 = tpu.vector_load %arg9[%swap3A_260, %swap3A_261] {strides = array<i32>} : memref<160x128xf32, #tpu.memory_space<vmem>>, vector<16xf32>,
      tpu.vector_store %arg9[%swap3A_260, %swap3A_261], %mul3A_259 {strides = array<i32>} : memref<160x128xf32, #tpu.memory_space<vmem>>, vector<16xf32>,
      %scan3A_263 = arith.constant 0 : i32
      %scan3A_264 = arith.constant 3 : i32
      %scan3A_265 = arith.addi %scan3A_232, %scan3A_264 : i32
      %get3A_266 = arith.index_cast %scan3A_265 : i32 to index
      %get3A_267 = arith.constant 64 : index
      %get3A_268 = tpu.vector_load %arg9[%get3A_266, %get3A_267] {strides = array<i32>} : memref<160x128xf32, #tpu.memory_space<vmem>>, vector<16xf32>,
      %mul3A_269 = vector.broadcast %squeeze3A : f32 to vector<16xf32>
      %mul3A_270 = arith.mulf %get3A_268, %mul3A_269 : vector<16xf32>
      %swap3A_271 = arith.index_cast %scan3A_265 : i32 to index
      %swap3A_272 = arith.constant 64 : index
      %swap3A_273 = tpu.vector_load %arg9[%swap3A_271, %swap3A_272] {strides = array<i32>} : memref<160x128xf32, #tpu.memory_space<vmem>>, vector<16xf32>,
      tpu.vector_store %arg9[%swap3A_271, %swap3A_272], %mul3A_270 {strides = array<i32>} : memref<160x128xf32, #tpu.memory_space<vmem>>, vector<16xf32>,
      %scan3A_274 = arith.constant 0 : i32
      %scan3A_275 = arith.constant 4 : i32
      %scan3A_276 = arith.addi %scan3A_232, %scan3A_275 : i32
      %get3A_277 = arith.index_cast %scan3A_276 : i32 to index
      %get3A_278 = arith.constant 64 : index
      %get3A_279 = tpu.vector_load %arg9[%get3A_277, %get3A_278] {strides = array<i32>} : memref<160x128xf32, #tpu.memory_space<vmem>>, vector<16xf32>,
      %mul3A_280 = vector.broadcast %squeeze3A : f32 to vector<16xf32>
      %mul3A_281 = arith.mulf %get3A_279, %mul3A_280 : vector<16xf32>
      %swap3A_282 = arith.index_cast %scan3A_276 : i32 to index
      %swap3A_283 = arith.constant 64 : index
      %swap3A_284 = tpu.vector_load %arg9[%swap3A_282, %swap3A_283] {strides = array<i32>} : memref<160x128xf32, #tpu.memory_space<vmem>>, vector<16xf32>,
      tpu.vector_store %arg9[%swap3A_282, %swap3A_283], %mul3A_281 {strides = array<i32>} : memref<160x128xf32, #tpu.memory_space<vmem>>, vector<16xf32>,
      %scan3A_285 = arith.constant 0 : i32
      %scan3A_286 = arith.constant 5 : i32
      %scan3A_287 = arith.addi %scan3A_232, %scan3A_286 : i32
      %get3A_288 = arith.index_cast %scan3A_287 : i32 to index
      %get3A_289 = arith.constant 64 : index
      %get3A_290 = tpu.vector_load %arg9[%get3A_288, %get3A_289] {strides = array<i32>} : memref<160x128xf32, #tpu.memory_space<vmem>>, vector<16xf32>,
      %mul3A_291 = vector.broadcast %squeeze3A : f32 to vector<16xf32>
      %mul3A_292 = arith.mulf %get3A_290, %mul3A_291 : vector<16xf32>
      %swap3A_293 = arith.index_cast %scan3A_287 : i32 to index
      %swap3A_294 = arith.constant 64 : index
      %swap3A_295 = tpu.vector_load %arg9[%swap3A_293, %swap3A_294] {strides = array<i32>} : memref<160x128xf32, #tpu.memory_space<vmem>>, vector<16xf32>,
      tpu.vector_store %arg9[%swap3A_293, %swap3A_294], %mul3A_292 {strides = array<i32>} : memref<160x128xf32, #tpu.memory_space<vmem>>, vector<16xf32>,
      %scan3A_296 = arith.constant 0 : i32
      %scan3A_297 = arith.constant 6 : i32
      %scan3A_298 = arith.addi %scan3A_232, %scan3A_297 : i32
      %get3A_299 = arith.index_cast %scan3A_298 : i32 to index
      %get3A_300 = arith.constant 64 : index
      %get3A_301 = tpu.vector_load %arg9[%get3A_299, %get3A_300] {strides = array<i32>} : memref<160x128xf32, #tpu.memory_space<vmem>>, vector<16xf32>,
      %mul3A_302 = vector.broadcast %squeeze3A : f32 to vector<16xf32>
      %mul3A_303 = arith.mulf %get3A_301, %mul3A_302 : vector<16xf32>
      %swap3A_304 = arith.index_cast %scan3A_298 : i32 to index
      %swap3A_305 = arith.constant 64 : index
      %swap3A_306 = tpu.vector_load %arg9[%swap3A_304, %swap3A_305] {strides = array<i32>} : memref<160x128xf32, #tpu.memory_space<vmem>>, vector<16xf32>,
      tpu.vector_store %arg9[%swap3A_304, %swap3A_305], %mul3A_303 {strides = array<i32>} : memref<160x128xf32, #tpu.memory_space<vmem>>, vector<16xf32>,
      %scan3A_307 = arith.constant 0 : i32
      %scan3A_308 = arith.constant 7 : i32
      %scan3A_309 = arith.addi %scan3A_232, %scan3A_308 : i32
      %get3A_310 = arith.index_cast %scan3A_309 : i32 to index
      %get3A_311 = arith.constant 64 : index
      %get3A_312 = tpu.vector_load %arg9[%get3A_310, %get3A_311] {strides = array<i32>} : memref<160x128xf32, #tpu.memory_space<vmem>>, vector<16xf32>,
      %mul3A_313 = vector.broadcast %squeeze3A : f32 to vector<16xf32>
      %mul3A_314 = arith.mulf %get3A_312, %mul3A_313 : vector<16xf32>
      %swap3A_315 = arith.index_cast %scan3A_309 : i32 to index
      %swap3A_316 = arith.constant 64 : index
      %swap3A_317 = tpu.vector_load %arg9[%swap3A_315, %swap3A_316] {strides = array<i32>} : memref<160x128xf32, #tpu.memory_space<vmem>>, vector<16xf32>,
      tpu.vector_store %arg9[%swap3A_315, %swap3A_316], %mul3A_314 {strides = array<i32>} : memref<160x128xf32, #tpu.memory_space<vmem>>, vector<16xf32>,
      %scan3A_318 = arith.constant 0 : i32
      scf.yield %scan3A_318 : i32
    }
    %scan3A_192 = arith.constant 160 : i32
    %scan3A_193 = arith.constant 0 : i32
    %scan3A_194 = arith.constant 0 : i32
    %scan3A_195 = arith.constant 160 : i32
    %scan3A_196 = arith.addi %scan3A_194, %scan3A_195 : i32
    %scan3A_197 = arith.constant 8 : i32
    %scan3A_198 = scf.for %scan3A_232 = %scan3A_194 to %scan3A_196 step %scan3A_197 iter_args(%scan3A_233 = %scan3A_193) -> (i32)  : i32 {
      %get3A_234 = arith.index_cast %scan3A_232 : i32 to index
      %get3A_235 = arith.constant 80 : index
      %get3A_236 = tpu.vector_load %arg9[%get3A_234, %get3A_235] {strides = array<i32>} : memref<160x128xf32, #tpu.memory_space<vmem>>, vector<16xf32>,
      %mul3A_237 = vector.broadcast %squeeze3A : f32 to vector<16xf32>
      %mul3A_238 = arith.mulf %get3A_236, %mul3A_237 : vector<16xf32>
      %swap3A = arith.index_cast %scan3A_232 : i32 to index
      %swap3A_239 = arith.constant 80 : index
      %swap3A_240 = tpu.vector_load %arg9[%swap3A, %swap3A_239] {strides = array<i32>} : memref<160x128xf32, #tpu.memory_space<vmem>>, vector<16xf32>,
      tpu.vector_store %arg9[%swap3A, %swap3A_239], %mul3A_238 {strides = array<i32>} : memref<160x128xf32, #tpu.memory_space<vmem>>, vector<16xf32>,
      %scan3A_241 = arith.constant 0 : i32
      %scan3A_242 = arith.constant 1 : i32
      %scan3A_243 = arith.addi %scan3A_232, %scan3A_242 : i32
      %get3A_244 = arith.index_cast %scan3A_243 : i32 to index
      %get3A_245 = arith.constant 80 : index
      %get3A_246 = tpu.vector_load %arg9[%get3A_244, %get3A_245] {strides = array<i32>} : memref<160x128xf32, #tpu.memory_space<vmem>>, vector<16xf32>,
      %mul3A_247 = vector.broadcast %squeeze3A : f32 to vector<16xf32>
      %mul3A_248 = arith.mulf %get3A_246, %mul3A_247 : vector<16xf32>
      %swap3A_249 = arith.index_cast %scan3A_243 : i32 to index
      %swap3A_250 = arith.constant 80 : index
      %swap3A_251 = tpu.vector_load %arg9[%swap3A_249, %swap3A_250] {strides = array<i32>} : memref<160x128xf32, #tpu.memory_space<vmem>>, vector<16xf32>,
      tpu.vector_store %arg9[%swap3A_249, %swap3A_250], %mul3A_248 {strides = array<i32>} : memref<160x128xf32, #tpu.memory_space<vmem>>, vector<16xf32>,
      %scan3A_252 = arith.constant 0 : i32
      %scan3A_253 = arith.constant 2 : i32
      %scan3A_254 = arith.addi %scan3A_232, %scan3A_253 : i32
      %get3A_255 = arith.index_cast %scan3A_254 : i32 to index
      %get3A_256 = arith.constant 80 : index
      %get3A_257 = tpu.vector_load %arg9[%get3A_255, %get3A_256] {strides = array<i32>} : memref<160x128xf32, #tpu.memory_space<vmem>>, vector<16xf32>,
      %mul3A_258 = vector.broadcast %squeeze3A : f32 to vector<16xf32>
      %mul3A_259 = arith.mulf %get3A_257, %mul3A_258 : vector<16xf32>
      %swap3A_260 = arith.index_cast %scan3A_254 : i32 to index
      %swap3A_261 = arith.constant 80 : index
      %swap3A_262 = tpu.vector_load %arg9[%swap3A_260, %swap3A_261] {strides = array<i32>} : memref<160x128xf32, #tpu.memory_space<vmem>>, vector<16xf32>,
      tpu.vector_store %arg9[%swap3A_260, %swap3A_261], %mul3A_259 {strides = array<i32>} : memref<160x128xf32, #tpu.memory_space<vmem>>, vector<16xf32>,
      %scan3A_263 = arith.constant 0 : i32
      %scan3A_264 = arith.constant 3 : i32
      %scan3A_265 = arith.addi %scan3A_232, %scan3A_264 : i32
      %get3A_266 = arith.index_cast %scan3A_265 : i32 to index
      %get3A_267 = arith.constant 80 : index
      %get3A_268 = tpu.vector_load %arg9[%get3A_266, %get3A_267] {strides = array<i32>} : memref<160x128xf32, #tpu.memory_space<vmem>>, vector<16xf32>,
      %mul3A_269 = vector.broadcast %squeeze3A : f32 to vector<16xf32>
      %mul3A_270 = arith.mulf %get3A_268, %mul3A_269 : vector<16xf32>
      %swap3A_271 = arith.index_cast %scan3A_265 : i32 to index
      %swap3A_272 = arith.constant 80 : index
      %swap3A_273 = tpu.vector_load %arg9[%swap3A_271, %swap3A_272] {strides = array<i32>} : memref<160x128xf32, #tpu.memory_space<vmem>>, vector<16xf32>,
      tpu.vector_store %arg9[%swap3A_271, %swap3A_272], %mul3A_270 {strides = array<i32>} : memref<160x128xf32, #tpu.memory_space<vmem>>, vector<16xf32>,
      %scan3A_274 = arith.constant 0 : i32
      %scan3A_275 = arith.constant 4 : i32
      %scan3A_276 = arith.addi %scan3A_232, %scan3A_275 : i32
      %get3A_277 = arith.index_cast %scan3A_276 : i32 to index
      %get3A_278 = arith.constant 80 : index
      %get3A_279 = tpu.vector_load %arg9[%get3A_277, %get3A_278] {strides = array<i32>} : memref<160x128xf32, #tpu.memory_space<vmem>>, vector<16xf32>,
      %mul3A_280 = vector.broadcast %squeeze3A : f32 to vector<16xf32>
      %mul3A_281 = arith.mulf %get3A_279, %mul3A_280 : vector<16xf32>
      %swap3A_282 = arith.index_cast %scan3A_276 : i32 to index
      %swap3A_283 = arith.constant 80 : index
      %swap3A_284 = tpu.vector_load %arg9[%swap3A_282, %swap3A_283] {strides = array<i32>} : memref<160x128xf32, #tpu.memory_space<vmem>>, vector<16xf32>,
      tpu.vector_store %arg9[%swap3A_282, %swap3A_283], %mul3A_281 {strides = array<i32>} : memref<160x128xf32, #tpu.memory_space<vmem>>, vector<16xf32>,
      %scan3A_285 = arith.constant 0 : i32
      %scan3A_286 = arith.constant 5 : i32
      %scan3A_287 = arith.addi %scan3A_232, %scan3A_286 : i32
      %get3A_288 = arith.index_cast %scan3A_287 : i32 to index
      %get3A_289 = arith.constant 80 : index
      %get3A_290 = tpu.vector_load %arg9[%get3A_288, %get3A_289] {strides = array<i32>} : memref<160x128xf32, #tpu.memory_space<vmem>>, vector<16xf32>,
      %mul3A_291 = vector.broadcast %squeeze3A : f32 to vector<16xf32>
      %mul3A_292 = arith.mulf %get3A_290, %mul3A_291 : vector<16xf32>
      %swap3A_293 = arith.index_cast %scan3A_287 : i32 to index
      %swap3A_294 = arith.constant 80 : index
      %swap3A_295 = tpu.vector_load %arg9[%swap3A_293, %swap3A_294] {strides = array<i32>} : memref<160x128xf32, #tpu.memory_space<vmem>>, vector<16xf32>,
      tpu.vector_store %arg9[%swap3A_293, %swap3A_294], %mul3A_292 {strides = array<i32>} : memref<160x128xf32, #tpu.memory_space<vmem>>, vector<16xf32>,
      %scan3A_296 = arith.constant 0 : i32
      %scan3A_297 = arith.constant 6 : i32
      %scan3A_298 = arith.addi %scan3A_232, %scan3A_297 : i32
      %get3A_299 = arith.index_cast %scan3A_298 : i32 to index
      %get3A_300 = arith.constant 80 : index
      %get3A_301 = tpu.vector_load %arg9[%get3A_299, %get3A_300] {strides = array<i32>} : memref<160x128xf32, #tpu.memory_space<vmem>>, vector<16xf32>,
      %mul3A_302 = vector.broadcast %squeeze3A : f32 to vector<16xf32>
      %mul3A_303 = arith.mulf %get3A_301, %mul3A_302 : vector<16xf32>
      %swap3A_304 = arith.index_cast %scan3A_298 : i32 to index
      %swap3A_305 = arith.constant 80 : index
      %swap3A_306 = tpu.vector_load %arg9[%swap3A_304, %swap3A_305] {strides = array<i32>} : memref<160x128xf32, #tpu.memory_space<vmem>>, vector<16xf32>,
      tpu.vector_store %arg9[%swap3A_304, %swap3A_305], %mul3A_303 {strides = array<i32>} : memref<160x128xf32, #tpu.memory_space<vmem>>, vector<16xf32>,
      %scan3A_307 = arith.constant 0 : i32
      %scan3A_308 = arith.constant 7 : i32
      %scan3A_309 = arith.addi %scan3A_232, %scan3A_308 : i32
      %get3A_310 = arith.index_cast %scan3A_309 : i32 to index
      %get3A_311 = arith.constant 80 : index
      %get3A_312 = tpu.vector_load %arg9[%get3A_310, %get3A_311] {strides = array<i32>} : memref<160x128xf32, #tpu.memory_space<vmem>>, vector<16xf32>,
      %mul3A_313 = vector.broadcast %squeeze3A : f32 to vector<16xf32>
      %mul3A_314 = arith.mulf %get3A_312, %mul3A_313 : vector<16xf32>
      %swap3A_315 = arith.index_cast %scan3A_309 : i32 to index
      %swap3A_316 = arith.constant 80 : index
      %swap3A_317 = tpu.vector_load %arg9[%swap3A_315, %swap3A_316] {strides = array<i32>} : memref<160x128xf32, #tpu.memory_space<vmem>>, vector<16xf32>,
      tpu.vector_store %arg9[%swap3A_315, %swap3A_316], %mul3A_314 {strides = array<i32>} : memref<160x128xf32, #tpu.memory_space<vmem>>, vector<16xf32>,
      %scan3A_318 = arith.constant 0 : i32
      scf.yield %scan3A_318 : i32
    }
    %scan3A_199 = arith.constant 160 : i32
    %scan3A_200 = arith.constant 0 : i32
    %scan3A_201 = arith.constant 0 : i32
    %scan3A_202 = arith.constant 160 : i32
    %scan3A_203 = arith.addi %scan3A_201, %scan3A_202 : i32
    %scan3A_204 = arith.constant 8 : i32
    %scan3A_205 = scf.for %scan3A_232 = %scan3A_201 to %scan3A_203 step %scan3A_204 iter_args(%scan3A_233 = %scan3A_200) -> (i32)  : i32 {
      %get3A_234 = arith.index_cast %scan3A_232 : i32 to index
      %get3A_235 = arith.constant 96 : index
      %get3A_236 = tpu.vector_load %arg9[%get3A_234, %get3A_235] {strides = array<i32>} : memref<160x128xf32, #tpu.memory_space<vmem>>, vector<16xf32>,
      %mul3A_237 = vector.broadcast %squeeze3A : f32 to vector<16xf32>
      %mul3A_238 = arith.mulf %get3A_236, %mul3A_237 : vector<16xf32>
      %swap3A = arith.index_cast %scan3A_232 : i32 to index
      %swap3A_239 = arith.constant 96 : index
      %swap3A_240 = tpu.vector_load %arg9[%swap3A, %swap3A_239] {strides = array<i32>} : memref<160x128xf32, #tpu.memory_space<vmem>>, vector<16xf32>,
      tpu.vector_store %arg9[%swap3A, %swap3A_239], %mul3A_238 {strides = array<i32>} : memref<160x128xf32, #tpu.memory_space<vmem>>, vector<16xf32>,
      %scan3A_241 = arith.constant 0 : i32
      %scan3A_242 = arith.constant 1 : i32
      %scan3A_243 = arith.addi %scan3A_232, %scan3A_242 : i32
      %get3A_244 = arith.index_cast %scan3A_243 : i32 to index
      %get3A_245 = arith.constant 96 : index
      %get3A_246 = tpu.vector_load %arg9[%get3A_244, %get3A_245] {strides = array<i32>} : memref<160x128xf32, #tpu.memory_space<vmem>>, vector<16xf32>,
      %mul3A_247 = vector.broadcast %squeeze3A : f32 to vector<16xf32>
      %mul3A_248 = arith.mulf %get3A_246, %mul3A_247 : vector<16xf32>
      %swap3A_249 = arith.index_cast %scan3A_243 : i32 to index
      %swap3A_250 = arith.constant 96 : index
      %swap3A_251 = tpu.vector_load %arg9[%swap3A_249, %swap3A_250] {strides = array<i32>} : memref<160x128xf32, #tpu.memory_space<vmem>>, vector<16xf32>,
      tpu.vector_store %arg9[%swap3A_249, %swap3A_250], %mul3A_248 {strides = array<i32>} : memref<160x128xf32, #tpu.memory_space<vmem>>, vector<16xf32>,
      %scan3A_252 = arith.constant 0 : i32
      %scan3A_253 = arith.constant 2 : i32
      %scan3A_254 = arith.addi %scan3A_232, %scan3A_253 : i32
      %get3A_255 = arith.index_cast %scan3A_254 : i32 to index
      %get3A_256 = arith.constant 96 : index
      %get3A_257 = tpu.vector_load %arg9[%get3A_255, %get3A_256] {strides = array<i32>} : memref<160x128xf32, #tpu.memory_space<vmem>>, vector<16xf32>,
      %mul3A_258 = vector.broadcast %squeeze3A : f32 to vector<16xf32>
      %mul3A_259 = arith.mulf %get3A_257, %mul3A_258 : vector<16xf32>
      %swap3A_260 = arith.index_cast %scan3A_254 : i32 to index
      %swap3A_261 = arith.constant 96 : index
      %swap3A_262 = tpu.vector_load %arg9[%swap3A_260, %swap3A_261] {strides = array<i32>} : memref<160x128xf32, #tpu.memory_space<vmem>>, vector<16xf32>,
      tpu.vector_store %arg9[%swap3A_260, %swap3A_261], %mul3A_259 {strides = array<i32>} : memref<160x128xf32, #tpu.memory_space<vmem>>, vector<16xf32>,
      %scan3A_263 = arith.constant 0 : i32
      %scan3A_264 = arith.constant 3 : i32
      %scan3A_265 = arith.addi %scan3A_232, %scan3A_264 : i32
      %get3A_266 = arith.index_cast %scan3A_265 : i32 to index
      %get3A_267 = arith.constant 96 : index
      %get3A_268 = tpu.vector_load %arg9[%get3A_266, %get3A_267] {strides = array<i32>} : memref<160x128xf32, #tpu.memory_space<vmem>>, vector<16xf32>,
      %mul3A_269 = vector.broadcast %squeeze3A : f32 to vector<16xf32>
      %mul3A_270 = arith.mulf %get3A_268, %mul3A_269 : vector<16xf32>
      %swap3A_271 = arith.index_cast %scan3A_265 : i32 to index
      %swap3A_272 = arith.constant 96 : index
      %swap3A_273 = tpu.vector_load %arg9[%swap3A_271, %swap3A_272] {strides = array<i32>} : memref<160x128xf32, #tpu.memory_space<vmem>>, vector<16xf32>,
      tpu.vector_store %arg9[%swap3A_271, %swap3A_272], %mul3A_270 {strides = array<i32>} : memref<160x128xf32, #tpu.memory_space<vmem>>, vector<16xf32>,
      %scan3A_274 = arith.constant 0 : i32
      %scan3A_275 = arith.constant 4 : i32
      %scan3A_276 = arith.addi %scan3A_232, %scan3A_275 : i32
      %get3A_277 = arith.index_cast %scan3A_276 : i32 to index
      %get3A_278 = arith.constant 96 : index
      %get3A_279 = tpu.vector_load %arg9[%get3A_277, %get3A_278] {strides = array<i32>} : memref<160x128xf32, #tpu.memory_space<vmem>>, vector<16xf32>,
      %mul3A_280 = vector.broadcast %squeeze3A : f32 to vector<16xf32>
      %mul3A_281 = arith.mulf %get3A_279, %mul3A_280 : vector<16xf32>
      %swap3A_282 = arith.index_cast %scan3A_276 : i32 to index
      %swap3A_283 = arith.constant 96 : index
      %swap3A_284 = tpu.vector_load %arg9[%swap3A_282, %swap3A_283] {strides = array<i32>} : memref<160x128xf32, #tpu.memory_space<vmem>>, vector<16xf32>,
      tpu.vector_store %arg9[%swap3A_282, %swap3A_283], %mul3A_281 {strides = array<i32>} : memref<160x128xf32, #tpu.memory_space<vmem>>, vector<16xf32>,
      %scan3A_285 = arith.constant 0 : i32
      %scan3A_286 = arith.constant 5 : i32
      %scan3A_287 = arith.addi %scan3A_232, %scan3A_286 : i32
      %get3A_288 = arith.index_cast %scan3A_287 : i32 to index
      %get3A_289 = arith.constant 96 : index
      %get3A_290 = tpu.vector_load %arg9[%get3A_288, %get3A_289] {strides = array<i32>} : memref<160x128xf32, #tpu.memory_space<vmem>>, vector<16xf32>,
      %mul3A_291 = vector.broadcast %squeeze3A : f32 to vector<16xf32>
      %mul3A_292 = arith.mulf %get3A_290, %mul3A_291 : vector<16xf32>
      %swap3A_293 = arith.index_cast %scan3A_287 : i32 to index
      %swap3A_294 = arith.constant 96 : index
      %swap3A_295 = tpu.vector_load %arg9[%swap3A_293, %swap3A_294] {strides = array<i32>} : memref<160x128xf32, #tpu.memory_space<vmem>>, vector<16xf32>,
      tpu.vector_store %arg9[%swap3A_293, %swap3A_294], %mul3A_292 {strides = array<i32>} : memref<160x128xf32, #tpu.memory_space<vmem>>, vector<16xf32>,
      %scan3A_296 = arith.constant 0 : i32
      %scan3A_297 = arith.constant 6 : i32
      %scan3A_298 = arith.addi %scan3A_232, %scan3A_297 : i32
      %get3A_299 = arith.index_cast %scan3A_298 : i32 to index
      %get3A_300 = arith.constant 96 : index
      %get3A_301 = tpu.vector_load %arg9[%get3A_299, %get3A_300] {strides = array<i32>} : memref<160x128xf32, #tpu.memory_space<vmem>>, vector<16xf32>,
      %mul3A_302 = vector.broadcast %squeeze3A : f32 to vector<16xf32>
      %mul3A_303 = arith.mulf %get3A_301, %mul3A_302 : vector<16xf32>
      %swap3A_304 = arith.index_cast %scan3A_298 : i32 to index
      %swap3A_305 = arith.constant 96 : index
      %swap3A_306 = tpu.vector_load %arg9[%swap3A_304, %swap3A_305] {strides = array<i32>} : memref<160x128xf32, #tpu.memory_space<vmem>>, vector<16xf32>,
      tpu.vector_store %arg9[%swap3A_304, %swap3A_305], %mul3A_303 {strides = array<i32>} : memref<160x128xf32, #tpu.memory_space<vmem>>, vector<16xf32>,
      %scan3A_307 = arith.constant 0 : i32
      %scan3A_308 = arith.constant 7 : i32
      %scan3A_309 = arith.addi %scan3A_232, %scan3A_308 : i32
      %get3A_310 = arith.index_cast %scan3A_309 : i32 to index
      %get3A_311 = arith.constant 96 : index
      %get3A_312 = tpu.vector_load %arg9[%get3A_310, %get3A_311] {strides = array<i32>} : memref<160x128xf32, #tpu.memory_space<vmem>>, vector<16xf32>,
      %mul3A_313 = vector.broadcast %squeeze3A : f32 to vector<16xf32>
      %mul3A_314 = arith.mulf %get3A_312, %mul3A_313 : vector<16xf32>
      %swap3A_315 = arith.index_cast %scan3A_309 : i32 to index
      %swap3A_316 = arith.constant 96 : index
      %swap3A_317 = tpu.vector_load %arg9[%swap3A_315, %swap3A_316] {strides = array<i32>} : memref<160x128xf32, #tpu.memory_space<vmem>>, vector<16xf32>,
      tpu.vector_store %arg9[%swap3A_315, %swap3A_316], %mul3A_314 {strides = array<i32>} : memref<160x128xf32, #tpu.memory_space<vmem>>, vector<16xf32>,
      %scan3A_318 = arith.constant 0 : i32
      scf.yield %scan3A_318 : i32
    }
    %scan3A_206 = arith.constant 160 : i32
    %scan3A_207 = arith.constant 0 : i32
    %scan3A_208 = arith.constant 0 : i32
    %scan3A_209 = arith.constant 160 : i32
    %scan3A_210 = arith.addi %scan3A_208, %scan3A_209 : i32
    %scan3A_211 = arith.constant 8 : i32
    %scan3A_212 = scf.for %scan3A_232 = %scan3A_208 to %scan3A_210 step %scan3A_211 iter_args(%scan3A_233 = %scan3A_207) -> (i32)  : i32 {
      %get3A_234 = arith.index_cast %scan3A_232 : i32 to index
      %get3A_235 = arith.constant 112 : index
      %get3A_236 = tpu.vector_load %arg9[%get3A_234, %get3A_235] {strides = array<i32>} : memref<160x128xf32, #tpu.memory_space<vmem>>, vector<16xf32>,
      %mul3A_237 = vector.broadcast %squeeze3A : f32 to vector<16xf32>
      %mul3A_238 = arith.mulf %get3A_236, %mul3A_237 : vector<16xf32>
      %swap3A = arith.index_cast %scan3A_232 : i32 to index
      %swap3A_239 = arith.constant 112 : index
      %swap3A_240 = tpu.vector_load %arg9[%swap3A, %swap3A_239] {strides = array<i32>} : memref<160x128xf32, #tpu.memory_space<vmem>>, vector<16xf32>,
      tpu.vector_store %arg9[%swap3A, %swap3A_239], %mul3A_238 {strides = array<i32>} : memref<160x128xf32, #tpu.memory_space<vmem>>, vector<16xf32>,
      %scan3A_241 = arith.constant 0 : i32
      %scan3A_242 = arith.constant 1 : i32
      %scan3A_243 = arith.addi %scan3A_232, %scan3A_242 : i32
      %get3A_244 = arith.index_cast %scan3A_243 : i32 to index
      %get3A_245 = arith.constant 112 : index
      %get3A_246 = tpu.vector_load %arg9[%get3A_244, %get3A_245] {strides = array<i32>} : memref<160x128xf32, #tpu.memory_space<vmem>>, vector<16xf32>,
      %mul3A_247 = vector.broadcast %squeeze3A : f32 to vector<16xf32>
      %mul3A_248 = arith.mulf %get3A_246, %mul3A_247 : vector<16xf32>
      %swap3A_249 = arith.index_cast %scan3A_243 : i32 to index
      %swap3A_250 = arith.constant 112 : index
      %swap3A_251 = tpu.vector_load %arg9[%swap3A_249, %swap3A_250] {strides = array<i32>} : memref<160x128xf32, #tpu.memory_space<vmem>>, vector<16xf32>,
      tpu.vector_store %arg9[%swap3A_249, %swap3A_250], %mul3A_248 {strides = array<i32>} : memref<160x128xf32, #tpu.memory_space<vmem>>, vector<16xf32>,
      %scan3A_252 = arith.constant 0 : i32
      %scan3A_253 = arith.constant 2 : i32
      %scan3A_254 = arith.addi %scan3A_232, %scan3A_253 : i32
      %get3A_255 = arith.index_cast %scan3A_254 : i32 to index
      %get3A_256 = arith.constant 112 : index
      %get3A_257 = tpu.vector_load %arg9[%get3A_255, %get3A_256] {strides = array<i32>} : memref<160x128xf32, #tpu.memory_space<vmem>>, vector<16xf32>,
      %mul3A_258 = vector.broadcast %squeeze3A : f32 to vector<16xf32>
      %mul3A_259 = arith.mulf %get3A_257, %mul3A_258 : vector<16xf32>
      %swap3A_260 = arith.index_cast %scan3A_254 : i32 to index
      %swap3A_261 = arith.constant 112 : index
      %swap3A_262 = tpu.vector_load %arg9[%swap3A_260, %swap3A_261] {strides = array<i32>} : memref<160x128xf32, #tpu.memory_space<vmem>>, vector<16xf32>,
      tpu.vector_store %arg9[%swap3A_260, %swap3A_261], %mul3A_259 {strides = array<i32>} : memref<160x128xf32, #tpu.memory_space<vmem>>, vector<16xf32>,
      %scan3A_263 = arith.constant 0 : i32
      %scan3A_264 = arith.constant 3 : i32
      %scan3A_265 = arith.addi %scan3A_232, %scan3A_264 : i32
      %get3A_266 = arith.index_cast %scan3A_265 : i32 to index
      %get3A_267 = arith.constant 112 : index
      %get3A_268 = tpu.vector_load %arg9[%get3A_266, %get3A_267] {strides = array<i32>} : memref<160x128xf32, #tpu.memory_space<vmem>>, vector<16xf32>,
      %mul3A_269 = vector.broadcast %squeeze3A : f32 to vector<16xf32>
      %mul3A_270 = arith.mulf %get3A_268, %mul3A_269 : vector<16xf32>
      %swap3A_271 = arith.index_cast %scan3A_265 : i32 to index
      %swap3A_272 = arith.constant 112 : index
      %swap3A_273 = tpu.vector_load %arg9[%swap3A_271, %swap3A_272] {strides = array<i32>} : memref<160x128xf32, #tpu.memory_space<vmem>>, vector<16xf32>,
      tpu.vector_store %arg9[%swap3A_271, %swap3A_272], %mul3A_270 {strides = array<i32>} : memref<160x128xf32, #tpu.memory_space<vmem>>, vector<16xf32>,
      %scan3A_274 = arith.constant 0 : i32
      %scan3A_275 = arith.constant 4 : i32
      %scan3A_276 = arith.addi %scan3A_232, %scan3A_275 : i32
      %get3A_277 = arith.index_cast %scan3A_276 : i32 to index
      %get3A_278 = arith.constant 112 : index
      %get3A_279 = tpu.vector_load %arg9[%get3A_277, %get3A_278] {strides = array<i32>} : memref<160x128xf32, #tpu.memory_space<vmem>>, vector<16xf32>,
      %mul3A_280 = vector.broadcast %squeeze3A : f32 to vector<16xf32>
      %mul3A_281 = arith.mulf %get3A_279, %mul3A_280 : vector<16xf32>
      %swap3A_282 = arith.index_cast %scan3A_276 : i32 to index
      %swap3A_283 = arith.constant 112 : index
      %swap3A_284 = tpu.vector_load %arg9[%swap3A_282, %swap3A_283] {strides = array<i32>} : memref<160x128xf32, #tpu.memory_space<vmem>>, vector<16xf32>,
      tpu.vector_store %arg9[%swap3A_282, %swap3A_283], %mul3A_281 {strides = array<i32>} : memref<160x128xf32, #tpu.memory_space<vmem>>, vector<16xf32>,
      %scan3A_285 = arith.constant 0 : i32
      %scan3A_286 = arith.constant 5 : i32
      %scan3A_287 = arith.addi %scan3A_232, %scan3A_286 : i32
      %get3A_288 = arith.index_cast %scan3A_287 : i32 to index
      %get3A_289 = arith.constant 112 : index
      %get3A_290 = tpu.vector_load %arg9[%get3A_288, %get3A_289] {strides = array<i32>} : memref<160x128xf32, #tpu.memory_space<vmem>>, vector<16xf32>,
      %mul3A_291 = vector.broadcast %squeeze3A : f32 to vector<16xf32>
      %mul3A_292 = arith.mulf %get3A_290, %mul3A_291 : vector<16xf32>
      %swap3A_293 = arith.index_cast %scan3A_287 : i32 to index
      %swap3A_294 = arith.constant 112 : index
      %swap3A_295 = tpu.vector_load %arg9[%swap3A_293, %swap3A_294] {strides = array<i32>} : memref<160x128xf32, #tpu.memory_space<vmem>>, vector<16xf32>,
      tpu.vector_store %arg9[%swap3A_293, %swap3A_294], %mul3A_292 {strides = array<i32>} : memref<160x128xf32, #tpu.memory_space<vmem>>, vector<16xf32>,
      %scan3A_296 = arith.constant 0 : i32
      %scan3A_297 = arith.constant 6 : i32
      %scan3A_298 = arith.addi %scan3A_232, %scan3A_297 : i32
      %get3A_299 = arith.index_cast %scan3A_298 : i32 to index
      %get3A_300 = arith.constant 112 : index
      %get3A_301 = tpu.vector_load %arg9[%get3A_299, %get3A_300] {strides = array<i32>} : memref<160x128xf32, #tpu.memory_space<vmem>>, vector<16xf32>,
      %mul3A_302 = vector.broadcast %squeeze3A : f32 to vector<16xf32>
      %mul3A_303 = arith.mulf %get3A_301, %mul3A_302 : vector<16xf32>
      %swap3A_304 = arith.index_cast %scan3A_298 : i32 to index
      %swap3A_305 = arith.constant 112 : index
      %swap3A_306 = tpu.vector_load %arg9[%swap3A_304, %swap3A_305] {strides = array<i32>} : memref<160x128xf32, #tpu.memory_space<vmem>>, vector<16xf32>,
      tpu.vector_store %arg9[%swap3A_304, %swap3A_305], %mul3A_303 {strides = array<i32>} : memref<160x128xf32, #tpu.memory_space<vmem>>, vector<16xf32>,
      %scan3A_307 = arith.constant 0 : i32
      %scan3A_308 = arith.constant 7 : i32
      %scan3A_309 = arith.addi %scan3A_232, %scan3A_308 : i32
      %get3A_310 = arith.index_cast %scan3A_309 : i32 to index
      %get3A_311 = arith.constant 112 : index
      %get3A_312 = tpu.vector_load %arg9[%get3A_310, %get3A_311] {strides = array<i32>} : memref<160x128xf32, #tpu.memory_space<vmem>>, vector<16xf32>,
      %mul3A_313 = vector.broadcast %squeeze3A : f32 to vector<16xf32>
      %mul3A_314 = arith.mulf %get3A_312, %mul3A_313 : vector<16xf32>
      %swap3A_315 = arith.index_cast %scan3A_309 : i32 to index
      %swap3A_316 = arith.constant 112 : index
      %swap3A_317 = tpu.vector_load %arg9[%swap3A_315, %swap3A_316] {strides = array<i32>} : memref<160x128xf32, #tpu.memory_space<vmem>>, vector<16xf32>,
      tpu.vector_store %arg9[%swap3A_315, %swap3A_316], %mul3A_314 {strides = array<i32>} : memref<160x128xf32, #tpu.memory_space<vmem>>, vector<16xf32>,
      %scan3A_318 = arith.constant 0 : i32
      scf.yield %scan3A_318 : i32
    }
    %scan3A_213 = arith.constant 160 : i32
    %add3A_214 = arith.constant 160 : i32
    %add3A_215 = arith.addi %min3A_4, %add3A_214 : i32
    %dma_start3A_216 = arith.constant 0 : i32
    %dma_start3A_217 = tpu.memref_slice %arg5[%add3A_215, %dma_start3A_216] : memref<10000x128xf32, #tpu.memory_space<hbm>> -> memref<160x128xf32, #tpu.memory_space<hbm>>
    %dma_start3A_218 = arith.constant 0 : i32
    %dma_start3A_219 = tpu.memref_slice %arg5[%add3A_215, %dma_start3A_218] : memref<10000x128xf32, #tpu.memory_space<hbm>> -> memref<160x128xf32, #tpu.memory_space<hbm>>
    tpu.enqueue_dma source(%arg9 : memref<160x128xf32, #tpu.memory_space<vmem>>) target(%dma_start3A_219 : memref<160x128xf32, #tpu.memory_space<hbm>>) target_semaphore(%arg13 : memref<!tpu.dma_semaphore, #tpu.memory_space<semaphore_mem>>)
    %dma_wait3A_220 = arith.constant 0 : i32
    %dma_wait3A_221 = arith.constant 0 : i32
    %dma_wait3A_222 = tpu.memref_slice %arg5[%dma_wait3A_220, %dma_wait3A_221] : memref<10000x128xf32, #tpu.memory_space<hbm>> -> memref<160x128xf32, #tpu.memory_space<hbm>>
    %dma_wait3A_223 = arith.constant 0 : i32
    %dma_wait3A_224 = arith.constant 0 : i32
    %dma_wait3A_225 = tpu.memref_slice %arg5[%dma_wait3A_223, %dma_wait3A_224] : memref<10000x128xf32, #tpu.memory_space<hbm>> -> memref<160x128xf32, #tpu.memory_space<hbm>>
    tpu.wait_dma2 semaphore(%arg13 : memref<!tpu.dma_semaphore, #tpu.memory_space<semaphore_mem>>) src(%arg8 : memref<160x128xf32, #tpu.memory_space<vmem>>) dst(%dma_wait3A_225 : memref<160x128xf32, #tpu.memory_space<hbm>>)
    %dma_wait3A_226 = arith.constant 0 : i32
    %dma_wait3A_227 = arith.constant 0 : i32
    %dma_wait3A_228 = tpu.memref_slice %arg5[%dma_wait3A_226, %dma_wait3A_227] : memref<10000x128xf32, #tpu.memory_space<hbm>> -> memref<160x128xf32, #tpu.memory_space<hbm>>
    %dma_wait3A_229 = arith.constant 0 : i32
    %dma_wait3A_230 = arith.constant 0 : i32
    %dma_wait3A_231 = tpu.memref_slice %arg5[%dma_wait3A_229, %dma_wait3A_230] : memref<10000x128xf32, #tpu.memory_space<hbm>> -> memref<160x128xf32, #tpu.memory_space<hbm>>
    tpu.wait_dma2 semaphore(%arg13 : memref<!tpu.dma_semaphore, #tpu.memory_space<semaphore_mem>>) src(%arg9 : memref<160x128xf32, #tpu.memory_space<vmem>>) dst(%dma_wait3A_231 : memref<160x128xf32, #tpu.memory_space<hbm>>)
    return
  }
}

</mosaic_0001>

<sc_bundles>
// kernel: _mean_agg.3.cloned.1.call-start
scs
__scs_entry_jumppad:
0x0: {  	(pc) =	sbr.rel $0x88, $3  }
0x1: {  	(tag) =	ssettag $0x0;
	lr =	simm.s32 $0x1  }
0x2: {  	[smem:$0x3F9F] =	sst lr;
	_ =	strace $0xD0000000  }
0x3: {  	_ = 	snop  }
0x4: {  	_ = 	snop  }
0x5: {  	_ = 	snop  }
0x6: {  	_ = 	snop  }
0x7: {  	_ = 	snop  }
__scs_overlays_trampoline_lowered:
0x8: {  	[smem:$0x3FAE] =	sst s0  }
0x9: {  	[smem:$0x3FAF] =	sst s1  }
0xa: {  	[smem:$0x3FB0] =	sst s2  }
0xb: {  	[smem:$0x3FB1] =	sst s3  }
0xc: {  	[smem:$0x3FB2] =	sst s4  }
0xd: {  	[smem:$0x3FB3] =	sst s5  }
0xe: {  	[smem:$0x3FB4] =	sst s6  }
0xf: {  	[smem:$0x3FB5] =	sst s7  }
0x10: {  	[smem:$0x3FB6] =	sst s8  }
0x11: {  	[smem:$0x3FB7] =	sst s9;
	s0 =	simm.s32 @!p0 $0x0  }
0x12: {  	s1 =	sld [smem:$0x3F9D];
	s0 =	simm.s32 @p0 $0x1  }
0x13: {  	[smem:$0x3FB8] =	sst s0;
	s0 =	simm.s32 @!p1 $0x0  }
0x14: {  	s2 =	sld [smem:$0x3F9C];
	s0 =	simm.s32 @p1 $0x1  }
0x15: {  	[smem:$0x3FB9] =	sst s0;
	s0 =	simm.s32 @!p2 $0x0  }
0x16: {  	s3 =	sld [smem:$0x3FDB];
	s0 =	simm.s32 @p2 $0x1  }
0x17: {  	s4 =	simm.s32 $0x1BF5;
	[smem:$0x3FBB] =	sst s0  }
0x18: {  	s0 =	sld [smem:$0x3F9E];
	_ =	swait.ge [sflag:s4], $0x0  }
0x19: {  	s7 =	sld [smem:$0x3F9F]  }
0x1a: {  	s8 =	sadd.s32 $0xFFFFE003, lr  }
0x1b: {  	s9 =	sadd.s32 $0xFFFFFEF7, lr;
	s5 =	simm.s32 $0xFFFFFFFF;
	p2 =	slt.u32 s8, $0xFFFFF086  }
0x1c: {  	p1 =	slt.u32 s9, $0xF7A;
	s5 =	simm.s32 @!p2 $0x0  }
0x1d: {  	s5 =	simm.s32 @p1 $0x1;
	p0 =	seq.s32 s7, s2  }
0x1e: {  	s7 =	smul.u32 @!p0 $0xF7A, s2;
	p2 =	seq.s32 @!p0 s5, $0x0  }
0x1f: {  	s9 =	smul.u32 $0xF7A, s1;
	s8 =	simm.s32 @!p0 $0x1BF5;
	p2 =	por !p2, p0  }
0x20: {  	[sflag:s8] =	ssyncset.s32 @!p0 $0xFFFFF086;
	s6 =	sadd.s32 @!p0 s3, s7;
	s7 =	simm.s32 @!p0 $0x108  }
0x21: {  	s3 =	sadd.s32 s3, s9;
	s6 =	sadd.s32 @!p0 $0x88, s6;
	s7 =	simm.s32 @p2 $0x1082  }
0x22: {  	[simem:s7], [sflag:s8] =	dma.local @!p0 [hbm:s6], $0xF7A  }
0x23: {  	s9 =	sor.u32 $0xD0000000, s2;
	s6 =	simm.s32 $0x108;
	_ =	swait.ge @!p0 [sflag:s8], $0x0  }
0x24: {  	s3 =	sadd.s32 $0x88, s3;
	s6 =	simm.s32 @!p1 $0x1082;
	[sflag:s4] =	ssyncset.s32 $0xFFFFF086  }
0x25: {  	[simem:s6], [sflag:s4] =	dma.local [hbm:s3], $0xF7A  }
0x26: {  	[smem:$0x3F9F] =	sst s1;
	(tag) =	ssettag s2;
	_ =	strace s9  }
0x27: {  	s1 =	sld [smem:$0x3FAF]  }
0x28: {  	s2 =	sld [smem:$0x3FB0]  }
0x29: {  	s4 =	sld [smem:$0x3FB2]  }
0x2a: {  	p0 =	seq.s32 s5, $0x0;
	s5 =	sld [smem:$0x3FB3]  }
0x2b: {  	s6 =	sld [smem:$0x3FB4]  }
0x2c: {  	s7 =	sld [smem:$0x3FB5]  }
0x2d: {  	s3 =	simm.s32 $0x108;
	s8 =	sld [smem:$0x3FB6]  }
0x2e: {  	s3 =	simm.s32 @!p0 $0x1082;
	s9 =	sld [smem:$0x3FB7]  }
0x2f: {  	lr =	sadd.s32 s0, s3;
	s0 =	sld [smem:$0x3FAE]  }
0x30: {  	s3 =	sld [smem:$0x3FB1]  }
0x31: {  	[smem:$0x3FBA] =	sst s10  }
0x32: {  	s10 =	sld [smem:$0x3FB8];
	_ =	sdelay $0x3  }
0x33: {  	p0 =	seq.s32 s10, $0x1;
	s10 =	sld [smem:$0x3FBA];
	_ =	sdelay $0x3  }
0x34: {  	[smem:$0x3FBA] =	sst s10  }
0x35: {  	s10 =	sld [smem:$0x3FB9];
	_ =	sdelay $0x3  }
0x36: {  	p1 =	seq.s32 s10, $0x1;
	s10 =	sld [smem:$0x3FBA];
	_ =	sdelay $0x3  }
0x37: {  	[smem:$0x3FBA] =	sst s10  }
0x38: {  	s10 =	sld [smem:$0x3FBB]  }
0x39: {  	_ = 	snop;
	(pc) =	sbr.ind lr, $3  }
0x3a: {  	_ = 	snop  }
0x3b: {  	_ = 	snop  }
0x3c: {  	p2 =	seq.s32 s10, $0x1;
	s10 =	sld [smem:$0x3FBA]  }
0x3d: {  	_ =	shalt  }
0x3e: {  	_ =	shalt  }
0x3f: {  	_ =	shalt  }
0x40: {  	_ =	shalt  }
0x41: {  	_ =	shalt  }
0x42: {  	_ =	shalt  }
0x43: {  	_ =	shalt  }
0x44: {  	_ =	shalt  }
0x45: {  	_ =	shalt  }
0x46: {  	_ =	shalt  }
0x47: {  	_ =	shalt  }
0x48: {  	_ =	shalt  }
0x49: {  	_ =	shalt  }
0x4a: {  	_ =	shalt  }
0x4b: {  	_ =	shalt  }
0x4c: {  	_ =	shalt  }
0x4d: {  	_ =	shalt  }
0x4e: {  	_ =	shalt  }
0x4f: {  	_ =	shalt  }
0x50: {  	_ =	shalt  }
0x51: {  	_ =	shalt  }
0x52: {  	_ =	shalt  }
0x53: {  	_ =	shalt  }
0x54: {  	_ =	shalt  }
0x55: {  	_ =	shalt  }
0x56: {  	_ =	shalt  }
0x57: {  	_ =	shalt  }
0x58: {  	_ =	shalt  }
0x59: {  	_ =	shalt  }
0x5a: {  	_ =	shalt  }
0x5b: {  	_ =	shalt  }
0x5c: {  	_ =	shalt  }
0x5d: {  	_ =	shalt  }
0x5e: {  	_ =	shalt  }
0x5f: {  	_ =	shalt  }
0x60: {  	_ =	shalt  }
0x61: {  	_ =	shalt  }
0x62: {  	_ =	shalt  }
0x63: {  	_ =	shalt  }
0x64: {  	_ =	shalt  }
0x65: {  	_ =	shalt  }
0x66: {  	_ =	shalt  }
0x67: {  	_ =	shalt  }
0x68: {  	_ =	shalt  }
0x69: {  	_ =	shalt  }
0x6a: {  	_ =	shalt  }
0x6b: {  	_ =	shalt  }
0x6c: {  	_ =	shalt  }
0x6d: {  	_ =	shalt  }
0x6e: {  	_ =	shalt  }
0x6f: {  	_ =	shalt  }
0x70: {  	_ =	shalt  }
0x71: {  	_ =	shalt  }
0x72: {  	_ =	shalt  }
0x73: {  	_ =	shalt  }
0x74: {  	_ =	shalt  }
0x75: {  	_ =	shalt  }
0x76: {  	_ =	shalt  }
0x77: {  	_ =	shalt  }
0x78: {  	_ =	shalt  }
0x79: {  	_ =	shalt  }
0x7a: {  	_ =	shalt  }
0x7b: {  	_ =	shalt  }
0x7c: {  	_ =	shalt  }
0x7d: {  	_ =	shalt  }
0x7e: {  	_ =	shalt  }
0x7f: {  	_ =	shalt  }
0x80: {  	_ =	shalt  }
0x81: {  	_ =	shalt  }
0x82: {  	_ =	shalt  }
0x83: {  	_ =	shalt  }
0x84: {  	_ =	shalt  }
0x85: {  	_ =	shalt  }
0x86: {  	_ =	shalt  }
0x87: {  	_ =	shalt  }
.Lfunc_end0:
.L_simem_size_0:
called_computation_lowered:
.L_overlay_start_0:
0x88: {  	s2 =	sld [smem:$0x3FD9]  }
0x89: {  	s3 =	sld [smem:$0x3FFE];
	_ =	sdelay $0x1  }
0x8a: {  	s1 =	srdreg.scid  }
0x8b: {  	s0 =	sand.u32 $0x1, s1  }
0x8c: {  	s17 =	sshll.u32 s0, $0xA;
	s2 =	sadd.s32 s3, s2  }
0x8d: {  	s2 =	sadd.s32 s2, s17  }
0x8e: {  	[smem:$0x3FC6] =	sst s2  }
0x8f: {  	_ = 	snop  }
0x90: {  	s2 =	sld [smem:$0x3FC9]  }
0x91: {  	s18 =	sld [smem:$0x3FC8]  }
0x92: {  	s4 =	sld [smem:$0x3FD0];
	(tm) =	ssettm $0x1  }
0x93: {  	s5 =	sld [smem:$0x3FFB];
	_ =	sdelay $0x3  }
0x94: {  	_ =	strace s5  }
0x95: {  	s5 =	sld [smem:$0x3FFC];
	_ =	sdelay $0x3  }
0x96: {  	_ =	strace s5  }
0x97: {  	s5 =	sld [smem:$0x3FFD];
	_ =	sdelay $0x3  }
0x98: {  	_ =	strace s5  }
0x99: {  	_ =	strace $0x8FFFFFFF  }
0x9a: {  	s19 =	sld [smem:$0x3FDB];
	_ =	sdelay $0x1  }
0x9b: {  	s6 =	simm.s32 $_scs_section_size  }
0x9c: {  	s7 =	simm.s32 $_size__tile_overlayer_lowered;
	s8 =	simm.s32 $_tile_overlayer_lowered  }
0x9d: {  	s22 =	simm.s32 $0x1BFF;
	s21 =	sshll.u32 s8, $0x1;
	s5 =	sadd.s32 s6, s19  }
0x9e: {  	s9 =	simm.s32 $0x0;
	s20 =	sshll.u32 s7, $0x1;
	s7 =	sadd.s32 s21, s5  }
0x9f: {  	[timem:s9], [sflag:s22] =	dma.local [hbm:s7], s20  }
0xa0: {  	_ =	swait.ge [sflag:s22], s20  }
0xa1: {  	s6 =	ssub.s32 $0x0, s20;
	[sflag:s22] =	ssyncset.done $0x0  }
0xa2: {  	[sflag:s22] =	ssyncadd.s32 s6;
	_ =	sdelay $0x1  }
0xa3: {  	s23 =	simm.s32 $0x1B8B  }
0xa4: {  	_ =	swait.ge [sflag:s23], $0x1  }
0xa5: {  	[sflag:s23] =	ssyncset.done $0x0  }
0xa6: {  	s25 =	simm.s32 $0x1B8E;
	s24 =	sld [smem:$0x3FFE];
	[sflag:s23] =	ssyncadd.s32 $0xFFFFFFFF  }
0xa7: {  	s26 =	simm.s32 $execute0_lowered;
	[smem:$0x3FD2] =	sst s25  }
0xa8: {  	s7 =	sshll.u32 s26, $0x1;
	_ =	strace $0x80000046;
	[dreg:$0x1] =	wrdreg $0xFFFFFFFF  }
0xa9: {  	s28 =	simm.s32 $_size_execute0_lowered;
	s5 =	sadd.s32 s5, s7;
	[dreg:$0x0] =	wrdreg $0x0  }
0xaa: {  	s7 =	sshll.u32 s28, $0x1;
	[dreg:$0x2] =	wrdreg s5  }
0xab: {  	[dreg:$0x3] =	wrdreg s7  }
0xac: {  	[dreg:$0x4] =	wrdreg $0xC0  }
0xad: {  	_ =	task [dreg:s9], $0x5FFFF  }
0xae: {  	[dreg:$0x1] =	wrdreg $0xFFFFFFFF  }
0xaf: {  	[dreg:$0x0] =	wrdreg $0x60  }
0xb0: {  	[dreg:$0x2] =	wrdreg s2  }
0xb1: {  	[dreg:$0x3] =	wrdreg s18  }
0xb2: {  	[dreg:$0x4] =	wrdreg s24  }
0xb3: {  	[dreg:$0x5] =	wrdreg s4  }
0xb4: {  	[dreg:$0x6] =	wrdreg $0x9  }
0xb5: {  	_ =	task.clear_ibuf [dreg:s9], $0x7FFFF;
	_ =	strace $0x90000046  }
0xb6: {  	s29 =	simm.s32 $0x9;
	_ =	strace $0x80000048  }
0xb7: {  	_ =	swait.ge [sflag:s29], $0x1  }
0xb8: {  	[sflag:s29] =	ssyncadd.s32 $0xFFFFFFFF  }
0xb9: {  	_ =	strace $0x90000048  }
0xba: {  	_ =	sfence  }
0xbb: {  	s30 =	sld [smem:$0x0];
	_ =	sdelay $0x2  }
0xbc: {  	s31 =	sshll.u32 s1, $0xD;
	s1 =	sshrl.u32 s1, $0x2  }
0xbd: {  	s3 =	sand.u32 $0x4000, s31;
	s1 =	sadd.s32 s1, s30  }
0xbe: {  	s0 =	sor.u32 s3, s0;
	s1 =	sshll.u32 s1, $0x11  }
0xbf: {  	s0 =	sor.u32 s1, s0  }
0xc0: {  	s0 =	sadd.s32 $0x8F2B, s0  }
0xc1: {  	[sflag:s0] =	ssyncadd.remote.s32 $0x1  }
0xc2: {  	_ =	sfence.sel $0xFFFF  }
0xc3: {  	[dreg:$0x0] =	wrdreg $0xFFFFFFFF;
	(pc) =	sbr.abs _section_cstart, $3  }
0xc4: {  	[dreg:$0x1] =	wrdreg $0xFFFFFFFF  }
0xc5: {  	_ =	task.clear_ibuf [dreg:s9], $0x2FFFF;
	_ =	strace $0x9FFFFFFF  }
0xc6: {  	(tm) =	ssettm $0x7FFFFFFF  }
0xc7: {  	_ =	shalt  }
tec
execute0_lowered:
.L_overlay_start_1:
0x0: {  	(tag) =	ssettag $0x1  }
0x1: {  	s0 =	rddreg [dreg:$0x0]  }
0x2: {  	s1 =	rddreg [dreg:$0x1]  }
0x3: {  	s2 =	rddreg [dreg:$0x2];
	s3 =	srdreg.scid  }
0x4: {  	s4 =	stileid.u32;
	s6 =	rddreg [dreg:$0x3];
	s11 =	simm.s32 $0x5  }
0x5: {  	s13 =	simm.s32 $0x1;
	s14 =	simm.s32 $0x2800;
	s15 =	simm.s32 $0xA0  }
0x6: {  	s16 =	simm.s32 $0x5000;
	s31 =	simm.s32 $0x4;
	s22 =	simm.s32 $0x4B00  }
0x7: {  	s23 =	simm.s32 $0x4BA0;
	s28 =	simm.s32 $0x4E20;
	s29 =	simm.s32 $0x4EC0  }
0x8: {  	s30 =	simm.s32 $0x4F60;
	s5 =	sand.u32 $0x1, s3;
	s4 =	sshll.u32 s4, $0x1  }
0x9: {  	s10 =	simm.s32 $0x3;
	s3 =	simm.s32 $0x0;
	s4 =	sor.u32 s5, s4  }
0xa: {  	[smem:$0x7FF] =	sst s3;
	s24 =	ssub.s32 $0x2, s5;
	s7 =	smul.u32 $0x140, s4  }
0xb: {  	s12 =	simm.s32 $0x0;
	_ =	strace $0x80000047;
	s26 =	sshrl.u32 s24, $0x1  }
0xc: {  	s4 =	sadd.s32 $0x400, s2;
	s2 =	ssub.s32 s24, s26;
	s25 =	smin.u32 s7, $0x25D0  }
0xd: {  	s24 =	simm.s32 $0x4C40;
	s26 =	simm.s32 $0x4D80;
	s8 =	sshll.u32 s25, $0x2  }
0xe: {  	s9 =	sshll.u32 s25, $0x4;
	s25 =	simm.s32 $0x4CE0;
	s5 =	sadd.s32 s0, s8  }
0xf: {  	v0 =	vlaneseq.u32;
	s6 =	sadd.s32 s6, s9;
	s9 =	smax.u32 s2, $0x1;
	s0 =	simm.s32 $0xA000  }
0x10: {  	v1 =	vimm.f32 $0.0e+00;
	v0 =	vmul.u32 $0xA0, v0;
	s2 =	simm.s32 $0x2;
	s7 =	sadd.s32 $0x280, s5;
	s8 =	sadd.s32 $0xA00, s6  }
.LBB2_1:
0x11: {  	s17 =	simm.s32 $0xF000  }
0x12: {  	[tilespmem:s17], [sflag:$0x5] =	stream.linear.gather [hbm4b:s4+s3], $0x1, $0x38;
	[tilespmem:$0xF080] =	vst v63  }
0x13: {  	_ =	swait.ge [sflag:s11], $0x1  }
0x14: {  	[sflag:s11] =	ssyncset.done $0x0  }
0x15: {  	[sflag:s11] =	ssyncadd.s32 $0xFFFFFFFF  }
0x16: {  	v2 =	vld [tilespmem:$0xF000];
	[tilespmem:s3], [sflag:$0x1] =	stream.linear.gather [hbm4b:s5+s3], $0x1400, $0x38  }
0x17: {  	s20 =	simm.s32 $0x1400  }
0x18: {  	[tilespmem:s20], [sflag:$0x4] =	stream.linear.gather [hbm4b:s7+s3], $0x1400, $0x38;
	[tilespmem:$0xF080] =	vst v63  }
0x19: {  	_ =	swait.ge [sflag:s13], $0x1400  }
0x1a: {  	[sflag:s13] =	ssyncset.done $0x0  }
0x1b: {  	s18 =	simm.s32 $0x40;
	[sflag:s13] =	ssyncadd.s32 $0xFFFFEC00  }
0x1c: {  	v4 =	vadd.s32 s3, v0;
	v3 =	vld [tilespmem:s18+$0xFFFFFFC0];
	_ =	sdelay $0x4  }
0x1d: {  	s21 =	simm.s32 $0xA00;
	[tilespmem:v4+s14+$0x0] =	vst.idx.msk $0xffff, v3  }
0x1e: {  	v4 =	vadd.s32 s21, v0;
	v3 =	vld [tilespmem:s18+$0xFFFFFFD0];
	_ =	sdelay $0x4  }
0x1f: {  	s19 =	simm.s32 $0x1;
	[tilespmem:v4+s14+$0x0] =	vst.idx.msk $0xffff, v3  }
0x20: {  	v4 =	vadd.s32 s19, v0;
	v3 =	vld [tilespmem:s18+$0xFFFFFFE0];
	_ =	sdelay $0x4  }
0x21: {  	s20 =	simm.s32 $0xA01;
	[tilespmem:v4+s14+$0x0] =	vst.idx.msk $0xffff, v3  }
0x22: {  	v4 =	vadd.s32 s20, v0;
	v3 =	vld [tilespmem:s18+$0xFFFFFFF0];
	_ =	sdelay $0x4  }
0x23: {  	s21 =	simm.s32 $0x2;
	[tilespmem:v4+s14+$0x0] =	vst.idx.msk $0xffff, v3  }
0x24: {  	v4 =	vadd.s32 s21, v0;
	v3 =	vld [tilespmem:s18+$0x0];
	_ =	sdelay $0x4  }
0x25: {  	s19 =	simm.s32 $0xA02;
	[tilespmem:v4+s14+$0x0] =	vst.idx.msk $0xffff, v3  }
0x26: {  	v4 =	vadd.s32 s19, v0;
	v3 =	vld [tilespmem:s18+$0x10];
	_ =	sdelay $0x4  }
0x27: {  	s20 =	simm.s32 $0x3;
	[tilespmem:v4+s14+$0x0] =	vst.idx.msk $0xffff, v3  }
0x28: {  	v4 =	vadd.s32 s20, v0;
	v3 =	vld [tilespmem:s18+$0x20];
	_ =	sdelay $0x4  }
0x29: {  	s21 =	simm.s32 $0xA03;
	[tilespmem:v4+s14+$0x0] =	vst.idx.msk $0xffff, v3  }
0x2a: {  	v4 =	vadd.s32 s21, v0;
	v3 =	vld [tilespmem:s18+$0x30];
	_ =	sdelay $0x3  }
0x2b: {  	s17 =	simm.s32 $0x5200;
	s19 =	simm.s32 $0x0;
	s20 =	simm.s32 $0x0  }
.LBB2_2:
0x2c: {  	s19 =	sadd.s32 $0x8, s19;
	[tilespmem:v4+s14+$0x0] =	vst.idx.msk $0xffff, v3;
	s20 =	sadd.s32 $0x4, s20;
	s18 =	sadd.s32 $0x80, s18  }
0x2d: {  	v3 =	vld [tilespmem:s18+$0xFFFFFFC0];
	v4 =	vadd.s32 s20, v0;
	p0 =	slt.u32 s19, $0x138;
	_ =	sdelay $0x4  }
0x2e: {  	s21 =	sadd.s32 $0xA00, s20;
	[tilespmem:v4+s14+$0x0] =	vst.idx.msk $0xffff, v3  }
0x2f: {  	v4 =	vadd.s32 s21, v0;
	v3 =	vld [tilespmem:s18+$0xFFFFFFD0];
	_ =	sdelay $0x4  }
0x30: {  	s21 =	sadd.s32 $0x1, s20;
	[tilespmem:v4+s14+$0x0] =	vst.idx.msk $0xffff, v3  }
0x31: {  	v4 =	vadd.s32 s21, v0;
	v3 =	vld [tilespmem:s18+$0xFFFFFFE0];
	_ =	sdelay $0x4  }
0x32: {  	s21 =	sadd.s32 $0xA01, s20;
	[tilespmem:v4+s14+$0x0] =	vst.idx.msk $0xffff, v3  }
0x33: {  	v4 =	vadd.s32 s21, v0;
	v3 =	vld [tilespmem:s18+$0xFFFFFFF0];
	_ =	sdelay $0x4  }
0x34: {  	s21 =	sadd.s32 $0x2, s20;
	[tilespmem:v4+s14+$0x0] =	vst.idx.msk $0xffff, v3  }
0x35: {  	v4 =	vadd.s32 s21, v0;
	v3 =	vld [tilespmem:s18+$0x0];
	_ =	sdelay $0x4  }
0x36: {  	s21 =	sadd.s32 $0xA02, s20;
	[tilespmem:v4+s14+$0x0] =	vst.idx.msk $0xffff, v3  }
0x37: {  	v4 =	vadd.s32 s21, v0;
	v3 =	vld [tilespmem:s18+$0x10];
	_ =	sdelay $0x4  }
0x38: {  	s21 =	sadd.s32 $0x3, s20;
	[tilespmem:v4+s14+$0x0] =	vst.idx.msk $0xffff, v3  }
0x39: {  	v4 =	vadd.s32 s21, v0;
	v3 =	vld [tilespmem:s18+$0x20];
	_ =	sdelay $0x4  }
0x3a: {  	s21 =	sadd.s32 $0xA03, s20;
	[tilespmem:v4+s14+$0x0] =	vst.idx.msk $0xffff, v3  }
.Ltmp0:
0x3b: {  	v4 =	vadd.s32 s21, v0;
	v3 =	vld [tilespmem:s18+$0x30];
	(pc) =	sbr.rel @p0 .LBB2_2-.Ltmp0, $1  }
0x3c: {  	_ =	sdelay $0x3  }
0x3d: {  	_ =	sdelay $0x3  }
0x3e: {  	[tilespmem:v4+s14+$0x0] =	vst.idx.msk $0xffff, v3  }
0x3f: {  	[tilespmem:s17+$0xFFFFFE00] =	vst v1  }
0x40: {  	[tilespmem:s17+$0x1F0] =	vst v1  }
0x41: {  	[tilespmem:s17+$0x1E0] =	vst v1  }
0x42: {  	[tilespmem:s17+$0x1D0] =	vst v1  }
0x43: {  	[tilespmem:s17+$0x1C0] =	vst v1  }
0x44: {  	[tilespmem:s17+$0x1B0] =	vst v1  }
0x45: {  	[tilespmem:s17+$0x1A0] =	vst v1  }
0x46: {  	[tilespmem:s17+$0x190] =	vst v1  }
0x47: {  	[tilespmem:s17+$0x180] =	vst v1  }
0x48: {  	[tilespmem:s17+$0x170] =	vst v1  }
0x49: {  	[tilespmem:s17+$0x160] =	vst v1  }
0x4a: {  	[tilespmem:s17+$0x150] =	vst v1  }
0x4b: {  	[tilespmem:s17+$0x140] =	vst v1  }
0x4c: {  	[tilespmem:s17+$0x130] =	vst v1  }
0x4d: {  	[tilespmem:s17+$0x120] =	vst v1  }
0x4e: {  	[tilespmem:s17+$0x110] =	vst v1  }
0x4f: {  	[tilespmem:s17+$0x100] =	vst v1  }
0x50: {  	[tilespmem:s17+$0xF0] =	vst v1  }
0x51: {  	[tilespmem:s17+$0xE0] =	vst v1  }
0x52: {  	[tilespmem:s17+$0xD0] =	vst v1  }
0x53: {  	[tilespmem:s17+$0xC0] =	vst v1  }
0x54: {  	[tilespmem:s17+$0xB0] =	vst v1  }
0x55: {  	[tilespmem:s17+$0xA0] =	vst v1  }
0x56: {  	[tilespmem:s17+$0x90] =	vst v1  }
0x57: {  	[tilespmem:s17+$0x80] =	vst v1  }
0x58: {  	[tilespmem:s17+$0x70] =	vst v1  }
0x59: {  	[tilespmem:s17+$0x60] =	vst v1  }
0x5a: {  	[tilespmem:s17+$0x50] =	vst v1  }
0x5b: {  	[tilespmem:s17+$0x40] =	vst v1  }
0x5c: {  	[tilespmem:s17+$0x30] =	vst v1  }
0x5d: {  	[tilespmem:s17+$0x20] =	vst v1  }
0x5e: {  	[tilespmem:s17+$0x10] =	vst v1  }
0x5f: {  	[tilespmem:s17+$0x0] =	vst v1  }
0x60: {  	[tilespmem:s17+$0xFFFFFFF0] =	vst v1  }
0x61: {  	[tilespmem:s17+$0xFFFFFFE0] =	vst v1  }
0x62: {  	[tilespmem:s17+$0xFFFFFFD0] =	vst v1  }
0x63: {  	[tilespmem:s17+$0xFFFFFFC0] =	vst v1  }
0x64: {  	[tilespmem:s17+$0xFFFFFFB0] =	vst v1  }
0x65: {  	[tilespmem:s17+$0xFFFFFFA0] =	vst v1  }
0x66: {  	[tilespmem:s17+$0xFFFFFF90] =	vst v1  }
0x67: {  	[tilespmem:s17+$0xFFFFFF80] =	vst v1  }
0x68: {  	[tilespmem:s17+$0xFFFFFF70] =	vst v1  }
0x69: {  	[tilespmem:s17+$0xFFFFFF60] =	vst v1  }
0x6a: {  	[tilespmem:s17+$0xFFFFFF50] =	vst v1  }
0x6b: {  	[tilespmem:s17+$0xFFFFFF40] =	vst v1  }
0x6c: {  	[tilespmem:s17+$0xFFFFFF30] =	vst v1  }
0x6d: {  	[tilespmem:s17+$0xFFFFFF20] =	vst v1  }
0x6e: {  	[tilespmem:s17+$0xFFFFFF10] =	vst v1  }
0x6f: {  	[tilespmem:s17+$0xFFFFFF00] =	vst v1  }
0x70: {  	[tilespmem:s17+$0xFFFFFEF0] =	vst v1  }
0x71: {  	[tilespmem:s17+$0xFFFFFEE0] =	vst v1  }
0x72: {  	[tilespmem:s17+$0xFFFFFED0] =	vst v1  }
0x73: {  	[tilespmem:s17+$0xFFFFFEC0] =	vst v1  }
0x74: {  	[tilespmem:s17+$0xFFFFFEB0] =	vst v1  }
0x75: {  	[tilespmem:s17+$0xFFFFFEA0] =	vst v1  }
0x76: {  	[tilespmem:s17+$0xFFFFFE90] =	vst v1  }
0x77: {  	[tilespmem:s17+$0xFFFFFE80] =	vst v1  }
0x78: {  	[tilespmem:s17+$0xFFFFFE70] =	vst v1  }
0x79: {  	[tilespmem:s17+$0xFFFFFE60] =	vst v1  }
0x7a: {  	[tilespmem:s17+$0xFFFFFE50] =	vst v1  }
0x7b: {  	[tilespmem:s17+$0xFFFFFE40] =	vst v1  }
0x7c: {  	[tilespmem:s17+$0xFFFFFE30] =	vst v1  }
0x7d: {  	s18 =	simm.s32 $0x0;
	[tilespmem:s17+$0xFFFFFE20] =	vst v1  }
.LBB2_4:
0x7e: {  	s18 =	sadd.s32 $0x8, s18;
	[tilespmem:s17+$0xFFFFFE10] =	vst v1;
	s17 =	sadd.s32 $0x400, s17  }
0x7f: {  	[tilespmem:s17+$0xFFFFFE00] =	vst v1;
	p0 =	slt.u32 s18, $0x98  }
0x80: {  	[tilespmem:s17+$0x1F0] =	vst v1  }
0x81: {  	[tilespmem:s17+$0x1E0] =	vst v1  }
0x82: {  	[tilespmem:s17+$0x1D0] =	vst v1  }
0x83: {  	[tilespmem:s17+$0x1C0] =	vst v1  }
0x84: {  	[tilespmem:s17+$0x1B0] =	vst v1  }
0x85: {  	[tilespmem:s17+$0x1A0] =	vst v1  }
0x86: {  	[tilespmem:s17+$0x190] =	vst v1  }
0x87: {  	[tilespmem:s17+$0x180] =	vst v1  }
0x88: {  	[tilespmem:s17+$0x170] =	vst v1  }
0x89: {  	[tilespmem:s17+$0x160] =	vst v1  }
0x8a: {  	[tilespmem:s17+$0x150] =	vst v1  }
0x8b: {  	[tilespmem:s17+$0x140] =	vst v1  }
0x8c: {  	[tilespmem:s17+$0x130] =	vst v1  }
0x8d: {  	[tilespmem:s17+$0x120] =	vst v1  }
0x8e: {  	[tilespmem:s17+$0x110] =	vst v1  }
0x8f: {  	[tilespmem:s17+$0x100] =	vst v1  }
0x90: {  	[tilespmem:s17+$0xF0] =	vst v1  }
0x91: {  	[tilespmem:s17+$0xE0] =	vst v1  }
0x92: {  	[tilespmem:s17+$0xD0] =	vst v1  }
0x93: {  	[tilespmem:s17+$0xC0] =	vst v1  }
0x94: {  	[tilespmem:s17+$0xB0] =	vst v1  }
0x95: {  	[tilespmem:s17+$0xA0] =	vst v1  }
0x96: {  	[tilespmem:s17+$0x90] =	vst v1  }
0x97: {  	[tilespmem:s17+$0x80] =	vst v1  }
0x98: {  	[tilespmem:s17+$0x70] =	vst v1  }
0x99: {  	[tilespmem:s17+$0x60] =	vst v1  }
0x9a: {  	[tilespmem:s17+$0x50] =	vst v1  }
0x9b: {  	[tilespmem:s17+$0x40] =	vst v1  }
0x9c: {  	[tilespmem:s17+$0x30] =	vst v1  }
0x9d: {  	[tilespmem:s17+$0x20] =	vst v1  }
0x9e: {  	[tilespmem:s17+$0x10] =	vst v1  }
0x9f: {  	[tilespmem:s17+$0x0] =	vst v1  }
0xa0: {  	[tilespmem:s17+$0xFFFFFFF0] =	vst v1  }
0xa1: {  	[tilespmem:s17+$0xFFFFFFE0] =	vst v1  }
0xa2: {  	[tilespmem:s17+$0xFFFFFFD0] =	vst v1  }
0xa3: {  	[tilespmem:s17+$0xFFFFFFC0] =	vst v1  }
0xa4: {  	[tilespmem:s17+$0xFFFFFFB0] =	vst v1  }
0xa5: {  	[tilespmem:s17+$0xFFFFFFA0] =	vst v1  }
0xa6: {  	[tilespmem:s17+$0xFFFFFF90] =	vst v1  }
0xa7: {  	[tilespmem:s17+$0xFFFFFF80] =	vst v1  }
0xa8: {  	[tilespmem:s17+$0xFFFFFF70] =	vst v1  }
0xa9: {  	[tilespmem:s17+$0xFFFFFF60] =	vst v1  }
0xaa: {  	[tilespmem:s17+$0xFFFFFF50] =	vst v1  }
0xab: {  	[tilespmem:s17+$0xFFFFFF40] =	vst v1  }
0xac: {  	[tilespmem:s17+$0xFFFFFF30] =	vst v1  }
0xad: {  	[tilespmem:s17+$0xFFFFFF20] =	vst v1  }
0xae: {  	[tilespmem:s17+$0xFFFFFF10] =	vst v1  }
0xaf: {  	[tilespmem:s17+$0xFFFFFF00] =	vst v1  }
0xb0: {  	[tilespmem:s17+$0xFFFFFEF0] =	vst v1  }
0xb1: {  	[tilespmem:s17+$0xFFFFFEE0] =	vst v1  }
0xb2: {  	[tilespmem:s17+$0xFFFFFED0] =	vst v1  }
0xb3: {  	[tilespmem:s17+$0xFFFFFEC0] =	vst v1  }
0xb4: {  	[tilespmem:s17+$0xFFFFFEB0] =	vst v1  }
0xb5: {  	[tilespmem:s17+$0xFFFFFEA0] =	vst v1  }
0xb6: {  	[tilespmem:s17+$0xFFFFFE90] =	vst v1  }
0xb7: {  	[tilespmem:s17+$0xFFFFFE80] =	vst v1  }
0xb8: {  	[tilespmem:s17+$0xFFFFFE70] =	vst v1  }
.Ltmp1:
0xb9: {  	[tilespmem:s17+$0xFFFFFE60] =	vst v1;
	(pc) =	sbr.rel @p0 .LBB2_4-.Ltmp1, $4  }
0xba: {  	[tilespmem:s17+$0xFFFFFE50] =	vst v1  }
0xbb: {  	[tilespmem:s17+$0xFFFFFE40] =	vst v1  }
0xbc: {  	[tilespmem:s17+$0xFFFFFE30] =	vst v1  }
0xbd: {  	[tilespmem:s17+$0xFFFFFE20] =	vst v1  }
0xbe: {  	[tilespmem:s17+$0xFFFFFE10] =	vst v1  }
0xbf: {  	[tilespmem:s16], [sflag:$0x2] =	stream.indirect.gather.add.f32 [hbm:s1], $0x80, s14, s15, $0xb8;
	[tilespmem:$0xF080] =	vst v63  }
0xc0: {  	s18 =	simm.s32 $0x28A0  }
0xc1: {  	[tilespmem:s16], [sflag:$0x2] =	stream.indirect.gather.add.f32 [hbm:s1], $0x80, s18, s15, $0xb8;
	[tilespmem:$0xF080] =	vst v63  }
0xc2: {  	s19 =	simm.s32 $0x2940  }
0xc3: {  	[tilespmem:s16], [sflag:$0x2] =	stream.indirect.gather.add.f32 [hbm:s1], $0x80, s19, s15, $0xb8;
	[tilespmem:$0xF080] =	vst v63  }
0xc4: {  	s20 =	simm.s32 $0x29E0  }
0xc5: {  	[tilespmem:s16], [sflag:$0x2] =	stream.indirect.gather.add.f32 [hbm:s1], $0x80, s20, s15, $0xb8;
	[tilespmem:$0xF080] =	vst v63  }
0xc6: {  	s21 =	simm.s32 $0x2A80  }
0xc7: {  	[tilespmem:s16], [sflag:$0x2] =	stream.indirect.gather.add.f32 [hbm:s1], $0x80, s21, s15, $0xb8;
	[tilespmem:$0xF080] =	vst v63  }
0xc8: {  	s18 =	simm.s32 $0x2B20  }
0xc9: {  	[tilespmem:s16], [sflag:$0x2] =	stream.indirect.gather.add.f32 [hbm:s1], $0x80, s18, s15, $0xb8;
	[tilespmem:$0xF080] =	vst v63  }
0xca: {  	s19 =	simm.s32 $0x2BC0  }
0xcb: {  	[tilespmem:s16], [sflag:$0x2] =	stream.indirect.gather.add.f32 [hbm:s1], $0x80, s19, s15, $0xb8;
	[tilespmem:$0xF080] =	vst v63  }
0xcc: {  	s20 =	simm.s32 $0x2C60  }
0xcd: {  	[tilespmem:s16], [sflag:$0x2] =	stream.indirect.gather.add.f32 [hbm:s1], $0x80, s20, s15, $0xb8;
	[tilespmem:$0xF080] =	vst v63  }
0xce: {  	s21 =	simm.s32 $0x2D00  }
0xcf: {  	[tilespmem:s16], [sflag:$0x2] =	stream.indirect.gather.add.f32 [hbm:s1], $0x80, s21, s15, $0xb8;
	[tilespmem:$0xF080] =	vst v63  }
0xd0: {  	s18 =	simm.s32 $0x2DA0  }
0xd1: {  	[tilespmem:s16], [sflag:$0x2] =	stream.indirect.gather.add.f32 [hbm:s1], $0x80, s18, s15, $0xb8;
	[tilespmem:$0xF080] =	vst v63  }
0xd2: {  	s19 =	simm.s32 $0x2E40  }
0xd3: {  	[tilespmem:s16], [sflag:$0x2] =	stream.indirect.gather.add.f32 [hbm:s1], $0x80, s19, s15, $0xb8;
	[tilespmem:$0xF080] =	vst v63  }
0xd4: {  	s20 =	simm.s32 $0x2EE0  }
0xd5: {  	[tilespmem:s16], [sflag:$0x2] =	stream.indirect.gather.add.f32 [hbm:s1], $0x80, s20, s15, $0xb8;
	[tilespmem:$0xF080] =	vst v63  }
0xd6: {  	s21 =	simm.s32 $0x2F80  }
0xd7: {  	[tilespmem:s16], [sflag:$0x2] =	stream.indirect.gather.add.f32 [hbm:s1], $0x80, s21, s15, $0xb8;
	[tilespmem:$0xF080] =	vst v63  }
0xd8: {  	s18 =	simm.s32 $0x3020  }
0xd9: {  	[tilespmem:s16], [sflag:$0x2] =	stream.indirect.gather.add.f32 [hbm:s1], $0x80, s18, s15, $0xb8;
	[tilespmem:$0xF080] =	vst v63  }
0xda: {  	s19 =	simm.s32 $0x30C0  }
0xdb: {  	[tilespmem:s16], [sflag:$0x2] =	stream.indirect.gather.add.f32 [hbm:s1], $0x80, s19, s15, $0xb8;
	[tilespmem:$0xF080] =	vst v63  }
0xdc: {  	s20 =	simm.s32 $0x3160  }
0xdd: {  	[tilespmem:s16], [sflag:$0x2] =	stream.indirect.gather.add.f32 [hbm:s1], $0x80, s20, s15, $0xb8;
	[tilespmem:$0xF080] =	vst v63  }
0xde: {  	s21 =	simm.s32 $0x3200  }
0xdf: {  	[tilespmem:s16], [sflag:$0x2] =	stream.indirect.gather.add.f32 [hbm:s1], $0x80, s21, s15, $0xb8;
	[tilespmem:$0xF080] =	vst v63  }
0xe0: {  	s18 =	simm.s32 $0x32A0  }
0xe1: {  	[tilespmem:s16], [sflag:$0x2] =	stream.indirect.gather.add.f32 [hbm:s1], $0x80, s18, s15, $0xb8;
	[tilespmem:$0xF080] =	vst v63  }
0xe2: {  	s19 =	simm.s32 $0x3340  }
0xe3: {  	[tilespmem:s16], [sflag:$0x2] =	stream.indirect.gather.add.f32 [hbm:s1], $0x80, s19, s15, $0xb8;
	[tilespmem:$0xF080] =	vst v63  }
0xe4: {  	s20 =	simm.s32 $0x33E0  }
0xe5: {  	[tilespmem:s16], [sflag:$0x2] =	stream.indirect.gather.add.f32 [hbm:s1], $0x80, s20, s15, $0xb8;
	[tilespmem:$0xF080] =	vst v63  }
0xe6: {  	s21 =	simm.s32 $0x3480  }
0xe7: {  	[tilespmem:s16], [sflag:$0x2] =	stream.indirect.gather.add.f32 [hbm:s1], $0x80, s21, s15, $0xb8;
	[tilespmem:$0xF080] =	vst v63  }
0xe8: {  	s18 =	simm.s32 $0x3520  }
0xe9: {  	[tilespmem:s16], [sflag:$0x2] =	stream.indirect.gather.add.f32 [hbm:s1], $0x80, s18, s15, $0xb8;
	[tilespmem:$0xF080] =	vst v63  }
0xea: {  	s19 =	simm.s32 $0x35C0  }
0xeb: {  	[tilespmem:s16], [sflag:$0x2] =	stream.indirect.gather.add.f32 [hbm:s1], $0x80, s19, s15, $0xb8;
	[tilespmem:$0xF080] =	vst v63  }
0xec: {  	s20 =	simm.s32 $0x3660  }
0xed: {  	[tilespmem:s16], [sflag:$0x2] =	stream.indirect.gather.add.f32 [hbm:s1], $0x80, s20, s15, $0xb8;
	[tilespmem:$0xF080] =	vst v63  }
0xee: {  	s21 =	simm.s32 $0x3700  }
0xef: {  	[tilespmem:s16], [sflag:$0x2] =	stream.indirect.gather.add.f32 [hbm:s1], $0x80, s21, s15, $0xb8;
	[tilespmem:$0xF080] =	vst v63  }
0xf0: {  	s18 =	simm.s32 $0x37A0  }
0xf1: {  	[tilespmem:s16], [sflag:$0x2] =	stream.indirect.gather.add.f32 [hbm:s1], $0x80, s18, s15, $0xb8;
	[tilespmem:$0xF080] =	vst v63  }
0xf2: {  	s19 =	simm.s32 $0x3840  }
0xf3: {  	[tilespmem:s16], [sflag:$0x2] =	stream.indirect.gather.add.f32 [hbm:s1], $0x80, s19, s15, $0xb8;
	[tilespmem:$0xF080] =	vst v63  }
0xf4: {  	s20 =	simm.s32 $0x38E0  }
0xf5: {  	[tilespmem:s16], [sflag:$0x2] =	stream.indirect.gather.add.f32 [hbm:s1], $0x80, s20, s15, $0xb8;
	[tilespmem:$0xF080] =	vst v63  }
0xf6: {  	s21 =	simm.s32 $0x3980  }
0xf7: {  	[tilespmem:s16], [sflag:$0x2] =	stream.indirect.gather.add.f32 [hbm:s1], $0x80, s21, s15, $0xb8;
	[tilespmem:$0xF080] =	vst v63  }
0xf8: {  	s18 =	simm.s32 $0x3A20  }
0xf9: {  	[tilespmem:s16], [sflag:$0x2] =	stream.indirect.gather.add.f32 [hbm:s1], $0x80, s18, s15, $0xb8;
	[tilespmem:$0xF080] =	vst v63  }
0xfa: {  	s19 =	simm.s32 $0x3AC0  }
0xfb: {  	[tilespmem:s16], [sflag:$0x2] =	stream.indirect.gather.add.f32 [hbm:s1], $0x80, s19, s15, $0xb8;
	[tilespmem:$0xF080] =	vst v63  }
0xfc: {  	s20 =	simm.s32 $0x3B60  }
0xfd: {  	[tilespmem:s16], [sflag:$0x2] =	stream.indirect.gather.add.f32 [hbm:s1], $0x80, s20, s15, $0xb8;
	[tilespmem:$0xF080] =	vst v63  }
0xfe: {  	_ =	swait.ge [sflag:s31], $0x1400  }
0xff: {  	[sflag:s31] =	ssyncset.done $0x0  }
0x100: {  	s18 =	simm.s32 $0x1400;
	s19 =	simm.s32 $0x1470;
	[sflag:s31] =	ssyncadd.s32 $0xFFFFEC00  }
0x101: {  	v4 =	vadd.s32 s18, v0;
	v3 =	vld [tilespmem:s19+$0xFFFFFF90];
	_ =	sdelay $0x4  }
0x102: {  	s21 =	simm.s32 $0x1E00;
	[tilespmem:v4+s14+$0x0] =	vst.idx.msk $0xffff, v3  }
0x103: {  	v4 =	vadd.s32 s21, v0;
	v3 =	vld [tilespmem:s19+$0xFFFFFFA0];
	_ =	sdelay $0x4  }
0x104: {  	s20 =	simm.s32 $0x1401;
	[tilespmem:v4+s14+$0x0] =	vst.idx.msk $0xffff, v3  }
0x105: {  	v4 =	vadd.s32 s20, v0;
	v3 =	vld [tilespmem:s19+$0xFFFFFFB0];
	_ =	sdelay $0x4  }
0x106: {  	s21 =	simm.s32 $0x1E01;
	[tilespmem:v4+s14+$0x0] =	vst.idx.msk $0xffff, v3  }
0x107: {  	v4 =	vadd.s32 s21, v0;
	v3 =	vld [tilespmem:s19+$0xFFFFFFC0];
	_ =	sdelay $0x4  }
0x108: {  	s20 =	simm.s32 $0x1402;
	[tilespmem:v4+s14+$0x0] =	vst.idx.msk $0xffff, v3  }
0x109: {  	v4 =	vadd.s32 s20, v0;
	v3 =	vld [tilespmem:s19+$0xFFFFFFD0];
	_ =	sdelay $0x4  }
0x10a: {  	s21 =	simm.s32 $0x1E02;
	[tilespmem:v4+s14+$0x0] =	vst.idx.msk $0xffff, v3  }
0x10b: {  	v4 =	vadd.s32 s21, v0;
	v3 =	vld [tilespmem:s19+$0xFFFFFFE0];
	_ =	sdelay $0x4  }
0x10c: {  	s20 =	simm.s32 $0x1403;
	[tilespmem:v4+s14+$0x0] =	vst.idx.msk $0xffff, v3  }
0x10d: {  	v4 =	vadd.s32 s20, v0;
	v3 =	vld [tilespmem:s19+$0xFFFFFFF0];
	_ =	sdelay $0x4  }
0x10e: {  	s21 =	simm.s32 $0x1E03;
	[tilespmem:v4+s14+$0x0] =	vst.idx.msk $0xffff, v3  }
0x10f: {  	v4 =	vadd.s32 s21, v0;
	v3 =	vld [tilespmem:s19+$0x0];
	_ =	sdelay $0x3  }
0x110: {  	s17 =	simm.s32 $0xA200;
	s20 =	simm.s32 $0x140  }
.LBB2_6:
0x111: {  	s20 =	sadd.s32 $0x8, s20;
	[tilespmem:v4+s14+$0x0] =	vst.idx.msk $0xffff, v3;
	s18 =	sadd.s32 $0x4, s18;
	s19 =	sadd.s32 $0x80, s19  }
0x112: {  	v3 =	vld [tilespmem:s19+$0xFFFFFF90];
	v4 =	vadd.s32 s18, v0;
	p0 =	slt.u32 s20, $0x278;
	_ =	sdelay $0x4  }
0x113: {  	s21 =	sadd.s32 $0xA00, s18;
	[tilespmem:v4+s14+$0x0] =	vst.idx.msk $0xffff, v3  }
0x114: {  	v4 =	vadd.s32 s21, v0;
	v3 =	vld [tilespmem:s19+$0xFFFFFFA0];
	_ =	sdelay $0x4  }
0x115: {  	s21 =	sadd.s32 $0x1, s18;
	[tilespmem:v4+s14+$0x0] =	vst.idx.msk $0xffff, v3  }
0x116: {  	v4 =	vadd.s32 s21, v0;
	v3 =	vld [tilespmem:s19+$0xFFFFFFB0];
	_ =	sdelay $0x4  }
0x117: {  	s21 =	sadd.s32 $0xA01, s18;
	[tilespmem:v4+s14+$0x0] =	vst.idx.msk $0xffff, v3  }
0x118: {  	v4 =	vadd.s32 s21, v0;
	v3 =	vld [tilespmem:s19+$0xFFFFFFC0];
	_ =	sdelay $0x4  }
0x119: {  	s21 =	sadd.s32 $0x2, s18;
	[tilespmem:v4+s14+$0x0] =	vst.idx.msk $0xffff, v3  }
0x11a: {  	v4 =	vadd.s32 s21, v0;
	v3 =	vld [tilespmem:s19+$0xFFFFFFD0];
	_ =	sdelay $0x4  }
0x11b: {  	s21 =	sadd.s32 $0xA02, s18;
	[tilespmem:v4+s14+$0x0] =	vst.idx.msk $0xffff, v3  }
0x11c: {  	v4 =	vadd.s32 s21, v0;
	v3 =	vld [tilespmem:s19+$0xFFFFFFE0];
	_ =	sdelay $0x4  }
0x11d: {  	s21 =	sadd.s32 $0x3, s18;
	[tilespmem:v4+s14+$0x0] =	vst.idx.msk $0xffff, v3  }
0x11e: {  	v4 =	vadd.s32 s21, v0;
	v3 =	vld [tilespmem:s19+$0xFFFFFFF0];
	_ =	sdelay $0x4  }
0x11f: {  	s21 =	sadd.s32 $0xA03, s18;
	[tilespmem:v4+s14+$0x0] =	vst.idx.msk $0xffff, v3  }
.Ltmp2:
0x120: {  	v4 =	vadd.s32 s21, v0;
	v3 =	vld [tilespmem:s19+$0x0];
	(pc) =	sbr.rel @p0 .LBB2_6-.Ltmp2, $1  }
0x121: {  	_ =	sdelay $0x3  }
0x122: {  	_ =	sdelay $0x3  }
0x123: {  	[tilespmem:v4+s14+$0x0] =	vst.idx.msk $0xffff, v3  }
0x124: {  	[tilespmem:s17+$0xFFFFFE00] =	vst v1  }
0x125: {  	[tilespmem:s17+$0x1F0] =	vst v1  }
0x126: {  	[tilespmem:s17+$0x1E0] =	vst v1  }
0x127: {  	[tilespmem:s17+$0x1D0] =	vst v1  }
0x128: {  	[tilespmem:s17+$0x1C0] =	vst v1  }
0x129: {  	[tilespmem:s17+$0x1B0] =	vst v1  }
0x12a: {  	[tilespmem:s17+$0x1A0] =	vst v1  }
0x12b: {  	[tilespmem:s17+$0x190] =	vst v1  }
0x12c: {  	[tilespmem:s17+$0x180] =	vst v1  }
0x12d: {  	[tilespmem:s17+$0x170] =	vst v1  }
0x12e: {  	[tilespmem:s17+$0x160] =	vst v1  }
0x12f: {  	[tilespmem:s17+$0x150] =	vst v1  }
0x130: {  	[tilespmem:s17+$0x140] =	vst v1  }
0x131: {  	[tilespmem:s17+$0x130] =	vst v1  }
0x132: {  	[tilespmem:s17+$0x120] =	vst v1  }
0x133: {  	[tilespmem:s17+$0x110] =	vst v1  }
0x134: {  	[tilespmem:s17+$0x100] =	vst v1  }
0x135: {  	[tilespmem:s17+$0xF0] =	vst v1  }
0x136: {  	[tilespmem:s17+$0xE0] =	vst v1  }
0x137: {  	[tilespmem:s17+$0xD0] =	vst v1  }
0x138: {  	[tilespmem:s17+$0xC0] =	vst v1  }
0x139: {  	[tilespmem:s17+$0xB0] =	vst v1  }
0x13a: {  	[tilespmem:s17+$0xA0] =	vst v1  }
0x13b: {  	[tilespmem:s17+$0x90] =	vst v1  }
0x13c: {  	[tilespmem:s17+$0x80] =	vst v1  }
0x13d: {  	[tilespmem:s17+$0x70] =	vst v1  }
0x13e: {  	[tilespmem:s17+$0x60] =	vst v1  }
0x13f: {  	[tilespmem:s17+$0x50] =	vst v1  }
0x140: {  	[tilespmem:s17+$0x40] =	vst v1  }
0x141: {  	[tilespmem:s17+$0x30] =	vst v1  }
0x142: {  	[tilespmem:s17+$0x20] =	vst v1  }
0x143: {  	[tilespmem:s17+$0x10] =	vst v1  }
0x144: {  	[tilespmem:s17+$0x0] =	vst v1  }
0x145: {  	[tilespmem:s17+$0xFFFFFFF0] =	vst v1  }
0x146: {  	[tilespmem:s17+$0xFFFFFFE0] =	vst v1  }
0x147: {  	[tilespmem:s17+$0xFFFFFFD0] =	vst v1  }
0x148: {  	[tilespmem:s17+$0xFFFFFFC0] =	vst v1  }
0x149: {  	[tilespmem:s17+$0xFFFFFFB0] =	vst v1  }
0x14a: {  	[tilespmem:s17+$0xFFFFFFA0] =	vst v1  }
0x14b: {  	[tilespmem:s17+$0xFFFFFF90] =	vst v1  }
0x14c: {  	[tilespmem:s17+$0xFFFFFF80] =	vst v1  }
0x14d: {  	[tilespmem:s17+$0xFFFFFF70] =	vst v1  }
0x14e: {  	[tilespmem:s17+$0xFFFFFF60] =	vst v1  }
0x14f: {  	[tilespmem:s17+$0xFFFFFF50] =	vst v1  }
0x150: {  	[tilespmem:s17+$0xFFFFFF40] =	vst v1  }
0x151: {  	[tilespmem:s17+$0xFFFFFF30] =	vst v1  }
0x152: {  	[tilespmem:s17+$0xFFFFFF20] =	vst v1  }
0x153: {  	[tilespmem:s17+$0xFFFFFF10] =	vst v1  }
0x154: {  	[tilespmem:s17+$0xFFFFFF00] =	vst v1  }
0x155: {  	[tilespmem:s17+$0xFFFFFEF0] =	vst v1  }
0x156: {  	[tilespmem:s17+$0xFFFFFEE0] =	vst v1  }
0x157: {  	[tilespmem:s17+$0xFFFFFED0] =	vst v1  }
0x158: {  	[tilespmem:s17+$0xFFFFFEC0] =	vst v1  }
0x159: {  	[tilespmem:s17+$0xFFFFFEB0] =	vst v1  }
0x15a: {  	[tilespmem:s17+$0xFFFFFEA0] =	vst v1  }
0x15b: {  	[tilespmem:s17+$0xFFFFFE90] =	vst v1  }
0x15c: {  	[tilespmem:s17+$0xFFFFFE80] =	vst v1  }
0x15d: {  	[tilespmem:s17+$0xFFFFFE70] =	vst v1  }
0x15e: {  	[tilespmem:s17+$0xFFFFFE60] =	vst v1  }
0x15f: {  	[tilespmem:s17+$0xFFFFFE50] =	vst v1  }
0x160: {  	[tilespmem:s17+$0xFFFFFE40] =	vst v1  }
0x161: {  	[tilespmem:s17+$0xFFFFFE30] =	vst v1  }
0x162: {  	s18 =	simm.s32 $0x0;
	[tilespmem:s17+$0xFFFFFE20] =	vst v1  }
.LBB2_8:
0x163: {  	s18 =	sadd.s32 $0x8, s18;
	[tilespmem:s17+$0xFFFFFE10] =	vst v1;
	s17 =	sadd.s32 $0x400, s17  }
0x164: {  	[tilespmem:s17+$0xFFFFFE00] =	vst v1;
	p0 =	slt.u32 s18, $0x98  }
0x165: {  	[tilespmem:s17+$0x1F0] =	vst v1  }
0x166: {  	[tilespmem:s17+$0x1E0] =	vst v1  }
0x167: {  	[tilespmem:s17+$0x1D0] =	vst v1  }
0x168: {  	[tilespmem:s17+$0x1C0] =	vst v1  }
0x169: {  	[tilespmem:s17+$0x1B0] =	vst v1  }
0x16a: {  	[tilespmem:s17+$0x1A0] =	vst v1  }
0x16b: {  	[tilespmem:s17+$0x190] =	vst v1  }
0x16c: {  	[tilespmem:s17+$0x180] =	vst v1  }
0x16d: {  	[tilespmem:s17+$0x170] =	vst v1  }
0x16e: {  	[tilespmem:s17+$0x160] =	vst v1  }
0x16f: {  	[tilespmem:s17+$0x150] =	vst v1  }
0x170: {  	[tilespmem:s17+$0x140] =	vst v1  }
0x171: {  	[tilespmem:s17+$0x130] =	vst v1  }
0x172: {  	[tilespmem:s17+$0x120] =	vst v1  }
0x173: {  	[tilespmem:s17+$0x110] =	vst v1  }
0x174: {  	[tilespmem:s17+$0x100] =	vst v1  }
0x175: {  	[tilespmem:s17+$0xF0] =	vst v1  }
0x176: {  	[tilespmem:s17+$0xE0] =	vst v1  }
0x177: {  	[tilespmem:s17+$0xD0] =	vst v1  }
0x178: {  	[tilespmem:s17+$0xC0] =	vst v1  }
0x179: {  	[tilespmem:s17+$0xB0] =	vst v1  }
0x17a: {  	[tilespmem:s17+$0xA0] =	vst v1  }
0x17b: {  	[tilespmem:s17+$0x90] =	vst v1  }
0x17c: {  	[tilespmem:s17+$0x80] =	vst v1  }
0x17d: {  	[tilespmem:s17+$0x70] =	vst v1  }
0x17e: {  	[tilespmem:s17+$0x60] =	vst v1  }
0x17f: {  	[tilespmem:s17+$0x50] =	vst v1  }
0x180: {  	[tilespmem:s17+$0x40] =	vst v1  }
0x181: {  	[tilespmem:s17+$0x30] =	vst v1  }
0x182: {  	[tilespmem:s17+$0x20] =	vst v1  }
0x183: {  	[tilespmem:s17+$0x10] =	vst v1  }
0x184: {  	[tilespmem:s17+$0x0] =	vst v1  }
0x185: {  	[tilespmem:s17+$0xFFFFFFF0] =	vst v1  }
0x186: {  	[tilespmem:s17+$0xFFFFFFE0] =	vst v1  }
0x187: {  	[tilespmem:s17+$0xFFFFFFD0] =	vst v1  }
0x188: {  	[tilespmem:s17+$0xFFFFFFC0] =	vst v1  }
0x189: {  	[tilespmem:s17+$0xFFFFFFB0] =	vst v1  }
0x18a: {  	[tilespmem:s17+$0xFFFFFFA0] =	vst v1  }
0x18b: {  	[tilespmem:s17+$0xFFFFFF90] =	vst v1  }
0x18c: {  	[tilespmem:s17+$0xFFFFFF80] =	vst v1  }
0x18d: {  	[tilespmem:s17+$0xFFFFFF70] =	vst v1  }
0x18e: {  	[tilespmem:s17+$0xFFFFFF60] =	vst v1  }
0x18f: {  	[tilespmem:s17+$0xFFFFFF50] =	vst v1  }
0x190: {  	[tilespmem:s17+$0xFFFFFF40] =	vst v1  }
0x191: {  	[tilespmem:s17+$0xFFFFFF30] =	vst v1  }
0x192: {  	[tilespmem:s17+$0xFFFFFF20] =	vst v1  }
0x193: {  	[tilespmem:s17+$0xFFFFFF10] =	vst v1  }
0x194: {  	[tilespmem:s17+$0xFFFFFF00] =	vst v1  }
0x195: {  	[tilespmem:s17+$0xFFFFFEF0] =	vst v1  }
0x196: {  	[tilespmem:s17+$0xFFFFFEE0] =	vst v1  }
0x197: {  	[tilespmem:s17+$0xFFFFFED0] =	vst v1  }
0x198: {  	[tilespmem:s17+$0xFFFFFEC0] =	vst v1  }
0x199: {  	[tilespmem:s17+$0xFFFFFEB0] =	vst v1  }
0x19a: {  	[tilespmem:s17+$0xFFFFFEA0] =	vst v1  }
0x19b: {  	[tilespmem:s17+$0xFFFFFE90] =	vst v1  }
0x19c: {  	[tilespmem:s17+$0xFFFFFE80] =	vst v1  }
0x19d: {  	[tilespmem:s17+$0xFFFFFE70] =	vst v1  }
.Ltmp3:
0x19e: {  	[tilespmem:s17+$0xFFFFFE60] =	vst v1;
	(pc) =	sbr.rel @p0 .LBB2_8-.Ltmp3, $4  }
0x19f: {  	[tilespmem:s17+$0xFFFFFE50] =	vst v1  }
0x1a0: {  	[tilespmem:s17+$0xFFFFFE40] =	vst v1  }
0x1a1: {  	[tilespmem:s17+$0xFFFFFE30] =	vst v1  }
0x1a2: {  	[tilespmem:s17+$0xFFFFFE20] =	vst v1  }
0x1a3: {  	[tilespmem:s17+$0xFFFFFE10] =	vst v1;
	s18 =	simm.s32 $0x3C00  }
0x1a4: {  	[tilespmem:s0], [sflag:$0x3] =	stream.indirect.gather.add.f32 [hbm:s1], $0x80, s18, s15, $0xb8;
	[tilespmem:$0xF080] =	vst v63  }
0x1a5: {  	s19 =	simm.s32 $0x3CA0  }
0x1a6: {  	[tilespmem:s0], [sflag:$0x3] =	stream.indirect.gather.add.f32 [hbm:s1], $0x80, s19, s15, $0xb8;
	[tilespmem:$0xF080] =	vst v63  }
0x1a7: {  	s20 =	simm.s32 $0x3D40  }
0x1a8: {  	[tilespmem:s0], [sflag:$0x3] =	stream.indirect.gather.add.f32 [hbm:s1], $0x80, s20, s15, $0xb8;
	[tilespmem:$0xF080] =	vst v63  }
0x1a9: {  	s21 =	simm.s32 $0x3DE0  }
0x1aa: {  	[tilespmem:s0], [sflag:$0x3] =	stream.indirect.gather.add.f32 [hbm:s1], $0x80, s21, s15, $0xb8;
	[tilespmem:$0xF080] =	vst v63  }
0x1ab: {  	s18 =	simm.s32 $0x3E80  }
0x1ac: {  	[tilespmem:s0], [sflag:$0x3] =	stream.indirect.gather.add.f32 [hbm:s1], $0x80, s18, s15, $0xb8;
	[tilespmem:$0xF080] =	vst v63  }
0x1ad: {  	s19 =	simm.s32 $0x3F20  }
0x1ae: {  	[tilespmem:s0], [sflag:$0x3] =	stream.indirect.gather.add.f32 [hbm:s1], $0x80, s19, s15, $0xb8;
	[tilespmem:$0xF080] =	vst v63  }
0x1af: {  	s20 =	simm.s32 $0x3FC0  }
0x1b0: {  	[tilespmem:s0], [sflag:$0x3] =	stream.indirect.gather.add.f32 [hbm:s1], $0x80, s20, s15, $0xb8;
	[tilespmem:$0xF080] =	vst v63  }
0x1b1: {  	s21 =	simm.s32 $0x4060  }
0x1b2: {  	[tilespmem:s0], [sflag:$0x3] =	stream.indirect.gather.add.f32 [hbm:s1], $0x80, s21, s15, $0xb8;
	[tilespmem:$0xF080] =	vst v63  }
0x1b3: {  	s18 =	simm.s32 $0x4100  }
0x1b4: {  	[tilespmem:s0], [sflag:$0x3] =	stream.indirect.gather.add.f32 [hbm:s1], $0x80, s18, s15, $0xb8;
	[tilespmem:$0xF080] =	vst v63  }
0x1b5: {  	s19 =	simm.s32 $0x41A0  }
0x1b6: {  	[tilespmem:s0], [sflag:$0x3] =	stream.indirect.gather.add.f32 [hbm:s1], $0x80, s19, s15, $0xb8;
	[tilespmem:$0xF080] =	vst v63  }
0x1b7: {  	s20 =	simm.s32 $0x4240  }
0x1b8: {  	[tilespmem:s0], [sflag:$0x3] =	stream.indirect.gather.add.f32 [hbm:s1], $0x80, s20, s15, $0xb8;
	[tilespmem:$0xF080] =	vst v63  }
0x1b9: {  	s21 =	simm.s32 $0x42E0  }
0x1ba: {  	[tilespmem:s0], [sflag:$0x3] =	stream.indirect.gather.add.f32 [hbm:s1], $0x80, s21, s15, $0xb8;
	[tilespmem:$0xF080] =	vst v63  }
0x1bb: {  	s18 =	simm.s32 $0x4380  }
0x1bc: {  	[tilespmem:s0], [sflag:$0x3] =	stream.indirect.gather.add.f32 [hbm:s1], $0x80, s18, s15, $0xb8;
	[tilespmem:$0xF080] =	vst v63  }
0x1bd: {  	s19 =	simm.s32 $0x4420  }
0x1be: {  	[tilespmem:s0], [sflag:$0x3] =	stream.indirect.gather.add.f32 [hbm:s1], $0x80, s19, s15, $0xb8;
	[tilespmem:$0xF080] =	vst v63  }
0x1bf: {  	s20 =	simm.s32 $0x44C0  }
0x1c0: {  	[tilespmem:s0], [sflag:$0x3] =	stream.indirect.gather.add.f32 [hbm:s1], $0x80, s20, s15, $0xb8;
	[tilespmem:$0xF080] =	vst v63  }
0x1c1: {  	s21 =	simm.s32 $0x4560  }
0x1c2: {  	[tilespmem:s0], [sflag:$0x3] =	stream.indirect.gather.add.f32 [hbm:s1], $0x80, s21, s15, $0xb8;
	[tilespmem:$0xF080] =	vst v63  }
0x1c3: {  	s18 =	simm.s32 $0x4600  }
0x1c4: {  	[tilespmem:s0], [sflag:$0x3] =	stream.indirect.gather.add.f32 [hbm:s1], $0x80, s18, s15, $0xb8;
	[tilespmem:$0xF080] =	vst v63  }
0x1c5: {  	s19 =	simm.s32 $0x46A0  }
0x1c6: {  	[tilespmem:s0], [sflag:$0x3] =	stream.indirect.gather.add.f32 [hbm:s1], $0x80, s19, s15, $0xb8;
	[tilespmem:$0xF080] =	vst v63  }
0x1c7: {  	s20 =	simm.s32 $0x4740  }
0x1c8: {  	[tilespmem:s0], [sflag:$0x3] =	stream.indirect.gather.add.f32 [hbm:s1], $0x80, s20, s15, $0xb8;
	[tilespmem:$0xF080] =	vst v63  }
0x1c9: {  	s21 =	simm.s32 $0x47E0  }
0x1ca: {  	[tilespmem:s0], [sflag:$0x3] =	stream.indirect.gather.add.f32 [hbm:s1], $0x80, s21, s15, $0xb8;
	[tilespmem:$0xF080] =	vst v63  }
0x1cb: {  	s18 =	simm.s32 $0x4880  }
0x1cc: {  	[tilespmem:s0], [sflag:$0x3] =	stream.indirect.gather.add.f32 [hbm:s1], $0x80, s18, s15, $0xb8;
	[tilespmem:$0xF080] =	vst v63  }
0x1cd: {  	s19 =	simm.s32 $0x4920  }
0x1ce: {  	[tilespmem:s0], [sflag:$0x3] =	stream.indirect.gather.add.f32 [hbm:s1], $0x80, s19, s15, $0xb8;
	[tilespmem:$0xF080] =	vst v63  }
0x1cf: {  	s20 =	simm.s32 $0x49C0  }
0x1d0: {  	[tilespmem:s0], [sflag:$0x3] =	stream.indirect.gather.add.f32 [hbm:s1], $0x80, s20, s15, $0xb8;
	[tilespmem:$0xF080] =	vst v63  }
0x1d1: {  	s21 =	simm.s32 $0x4A60  }
0x1d2: {  	[tilespmem:s0], [sflag:$0x3] =	stream.indirect.gather.add.f32 [hbm:s1], $0x80, s21, s15, $0xb8;
	[tilespmem:$0xF080] =	vst v63  }
0x1d3: {  	_ = 	snop  }
0x1d4: {  	[tilespmem:s0], [sflag:$0x3] =	stream.indirect.gather.add.f32 [hbm:s1], $0x80, s22, s15, $0xb8;
	[tilespmem:$0xF080] =	vst v63  }
0x1d5: {  	_ = 	snop  }
0x1d6: {  	[tilespmem:s0], [sflag:$0x3] =	stream.indirect.gather.add.f32 [hbm:s1], $0x80, s23, s15, $0xb8;
	[tilespmem:$0xF080] =	vst v63  }
0x1d7: {  	_ = 	snop  }
0x1d8: {  	[tilespmem:s0], [sflag:$0x3] =	stream.indirect.gather.add.f32 [hbm:s1], $0x80, s24, s15, $0xb8;
	[tilespmem:$0xF080] =	vst v63  }
0x1d9: {  	_ = 	snop  }
0x1da: {  	[tilespmem:s0], [sflag:$0x3] =	stream.indirect.gather.add.f32 [hbm:s1], $0x80, s25, s15, $0xb8;
	[tilespmem:$0xF080] =	vst v63  }
0x1db: {  	_ = 	snop  }
0x1dc: {  	[tilespmem:s0], [sflag:$0x3] =	stream.indirect.gather.add.f32 [hbm:s1], $0x80, s26, s15, $0xb8;
	[tilespmem:$0xF080] =	vst v63  }
0x1dd: {  	_ = 	snop  }
0x1de: {  	[tilespmem:s0], [sflag:$0x3] =	stream.indirect.gather.add.f32 [hbm:s1], $0x80, s28, s15, $0xb8;
	[tilespmem:$0xF080] =	vst v63  }
0x1df: {  	_ = 	snop  }
0x1e0: {  	[tilespmem:s0], [sflag:$0x3] =	stream.indirect.gather.add.f32 [hbm:s1], $0x80, s29, s15, $0xb8;
	[tilespmem:$0xF080] =	vst v63  }
0x1e1: {  	_ = 	snop  }
0x1e2: {  	[tilespmem:s0], [sflag:$0x3] =	stream.indirect.gather.add.f32 [hbm:s1], $0x80, s30, s15, $0xb8;
	[tilespmem:$0xF080] =	vst v63  }
0x1e3: {  	_ =	swait.ge [sflag:s2], $0x5000  }
0x1e4: {  	[sflag:s2] =	ssyncset.done $0x0  }
0x1e5: {  	[sflag:s2] =	ssyncadd.s32 $0xFFFFB000  }
0x1e6: {  	_ =	swait.ge [sflag:s2], $0x5000  }
0x1e7: {  	[sflag:s2] =	ssyncset.done $0x0  }
0x1e8: {  	[sflag:s2] =	ssyncadd.s32 $0xFFFFB000  }
0x1e9: {  	_ =	swait.ge [sflag:s2], $0x5000  }
0x1ea: {  	[sflag:s2] =	ssyncset.done $0x0  }
0x1eb: {  	[sflag:s2] =	ssyncadd.s32 $0xFFFFB000  }
0x1ec: {  	_ =	swait.ge [sflag:s2], $0x5000  }
0x1ed: {  	[sflag:s2] =	ssyncset.done $0x0  }
0x1ee: {  	[sflag:s2] =	ssyncadd.s32 $0xFFFFB000  }
0x1ef: {  	_ =	swait.ge [sflag:s2], $0x5000  }
0x1f0: {  	[sflag:s2] =	ssyncset.done $0x0  }
0x1f1: {  	[sflag:s2] =	ssyncadd.s32 $0xFFFFB000  }
0x1f2: {  	_ =	swait.ge [sflag:s2], $0x5000  }
0x1f3: {  	[sflag:s2] =	ssyncset.done $0x0  }
0x1f4: {  	[sflag:s2] =	ssyncadd.s32 $0xFFFFB000  }
0x1f5: {  	_ =	swait.ge [sflag:s2], $0x5000  }
0x1f6: {  	[sflag:s2] =	ssyncset.done $0x0  }
0x1f7: {  	[sflag:s2] =	ssyncadd.s32 $0xFFFFB000  }
0x1f8: {  	_ =	swait.ge [sflag:s2], $0x5000  }
0x1f9: {  	[sflag:s2] =	ssyncset.done $0x0  }
0x1fa: {  	[sflag:s2] =	ssyncadd.s32 $0xFFFFB000  }
0x1fb: {  	_ =	swait.ge [sflag:s2], $0x5000  }
0x1fc: {  	[sflag:s2] =	ssyncset.done $0x0  }
0x1fd: {  	[sflag:s2] =	ssyncadd.s32 $0xFFFFB000  }
0x1fe: {  	_ =	swait.ge [sflag:s2], $0x5000  }
0x1ff: {  	[sflag:s2] =	ssyncset.done $0x0  }
0x200: {  	[sflag:s2] =	ssyncadd.s32 $0xFFFFB000  }
0x201: {  	_ =	swait.ge [sflag:s2], $0x5000  }
0x202: {  	[sflag:s2] =	ssyncset.done $0x0  }
0x203: {  	[sflag:s2] =	ssyncadd.s32 $0xFFFFB000  }
0x204: {  	_ =	swait.ge [sflag:s2], $0x5000  }
0x205: {  	[sflag:s2] =	ssyncset.done $0x0  }
0x206: {  	[sflag:s2] =	ssyncadd.s32 $0xFFFFB000  }
0x207: {  	_ =	swait.ge [sflag:s2], $0x5000  }
0x208: {  	[sflag:s2] =	ssyncset.done $0x0  }
0x209: {  	[sflag:s2] =	ssyncadd.s32 $0xFFFFB000  }
0x20a: {  	_ =	swait.ge [sflag:s2], $0x5000  }
0x20b: {  	[sflag:s2] =	ssyncset.done $0x0  }
0x20c: {  	[sflag:s2] =	ssyncadd.s32 $0xFFFFB000  }
0x20d: {  	_ =	swait.ge [sflag:s2], $0x5000  }
0x20e: {  	[sflag:s2] =	ssyncset.done $0x0  }
0x20f: {  	[sflag:s2] =	ssyncadd.s32 $0xFFFFB000  }
0x210: {  	_ =	swait.ge [sflag:s2], $0x5000  }
0x211: {  	[sflag:s2] =	ssyncset.done $0x0  }
0x212: {  	[sflag:s2] =	ssyncadd.s32 $0xFFFFB000  }
0x213: {  	_ =	swait.ge [sflag:s2], $0x5000  }
0x214: {  	[sflag:s2] =	ssyncset.done $0x0  }
0x215: {  	[sflag:s2] =	ssyncadd.s32 $0xFFFFB000  }
0x216: {  	_ =	swait.ge [sflag:s2], $0x5000  }
0x217: {  	[sflag:s2] =	ssyncset.done $0x0  }
0x218: {  	[sflag:s2] =	ssyncadd.s32 $0xFFFFB000  }
0x219: {  	_ =	swait.ge [sflag:s2], $0x5000  }
0x21a: {  	[sflag:s2] =	ssyncset.done $0x0  }
0x21b: {  	[sflag:s2] =	ssyncadd.s32 $0xFFFFB000  }
0x21c: {  	_ =	swait.ge [sflag:s2], $0x5000  }
0x21d: {  	[sflag:s2] =	ssyncset.done $0x0  }
0x21e: {  	[sflag:s2] =	ssyncadd.s32 $0xFFFFB000  }
0x21f: {  	_ =	swait.ge [sflag:s2], $0x5000  }
0x220: {  	[sflag:s2] =	ssyncset.done $0x0  }
0x221: {  	[sflag:s2] =	ssyncadd.s32 $0xFFFFB000  }
0x222: {  	_ =	swait.ge [sflag:s2], $0x5000  }
0x223: {  	[sflag:s2] =	ssyncset.done $0x0  }
0x224: {  	[sflag:s2] =	ssyncadd.s32 $0xFFFFB000  }
0x225: {  	_ =	swait.ge [sflag:s2], $0x5000  }
0x226: {  	[sflag:s2] =	ssyncset.done $0x0  }
0x227: {  	[sflag:s2] =	ssyncadd.s32 $0xFFFFB000  }
0x228: {  	_ =	swait.ge [sflag:s2], $0x5000  }
0x229: {  	[sflag:s2] =	ssyncset.done $0x0  }
0x22a: {  	[sflag:s2] =	ssyncadd.s32 $0xFFFFB000  }
0x22b: {  	_ =	swait.ge [sflag:s2], $0x5000  }
0x22c: {  	[sflag:s2] =	ssyncset.done $0x0  }
0x22d: {  	[sflag:s2] =	ssyncadd.s32 $0xFFFFB000  }
0x22e: {  	_ =	swait.ge [sflag:s2], $0x5000  }
0x22f: {  	[sflag:s2] =	ssyncset.done $0x0  }
0x230: {  	[sflag:s2] =	ssyncadd.s32 $0xFFFFB000  }
0x231: {  	_ =	swait.ge [sflag:s2], $0x5000  }
0x232: {  	[sflag:s2] =	ssyncset.done $0x0  }
0x233: {  	[sflag:s2] =	ssyncadd.s32 $0xFFFFB000  }
0x234: {  	_ =	swait.ge [sflag:s2], $0x5000  }
0x235: {  	[sflag:s2] =	ssyncset.done $0x0  }
0x236: {  	[sflag:s2] =	ssyncadd.s32 $0xFFFFB000  }
0x237: {  	_ =	swait.ge [sflag:s2], $0x5000  }
0x238: {  	[sflag:s2] =	ssyncset.done $0x0  }
0x239: {  	[sflag:s2] =	ssyncadd.s32 $0xFFFFB000  }
0x23a: {  	_ =	swait.ge [sflag:s2], $0x5000  }
0x23b: {  	[sflag:s2] =	ssyncset.done $0x0  }
0x23c: {  	[sflag:s2] =	ssyncadd.s32 $0xFFFFB000  }
0x23d: {  	_ =	swait.ge [sflag:s2], $0x5000  }
0x23e: {  	[sflag:s2] =	ssyncset.done $0x0  }
0x23f: {  	[sflag:s2] =	ssyncadd.s32 $0xFFFFB000  }
0x240: {  	_ =	swait.ge [sflag:s2], $0x5000  }
0x241: {  	[sflag:s2] =	ssyncset.done $0x0  }
0x242: {  	s18 =	simm.s32 $0x5200;
	[sflag:s2] =	ssyncadd.s32 $0xFFFFB000  }
0x243: {  	v4 =	vld [tilespmem:s18+$0xFFFFFF00]  }
0x244: {  	v7 =	vld [tilespmem:s18+$0xFFFFFE00]  }
0x245: {  	v9 =	vld [tilespmem:s18+$0x180]  }
0x246: {  	v2 =	vbroadcast v2, $0x0;
	v5 =	vld [tilespmem:s18+$0x100]  }
0x247: {  	v3 =	vld [tilespmem:s18+$0x80]  }
0x248: {  	v6 =	vld [tilespmem:s18+$0x0];
	v10 =	vmul.f32 v4, v2  }
0x249: {  	v4 =	vld [tilespmem:s18+$0xFFFFFF80];
	v8 =	vmul.f32 v7, v2  }
0x24a: {  	s19 =	simm.s32 $0x0;
	s20 =	simm.s32 $0x5600;
	v7 =	vld [tilespmem:s18+$0xFFFFFE80];
	v9 =	vmul.f32 v9, v2;
	[tilespmem:s18+$0xFFFFFF00] =	vst v10  }
.LBB2_10:
0x24b: {  	v10 =	vld [tilespmem:s20+$0xFFFFFF00];
	s19 =	sadd.s32 $0x8, s19;
	[tilespmem:s18+$0xFFFFFE00] =	vst v8;
	v5 =	vmul.f32 v5, v2;
	s17 =	simm.s32 $0x5210  }
0x24c: {  	v8 =	vld [tilespmem:s20+$0xFFFFFE00];
	p0 =	slt.u32 s19, $0x98;
	v3 =	vmul.f32 v3, v2;
	[tilespmem:s18+$0x180] =	vst v9  }
0x24d: {  	v9 =	vld [tilespmem:s20+$0x180];
	v6 =	vmul.f32 v6, v2;
	[tilespmem:s18+$0x100] =	vst v5  }
.Ltmp4:
0x24e: {  	v5 =	vld [tilespmem:s20+$0x100];
	v4 =	vmul.f32 v4, v2;
	[tilespmem:s18+$0x80] =	vst v3;
	(pc) =	sbr.rel @p0 .LBB2_10-.Ltmp4, $4  }
0x24f: {  	v3 =	vld [tilespmem:s20+$0x80];
	v7 =	vmul.f32 v7, v2;
	[tilespmem:s18+$0x0] =	vst v6  }
0x250: {  	v10 =	vmul.f32 v10, v2;
	v6 =	vld [tilespmem:s20+$0x0];
	[tilespmem:s18+$0xFFFFFF80] =	vst v4  }
0x251: {  	v8 =	vmul.f32 v8, v2;
	v4 =	vld [tilespmem:s20+$0xFFFFFF80];
	[tilespmem:s18+$0xFFFFFE80] =	vst v7;
	s18 =	smov.u32 s20  }
0x252: {  	s20 =	sadd.s32 $0x400, s20;
	v7 =	vld [tilespmem:s18+$0xFFFFFE80];
	[tilespmem:s18+$0xFFFFFF00] =	vst v10;
	v9 =	vmul.f32 v9, v2  }
0x253: {  	[tilespmem:s18+$0xFFFFFE00] =	vst v8;
	v5 =	vmul.f32 v5, v2  }
0x254: {  	v3 =	vmul.f32 v3, v2;
	[tilespmem:s18+$0x180] =	vst v9  }
0x255: {  	v6 =	vmul.f32 v6, v2;
	[tilespmem:s18+$0x100] =	vst v5  }
0x256: {  	v4 =	vmul.f32 v4, v2;
	[tilespmem:s18+$0x80] =	vst v3  }
0x257: {  	v3 =	vmul.f32 v7, v2;
	[tilespmem:s18+$0x0] =	vst v6  }
0x258: {  	[tilespmem:s18+$0xFFFFFF80] =	vst v4  }
0x259: {  	[tilespmem:s18+$0xFFFFFE80] =	vst v3  }
0x25a: {  	v4 =	vld [tilespmem:s17+$0xFFFFFF00]  }
0x25b: {  	v7 =	vld [tilespmem:s17+$0xFFFFFE00]  }
0x25c: {  	v9 =	vld [tilespmem:s17+$0x180]  }
0x25d: {  	v5 =	vld [tilespmem:s17+$0x100]  }
0x25e: {  	v3 =	vld [tilespmem:s17+$0x80]  }
0x25f: {  	v6 =	vld [tilespmem:s17+$0x0];
	v10 =	vmul.f32 v4, v2  }
0x260: {  	v4 =	vld [tilespmem:s17+$0xFFFFFF80];
	v8 =	vmul.f32 v7, v2  }
0x261: {  	s19 =	simm.s32 $0x0;
	s20 =	simm.s32 $0x5610;
	v7 =	vld [tilespmem:s17+$0xFFFFFE80];
	v9 =	vmul.f32 v9, v2;
	[tilespmem:s17+$0xFFFFFF00] =	vst v10  }
.LBB2_12:
0x262: {  	v10 =	vld [tilespmem:s20+$0xFFFFFF00];
	s19 =	sadd.s32 $0x8, s19;
	[tilespmem:s17+$0xFFFFFE00] =	vst v8;
	v5 =	vmul.f32 v5, v2;
	s18 =	simm.s32 $0x5220  }
0x263: {  	v8 =	vld [tilespmem:s20+$0xFFFFFE00];
	p0 =	slt.u32 s19, $0x98;
	v3 =	vmul.f32 v3, v2;
	[tilespmem:s17+$0x180] =	vst v9  }
0x264: {  	v9 =	vld [tilespmem:s20+$0x180];
	v6 =	vmul.f32 v6, v2;
	[tilespmem:s17+$0x100] =	vst v5  }
.Ltmp5:
0x265: {  	v5 =	vld [tilespmem:s20+$0x100];
	v4 =	vmul.f32 v4, v2;
	[tilespmem:s17+$0x80] =	vst v3;
	(pc) =	sbr.rel @p0 .LBB2_12-.Ltmp5, $4  }
0x266: {  	v3 =	vld [tilespmem:s20+$0x80];
	v7 =	vmul.f32 v7, v2;
	[tilespmem:s17+$0x0] =	vst v6  }
0x267: {  	v10 =	vmul.f32 v10, v2;
	v6 =	vld [tilespmem:s20+$0x0];
	[tilespmem:s17+$0xFFFFFF80] =	vst v4  }
0x268: {  	v8 =	vmul.f32 v8, v2;
	v4 =	vld [tilespmem:s20+$0xFFFFFF80];
	[tilespmem:s17+$0xFFFFFE80] =	vst v7;
	s17 =	smov.u32 s20  }
0x269: {  	s20 =	sadd.s32 $0x400, s20;
	v7 =	vld [tilespmem:s17+$0xFFFFFE80];
	[tilespmem:s17+$0xFFFFFF00] =	vst v10;
	v9 =	vmul.f32 v9, v2  }
0x26a: {  	[tilespmem:s17+$0xFFFFFE00] =	vst v8;
	v5 =	vmul.f32 v5, v2  }
0x26b: {  	v3 =	vmul.f32 v3, v2;
	[tilespmem:s17+$0x180] =	vst v9  }
0x26c: {  	v6 =	vmul.f32 v6, v2;
	[tilespmem:s17+$0x100] =	vst v5  }
0x26d: {  	v4 =	vmul.f32 v4, v2;
	[tilespmem:s17+$0x80] =	vst v3  }
0x26e: {  	v3 =	vmul.f32 v7, v2;
	[tilespmem:s17+$0x0] =	vst v6  }
0x26f: {  	[tilespmem:s17+$0xFFFFFF80] =	vst v4  }
0x270: {  	[tilespmem:s17+$0xFFFFFE80] =	vst v3  }
0x271: {  	v4 =	vld [tilespmem:s18+$0xFFFFFF00]  }
0x272: {  	v7 =	vld [tilespmem:s18+$0xFFFFFE00]  }
0x273: {  	v9 =	vld [tilespmem:s18+$0x180]  }
0x274: {  	v5 =	vld [tilespmem:s18+$0x100]  }
0x275: {  	v3 =	vld [tilespmem:s18+$0x80]  }
0x276: {  	v6 =	vld [tilespmem:s18+$0x0];
	v10 =	vmul.f32 v4, v2  }
0x277: {  	v4 =	vld [tilespmem:s18+$0xFFFFFF80];
	v8 =	vmul.f32 v7, v2  }
0x278: {  	s19 =	simm.s32 $0x0;
	s20 =	simm.s32 $0x5620;
	v7 =	vld [tilespmem:s18+$0xFFFFFE80];
	v9 =	vmul.f32 v9, v2;
	[tilespmem:s18+$0xFFFFFF00] =	vst v10  }
.LBB2_14:
0x279: {  	v10 =	vld [tilespmem:s20+$0xFFFFFF00];
	s19 =	sadd.s32 $0x8, s19;
	[tilespmem:s18+$0xFFFFFE00] =	vst v8;
	v5 =	vmul.f32 v5, v2;
	s17 =	simm.s32 $0x5230  }
0x27a: {  	v8 =	vld [tilespmem:s20+$0xFFFFFE00];
	p0 =	slt.u32 s19, $0x98;
	v3 =	vmul.f32 v3, v2;
	[tilespmem:s18+$0x180] =	vst v9  }
0x27b: {  	v9 =	vld [tilespmem:s20+$0x180];
	v6 =	vmul.f32 v6, v2;
	[tilespmem:s18+$0x100] =	vst v5  }
.Ltmp6:
0x27c: {  	v5 =	vld [tilespmem:s20+$0x100];
	v4 =	vmul.f32 v4, v2;
	[tilespmem:s18+$0x80] =	vst v3;
	(pc) =	sbr.rel @p0 .LBB2_14-.Ltmp6, $4  }
0x27d: {  	v3 =	vld [tilespmem:s20+$0x80];
	v7 =	vmul.f32 v7, v2;
	[tilespmem:s18+$0x0] =	vst v6  }
0x27e: {  	v10 =	vmul.f32 v10, v2;
	v6 =	vld [tilespmem:s20+$0x0];
	[tilespmem:s18+$0xFFFFFF80] =	vst v4  }
0x27f: {  	v8 =	vmul.f32 v8, v2;
	v4 =	vld [tilespmem:s20+$0xFFFFFF80];
	[tilespmem:s18+$0xFFFFFE80] =	vst v7;
	s18 =	smov.u32 s20  }
0x280: {  	s20 =	sadd.s32 $0x400, s20;
	v7 =	vld [tilespmem:s18+$0xFFFFFE80];
	[tilespmem:s18+$0xFFFFFF00] =	vst v10;
	v9 =	vmul.f32 v9, v2  }
0x281: {  	[tilespmem:s18+$0xFFFFFE00] =	vst v8;
	v5 =	vmul.f32 v5, v2  }
0x282: {  	v3 =	vmul.f32 v3, v2;
	[tilespmem:s18+$0x180] =	vst v9  }
0x283: {  	v6 =	vmul.f32 v6, v2;
	[tilespmem:s18+$0x100] =	vst v5  }
0x284: {  	v4 =	vmul.f32 v4, v2;
	[tilespmem:s18+$0x80] =	vst v3  }
0x285: {  	v3 =	vmul.f32 v7, v2;
	[tilespmem:s18+$0x0] =	vst v6  }
0x286: {  	[tilespmem:s18+$0xFFFFFF80] =	vst v4  }
0x287: {  	[tilespmem:s18+$0xFFFFFE80] =	vst v3  }
0x288: {  	v4 =	vld [tilespmem:s17+$0xFFFFFF00]  }
0x289: {  	v7 =	vld [tilespmem:s17+$0xFFFFFE00]  }
0x28a: {  	v9 =	vld [tilespmem:s17+$0x180]  }
0x28b: {  	v5 =	vld [tilespmem:s17+$0x100]  }
0x28c: {  	v3 =	vld [tilespmem:s17+$0x80]  }
0x28d: {  	v6 =	vld [tilespmem:s17+$0x0];
	v10 =	vmul.f32 v4, v2  }
0x28e: {  	v4 =	vld [tilespmem:s17+$0xFFFFFF80];
	v8 =	vmul.f32 v7, v2  }
0x28f: {  	s19 =	simm.s32 $0x0;
	s20 =	simm.s32 $0x5630;
	v7 =	vld [tilespmem:s17+$0xFFFFFE80];
	v9 =	vmul.f32 v9, v2;
	[tilespmem:s17+$0xFFFFFF00] =	vst v10  }
.LBB2_16:
0x290: {  	v10 =	vld [tilespmem:s20+$0xFFFFFF00];
	s19 =	sadd.s32 $0x8, s19;
	[tilespmem:s17+$0xFFFFFE00] =	vst v8;
	v5 =	vmul.f32 v5, v2;
	s18 =	simm.s32 $0x5240  }
0x291: {  	v8 =	vld [tilespmem:s20+$0xFFFFFE00];
	p0 =	slt.u32 s19, $0x98;
	v3 =	vmul.f32 v3, v2;
	[tilespmem:s17+$0x180] =	vst v9  }
0x292: {  	v9 =	vld [tilespmem:s20+$0x180];
	v6 =	vmul.f32 v6, v2;
	[tilespmem:s17+$0x100] =	vst v5  }
.Ltmp7:
0x293: {  	v5 =	vld [tilespmem:s20+$0x100];
	v4 =	vmul.f32 v4, v2;
	[tilespmem:s17+$0x80] =	vst v3;
	(pc) =	sbr.rel @p0 .LBB2_16-.Ltmp7, $4  }
0x294: {  	v3 =	vld [tilespmem:s20+$0x80];
	v7 =	vmul.f32 v7, v2;
	[tilespmem:s17+$0x0] =	vst v6  }
0x295: {  	v10 =	vmul.f32 v10, v2;
	v6 =	vld [tilespmem:s20+$0x0];
	[tilespmem:s17+$0xFFFFFF80] =	vst v4  }
0x296: {  	v8 =	vmul.f32 v8, v2;
	v4 =	vld [tilespmem:s20+$0xFFFFFF80];
	[tilespmem:s17+$0xFFFFFE80] =	vst v7;
	s17 =	smov.u32 s20  }
0x297: {  	s20 =	sadd.s32 $0x400, s20;
	v7 =	vld [tilespmem:s17+$0xFFFFFE80];
	[tilespmem:s17+$0xFFFFFF00] =	vst v10;
	v9 =	vmul.f32 v9, v2  }
0x298: {  	[tilespmem:s17+$0xFFFFFE00] =	vst v8;
	v5 =	vmul.f32 v5, v2  }
0x299: {  	v3 =	vmul.f32 v3, v2;
	[tilespmem:s17+$0x180] =	vst v9  }
0x29a: {  	v6 =	vmul.f32 v6, v2;
	[tilespmem:s17+$0x100] =	vst v5  }
0x29b: {  	v4 =	vmul.f32 v4, v2;
	[tilespmem:s17+$0x80] =	vst v3  }
0x29c: {  	v3 =	vmul.f32 v7, v2;
	[tilespmem:s17+$0x0] =	vst v6  }
0x29d: {  	[tilespmem:s17+$0xFFFFFF80] =	vst v4  }
0x29e: {  	[tilespmem:s17+$0xFFFFFE80] =	vst v3  }
0x29f: {  	v4 =	vld [tilespmem:s18+$0xFFFFFF00]  }
0x2a0: {  	v7 =	vld [tilespmem:s18+$0xFFFFFE00]  }
0x2a1: {  	v9 =	vld [tilespmem:s18+$0x180]  }
0x2a2: {  	v5 =	vld [tilespmem:s18+$0x100]  }
0x2a3: {  	v3 =	vld [tilespmem:s18+$0x80]  }
0x2a4: {  	v6 =	vld [tilespmem:s18+$0x0];
	v10 =	vmul.f32 v4, v2  }
0x2a5: {  	v4 =	vld [tilespmem:s18+$0xFFFFFF80];
	v8 =	vmul.f32 v7, v2  }
0x2a6: {  	s19 =	simm.s32 $0x0;
	s20 =	simm.s32 $0x5640;
	v7 =	vld [tilespmem:s18+$0xFFFFFE80];
	v9 =	vmul.f32 v9, v2;
	[tilespmem:s18+$0xFFFFFF00] =	vst v10  }
.LBB2_18:
0x2a7: {  	v10 =	vld [tilespmem:s20+$0xFFFFFF00];
	s19 =	sadd.s32 $0x8, s19;
	[tilespmem:s18+$0xFFFFFE00] =	vst v8;
	v5 =	vmul.f32 v5, v2;
	s17 =	simm.s32 $0x5250  }
0x2a8: {  	v8 =	vld [tilespmem:s20+$0xFFFFFE00];
	p0 =	slt.u32 s19, $0x98;
	v3 =	vmul.f32 v3, v2;
	[tilespmem:s18+$0x180] =	vst v9  }
0x2a9: {  	v9 =	vld [tilespmem:s20+$0x180];
	v6 =	vmul.f32 v6, v2;
	[tilespmem:s18+$0x100] =	vst v5  }
.Ltmp8:
0x2aa: {  	v5 =	vld [tilespmem:s20+$0x100];
	v4 =	vmul.f32 v4, v2;
	[tilespmem:s18+$0x80] =	vst v3;
	(pc) =	sbr.rel @p0 .LBB2_18-.Ltmp8, $4  }
0x2ab: {  	v3 =	vld [tilespmem:s20+$0x80];
	v7 =	vmul.f32 v7, v2;
	[tilespmem:s18+$0x0] =	vst v6  }
0x2ac: {  	v10 =	vmul.f32 v10, v2;
	v6 =	vld [tilespmem:s20+$0x0];
	[tilespmem:s18+$0xFFFFFF80] =	vst v4  }
0x2ad: {  	v8 =	vmul.f32 v8, v2;
	v4 =	vld [tilespmem:s20+$0xFFFFFF80];
	[tilespmem:s18+$0xFFFFFE80] =	vst v7;
	s18 =	smov.u32 s20  }
0x2ae: {  	s20 =	sadd.s32 $0x400, s20;
	v7 =	vld [tilespmem:s18+$0xFFFFFE80];
	[tilespmem:s18+$0xFFFFFF00] =	vst v10;
	v9 =	vmul.f32 v9, v2  }
0x2af: {  	[tilespmem:s18+$0xFFFFFE00] =	vst v8;
	v5 =	vmul.f32 v5, v2  }
0x2b0: {  	v3 =	vmul.f32 v3, v2;
	[tilespmem:s18+$0x180] =	vst v9  }
0x2b1: {  	v6 =	vmul.f32 v6, v2;
	[tilespmem:s18+$0x100] =	vst v5  }
0x2b2: {  	v4 =	vmul.f32 v4, v2;
	[tilespmem:s18+$0x80] =	vst v3  }
0x2b3: {  	v3 =	vmul.f32 v7, v2;
	[tilespmem:s18+$0x0] =	vst v6  }
0x2b4: {  	[tilespmem:s18+$0xFFFFFF80] =	vst v4  }
0x2b5: {  	[tilespmem:s18+$0xFFFFFE80] =	vst v3  }
0x2b6: {  	v4 =	vld [tilespmem:s17+$0xFFFFFF00]  }
0x2b7: {  	v7 =	vld [tilespmem:s17+$0xFFFFFE00]  }
0x2b8: {  	v9 =	vld [tilespmem:s17+$0x180]  }
0x2b9: {  	v5 =	vld [tilespmem:s17+$0x100]  }
0x2ba: {  	v3 =	vld [tilespmem:s17+$0x80]  }
0x2bb: {  	v6 =	vld [tilespmem:s17+$0x0];
	v10 =	vmul.f32 v4, v2  }
0x2bc: {  	v4 =	vld [tilespmem:s17+$0xFFFFFF80];
	v8 =	vmul.f32 v7, v2  }
0x2bd: {  	s19 =	simm.s32 $0x0;
	s20 =	simm.s32 $0x5650;
	v7 =	vld [tilespmem:s17+$0xFFFFFE80];
	v9 =	vmul.f32 v9, v2;
	[tilespmem:s17+$0xFFFFFF00] =	vst v10  }
.LBB2_20:
0x2be: {  	v10 =	vld [tilespmem:s20+$0xFFFFFF00];
	s19 =	sadd.s32 $0x8, s19;
	[tilespmem:s17+$0xFFFFFE00] =	vst v8;
	v5 =	vmul.f32 v5, v2;
	s18 =	simm.s32 $0x5260  }
0x2bf: {  	v8 =	vld [tilespmem:s20+$0xFFFFFE00];
	p0 =	slt.u32 s19, $0x98;
	v3 =	vmul.f32 v3, v2;
	[tilespmem:s17+$0x180] =	vst v9  }
0x2c0: {  	v9 =	vld [tilespmem:s20+$0x180];
	v6 =	vmul.f32 v6, v2;
	[tilespmem:s17+$0x100] =	vst v5  }
.Ltmp9:
0x2c1: {  	v5 =	vld [tilespmem:s20+$0x100];
	v4 =	vmul.f32 v4, v2;
	[tilespmem:s17+$0x80] =	vst v3;
	(pc) =	sbr.rel @p0 .LBB2_20-.Ltmp9, $4  }
0x2c2: {  	v3 =	vld [tilespmem:s20+$0x80];
	v7 =	vmul.f32 v7, v2;
	[tilespmem:s17+$0x0] =	vst v6  }
0x2c3: {  	v10 =	vmul.f32 v10, v2;
	v6 =	vld [tilespmem:s20+$0x0];
	[tilespmem:s17+$0xFFFFFF80] =	vst v4  }
0x2c4: {  	v8 =	vmul.f32 v8, v2;
	v4 =	vld [tilespmem:s20+$0xFFFFFF80];
	[tilespmem:s17+$0xFFFFFE80] =	vst v7;
	s17 =	smov.u32 s20  }
0x2c5: {  	s20 =	sadd.s32 $0x400, s20;
	v7 =	vld [tilespmem:s17+$0xFFFFFE80];
	[tilespmem:s17+$0xFFFFFF00] =	vst v10;
	v9 =	vmul.f32 v9, v2  }
0x2c6: {  	[tilespmem:s17+$0xFFFFFE00] =	vst v8;
	v5 =	vmul.f32 v5, v2  }
0x2c7: {  	v3 =	vmul.f32 v3, v2;
	[tilespmem:s17+$0x180] =	vst v9  }
0x2c8: {  	v6 =	vmul.f32 v6, v2;
	[tilespmem:s17+$0x100] =	vst v5  }
0x2c9: {  	v4 =	vmul.f32 v4, v2;
	[tilespmem:s17+$0x80] =	vst v3  }
0x2ca: {  	v3 =	vmul.f32 v7, v2;
	[tilespmem:s17+$0x0] =	vst v6  }
0x2cb: {  	[tilespmem:s17+$0xFFFFFF80] =	vst v4  }
0x2cc: {  	[tilespmem:s17+$0xFFFFFE80] =	vst v3  }
0x2cd: {  	v4 =	vld [tilespmem:s18+$0xFFFFFF00]  }
0x2ce: {  	v7 =	vld [tilespmem:s18+$0xFFFFFE00]  }
0x2cf: {  	v9 =	vld [tilespmem:s18+$0x180]  }
0x2d0: {  	v5 =	vld [tilespmem:s18+$0x100]  }
0x2d1: {  	v3 =	vld [tilespmem:s18+$0x80]  }
0x2d2: {  	v6 =	vld [tilespmem:s18+$0x0];
	v10 =	vmul.f32 v4, v2  }
0x2d3: {  	v4 =	vld [tilespmem:s18+$0xFFFFFF80];
	v8 =	vmul.f32 v7, v2  }
0x2d4: {  	s19 =	simm.s32 $0x0;
	s20 =	simm.s32 $0x5660;
	v7 =	vld [tilespmem:s18+$0xFFFFFE80];
	v9 =	vmul.f32 v9, v2;
	[tilespmem:s18+$0xFFFFFF00] =	vst v10  }
.LBB2_22:
0x2d5: {  	v10 =	vld [tilespmem:s20+$0xFFFFFF00];
	s19 =	sadd.s32 $0x8, s19;
	[tilespmem:s18+$0xFFFFFE00] =	vst v8;
	v5 =	vmul.f32 v5, v2;
	s17 =	simm.s32 $0x5270  }
0x2d6: {  	v8 =	vld [tilespmem:s20+$0xFFFFFE00];
	p0 =	slt.u32 s19, $0x98;
	v3 =	vmul.f32 v3, v2;
	[tilespmem:s18+$0x180] =	vst v9  }
0x2d7: {  	v9 =	vld [tilespmem:s20+$0x180];
	v6 =	vmul.f32 v6, v2;
	[tilespmem:s18+$0x100] =	vst v5  }
.Ltmp10:
0x2d8: {  	v5 =	vld [tilespmem:s20+$0x100];
	v4 =	vmul.f32 v4, v2;
	[tilespmem:s18+$0x80] =	vst v3;
	(pc) =	sbr.rel @p0 .LBB2_22-.Ltmp10, $4  }
0x2d9: {  	v3 =	vld [tilespmem:s20+$0x80];
	v7 =	vmul.f32 v7, v2;
	[tilespmem:s18+$0x0] =	vst v6  }
0x2da: {  	v10 =	vmul.f32 v10, v2;
	v6 =	vld [tilespmem:s20+$0x0];
	[tilespmem:s18+$0xFFFFFF80] =	vst v4  }
0x2db: {  	v8 =	vmul.f32 v8, v2;
	v4 =	vld [tilespmem:s20+$0xFFFFFF80];
	[tilespmem:s18+$0xFFFFFE80] =	vst v7;
	s18 =	smov.u32 s20  }
0x2dc: {  	s20 =	sadd.s32 $0x400, s20;
	v7 =	vld [tilespmem:s18+$0xFFFFFE80];
	[tilespmem:s18+$0xFFFFFF00] =	vst v10;
	v9 =	vmul.f32 v9, v2  }
0x2dd: {  	[tilespmem:s18+$0xFFFFFE00] =	vst v8;
	v5 =	vmul.f32 v5, v2  }
0x2de: {  	v3 =	vmul.f32 v3, v2;
	[tilespmem:s18+$0x180] =	vst v9  }
0x2df: {  	v6 =	vmul.f32 v6, v2;
	[tilespmem:s18+$0x100] =	vst v5  }
0x2e0: {  	v4 =	vmul.f32 v4, v2;
	[tilespmem:s18+$0x80] =	vst v3  }
0x2e1: {  	v3 =	vmul.f32 v7, v2;
	[tilespmem:s18+$0x0] =	vst v6  }
0x2e2: {  	[tilespmem:s18+$0xFFFFFF80] =	vst v4  }
0x2e3: {  	[tilespmem:s18+$0xFFFFFE80] =	vst v3  }
0x2e4: {  	v5 =	vld [tilespmem:s17+$0xFFFFFF00]  }
0x2e5: {  	v7 =	vld [tilespmem:s17+$0xFFFFFE00]  }
0x2e6: {  	v9 =	vld [tilespmem:s17+$0x180]  }
0x2e7: {  	v3 =	vld [tilespmem:s17+$0x100]  }
0x2e8: {  	v4 =	vld [tilespmem:s17+$0x80]  }
0x2e9: {  	v6 =	vld [tilespmem:s17+$0x0];
	v10 =	vmul.f32 v5, v2  }
0x2ea: {  	v5 =	vld [tilespmem:s17+$0xFFFFFF80];
	v8 =	vmul.f32 v7, v2  }
0x2eb: {  	s19 =	simm.s32 $0x5670;
	s18 =	simm.s32 $0x0;
	v7 =	vld [tilespmem:s17+$0xFFFFFE80];
	v9 =	vmul.f32 v9, v2;
	[tilespmem:s17+$0xFFFFFF00] =	vst v10  }
.LBB2_24:
0x2ec: {  	v10 =	vld [tilespmem:s19+$0xFFFFFF00];
	s18 =	sadd.s32 $0x8, s18;
	[tilespmem:s17+$0xFFFFFE00] =	vst v8;
	v3 =	vmul.f32 v3, v2  }
0x2ed: {  	v8 =	vld [tilespmem:s19+$0xFFFFFE00];
	p0 =	slt.u32 s18, $0x98;
	v4 =	vmul.f32 v4, v2;
	[tilespmem:s17+$0x180] =	vst v9  }
0x2ee: {  	v9 =	vld [tilespmem:s19+$0x180];
	v6 =	vmul.f32 v6, v2;
	[tilespmem:s17+$0x100] =	vst v3  }
.Ltmp11:
0x2ef: {  	v3 =	vld [tilespmem:s19+$0x100];
	v5 =	vmul.f32 v5, v2;
	[tilespmem:s17+$0x80] =	vst v4;
	(pc) =	sbr.rel @p0 .LBB2_24-.Ltmp11, $4  }
0x2f0: {  	v4 =	vld [tilespmem:s19+$0x80];
	v7 =	vmul.f32 v7, v2;
	[tilespmem:s17+$0x0] =	vst v6  }
0x2f1: {  	v10 =	vmul.f32 v10, v2;
	v6 =	vld [tilespmem:s19+$0x0];
	[tilespmem:s17+$0xFFFFFF80] =	vst v5  }
0x2f2: {  	v8 =	vmul.f32 v8, v2;
	v5 =	vld [tilespmem:s19+$0xFFFFFF80];
	[tilespmem:s17+$0xFFFFFE80] =	vst v7;
	s17 =	smov.u32 s19  }
0x2f3: {  	s19 =	sadd.s32 $0x400, s19;
	v7 =	vld [tilespmem:s17+$0xFFFFFE80];
	[tilespmem:s17+$0xFFFFFF00] =	vst v10;
	v9 =	vmul.f32 v9, v2  }
0x2f4: {  	[tilespmem:s17+$0xFFFFFE00] =	vst v8;
	v3 =	vmul.f32 v3, v2  }
0x2f5: {  	v4 =	vmul.f32 v4, v2;
	[tilespmem:s17+$0x180] =	vst v9  }
0x2f6: {  	v6 =	vmul.f32 v6, v2;
	[tilespmem:s17+$0x100] =	vst v3  }
0x2f7: {  	v3 =	vmul.f32 v5, v2;
	[tilespmem:s17+$0x80] =	vst v4  }
0x2f8: {  	v4 =	vmul.f32 v7, v2;
	[tilespmem:s17+$0x0] =	vst v6  }
0x2f9: {  	[tilespmem:s17+$0xFFFFFF80] =	vst v3  }
0x2fa: {  	[tilespmem:s17+$0xFFFFFE80] =	vst v4  }
0x2fb: {  	[hbm4b:s6+s3] =	stream.linear.scatter [tilespmem:s16], [sflag:$0x4], $0x5000, $0x38;
	[tilespmem:$0xF080] =	vst v63  }
0x2fc: {  	_ =	swait.ge [sflag:s10], $0x5000  }
0x2fd: {  	[sflag:s10] =	ssyncset.done $0x0  }
0x2fe: {  	[sflag:s10] =	ssyncadd.s32 $0xFFFFB000  }
0x2ff: {  	_ =	swait.ge [sflag:s10], $0x5000  }
0x300: {  	[sflag:s10] =	ssyncset.done $0x0  }
0x301: {  	[sflag:s10] =	ssyncadd.s32 $0xFFFFB000  }
0x302: {  	_ =	swait.ge [sflag:s10], $0x5000  }
0x303: {  	[sflag:s10] =	ssyncset.done $0x0  }
0x304: {  	[sflag:s10] =	ssyncadd.s32 $0xFFFFB000  }
0x305: {  	_ =	swait.ge [sflag:s10], $0x5000  }
0x306: {  	[sflag:s10] =	ssyncset.done $0x0  }
0x307: {  	[sflag:s10] =	ssyncadd.s32 $0xFFFFB000  }
0x308: {  	_ =	swait.ge [sflag:s10], $0x5000  }
0x309: {  	[sflag:s10] =	ssyncset.done $0x0  }
0x30a: {  	[sflag:s10] =	ssyncadd.s32 $0xFFFFB000  }
0x30b: {  	_ =	swait.ge [sflag:s10], $0x5000  }
0x30c: {  	[sflag:s10] =	ssyncset.done $0x0  }
0x30d: {  	[sflag:s10] =	ssyncadd.s32 $0xFFFFB000  }
0x30e: {  	_ =	swait.ge [sflag:s10], $0x5000  }
0x30f: {  	[sflag:s10] =	ssyncset.done $0x0  }
0x310: {  	[sflag:s10] =	ssyncadd.s32 $0xFFFFB000  }
0x311: {  	_ =	swait.ge [sflag:s10], $0x5000  }
0x312: {  	[sflag:s10] =	ssyncset.done $0x0  }
0x313: {  	[sflag:s10] =	ssyncadd.s32 $0xFFFFB000  }
0x314: {  	_ =	swait.ge [sflag:s10], $0x5000  }
0x315: {  	[sflag:s10] =	ssyncset.done $0x0  }
0x316: {  	[sflag:s10] =	ssyncadd.s32 $0xFFFFB000  }
0x317: {  	_ =	swait.ge [sflag:s10], $0x5000  }
0x318: {  	[sflag:s10] =	ssyncset.done $0x0  }
0x319: {  	[sflag:s10] =	ssyncadd.s32 $0xFFFFB000  }
0x31a: {  	_ =	swait.ge [sflag:s10], $0x5000  }
0x31b: {  	[sflag:s10] =	ssyncset.done $0x0  }
0x31c: {  	[sflag:s10] =	ssyncadd.s32 $0xFFFFB000  }
0x31d: {  	_ =	swait.ge [sflag:s10], $0x5000  }
0x31e: {  	[sflag:s10] =	ssyncset.done $0x0  }
0x31f: {  	[sflag:s10] =	ssyncadd.s32 $0xFFFFB000  }
0x320: {  	_ =	swait.ge [sflag:s10], $0x5000  }
0x321: {  	[sflag:s10] =	ssyncset.done $0x0  }
0x322: {  	[sflag:s10] =	ssyncadd.s32 $0xFFFFB000  }
0x323: {  	_ =	swait.ge [sflag:s10], $0x5000  }
0x324: {  	[sflag:s10] =	ssyncset.done $0x0  }
0x325: {  	[sflag:s10] =	ssyncadd.s32 $0xFFFFB000  }
0x326: {  	_ =	swait.ge [sflag:s10], $0x5000  }
0x327: {  	[sflag:s10] =	ssyncset.done $0x0  }
0x328: {  	[sflag:s10] =	ssyncadd.s32 $0xFFFFB000  }
0x329: {  	_ =	swait.ge [sflag:s10], $0x5000  }
0x32a: {  	[sflag:s10] =	ssyncset.done $0x0  }
0x32b: {  	[sflag:s10] =	ssyncadd.s32 $0xFFFFB000  }
0x32c: {  	_ =	swait.ge [sflag:s10], $0x5000  }
0x32d: {  	[sflag:s10] =	ssyncset.done $0x0  }
0x32e: {  	[sflag:s10] =	ssyncadd.s32 $0xFFFFB000  }
0x32f: {  	_ =	swait.ge [sflag:s10], $0x5000  }
0x330: {  	[sflag:s10] =	ssyncset.done $0x0  }
0x331: {  	[sflag:s10] =	ssyncadd.s32 $0xFFFFB000  }
0x332: {  	_ =	swait.ge [sflag:s10], $0x5000  }
0x333: {  	[sflag:s10] =	ssyncset.done $0x0  }
0x334: {  	[sflag:s10] =	ssyncadd.s32 $0xFFFFB000  }
0x335: {  	_ =	swait.ge [sflag:s10], $0x5000  }
0x336: {  	[sflag:s10] =	ssyncset.done $0x0  }
0x337: {  	[sflag:s10] =	ssyncadd.s32 $0xFFFFB000  }
0x338: {  	_ =	swait.ge [sflag:s10], $0x5000  }
0x339: {  	[sflag:s10] =	ssyncset.done $0x0  }
0x33a: {  	[sflag:s10] =	ssyncadd.s32 $0xFFFFB000  }
0x33b: {  	_ =	swait.ge [sflag:s10], $0x5000  }
0x33c: {  	[sflag:s10] =	ssyncset.done $0x0  }
0x33d: {  	[sflag:s10] =	ssyncadd.s32 $0xFFFFB000  }
0x33e: {  	_ =	swait.ge [sflag:s10], $0x5000  }
0x33f: {  	[sflag:s10] =	ssyncset.done $0x0  }
0x340: {  	[sflag:s10] =	ssyncadd.s32 $0xFFFFB000  }
0x341: {  	_ =	swait.ge [sflag:s10], $0x5000  }
0x342: {  	[sflag:s10] =	ssyncset.done $0x0  }
0x343: {  	[sflag:s10] =	ssyncadd.s32 $0xFFFFB000  }
0x344: {  	_ =	swait.ge [sflag:s10], $0x5000  }
0x345: {  	[sflag:s10] =	ssyncset.done $0x0  }
0x346: {  	[sflag:s10] =	ssyncadd.s32 $0xFFFFB000  }
0x347: {  	_ =	swait.ge [sflag:s10], $0x5000  }
0x348: {  	[sflag:s10] =	ssyncset.done $0x0  }
0x349: {  	[sflag:s10] =	ssyncadd.s32 $0xFFFFB000  }
0x34a: {  	_ =	swait.ge [sflag:s10], $0x5000  }
0x34b: {  	[sflag:s10] =	ssyncset.done $0x0  }
0x34c: {  	[sflag:s10] =	ssyncadd.s32 $0xFFFFB000  }
0x34d: {  	_ =	swait.ge [sflag:s10], $0x5000  }
0x34e: {  	[sflag:s10] =	ssyncset.done $0x0  }
0x34f: {  	[sflag:s10] =	ssyncadd.s32 $0xFFFFB000  }
0x350: {  	_ =	swait.ge [sflag:s10], $0x5000  }
0x351: {  	[sflag:s10] =	ssyncset.done $0x0  }
0x352: {  	[sflag:s10] =	ssyncadd.s32 $0xFFFFB000  }
0x353: {  	_ =	swait.ge [sflag:s10], $0x5000  }
0x354: {  	[sflag:s10] =	ssyncset.done $0x0  }
0x355: {  	[sflag:s10] =	ssyncadd.s32 $0xFFFFB000  }
0x356: {  	_ =	swait.ge [sflag:s10], $0x5000  }
0x357: {  	[sflag:s10] =	ssyncset.done $0x0  }
0x358: {  	[sflag:s10] =	ssyncadd.s32 $0xFFFFB000  }
0x359: {  	_ =	swait.ge [sflag:s10], $0x5000  }
0x35a: {  	[sflag:s10] =	ssyncset.done $0x0  }
0x35b: {  	s18 =	simm.s32 $0xA200;
	[sflag:s10] =	ssyncadd.s32 $0xFFFFB000  }
0x35c: {  	v4 =	vld [tilespmem:s18+$0xFFFFFF00]  }
0x35d: {  	v7 =	vld [tilespmem:s18+$0xFFFFFE00]  }
0x35e: {  	v9 =	vld [tilespmem:s18+$0x180]  }
0x35f: {  	v5 =	vld [tilespmem:s18+$0x100]  }
0x360: {  	v3 =	vld [tilespmem:s18+$0x80]  }
0x361: {  	v6 =	vld [tilespmem:s18+$0x0];
	v10 =	vmul.f32 v4, v2  }
0x362: {  	v4 =	vld [tilespmem:s18+$0xFFFFFF80];
	v8 =	vmul.f32 v7, v2  }
0x363: {  	s19 =	simm.s32 $0x0;
	s20 =	simm.s32 $0xA600;
	v7 =	vld [tilespmem:s18+$0xFFFFFE80];
	v9 =	vmul.f32 v9, v2;
	[tilespmem:s18+$0xFFFFFF00] =	vst v10  }
.LBB2_26:
0x364: {  	v10 =	vld [tilespmem:s20+$0xFFFFFF00];
	s19 =	sadd.s32 $0x8, s19;
	[tilespmem:s18+$0xFFFFFE00] =	vst v8;
	v5 =	vmul.f32 v5, v2;
	s17 =	simm.s32 $0xA210  }
0x365: {  	v8 =	vld [tilespmem:s20+$0xFFFFFE00];
	p0 =	slt.u32 s19, $0x98;
	v3 =	vmul.f32 v3, v2;
	[tilespmem:s18+$0x180] =	vst v9  }
0x366: {  	v9 =	vld [tilespmem:s20+$0x180];
	v6 =	vmul.f32 v6, v2;
	[tilespmem:s18+$0x100] =	vst v5  }
.Ltmp12:
0x367: {  	v5 =	vld [tilespmem:s20+$0x100];
	v4 =	vmul.f32 v4, v2;
	[tilespmem:s18+$0x80] =	vst v3;
	(pc) =	sbr.rel @p0 .LBB2_26-.Ltmp12, $4  }
0x368: {  	v3 =	vld [tilespmem:s20+$0x80];
	v7 =	vmul.f32 v7, v2;
	[tilespmem:s18+$0x0] =	vst v6  }
0x369: {  	v10 =	vmul.f32 v10, v2;
	v6 =	vld [tilespmem:s20+$0x0];
	[tilespmem:s18+$0xFFFFFF80] =	vst v4  }
0x36a: {  	v8 =	vmul.f32 v8, v2;
	v4 =	vld [tilespmem:s20+$0xFFFFFF80];
	[tilespmem:s18+$0xFFFFFE80] =	vst v7;
	s18 =	smov.u32 s20  }
0x36b: {  	s20 =	sadd.s32 $0x400, s20;
	v7 =	vld [tilespmem:s18+$0xFFFFFE80];
	[tilespmem:s18+$0xFFFFFF00] =	vst v10;
	v9 =	vmul.f32 v9, v2  }
0x36c: {  	[tilespmem:s18+$0xFFFFFE00] =	vst v8;
	v5 =	vmul.f32 v5, v2  }
0x36d: {  	v3 =	vmul.f32 v3, v2;
	[tilespmem:s18+$0x180] =	vst v9  }
0x36e: {  	v6 =	vmul.f32 v6, v2;
	[tilespmem:s18+$0x100] =	vst v5  }
0x36f: {  	v4 =	vmul.f32 v4, v2;
	[tilespmem:s18+$0x80] =	vst v3  }
0x370: {  	v3 =	vmul.f32 v7, v2;
	[tilespmem:s18+$0x0] =	vst v6  }
0x371: {  	[tilespmem:s18+$0xFFFFFF80] =	vst v4  }
0x372: {  	[tilespmem:s18+$0xFFFFFE80] =	vst v3  }
0x373: {  	v4 =	vld [tilespmem:s17+$0xFFFFFF00]  }
0x374: {  	v7 =	vld [tilespmem:s17+$0xFFFFFE00]  }
0x375: {  	v9 =	vld [tilespmem:s17+$0x180]  }
0x376: {  	v5 =	vld [tilespmem:s17+$0x100]  }
0x377: {  	v3 =	vld [tilespmem:s17+$0x80]  }
0x378: {  	v6 =	vld [tilespmem:s17+$0x0];
	v10 =	vmul.f32 v4, v2  }
0x379: {  	v4 =	vld [tilespmem:s17+$0xFFFFFF80];
	v8 =	vmul.f32 v7, v2  }
0x37a: {  	s19 =	simm.s32 $0x0;
	s20 =	simm.s32 $0xA610;
	v7 =	vld [tilespmem:s17+$0xFFFFFE80];
	v9 =	vmul.f32 v9, v2;
	[tilespmem:s17+$0xFFFFFF00] =	vst v10  }
.LBB2_28:
0x37b: {  	v10 =	vld [tilespmem:s20+$0xFFFFFF00];
	s19 =	sadd.s32 $0x8, s19;
	[tilespmem:s17+$0xFFFFFE00] =	vst v8;
	v5 =	vmul.f32 v5, v2;
	s18 =	simm.s32 $0xA220  }
0x37c: {  	v8 =	vld [tilespmem:s20+$0xFFFFFE00];
	p0 =	slt.u32 s19, $0x98;
	v3 =	vmul.f32 v3, v2;
	[tilespmem:s17+$0x180] =	vst v9  }
0x37d: {  	v9 =	vld [tilespmem:s20+$0x180];
	v6 =	vmul.f32 v6, v2;
	[tilespmem:s17+$0x100] =	vst v5  }
.Ltmp13:
0x37e: {  	v5 =	vld [tilespmem:s20+$0x100];
	v4 =	vmul.f32 v4, v2;
	[tilespmem:s17+$0x80] =	vst v3;
	(pc) =	sbr.rel @p0 .LBB2_28-.Ltmp13, $4  }
0x37f: {  	v3 =	vld [tilespmem:s20+$0x80];
	v7 =	vmul.f32 v7, v2;
	[tilespmem:s17+$0x0] =	vst v6  }
0x380: {  	v10 =	vmul.f32 v10, v2;
	v6 =	vld [tilespmem:s20+$0x0];
	[tilespmem:s17+$0xFFFFFF80] =	vst v4  }
0x381: {  	v8 =	vmul.f32 v8, v2;
	v4 =	vld [tilespmem:s20+$0xFFFFFF80];
	[tilespmem:s17+$0xFFFFFE80] =	vst v7;
	s17 =	smov.u32 s20  }
0x382: {  	s20 =	sadd.s32 $0x400, s20;
	v7 =	vld [tilespmem:s17+$0xFFFFFE80];
	[tilespmem:s17+$0xFFFFFF00] =	vst v10;
	v9 =	vmul.f32 v9, v2  }
0x383: {  	[tilespmem:s17+$0xFFFFFE00] =	vst v8;
	v5 =	vmul.f32 v5, v2  }
0x384: {  	v3 =	vmul.f32 v3, v2;
	[tilespmem:s17+$0x180] =	vst v9  }
0x385: {  	v6 =	vmul.f32 v6, v2;
	[tilespmem:s17+$0x100] =	vst v5  }
0x386: {  	v4 =	vmul.f32 v4, v2;
	[tilespmem:s17+$0x80] =	vst v3  }
0x387: {  	v3 =	vmul.f32 v7, v2;
	[tilespmem:s17+$0x0] =	vst v6  }
0x388: {  	[tilespmem:s17+$0xFFFFFF80] =	vst v4  }
0x389: {  	[tilespmem:s17+$0xFFFFFE80] =	vst v3  }
0x38a: {  	v4 =	vld [tilespmem:s18+$0xFFFFFF00]  }
0x38b: {  	v7 =	vld [tilespmem:s18+$0xFFFFFE00]  }
0x38c: {  	v9 =	vld [tilespmem:s18+$0x180]  }
0x38d: {  	v5 =	vld [tilespmem:s18+$0x100]  }
0x38e: {  	v3 =	vld [tilespmem:s18+$0x80]  }
0x38f: {  	v6 =	vld [tilespmem:s18+$0x0];
	v10 =	vmul.f32 v4, v2  }
0x390: {  	v4 =	vld [tilespmem:s18+$0xFFFFFF80];
	v8 =	vmul.f32 v7, v2  }
0x391: {  	s19 =	simm.s32 $0x0;
	s20 =	simm.s32 $0xA620;
	v7 =	vld [tilespmem:s18+$0xFFFFFE80];
	v9 =	vmul.f32 v9, v2;
	[tilespmem:s18+$0xFFFFFF00] =	vst v10  }
.LBB2_30:
0x392: {  	v10 =	vld [tilespmem:s20+$0xFFFFFF00];
	s19 =	sadd.s32 $0x8, s19;
	[tilespmem:s18+$0xFFFFFE00] =	vst v8;
	v5 =	vmul.f32 v5, v2;
	s17 =	simm.s32 $0xA230  }
0x393: {  	v8 =	vld [tilespmem:s20+$0xFFFFFE00];
	p0 =	slt.u32 s19, $0x98;
	v3 =	vmul.f32 v3, v2;
	[tilespmem:s18+$0x180] =	vst v9  }
0x394: {  	v9 =	vld [tilespmem:s20+$0x180];
	v6 =	vmul.f32 v6, v2;
	[tilespmem:s18+$0x100] =	vst v5  }
.Ltmp14:
0x395: {  	v5 =	vld [tilespmem:s20+$0x100];
	v4 =	vmul.f32 v4, v2;
	[tilespmem:s18+$0x80] =	vst v3;
	(pc) =	sbr.rel @p0 .LBB2_30-.Ltmp14, $4  }
0x396: {  	v3 =	vld [tilespmem:s20+$0x80];
	v7 =	vmul.f32 v7, v2;
	[tilespmem:s18+$0x0] =	vst v6  }
0x397: {  	v10 =	vmul.f32 v10, v2;
	v6 =	vld [tilespmem:s20+$0x0];
	[tilespmem:s18+$0xFFFFFF80] =	vst v4  }
0x398: {  	v8 =	vmul.f32 v8, v2;
	v4 =	vld [tilespmem:s20+$0xFFFFFF80];
	[tilespmem:s18+$0xFFFFFE80] =	vst v7;
	s18 =	smov.u32 s20  }
0x399: {  	s20 =	sadd.s32 $0x400, s20;
	v7 =	vld [tilespmem:s18+$0xFFFFFE80];
	[tilespmem:s18+$0xFFFFFF00] =	vst v10;
	v9 =	vmul.f32 v9, v2  }
0x39a: {  	[tilespmem:s18+$0xFFFFFE00] =	vst v8;
	v5 =	vmul.f32 v5, v2  }
0x39b: {  	v3 =	vmul.f32 v3, v2;
	[tilespmem:s18+$0x180] =	vst v9  }
0x39c: {  	v6 =	vmul.f32 v6, v2;
	[tilespmem:s18+$0x100] =	vst v5  }
0x39d: {  	v4 =	vmul.f32 v4, v2;
	[tilespmem:s18+$0x80] =	vst v3  }
0x39e: {  	v3 =	vmul.f32 v7, v2;
	[tilespmem:s18+$0x0] =	vst v6  }
0x39f: {  	[tilespmem:s18+$0xFFFFFF80] =	vst v4  }
0x3a0: {  	[tilespmem:s18+$0xFFFFFE80] =	vst v3  }
0x3a1: {  	v4 =	vld [tilespmem:s17+$0xFFFFFF00]  }
0x3a2: {  	v7 =	vld [tilespmem:s17+$0xFFFFFE00]  }
0x3a3: {  	v9 =	vld [tilespmem:s17+$0x180]  }
0x3a4: {  	v5 =	vld [tilespmem:s17+$0x100]  }
0x3a5: {  	v3 =	vld [tilespmem:s17+$0x80]  }
0x3a6: {  	v6 =	vld [tilespmem:s17+$0x0];
	v10 =	vmul.f32 v4, v2  }
0x3a7: {  	v4 =	vld [tilespmem:s17+$0xFFFFFF80];
	v8 =	vmul.f32 v7, v2  }
0x3a8: {  	s19 =	simm.s32 $0x0;
	s20 =	simm.s32 $0xA630;
	v7 =	vld [tilespmem:s17+$0xFFFFFE80];
	v9 =	vmul.f32 v9, v2;
	[tilespmem:s17+$0xFFFFFF00] =	vst v10  }
.LBB2_32:
0x3a9: {  	v10 =	vld [tilespmem:s20+$0xFFFFFF00];
	s19 =	sadd.s32 $0x8, s19;
	[tilespmem:s17+$0xFFFFFE00] =	vst v8;
	v5 =	vmul.f32 v5, v2;
	s18 =	simm.s32 $0xA240  }
0x3aa: {  	v8 =	vld [tilespmem:s20+$0xFFFFFE00];
	p0 =	slt.u32 s19, $0x98;
	v3 =	vmul.f32 v3, v2;
	[tilespmem:s17+$0x180] =	vst v9  }
0x3ab: {  	v9 =	vld [tilespmem:s20+$0x180];
	v6 =	vmul.f32 v6, v2;
	[tilespmem:s17+$0x100] =	vst v5  }
.Ltmp15:
0x3ac: {  	v5 =	vld [tilespmem:s20+$0x100];
	v4 =	vmul.f32 v4, v2;
	[tilespmem:s17+$0x80] =	vst v3;
	(pc) =	sbr.rel @p0 .LBB2_32-.Ltmp15, $4  }
0x3ad: {  	v3 =	vld [tilespmem:s20+$0x80];
	v7 =	vmul.f32 v7, v2;
	[tilespmem:s17+$0x0] =	vst v6  }
0x3ae: {  	v10 =	vmul.f32 v10, v2;
	v6 =	vld [tilespmem:s20+$0x0];
	[tilespmem:s17+$0xFFFFFF80] =	vst v4  }
0x3af: {  	v8 =	vmul.f32 v8, v2;
	v4 =	vld [tilespmem:s20+$0xFFFFFF80];
	[tilespmem:s17+$0xFFFFFE80] =	vst v7;
	s17 =	smov.u32 s20  }
0x3b0: {  	s20 =	sadd.s32 $0x400, s20;
	v7 =	vld [tilespmem:s17+$0xFFFFFE80];
	[tilespmem:s17+$0xFFFFFF00] =	vst v10;
	v9 =	vmul.f32 v9, v2  }
0x3b1: {  	[tilespmem:s17+$0xFFFFFE00] =	vst v8;
	v5 =	vmul.f32 v5, v2  }
0x3b2: {  	v3 =	vmul.f32 v3, v2;
	[tilespmem:s17+$0x180] =	vst v9  }
0x3b3: {  	v6 =	vmul.f32 v6, v2;
	[tilespmem:s17+$0x100] =	vst v5  }
0x3b4: {  	v4 =	vmul.f32 v4, v2;
	[tilespmem:s17+$0x80] =	vst v3  }
0x3b5: {  	v3 =	vmul.f32 v7, v2;
	[tilespmem:s17+$0x0] =	vst v6  }
0x3b6: {  	[tilespmem:s17+$0xFFFFFF80] =	vst v4  }
0x3b7: {  	[tilespmem:s17+$0xFFFFFE80] =	vst v3  }
0x3b8: {  	v4 =	vld [tilespmem:s18+$0xFFFFFF00]  }
0x3b9: {  	v7 =	vld [tilespmem:s18+$0xFFFFFE00]  }
0x3ba: {  	v9 =	vld [tilespmem:s18+$0x180]  }
0x3bb: {  	v5 =	vld [tilespmem:s18+$0x100]  }
0x3bc: {  	v3 =	vld [tilespmem:s18+$0x80]  }
0x3bd: {  	v6 =	vld [tilespmem:s18+$0x0];
	v10 =	vmul.f32 v4, v2  }
0x3be: {  	v4 =	vld [tilespmem:s18+$0xFFFFFF80];
	v8 =	vmul.f32 v7, v2  }
0x3bf: {  	s19 =	simm.s32 $0x0;
	s20 =	simm.s32 $0xA640;
	v7 =	vld [tilespmem:s18+$0xFFFFFE80];
	v9 =	vmul.f32 v9, v2;
	[tilespmem:s18+$0xFFFFFF00] =	vst v10  }
.LBB2_34:
0x3c0: {  	v10 =	vld [tilespmem:s20+$0xFFFFFF00];
	s19 =	sadd.s32 $0x8, s19;
	[tilespmem:s18+$0xFFFFFE00] =	vst v8;
	v5 =	vmul.f32 v5, v2;
	s17 =	simm.s32 $0xA250  }
0x3c1: {  	v8 =	vld [tilespmem:s20+$0xFFFFFE00];
	p0 =	slt.u32 s19, $0x98;
	v3 =	vmul.f32 v3, v2;
	[tilespmem:s18+$0x180] =	vst v9  }
0x3c2: {  	v9 =	vld [tilespmem:s20+$0x180];
	v6 =	vmul.f32 v6, v2;
	[tilespmem:s18+$0x100] =	vst v5  }
.Ltmp16:
0x3c3: {  	v5 =	vld [tilespmem:s20+$0x100];
	v4 =	vmul.f32 v4, v2;
	[tilespmem:s18+$0x80] =	vst v3;
	(pc) =	sbr.rel @p0 .LBB2_34-.Ltmp16, $4  }
0x3c4: {  	v3 =	vld [tilespmem:s20+$0x80];
	v7 =	vmul.f32 v7, v2;
	[tilespmem:s18+$0x0] =	vst v6  }
0x3c5: {  	v10 =	vmul.f32 v10, v2;
	v6 =	vld [tilespmem:s20+$0x0];
	[tilespmem:s18+$0xFFFFFF80] =	vst v4  }
0x3c6: {  	v8 =	vmul.f32 v8, v2;
	v4 =	vld [tilespmem:s20+$0xFFFFFF80];
	[tilespmem:s18+$0xFFFFFE80] =	vst v7;
	s18 =	smov.u32 s20  }
0x3c7: {  	s20 =	sadd.s32 $0x400, s20;
	v7 =	vld [tilespmem:s18+$0xFFFFFE80];
	[tilespmem:s18+$0xFFFFFF00] =	vst v10;
	v9 =	vmul.f32 v9, v2  }
0x3c8: {  	[tilespmem:s18+$0xFFFFFE00] =	vst v8;
	v5 =	vmul.f32 v5, v2  }
0x3c9: {  	v3 =	vmul.f32 v3, v2;
	[tilespmem:s18+$0x180] =	vst v9  }
0x3ca: {  	v6 =	vmul.f32 v6, v2;
	[tilespmem:s18+$0x100] =	vst v5  }
0x3cb: {  	v4 =	vmul.f32 v4, v2;
	[tilespmem:s18+$0x80] =	vst v3  }
0x3cc: {  	v3 =	vmul.f32 v7, v2;
	[tilespmem:s18+$0x0] =	vst v6  }
0x3cd: {  	[tilespmem:s18+$0xFFFFFF80] =	vst v4  }
0x3ce: {  	[tilespmem:s18+$0xFFFFFE80] =	vst v3  }
0x3cf: {  	v4 =	vld [tilespmem:s17+$0xFFFFFF00]  }
0x3d0: {  	v7 =	vld [tilespmem:s17+$0xFFFFFE00]  }
0x3d1: {  	v9 =	vld [tilespmem:s17+$0x180]  }
0x3d2: {  	v5 =	vld [tilespmem:s17+$0x100]  }
0x3d3: {  	v3 =	vld [tilespmem:s17+$0x80]  }
0x3d4: {  	v6 =	vld [tilespmem:s17+$0x0];
	v10 =	vmul.f32 v4, v2  }
0x3d5: {  	v4 =	vld [tilespmem:s17+$0xFFFFFF80];
	v8 =	vmul.f32 v7, v2  }
0x3d6: {  	s19 =	simm.s32 $0x0;
	s20 =	simm.s32 $0xA650;
	v7 =	vld [tilespmem:s17+$0xFFFFFE80];
	v9 =	vmul.f32 v9, v2;
	[tilespmem:s17+$0xFFFFFF00] =	vst v10  }
.LBB2_36:
0x3d7: {  	v10 =	vld [tilespmem:s20+$0xFFFFFF00];
	s19 =	sadd.s32 $0x8, s19;
	[tilespmem:s17+$0xFFFFFE00] =	vst v8;
	v5 =	vmul.f32 v5, v2;
	s18 =	simm.s32 $0xA260  }
0x3d8: {  	v8 =	vld [tilespmem:s20+$0xFFFFFE00];
	p0 =	slt.u32 s19, $0x98;
	v3 =	vmul.f32 v3, v2;
	[tilespmem:s17+$0x180] =	vst v9  }
0x3d9: {  	v9 =	vld [tilespmem:s20+$0x180];
	v6 =	vmul.f32 v6, v2;
	[tilespmem:s17+$0x100] =	vst v5  }
.Ltmp17:
0x3da: {  	v5 =	vld [tilespmem:s20+$0x100];
	v4 =	vmul.f32 v4, v2;
	[tilespmem:s17+$0x80] =	vst v3;
	(pc) =	sbr.rel @p0 .LBB2_36-.Ltmp17, $4  }
0x3db: {  	v3 =	vld [tilespmem:s20+$0x80];
	v7 =	vmul.f32 v7, v2;
	[tilespmem:s17+$0x0] =	vst v6  }
0x3dc: {  	v10 =	vmul.f32 v10, v2;
	v6 =	vld [tilespmem:s20+$0x0];
	[tilespmem:s17+$0xFFFFFF80] =	vst v4  }
0x3dd: {  	v8 =	vmul.f32 v8, v2;
	v4 =	vld [tilespmem:s20+$0xFFFFFF80];
	[tilespmem:s17+$0xFFFFFE80] =	vst v7;
	s17 =	smov.u32 s20  }
0x3de: {  	s20 =	sadd.s32 $0x400, s20;
	v7 =	vld [tilespmem:s17+$0xFFFFFE80];
	[tilespmem:s17+$0xFFFFFF00] =	vst v10;
	v9 =	vmul.f32 v9, v2  }
0x3df: {  	[tilespmem:s17+$0xFFFFFE00] =	vst v8;
	v5 =	vmul.f32 v5, v2  }
0x3e0: {  	v3 =	vmul.f32 v3, v2;
	[tilespmem:s17+$0x180] =	vst v9  }
0x3e1: {  	v6 =	vmul.f32 v6, v2;
	[tilespmem:s17+$0x100] =	vst v5  }
0x3e2: {  	v4 =	vmul.f32 v4, v2;
	[tilespmem:s17+$0x80] =	vst v3  }
0x3e3: {  	v3 =	vmul.f32 v7, v2;
	[tilespmem:s17+$0x0] =	vst v6  }
0x3e4: {  	[tilespmem:s17+$0xFFFFFF80] =	vst v4  }
0x3e5: {  	[tilespmem:s17+$0xFFFFFE80] =	vst v3  }
0x3e6: {  	v4 =	vld [tilespmem:s18+$0xFFFFFF00]  }
0x3e7: {  	v7 =	vld [tilespmem:s18+$0xFFFFFE00]  }
0x3e8: {  	v9 =	vld [tilespmem:s18+$0x180]  }
0x3e9: {  	v5 =	vld [tilespmem:s18+$0x100]  }
0x3ea: {  	v3 =	vld [tilespmem:s18+$0x80]  }
0x3eb: {  	v6 =	vld [tilespmem:s18+$0x0];
	v10 =	vmul.f32 v4, v2  }
0x3ec: {  	v4 =	vld [tilespmem:s18+$0xFFFFFF80];
	v8 =	vmul.f32 v7, v2  }
0x3ed: {  	s19 =	simm.s32 $0x0;
	s20 =	simm.s32 $0xA660;
	v7 =	vld [tilespmem:s18+$0xFFFFFE80];
	v9 =	vmul.f32 v9, v2;
	[tilespmem:s18+$0xFFFFFF00] =	vst v10  }
.LBB2_38:
0x3ee: {  	v10 =	vld [tilespmem:s20+$0xFFFFFF00];
	s19 =	sadd.s32 $0x8, s19;
	[tilespmem:s18+$0xFFFFFE00] =	vst v8;
	v5 =	vmul.f32 v5, v2;
	s17 =	simm.s32 $0xA270  }
0x3ef: {  	v8 =	vld [tilespmem:s20+$0xFFFFFE00];
	p0 =	slt.u32 s19, $0x98;
	v3 =	vmul.f32 v3, v2;
	[tilespmem:s18+$0x180] =	vst v9  }
0x3f0: {  	v9 =	vld [tilespmem:s20+$0x180];
	v6 =	vmul.f32 v6, v2;
	[tilespmem:s18+$0x100] =	vst v5  }
.Ltmp18:
0x3f1: {  	v5 =	vld [tilespmem:s20+$0x100];
	v4 =	vmul.f32 v4, v2;
	[tilespmem:s18+$0x80] =	vst v3;
	(pc) =	sbr.rel @p0 .LBB2_38-.Ltmp18, $4  }
0x3f2: {  	v3 =	vld [tilespmem:s20+$0x80];
	v7 =	vmul.f32 v7, v2;
	[tilespmem:s18+$0x0] =	vst v6  }
0x3f3: {  	v10 =	vmul.f32 v10, v2;
	v6 =	vld [tilespmem:s20+$0x0];
	[tilespmem:s18+$0xFFFFFF80] =	vst v4  }
0x3f4: {  	v8 =	vmul.f32 v8, v2;
	v4 =	vld [tilespmem:s20+$0xFFFFFF80];
	[tilespmem:s18+$0xFFFFFE80] =	vst v7;
	s18 =	smov.u32 s20  }
0x3f5: {  	s20 =	sadd.s32 $0x400, s20;
	v7 =	vld [tilespmem:s18+$0xFFFFFE80];
	[tilespmem:s18+$0xFFFFFF00] =	vst v10;
	v9 =	vmul.f32 v9, v2  }
0x3f6: {  	[tilespmem:s18+$0xFFFFFE00] =	vst v8;
	v5 =	vmul.f32 v5, v2  }
0x3f7: {  	v3 =	vmul.f32 v3, v2;
	[tilespmem:s18+$0x180] =	vst v9  }
0x3f8: {  	v6 =	vmul.f32 v6, v2;
	[tilespmem:s18+$0x100] =	vst v5  }
0x3f9: {  	v4 =	vmul.f32 v4, v2;
	[tilespmem:s18+$0x80] =	vst v3  }
0x3fa: {  	v3 =	vmul.f32 v7, v2;
	[tilespmem:s18+$0x0] =	vst v6  }
0x3fb: {  	[tilespmem:s18+$0xFFFFFF80] =	vst v4  }
0x3fc: {  	[tilespmem:s18+$0xFFFFFE80] =	vst v3  }
0x3fd: {  	v5 =	vld [tilespmem:s17+$0xFFFFFF00]  }
0x3fe: {  	v7 =	vld [tilespmem:s17+$0xFFFFFE00]  }
0x3ff: {  	v9 =	vld [tilespmem:s17+$0x180]  }
0x400: {  	v3 =	vld [tilespmem:s17+$0x100]  }
0x401: {  	v4 =	vld [tilespmem:s17+$0x80]  }
0x402: {  	v6 =	vld [tilespmem:s17+$0x0];
	v10 =	vmul.f32 v5, v2  }
0x403: {  	v5 =	vld [tilespmem:s17+$0xFFFFFF80];
	v8 =	vmul.f32 v7, v2  }
0x404: {  	s19 =	simm.s32 $0xA670;
	s18 =	simm.s32 $0x0;
	v7 =	vld [tilespmem:s17+$0xFFFFFE80];
	v9 =	vmul.f32 v9, v2;
	[tilespmem:s17+$0xFFFFFF00] =	vst v10  }
.LBB2_40:
0x405: {  	v10 =	vld [tilespmem:s19+$0xFFFFFF00];
	s18 =	sadd.s32 $0x8, s18;
	[tilespmem:s17+$0xFFFFFE00] =	vst v8;
	v3 =	vmul.f32 v3, v2  }
0x406: {  	v8 =	vld [tilespmem:s19+$0xFFFFFE00];
	p0 =	slt.u32 s18, $0x98;
	v4 =	vmul.f32 v4, v2;
	[tilespmem:s17+$0x180] =	vst v9  }
0x407: {  	v9 =	vld [tilespmem:s19+$0x180];
	v6 =	vmul.f32 v6, v2;
	[tilespmem:s17+$0x100] =	vst v3  }
.Ltmp19:
0x408: {  	v3 =	vld [tilespmem:s19+$0x100];
	v5 =	vmul.f32 v5, v2;
	[tilespmem:s17+$0x80] =	vst v4;
	(pc) =	sbr.rel @p0 .LBB2_40-.Ltmp19, $4  }
0x409: {  	v4 =	vld [tilespmem:s19+$0x80];
	v7 =	vmul.f32 v7, v2;
	[tilespmem:s17+$0x0] =	vst v6  }
0x40a: {  	v10 =	vmul.f32 v10, v2;
	v6 =	vld [tilespmem:s19+$0x0];
	[tilespmem:s17+$0xFFFFFF80] =	vst v5  }
0x40b: {  	v8 =	vmul.f32 v8, v2;
	v5 =	vld [tilespmem:s19+$0xFFFFFF80];
	[tilespmem:s17+$0xFFFFFE80] =	vst v7;
	s17 =	smov.u32 s19  }
0x40c: {  	s19 =	sadd.s32 $0x400, s19;
	v7 =	vld [tilespmem:s17+$0xFFFFFE80];
	[tilespmem:s17+$0xFFFFFF00] =	vst v10;
	v9 =	vmul.f32 v9, v2  }
0x40d: {  	[tilespmem:s17+$0xFFFFFE00] =	vst v8;
	v3 =	vmul.f32 v3, v2  }
0x40e: {  	v4 =	vmul.f32 v4, v2;
	[tilespmem:s17+$0x180] =	vst v9  }
0x40f: {  	v6 =	vmul.f32 v6, v2;
	[tilespmem:s17+$0x100] =	vst v3  }
0x410: {  	v3 =	vmul.f32 v5, v2;
	[tilespmem:s17+$0x80] =	vst v4  }
0x411: {  	v2 =	vmul.f32 v7, v2;
	[tilespmem:s17+$0x0] =	vst v6  }
0x412: {  	[tilespmem:s17+$0xFFFFFF80] =	vst v3  }
0x413: {  	s12 =	sadd.s32 $0x1, s12;
	[tilespmem:s17+$0xFFFFFE80] =	vst v2  }
0x414: {  	[hbm4b:s8+s3] =	stream.linear.scatter [tilespmem:s0], [sflag:$0x4], $0x5000, $0x38;
	[tilespmem:$0xF080] =	vst v63  }
0x415: {  	p0 =	sne.s32 s12, s9;
	_ =	swait.ge [sflag:s31], $0x5000  }
.Ltmp20:
0x416: {  	[sflag:s31] =	ssyncset.done $0x0;
	(pc) =	sbr.rel @p0 .LBB2_1-.Ltmp20, $4  }
0x417: {  	[sflag:s31] =	ssyncadd.s32 $0xFFFFB000  }
0x418: {  	_ =	swait.ge [sflag:s31], $0x5000  }
0x419: {  	[sflag:s31] =	ssyncset.done $0x0  }
0x41a: {  	[sflag:s31] =	ssyncadd.s32 $0xFFFFB000  }
0x41b: {  	_ =	sfence.sel $0x180000  }
0x41c: {  	[bflag:$0x0] =	sbarrier.arrive $0xFFFF  }
0x41d: {  	_ =	strace $0x90000047  }
0x41e: {  	s0 =	stileid.u32;
	[bflag:$0x2] =	sbarrier.arrive $0xFFFF  }
0x41f: {  	p0 =	sne.s32 s0, $0x0;
	s0 =	rddreg [dreg:$0x4]  }
0x420: {  	s0 =	sadd.s32 @!p0 $0x100000, s0  }
0x421: {  	[sflag:s0] =	ssyncadd.tile.s32 @!p0 $0x1;
	_ =	shalt  }
.Lfunc_end2:
_tile_overlayer_lowered:
.L_overlay_start_2:
0x422: {  	(tag) =	ssettag $0x2  }
0x423: {  	s0 =	rddreg [dreg:$0x0];
	s2 =	stileid.u32  }
0x424: {  	s1 =	rddreg [dreg:$0x1];
	p0 =	sne.s32 s2, $0x0  }
0x425: {  	s3 =	rddreg [dreg:$0x2];
	[bflag:$0x3] =	sbarrier.arrive $0xFFFF;
	s2 =	simm.s32 @!p0 $0x1C05  }
0x426: {  	[timem:s3], [sflag:s2] =	dma.local @!p0 [hbm:s0], s1  }
0x427: {  	s0 =	simm.s32 @!p0 $0x5  }
0x428: {  	_ =	swait.ge @!p0 [sflag:s0], s1  }
0x429: {  	s1 =	ssub.s32 @!p0 $0x0, s1;
	[sflag:s0] =	ssyncset.done @!p0 $0x0  }
0x42a: {  	[sflag:s0] =	ssyncadd.s32 @!p0 s1  }
0x42b: {  	[bflag:$0x3] =	sbarrier.arrive $0xFFFF  }
0x42c: {  	_ =	shalt  }

</sc_bundles>
